<compile_context>
chip_gen: v7x
topology: tpu7x:2x2x1
jax: 0.10.2.dev20260603
libtpu: 0.0.44.dev20260713+nightly
codegen_flags: <defaults>
</compile_context>

<pallas_src>
import functools

import jax
import jax.numpy as jnp
from jax import lax
from jax.experimental import pallas as pl
from jax.experimental.pallas import tpu as pltpu
from jax.experimental.pallas import tpu_sc as plsc

N = 10000
E = 320000
D = 128
NTILES = 16
NCORES = 2
EPT = E // (NCORES * NTILES)
CH = 128
NCHUNK = -(-EPT // CH)
NCHUNK += NCHUNK % 2
IG = 80
NGROUP = NCHUNK // IG
EPT_PAD = NCHUNK * CH
ROWS_PT = 632
NP = ROWS_PT * NTILES
LAST_ROWS = N - (NTILES - 1) * ROWS_PT
DEG_W = 8


@functools.cache
def _sc_kernels():
    mesh = plsc.VectorSubcoreMesh(core_axis_name="c", subcore_axis_name="s",
                                  num_cores=NCORES, num_subcores=NTILES)
    permute = functools.partial(
        pl.kernel,
        out_type=jax.ShapeDtypeStruct((NCORES, NTILES, EPT_PAD, D),
                                      jnp.float32),
        mesh=mesh,
        scratch_types=[
            pltpu.VMEM((IG, CH), jnp.int32),
            pltpu.VMEM((CH, D), jnp.float32),
            pltpu.VMEM((CH, D), jnp.float32),
            pltpu.VMEM_SHARED((N, D), jnp.float32),
            pltpu.SemaphoreType.DMA,
            pltpu.SemaphoreType.DMA,
        ],
    )(_permute_body)
    scatsum = functools.partial(
        pl.kernel,
        out_type=jax.ShapeDtypeStruct((NCORES, N, D), jnp.float32),
        mesh=mesh,
        scratch_types=[
            pltpu.VMEM((IG, CH), jnp.int32),
            pltpu.VMEM((CH, D), jnp.float32),
            pltpu.VMEM((CH, D), jnp.float32),
            pltpu.VMEM_SHARED((NP, D), jnp.float32),
            pltpu.SemaphoreType.DMA,
            pltpu.SemaphoreType.DMA,
        ],
    )(_scatsum_body)
    degrees = functools.partial(
        pl.kernel,
        out_type=jax.ShapeDtypeStruct((NCORES, N, D), jnp.float32),
        mesh=mesh,
        scratch_types=[
            pltpu.VMEM((IG, CH), jnp.int32),
            pltpu.VMEM((CH, D), jnp.float32),
            pltpu.VMEM_SHARED((NP, D), jnp.float32),
        ],
    )(_degrees_body)
    return permute, scatsum, degrees


def _segsum(y, src4, dst4):
    rows = _sc_kernels()[0](y, src4)
    return _sc_kernels()[1](rows, dst4)


def _degrees(dst4):
    return _sc_kernels()[2](dst4)


def _zero_rows(buf, sh, base):
    w = buf.shape[1]

    def fill(i, carry):
        for k in range(w // 16):
            buf[i, pl.ds(k * 16, 16)] = jnp.zeros((16,), jnp.float32)
        return carry
    lax.fori_loop(0, CH, fill, 0)
    nfull, rem = divmod(ROWS_PT, CH)
    for r in range(nfull):
        pltpu.sync_copy(buf, sh.at[pl.ds(base + r * CH, CH)])
    if rem:
        pltpu.sync_copy(buf.at[pl.ds(0, rem)],
                        sh.at[pl.ds(base + nfull * CH, rem)])


def _copy_out(sh, out_hbm, c, t, base):
    @pl.when(t < NTILES - 1)
    def _():
        pltpu.sync_copy(sh.at[pl.ds(base, ROWS_PT)],
                        out_hbm.at[c, pl.ds(base, ROWS_PT)])
    @pl.when(t == NTILES - 1)
    def _():
        pltpu.sync_copy(sh.at[pl.ds((NTILES - 1) * ROWS_PT, LAST_ROWS)],
                        out_hbm.at[c, pl.ds((NTILES - 1) * ROWS_PT, LAST_ROWS)])


def _permute_body(y_hbm, src_hbm, rows_hbm, src_v, buf_a, buf_b, tab_sh,
                  sem_a, sem_b):
    c = lax.axis_index("c")
    t = lax.axis_index("s")
    base = t * ROWS_PT
    @pl.when(t < NTILES - 1)
    def _():
        pltpu.sync_copy(y_hbm.at[pl.ds(base, ROWS_PT)],
                        tab_sh.at[pl.ds(base, ROWS_PT)])
    @pl.when(t == NTILES - 1)
    def _():
        pltpu.sync_copy(y_hbm.at[pl.ds((NTILES - 1) * ROWS_PT, LAST_ROWS)],
                        tab_sh.at[pl.ds((NTILES - 1) * ROWS_PT, LAST_ROWS)])
    plsc.subcore_barrier()

    for g in range(NGROUP):
        pltpu.sync_copy(src_hbm.at[c, t, pl.ds(g * IG, IG)], src_v)
        pltpu.async_copy(tab_sh.at[src_v.at[0]], buf_a, sem_a)

        def body(i, carry):
            j = 2 * i
            pltpu.async_copy(tab_sh.at[src_v.at[j + 1]], buf_b, sem_b)
            pltpu.make_async_copy(tab_sh.at[src_v.at[j]], buf_a, sem_a).wait()
            pltpu.sync_copy(buf_a,
                            rows_hbm.at[c, t, pl.ds((g * IG + j) * CH, CH)])
            @pl.when(j + 2 < IG)
            def _():
                pltpu.async_copy(tab_sh.at[src_v.at[j + 2]], buf_a, sem_a)
            pltpu.make_async_copy(tab_sh.at[src_v.at[j + 1]], buf_b,
                                  sem_b).wait()
            pltpu.sync_copy(buf_b,
                            rows_hbm.at[c, t, pl.ds((g * IG + j + 1) * CH, CH)])
            return carry

        lax.fori_loop(0, IG // 2, body, 0)


def _scatsum_body(rows_hbm, dst_hbm, out_hbm, dst_v, buf_a, buf_b, agg_sh,
                  sem_a, sem_b):
    c = lax.axis_index("c")
    t = lax.axis_index("s")
    base = t * ROWS_PT
    _zero_rows(buf_a, agg_sh, base)
    plsc.subcore_barrier()

    for g in range(NGROUP):
        pltpu.sync_copy(dst_hbm.at[c, t, pl.ds(g * IG, IG)], dst_v)
        pltpu.async_copy(rows_hbm.at[c, t, pl.ds(g * IG * CH, CH)],
                         buf_a, sem_a)

        def body(i, carry):
            j = 2 * i
            pltpu.async_copy(rows_hbm.at[c, t, pl.ds((g * IG + j + 1) * CH, CH)],
                             buf_b, sem_b)
            pltpu.make_async_copy(rows_hbm.at[c, t, pl.ds((g * IG + j) * CH, CH)],
                                  buf_a, sem_a).wait()
            pltpu.sync_copy(buf_a, agg_sh.at[dst_v.at[j]], add=True)
            @pl.when(j + 2 < IG)
            def _():
                pltpu.async_copy(
                    rows_hbm.at[c, t, pl.ds((g * IG + j + 2) * CH, CH)],
                    buf_a, sem_a)
            pltpu.make_async_copy(
                rows_hbm.at[c, t, pl.ds((g * IG + j + 1) * CH, CH)],
                buf_b, sem_b).wait()
            pltpu.sync_copy(buf_b, agg_sh.at[dst_v.at[j + 1]], add=True)
            return carry

        lax.fori_loop(0, IG // 2, body, 0)
    plsc.subcore_barrier()
    _copy_out(agg_sh, out_hbm, c, t, base)


def _degrees_body(dst_hbm, out_hbm, dst_v, buf_a, deg_sh):
    c = lax.axis_index("c")
    t = lax.axis_index("s")
    base = t * ROWS_PT
    _zero_rows(buf_a, deg_sh, base)

    def fill(i, carry):
        for k in range(D // 16):
            buf_a[i, pl.ds(k * 16, 16)] = jnp.full((16,), 1.0, jnp.float32)
        return carry
    lax.fori_loop(0, CH, fill, 0)
    plsc.subcore_barrier()

    for g in range(NGROUP):
        pltpu.sync_copy(dst_hbm.at[c, t, pl.ds(g * IG, IG)], dst_v)

        def body(j, carry):
            pltpu.sync_copy(buf_a, deg_sh.at[dst_v.at[j]], add=True)
            return carry
        lax.fori_loop(0, IG, body, 0)
    plsc.subcore_barrier()
    _copy_out(deg_sh, out_hbm, c, t, base)


_BLK = 1000


def _mm_first_body(x_ref, wlt_ref, wrt_ref, b_ref, y_ref, z_ref):
    xb = x_ref[...]
    y_ref[...] = jnp.dot(xb, wlt_ref[...], preferred_element_type=jnp.float32)
    z_ref[...] = (jnp.dot(xb, wrt_ref[...], preferred_element_type=jnp.float32)
                  + b_ref[...])


def _tc_first(x, wlt, wrt, b):
    return pl.pallas_call(
        _mm_first_body,
        grid=(N // _BLK,),
        in_specs=[
            pl.BlockSpec((_BLK, D), lambda i: (i, 0)),
            pl.BlockSpec((D, D), lambda i: (0, 0)),
            pl.BlockSpec((D, D), lambda i: (0, 0)),
            pl.BlockSpec((1, D), lambda i: (0, 0)),
        ],
        out_specs=[
            pl.BlockSpec((_BLK, D), lambda i: (i, 0)),
            pl.BlockSpec((_BLK, D), lambda i: (i, 0)),
        ],
        out_shape=[
            jax.ShapeDtypeStruct((N, D), jnp.float32),
            jax.ShapeDtypeStruct((N, D), jnp.float32),
        ],
    )(x, wlt, wrt, b)


def _mm_mid_body(agg_ref, z_ref, deg_ref, wlt_ref, wrt_ref, b_ref,
                 y_ref, zo_ref):
    agg = agg_ref[0] + agg_ref[1]
    deg = deg_ref[0, :, 0:1] + deg_ref[1, :, 0:1]
    inv = 1.0 / jnp.maximum(deg, 1.0)
    h = jnp.maximum(agg * inv + z_ref[...], 0.0)
    y_ref[...] = jnp.dot(h, wlt_ref[...], preferred_element_type=jnp.float32)
    zo_ref[...] = (jnp.dot(h, wrt_ref[...], preferred_element_type=jnp.float32)
                   + b_ref[...])


def _tc_mid(agg, z, deg, wlt, wrt, b):
    return pl.pallas_call(
        _mm_mid_body,
        grid=(N // _BLK,),
        in_specs=[
            pl.BlockSpec((NCORES, _BLK, D), lambda i: (0, i, 0)),
            pl.BlockSpec((_BLK, D), lambda i: (i, 0)),
            pl.BlockSpec((NCORES, _BLK, DEG_W), lambda i: (0, i, 0)),
            pl.BlockSpec((D, D), lambda i: (0, 0)),
            pl.BlockSpec((D, D), lambda i: (0, 0)),
            pl.BlockSpec((1, D), lambda i: (0, 0)),
        ],
        out_specs=[
            pl.BlockSpec((_BLK, D), lambda i: (i, 0)),
            pl.BlockSpec((_BLK, D), lambda i: (i, 0)),
        ],
        out_shape=[
            jax.ShapeDtypeStruct((N, D), jnp.float32),
            jax.ShapeDtypeStruct((N, D), jnp.float32),
        ],
    )(agg, z, deg, wlt, wrt, b)


def _mm_final_body(agg_ref, z_ref, deg_ref, wot_ref, b_ref, o_ref):
    agg = agg_ref[0] + agg_ref[1]
    deg = deg_ref[0, :, 0:1] + deg_ref[1, :, 0:1]
    inv = 1.0 / jnp.maximum(deg, 1.0)
    h = jnp.maximum(agg * inv + z_ref[...], 0.0)
    o_ref[...] = (jnp.dot(h, wot_ref[...], preferred_element_type=jnp.float32)
                  + b_ref[...])


def _tc_final(agg, z, deg, wot, b):
    return pl.pallas_call(
        _mm_final_body,
        grid=(N // _BLK,),
        in_specs=[
            pl.BlockSpec((NCORES, _BLK, D), lambda i: (0, i, 0)),
            pl.BlockSpec((_BLK, D), lambda i: (i, 0)),
            pl.BlockSpec((NCORES, _BLK, DEG_W), lambda i: (0, i, 0)),
            pl.BlockSpec((D, D // 2), lambda i: (0, 0)),
            pl.BlockSpec((1, D // 2), lambda i: (0, 0)),
        ],
        out_specs=pl.BlockSpec((_BLK, D // 2), lambda i: (i, 0)),
        out_shape=jax.ShapeDtypeStruct((N, D // 2), jnp.float32),
    )(agg, z, deg, wot, b)


def kernel(x, edge_index, W1l, b1, W1r, W2l, b2, W2r, W3l, b3, W3r,
           W4l, b4, W4r, Wout, bout):
    src = edge_index[0]
    dst = edge_index[1]
    pad = ((0, 0), (0, 0), (0, EPT_PAD - EPT))
    src4 = jnp.pad(src.reshape(NCORES, NTILES, EPT), pad)
    src4 = src4.reshape(NCORES, NTILES, NCHUNK, CH)
    dst4 = jnp.pad(dst.reshape(NCORES, NTILES, EPT), pad, constant_values=N)
    dst4 = dst4.reshape(NCORES, NTILES, NCHUNK, CH)

    degp = _degrees(dst4)
    deg = degp[:, :, :DEG_W]

    y, z = _tc_first(x, W1l.T, W1r.T, b1[None])
    for (Wl, b, Wr) in ((W2l, b2, W2r), (W3l, b3, W3r), (W4l, b4, W4r)):
        agg = _segsum(y, src4, dst4)
        y, z = _tc_mid(agg, z, deg, Wl.T, Wr.T, b[None])
    agg = _segsum(y, src4, dst4)
    return _tc_final(agg, z, deg, Wout.T, bout[None])

# --- scband reference (transcript-rebuilt; emitter-appended) ---
"""Pipeline reference for scband-gnn-68616397521281 (READ-ONLY COPY).

The authoritative reference and input builder live on the scoring server;
editing this copy changes nothing except your own understanding.
"""

import jax, jax.numpy as jnp
import numpy as np

N_NODES = 10000
N_EDGES = 320000
D_IN = 128
D_HID = 128
D_OUT = 64


def _glorot(key, shape):
    fan_in = shape[-1]
    return jax.random.normal(key, shape, dtype=jnp.float32) / jnp.sqrt(jnp.float32(fan_in))


def setup_inputs(seed: int = 0) -> dict:
    key = jax.random.key(seed)
    ks = jax.random.split(key, 20)
    inp = {}
    inp["x"] = jax.random.normal(ks[0], (N_NODES, D_IN), dtype=jnp.float32)
    inp["edge_index"] = jax.random.randint(ks[1], (2, N_EDGES), 0, N_NODES, dtype=jnp.int32)
    dims = [(D_HID, D_IN), (D_HID, D_HID), (D_HID, D_HID), (D_HID, D_HID)]
    for i, (do, di) in enumerate(dims, start=1):
        inp[f"W{i}l"] = _glorot(ks[3 * i - 1], (do, di))
        inp[f"b{i}"] = jnp.zeros((do,), dtype=jnp.float32)
        inp[f"W{i}r"] = _glorot(ks[3 * i], (do, di))
    inp["Wout"] = _glorot(ks[17], (D_OUT, D_HID))
    inp["bout"] = jnp.zeros((D_OUT,), dtype=jnp.float32)
    return inp


def _sage_conv(x, edge_index, Wl, bl, Wr):
    # PyG SAGEConv with mean aggregation: out = lin_l(mean_{j in N(i)} x_j) + lin_r(x_i)
    src = edge_index[0]
    dst = edge_index[1]
    msg = jnp.take(x, src, axis=0)                      # gather  [E, d]
    agg = jax.ops.segment_sum(msg, dst, num_segments=N_NODES)   # scatter-add
    deg = jax.ops.segment_sum(jnp.ones((edge_index.shape[1],), x.dtype), dst, num_segments=N_NODES)
    mean = agg / jnp.clip(deg, 1.0)[:, None]
    return mean @ Wl.T + bl + x @ Wr.T


def reference(x, edge_index, W1l, b1, W1r, W2l, b2, W2r, W3l, b3, W3r, W4l, b4, W4r, Wout, bout):
    h = jax.nn.relu(_sage_conv(x, edge_index, W1l, b1, W1r))
    h = jax.nn.relu(_sage_conv(h, edge_index, W2l, b2, W2r))
    h = jax.nn.relu(_sage_conv(h, edge_index, W3l, b3, W3r))
    h = jax.nn.relu(_sage_conv(h, edge_index, W4l, b4, W4r))
    return h @ Wout.T + bout

if __name__ == "__main__":
    import jax
    _d = setup_inputs()
    print(jax.jit(kernel)(*tuple(_d.values())))

</pallas_src>

<mosaic_0001>
#map = affine_map<(d0, d1) -> (0, 0)>
#map1 = affine_map<(d0, d1) -> (0, 0, 0, 0)>
module attributes {stable_mosaic.version = 14 : i64} {
  func.func @_permute_body(%arg0: i32, %arg1: i32, %arg2: memref<10000x128xf32, #tpu.memory_space<hbm>>, %arg3: memref<2x16x80x128xi32, #tpu.memory_space<hbm>>, %arg4: memref<2x16x10240x128xf32, #tpu.memory_space<hbm>>, %arg5: memref<80x128xi32, #tpu.memory_space<vmem>>, %arg6: memref<128x128xf32, #tpu.memory_space<vmem>>, %arg7: memref<128x128xf32, #tpu.memory_space<vmem>>, %arg8: memref<10000x128xf32, #tpu.memory_space<vmem_shared>>, %arg9: memref<!tpu.dma_semaphore, #tpu.memory_space<semaphore_mem>>, %arg10: memref<!tpu.dma_semaphore, #tpu.memory_space<semaphore_mem>>) attributes {dimension_semantics = [#tpu.dimension_semantics<core_parallel>, #tpu.dimension_semantics<subcore_parallel>], iteration_bounds = array<i64: 2, 16>, scalar_prefetch = 0 : i64, scratch_operands = 6 : i64, tpu.core_type = #tpu.core_type<sc_vector_subcore>, window_params = [{transform_indices = #map}, {transform_indices = #map1}, {transform_indices = #map1}]} {
    %mul3A = arith.constant 632 : i32
    %mul3A_0 = arith.muli %arg1, %mul3A : i32
    %lt3A = arith.constant 15 : i32
    %lt3A_1 = arith.cmpi slt, %arg1, %lt3A : i32
    %convert_element_type3A = arith.extui %lt3A_1 : i1 to i32
    %cond3A = arith.constant 0 : i32
    %cond3A_2 = arith.cmpi ne, %convert_element_type3A, %cond3A : i32
    scf.if %cond3A_2 {
      "tpu.region"() ({
        %run_scoped3A = tpu.sem_alloc : memref<!tpu.dma_semaphore, #tpu.memory_space<semaphore_mem>>
        %dma_start3A_18 = arith.constant 0 : i32
        %dma_start3A_19 = tpu.memref_slice %arg8[%mul3A_0, %dma_start3A_18] : memref<10000x128xf32, #tpu.memory_space<vmem_shared>> -> memref<632x128xf32, #tpu.memory_space<vmem_shared>>
        %dma_start3A_20 = arith.constant 0 : i32
        %dma_start3A_21 = tpu.memref_slice %arg2[%mul3A_0, %dma_start3A_20] : memref<10000x128xf32, #tpu.memory_space<hbm>> -> memref<632x128xf32, #tpu.memory_space<hbm>>
        tpu.enqueue_dma source(%dma_start3A_21 : memref<632x128xf32, #tpu.memory_space<hbm>>) target(%dma_start3A_19 : memref<632x128xf32, #tpu.memory_space<vmem_shared>>) target_semaphore(%run_scoped3A : memref<!tpu.dma_semaphore, #tpu.memory_space<semaphore_mem>>)
        %dma_wait3A = arith.constant 0 : i32
        %dma_wait3A_22 = tpu.memref_slice %arg8[%mul3A_0, %dma_wait3A] : memref<10000x128xf32, #tpu.memory_space<vmem_shared>> -> memref<632x128xf32, #tpu.memory_space<vmem_shared>>
        %dma_wait3A_23 = arith.constant 0 : i32
        %dma_wait3A_24 = tpu.memref_slice %arg2[%mul3A_0, %dma_wait3A_23] : memref<10000x128xf32, #tpu.memory_space<hbm>> -> memref<632x128xf32, #tpu.memory_space<hbm>>
        tpu.wait_dma2 semaphore(%run_scoped3A : memref<!tpu.dma_semaphore, #tpu.memory_space<semaphore_mem>>) src(%dma_wait3A_24 : memref<632x128xf32, #tpu.memory_space<hbm>>) dst(%dma_wait3A_22 : memref<632x128xf32, #tpu.memory_space<vmem_shared>>)
        tpu.yield
      }) : () -> ()
    } else {
    }
    %eq3A = arith.constant 15 : i32
    %eq3A_3 = arith.cmpi eq, %arg1, %eq3A : i32
    %convert_element_type3A_4 = arith.extui %eq3A_3 : i1 to i32
    %cond3A_5 = arith.constant 0 : i32
    %cond3A_6 = arith.cmpi ne, %convert_element_type3A_4, %cond3A_5 : i32
    scf.if %cond3A_6 {
      "tpu.region"() ({
        %run_scoped3A = tpu.sem_alloc : memref<!tpu.dma_semaphore, #tpu.memory_space<semaphore_mem>>
        %dma_start3A_18 = arith.constant 9480 : i32
        %dma_start3A_19 = arith.constant 0 : i32
        %dma_start3A_20 = tpu.memref_slice %arg8[%dma_start3A_18, %dma_start3A_19] : memref<10000x128xf32, #tpu.memory_space<vmem_shared>> -> memref<520x128xf32, #tpu.memory_space<vmem_shared>>
        %dma_start3A_21 = arith.constant 9480 : i32
        %dma_start3A_22 = arith.constant 0 : i32
        %dma_start3A_23 = tpu.memref_slice %arg2[%dma_start3A_21, %dma_start3A_22] : memref<10000x128xf32, #tpu.memory_space<hbm>> -> memref<520x128xf32, #tpu.memory_space<hbm>>
        tpu.enqueue_dma source(%dma_start3A_23 : memref<520x128xf32, #tpu.memory_space<hbm>>) target(%dma_start3A_20 : memref<520x128xf32, #tpu.memory_space<vmem_shared>>) target_semaphore(%run_scoped3A : memref<!tpu.dma_semaphore, #tpu.memory_space<semaphore_mem>>)
        %dma_wait3A = arith.constant 9480 : i32
        %dma_wait3A_24 = arith.constant 0 : i32
        %dma_wait3A_25 = tpu.memref_slice %arg8[%dma_wait3A, %dma_wait3A_24] : memref<10000x128xf32, #tpu.memory_space<vmem_shared>> -> memref<520x128xf32, #tpu.memory_space<vmem_shared>>
        %dma_wait3A_26 = arith.constant 9480 : i32
        %dma_wait3A_27 = arith.constant 0 : i32
        %dma_wait3A_28 = tpu.memref_slice %arg2[%dma_wait3A_26, %dma_wait3A_27] : memref<10000x128xf32, #tpu.memory_space<hbm>> -> memref<520x128xf32, #tpu.memory_space<hbm>>
        tpu.wait_dma2 semaphore(%run_scoped3A : memref<!tpu.dma_semaphore, #tpu.memory_space<semaphore_mem>>) src(%dma_wait3A_28 : memref<520x128xf32, #tpu.memory_space<hbm>>) dst(%dma_wait3A_25 : memref<520x128xf32, #tpu.memory_space<vmem_shared>>)
        tpu.yield
      }) : () -> ()
    } else {
    }
    %barrier3A = arith.constant 0 : index
    tpu.barrier barrier_id(%barrier3A)
    "tpu.region"() ({
      %run_scoped3A = tpu.sem_alloc : memref<!tpu.dma_semaphore, #tpu.memory_space<semaphore_mem>>
      %dma_start3A_18 = arith.constant 0 : i32
      %dma_start3A_19 = arith.constant 0 : i32
      %dma_start3A_20 = tpu.memref_slice %arg3[%arg0, %arg1, %dma_start3A_18, %dma_start3A_19] : memref<2x16x80x128xi32, #tpu.memory_space<hbm>> -> memref<1x1x80x128xi32, #tpu.memory_space<hbm>>
      %dma_start3A_21 = tpu.memref_squeeze %dma_start3A_20 : memref<1x1x80x128xi32, #tpu.memory_space<hbm>> -> memref<80x128xi32, #tpu.memory_space<hbm>>
      %dma_start3A_22 = arith.constant 0 : i32
      %dma_start3A_23 = arith.constant 0 : i32
      %dma_start3A_24 = tpu.memref_slice %arg3[%arg0, %arg1, %dma_start3A_22, %dma_start3A_23] : memref<2x16x80x128xi32, #tpu.memory_space<hbm>> -> memref<1x1x80x128xi32, #tpu.memory_space<hbm>>
      %dma_start3A_25 = tpu.memref_squeeze %dma_start3A_24 : memref<1x1x80x128xi32, #tpu.memory_space<hbm>> -> memref<80x128xi32, #tpu.memory_space<hbm>>
      tpu.enqueue_dma source(%dma_start3A_25 : memref<80x128xi32, #tpu.memory_space<hbm>>) target(%arg5 : memref<80x128xi32, #tpu.memory_space<vmem>>) target_semaphore(%run_scoped3A : memref<!tpu.dma_semaphore, #tpu.memory_space<semaphore_mem>>)
      %dma_wait3A = arith.constant 0 : i32
      %dma_wait3A_26 = arith.constant 0 : i32
      %dma_wait3A_27 = tpu.memref_slice %arg3[%arg0, %arg1, %dma_wait3A, %dma_wait3A_26] : memref<2x16x80x128xi32, #tpu.memory_space<hbm>> -> memref<1x1x80x128xi32, #tpu.memory_space<hbm>>
      %dma_wait3A_28 = tpu.memref_squeeze %dma_wait3A_27 : memref<1x1x80x128xi32, #tpu.memory_space<hbm>> -> memref<80x128xi32, #tpu.memory_space<hbm>>
      %dma_wait3A_29 = arith.constant 0 : i32
      %dma_wait3A_30 = arith.constant 0 : i32
      %dma_wait3A_31 = tpu.memref_slice %arg3[%arg0, %arg1, %dma_wait3A_29, %dma_wait3A_30] : memref<2x16x80x128xi32, #tpu.memory_space<hbm>> -> memref<1x1x80x128xi32, #tpu.memory_space<hbm>>
      %dma_wait3A_32 = tpu.memref_squeeze %dma_wait3A_31 : memref<1x1x80x128xi32, #tpu.memory_space<hbm>> -> memref<80x128xi32, #tpu.memory_space<hbm>>
      tpu.wait_dma2 semaphore(%run_scoped3A : memref<!tpu.dma_semaphore, #tpu.memory_space<semaphore_mem>>) src(%dma_wait3A_32 : memref<80x128xi32, #tpu.memory_space<hbm>>) dst(%arg5 : memref<80x128xi32, #tpu.memory_space<vmem>>)
      tpu.yield
    }) : () -> ()
    %dma_start3A = arith.constant 0 : i32
    %dma_start3A_7 = arith.constant 0 : i32
    %dma_start3A_8 = tpu.memref_slice %arg5[%dma_start3A, %dma_start3A_7] : memref<80x128xi32, #tpu.memory_space<vmem>> -> memref<1x128xi32, #tpu.memory_space<vmem>>
    %dma_start3A_9 = tpu.memref_squeeze %dma_start3A_8 : memref<1x128xi32, #tpu.memory_space<vmem>> -> memref<128xi32, #tpu.memory_space<vmem>>
    %dma_start3A_10 = arith.constant 0 : i32
    %dma_start3A_11 = arith.constant 0 : i32
    %dma_start3A_12 = tpu.memref_slice %arg8[%dma_start3A_10, %dma_start3A_11] : memref<10000x128xf32, #tpu.memory_space<vmem_shared>> -> memref<10000x128xf32, #tpu.memory_space<vmem_shared>>
    tpu.enqueue_indirect_dma source(%dma_start3A_12 : memref<10000x128xf32, #tpu.memory_space<vmem_shared>>) target(%arg6 : memref<128x128xf32, #tpu.memory_space<vmem>>) offsets(%dma_start3A_9 : memref<128xi32, #tpu.memory_space<vmem>>) semaphore(%arg9 : memref<!tpu.dma_semaphore, #tpu.memory_space<semaphore_mem>>)
    %scan3A = arith.constant 0 : i32
    %scan3A_13 = arith.constant 0 : i32
    %scan3A_14 = arith.constant 40 : i32
    %scan3A_15 = arith.addi %scan3A_13, %scan3A_14 : i32
    %scan3A_16 = arith.constant 1 : i32
    scf.for %scan3A_18 = %scan3A_13 to %scan3A_15 step %scan3A_16  : i32 {
      %mul3A_19 = arith.constant 2 : i32
      %mul3A_20 = arith.muli %mul3A_19, %scan3A_18 : i32
      %add3A = arith.constant 1 : i32
      %add3A_21 = arith.addi %mul3A_20, %add3A : i32
      %dma_start3A_22 = arith.constant 0 : i32
      %dma_start3A_23 = tpu.memref_slice %arg5[%add3A_21, %dma_start3A_22] : memref<80x128xi32, #tpu.memory_space<vmem>> -> memref<1x128xi32, #tpu.memory_space<vmem>>
      %dma_start3A_24 = tpu.memref_squeeze %dma_start3A_23 : memref<1x128xi32, #tpu.memory_space<vmem>> -> memref<128xi32, #tpu.memory_space<vmem>>
      %dma_start3A_25 = arith.constant 0 : i32
      %dma_start3A_26 = arith.constant 0 : i32
      %dma_start3A_27 = tpu.memref_slice %arg8[%dma_start3A_25, %dma_start3A_26] : memref<10000x128xf32, #tpu.memory_space<vmem_shared>> -> memref<10000x128xf32, #tpu.memory_space<vmem_shared>>
      tpu.enqueue_indirect_dma source(%dma_start3A_27 : memref<10000x128xf32, #tpu.memory_space<vmem_shared>>) target(%arg7 : memref<128x128xf32, #tpu.memory_space<vmem>>) offsets(%dma_start3A_24 : memref<128xi32, #tpu.memory_space<vmem>>) semaphore(%arg10 : memref<!tpu.dma_semaphore, #tpu.memory_space<semaphore_mem>>)
      %dma_wait3A = arith.constant 0 : i32
      %dma_wait3A_28 = tpu.memref_slice %arg5[%mul3A_20, %dma_wait3A] : memref<80x128xi32, #tpu.memory_space<vmem>> -> memref<1x128xi32, #tpu.memory_space<vmem>>
      %dma_wait3A_29 = tpu.memref_squeeze %dma_wait3A_28 : memref<1x128xi32, #tpu.memory_space<vmem>> -> memref<128xi32, #tpu.memory_space<vmem>>
      %dma_wait3A_30 = arith.constant 0 : i32
      %dma_wait3A_31 = arith.constant 0 : i32
      %dma_wait3A_32 = tpu.memref_slice %arg8[%dma_wait3A_30, %dma_wait3A_31] : memref<10000x128xf32, #tpu.memory_space<vmem_shared>> -> memref<10000x128xf32, #tpu.memory_space<vmem_shared>>
      tpu.wait_indirect_dma semaphore(%arg9 : memref<!tpu.dma_semaphore, #tpu.memory_space<semaphore_mem>>) src(%dma_wait3A_32 : memref<10000x128xf32, #tpu.memory_space<vmem_shared>>) dst(%arg6 : memref<128x128xf32, #tpu.memory_space<vmem>>)
      %add3A_33 = arith.constant 0 : i32
      %add3A_34 = arith.addi %add3A_33, %mul3A_20 : i32
      %mul3A_35 = arith.constant 128 : i32
      %mul3A_36 = arith.muli %add3A_34, %mul3A_35 : i32
      "tpu.region"() ({
        %run_scoped3A = tpu.sem_alloc : memref<!tpu.dma_semaphore, #tpu.memory_space<semaphore_mem>>
        %dma_start3A_58 = arith.constant 0 : i32
        %dma_start3A_59 = tpu.memref_slice %arg4[%arg0, %arg1, %mul3A_36, %dma_start3A_58] : memref<2x16x10240x128xf32, #tpu.memory_space<hbm>> -> memref<1x1x128x128xf32, #tpu.memory_space<hbm>>
        %dma_start3A_60 = tpu.memref_squeeze %dma_start3A_59 : memref<1x1x128x128xf32, #tpu.memory_space<hbm>> -> memref<128x128xf32, #tpu.memory_space<hbm>>
        %dma_start3A_61 = arith.constant 0 : i32
        %dma_start3A_62 = tpu.memref_slice %arg4[%arg0, %arg1, %mul3A_36, %dma_start3A_61] : memref<2x16x10240x128xf32, #tpu.memory_space<hbm>> -> memref<1x1x128x128xf32, #tpu.memory_space<hbm>>
        %dma_start3A_63 = tpu.memref_squeeze %dma_start3A_62 : memref<1x1x128x128xf32, #tpu.memory_space<hbm>> -> memref<128x128xf32, #tpu.memory_space<hbm>>
        tpu.enqueue_dma source(%arg6 : memref<128x128xf32, #tpu.memory_space<vmem>>) target(%dma_start3A_63 : memref<128x128xf32, #tpu.memory_space<hbm>>) target_semaphore(%run_scoped3A : memref<!tpu.dma_semaphore, #tpu.memory_space<semaphore_mem>>)
        %dma_wait3A_64 = arith.constant 0 : i32
        %dma_wait3A_65 = tpu.memref_slice %arg4[%arg0, %arg1, %mul3A_36, %dma_wait3A_64] : memref<2x16x10240x128xf32, #tpu.memory_space<hbm>> -> memref<1x1x128x128xf32, #tpu.memory_space<hbm>>
        %dma_wait3A_66 = tpu.memref_squeeze %dma_wait3A_65 : memref<1x1x128x128xf32, #tpu.memory_space<hbm>> -> memref<128x128xf32, #tpu.memory_space<hbm>>
        %dma_wait3A_67 = arith.constant 0 : i32
        %dma_wait3A_68 = tpu.memref_slice %arg4[%arg0, %arg1, %mul3A_36, %dma_wait3A_67] : memref<2x16x10240x128xf32, #tpu.memory_space<hbm>> -> memref<1x1x128x128xf32, #tpu.memory_space<hbm>>
        %dma_wait3A_69 = tpu.memref_squeeze %dma_wait3A_68 : memref<1x1x128x128xf32, #tpu.memory_space<hbm>> -> memref<128x128xf32, #tpu.memory_space<hbm>>
        tpu.wait_dma2 semaphore(%run_scoped3A : memref<!tpu.dma_semaphore, #tpu.memory_space<semaphore_mem>>) src(%arg6 : memref<128x128xf32, #tpu.memory_space<vmem>>) dst(%dma_wait3A_69 : memref<128x128xf32, #tpu.memory_space<hbm>>)
        tpu.yield
      }) : () -> ()
      %add3A_37 = arith.constant 2 : i32
      %add3A_38 = arith.addi %mul3A_20, %add3A_37 : i32
      %lt3A_39 = arith.constant 80 : i32
      %lt3A_40 = arith.cmpi slt, %add3A_38, %lt3A_39 : i32
      %convert_element_type3A_41 = arith.extui %lt3A_40 : i1 to i32
      %cond3A_42 = arith.constant 0 : i32
      %cond3A_43 = arith.cmpi ne, %convert_element_type3A_41, %cond3A_42 : i32
      scf.if %cond3A_43 {
        %add3A_58 = arith.constant 2 : i32
        %add3A_59 = arith.addi %mul3A_20, %add3A_58 : i32
        %dma_start3A_60 = arith.constant 0 : i32
        %dma_start3A_61 = tpu.memref_slice %arg5[%add3A_59, %dma_start3A_60] : memref<80x128xi32, #tpu.memory_space<vmem>> -> memref<1x128xi32, #tpu.memory_space<vmem>>
        %dma_start3A_62 = tpu.memref_squeeze %dma_start3A_61 : memref<1x128xi32, #tpu.memory_space<vmem>> -> memref<128xi32, #tpu.memory_space<vmem>>
        %dma_start3A_63 = arith.constant 0 : i32
        %dma_start3A_64 = arith.constant 0 : i32
        %dma_start3A_65 = tpu.memref_slice %arg8[%dma_start3A_63, %dma_start3A_64] : memref<10000x128xf32, #tpu.memory_space<vmem_shared>> -> memref<10000x128xf32, #tpu.memory_space<vmem_shared>>
        tpu.enqueue_indirect_dma source(%dma_start3A_65 : memref<10000x128xf32, #tpu.memory_space<vmem_shared>>) target(%arg6 : memref<128x128xf32, #tpu.memory_space<vmem>>) offsets(%dma_start3A_62 : memref<128xi32, #tpu.memory_space<vmem>>) semaphore(%arg9 : memref<!tpu.dma_semaphore, #tpu.memory_space<semaphore_mem>>)
      } else {
      }
      %add3A_44 = arith.constant 1 : i32
      %add3A_45 = arith.addi %mul3A_20, %add3A_44 : i32
      %dma_wait3A_46 = arith.constant 0 : i32
      %dma_wait3A_47 = tpu.memref_slice %arg5[%add3A_45, %dma_wait3A_46] : memref<80x128xi32, #tpu.memory_space<vmem>> -> memref<1x128xi32, #tpu.memory_space<vmem>>
      %dma_wait3A_48 = tpu.memref_squeeze %dma_wait3A_47 : memref<1x128xi32, #tpu.memory_space<vmem>> -> memref<128xi32, #tpu.memory_space<vmem>>
      %dma_wait3A_49 = arith.constant 0 : i32
      %dma_wait3A_50 = arith.constant 0 : i32
      %dma_wait3A_51 = tpu.memref_slice %arg8[%dma_wait3A_49, %dma_wait3A_50] : memref<10000x128xf32, #tpu.memory_space<vmem_shared>> -> memref<10000x128xf32, #tpu.memory_space<vmem_shared>>
      tpu.wait_indirect_dma semaphore(%arg10 : memref<!tpu.dma_semaphore, #tpu.memory_space<semaphore_mem>>) src(%dma_wait3A_51 : memref<10000x128xf32, #tpu.memory_space<vmem_shared>>) dst(%arg7 : memref<128x128xf32, #tpu.memory_space<vmem>>)
      %add3A_52 = arith.constant 0 : i32
      %add3A_53 = arith.addi %add3A_52, %mul3A_20 : i32
      %add3A_54 = arith.constant 1 : i32
      %add3A_55 = arith.addi %add3A_53, %add3A_54 : i32
      %mul3A_56 = arith.constant 128 : i32
      %mul3A_57 = arith.muli %add3A_55, %mul3A_56 : i32
      "tpu.region"() ({
        %run_scoped3A = tpu.sem_alloc : memref<!tpu.dma_semaphore, #tpu.memory_space<semaphore_mem>>
        %dma_start3A_58 = arith.constant 0 : i32
        %dma_start3A_59 = tpu.memref_slice %arg4[%arg0, %arg1, %mul3A_57, %dma_start3A_58] : memref<2x16x10240x128xf32, #tpu.memory_space<hbm>> -> memref<1x1x128x128xf32, #tpu.memory_space<hbm>>
        %dma_start3A_60 = tpu.memref_squeeze %dma_start3A_59 : memref<1x1x128x128xf32, #tpu.memory_space<hbm>> -> memref<128x128xf32, #tpu.memory_space<hbm>>
        %dma_start3A_61 = arith.constant 0 : i32
        %dma_start3A_62 = tpu.memref_slice %arg4[%arg0, %arg1, %mul3A_57, %dma_start3A_61] : memref<2x16x10240x128xf32, #tpu.memory_space<hbm>> -> memref<1x1x128x128xf32, #tpu.memory_space<hbm>>
        %dma_start3A_63 = tpu.memref_squeeze %dma_start3A_62 : memref<1x1x128x128xf32, #tpu.memory_space<hbm>> -> memref<128x128xf32, #tpu.memory_space<hbm>>
        tpu.enqueue_dma source(%arg7 : memref<128x128xf32, #tpu.memory_space<vmem>>) target(%dma_start3A_63 : memref<128x128xf32, #tpu.memory_space<hbm>>) target_semaphore(%run_scoped3A : memref<!tpu.dma_semaphore, #tpu.memory_space<semaphore_mem>>)
        %dma_wait3A_64 = arith.constant 0 : i32
        %dma_wait3A_65 = tpu.memref_slice %arg4[%arg0, %arg1, %mul3A_57, %dma_wait3A_64] : memref<2x16x10240x128xf32, #tpu.memory_space<hbm>> -> memref<1x1x128x128xf32, #tpu.memory_space<hbm>>
        %dma_wait3A_66 = tpu.memref_squeeze %dma_wait3A_65 : memref<1x1x128x128xf32, #tpu.memory_space<hbm>> -> memref<128x128xf32, #tpu.memory_space<hbm>>
        %dma_wait3A_67 = arith.constant 0 : i32
        %dma_wait3A_68 = tpu.memref_slice %arg4[%arg0, %arg1, %mul3A_57, %dma_wait3A_67] : memref<2x16x10240x128xf32, #tpu.memory_space<hbm>> -> memref<1x1x128x128xf32, #tpu.memory_space<hbm>>
        %dma_wait3A_69 = tpu.memref_squeeze %dma_wait3A_68 : memref<1x1x128x128xf32, #tpu.memory_space<hbm>> -> memref<128x128xf32, #tpu.memory_space<hbm>>
        tpu.wait_dma2 semaphore(%run_scoped3A : memref<!tpu.dma_semaphore, #tpu.memory_space<semaphore_mem>>) src(%arg7 : memref<128x128xf32, #tpu.memory_space<vmem>>) dst(%dma_wait3A_69 : memref<128x128xf32, #tpu.memory_space<hbm>>)
        tpu.yield
      }) : () -> ()
    }
    %scan3A_17 = arith.constant 40 : i32
    return
  }
}

#map = affine_map<(d0, d1) -> (0, 0)>
#map1 = affine_map<(d0, d1) -> (0, 0, 0, 0)>
module attributes {stable_mosaic.version = 14 : i64} {
  func.func @_permute_body(%arg0: i32, %arg1: i32, %arg2: memref<10000x128xf32, #tpu.memory_space<hbm>>, %arg3: memref<2x16x80x128xi32, #tpu.memory_space<hbm>>, %arg4: memref<2x16x10240x128xf32, #tpu.memory_space<hbm>>, %arg5: memref<80x128xi32, #tpu.memory_space<vmem>>, %arg6: memref<128x128xf32, #tpu.memory_space<vmem>>, %arg7: memref<128x128xf32, #tpu.memory_space<vmem>>, %arg8: memref<10000x128xf32, #tpu.memory_space<vmem_shared>>, %arg9: memref<!tpu.dma_semaphore, #tpu.memory_space<semaphore_mem>>, %arg10: memref<!tpu.dma_semaphore, #tpu.memory_space<semaphore_mem>>) attributes {dimension_semantics = [#tpu.dimension_semantics<core_parallel>, #tpu.dimension_semantics<subcore_parallel>], iteration_bounds = array<i64: 2, 16>, scalar_prefetch = 0 : i64, scratch_operands = 6 : i64, tpu.core_type = #tpu.core_type<sc_vector_subcore>, window_params = [{transform_indices = #map}, {transform_indices = #map1}, {transform_indices = #map1}]} {
    %mul3A = arith.constant 632 : i32
    %mul3A_0 = arith.muli %arg1, %mul3A : i32
    %lt3A = arith.constant 15 : i32
    %lt3A_1 = arith.cmpi slt, %arg1, %lt3A : i32
    %convert_element_type3A = arith.extui %lt3A_1 : i1 to i32
    %cond3A = arith.constant 0 : i32
    %cond3A_2 = arith.cmpi ne, %convert_element_type3A, %cond3A : i32
    scf.if %cond3A_2 {
      "tpu.region"() ({
        %run_scoped3A = tpu.sem_alloc : memref<!tpu.dma_semaphore, #tpu.memory_space<semaphore_mem>>
        %dma_start3A_18 = arith.constant 0 : i32
        %dma_start3A_19 = tpu.memref_slice %arg8[%mul3A_0, %dma_start3A_18] : memref<10000x128xf32, #tpu.memory_space<vmem_shared>> -> memref<632x128xf32, #tpu.memory_space<vmem_shared>>
        %dma_start3A_20 = arith.constant 0 : i32
        %dma_start3A_21 = tpu.memref_slice %arg2[%mul3A_0, %dma_start3A_20] : memref<10000x128xf32, #tpu.memory_space<hbm>> -> memref<632x128xf32, #tpu.memory_space<hbm>>
        tpu.enqueue_dma source(%dma_start3A_21 : memref<632x128xf32, #tpu.memory_space<hbm>>) target(%dma_start3A_19 : memref<632x128xf32, #tpu.memory_space<vmem_shared>>) target_semaphore(%run_scoped3A : memref<!tpu.dma_semaphore, #tpu.memory_space<semaphore_mem>>)
        %dma_wait3A = arith.constant 0 : i32
        %dma_wait3A_22 = tpu.memref_slice %arg8[%mul3A_0, %dma_wait3A] : memref<10000x128xf32, #tpu.memory_space<vmem_shared>> -> memref<632x128xf32, #tpu.memory_space<vmem_shared>>
        %dma_wait3A_23 = arith.constant 0 : i32
        %dma_wait3A_24 = tpu.memref_slice %arg2[%mul3A_0, %dma_wait3A_23] : memref<10000x128xf32, #tpu.memory_space<hbm>> -> memref<632x128xf32, #tpu.memory_space<hbm>>
        tpu.wait_dma2 semaphore(%run_scoped3A : memref<!tpu.dma_semaphore, #tpu.memory_space<semaphore_mem>>) src(%dma_wait3A_24 : memref<632x128xf32, #tpu.memory_space<hbm>>) dst(%dma_wait3A_22 : memref<632x128xf32, #tpu.memory_space<vmem_shared>>)
        tpu.yield
      }) : () -> ()
    } else {
    }
    %eq3A = arith.constant 15 : i32
    %eq3A_3 = arith.cmpi eq, %arg1, %eq3A : i32
    %convert_element_type3A_4 = arith.extui %eq3A_3 : i1 to i32
    %cond3A_5 = arith.constant 0 : i32
    %cond3A_6 = arith.cmpi ne, %convert_element_type3A_4, %cond3A_5 : i32
    scf.if %cond3A_6 {
      "tpu.region"() ({
        %run_scoped3A = tpu.sem_alloc : memref<!tpu.dma_semaphore, #tpu.memory_space<semaphore_mem>>
        %dma_start3A_18 = arith.constant 9480 : i32
        %dma_start3A_19 = arith.constant 0 : i32
        %dma_start3A_20 = tpu.memref_slice %arg8[%dma_start3A_18, %dma_start3A_19] : memref<10000x128xf32, #tpu.memory_space<vmem_shared>> -> memref<520x128xf32, #tpu.memory_space<vmem_shared>>
        %dma_start3A_21 = arith.constant 9480 : i32
        %dma_start3A_22 = arith.constant 0 : i32
        %dma_start3A_23 = tpu.memref_slice %arg2[%dma_start3A_21, %dma_start3A_22] : memref<10000x128xf32, #tpu.memory_space<hbm>> -> memref<520x128xf32, #tpu.memory_space<hbm>>
        tpu.enqueue_dma source(%dma_start3A_23 : memref<520x128xf32, #tpu.memory_space<hbm>>) target(%dma_start3A_20 : memref<520x128xf32, #tpu.memory_space<vmem_shared>>) target_semaphore(%run_scoped3A : memref<!tpu.dma_semaphore, #tpu.memory_space<semaphore_mem>>)
        %dma_wait3A = arith.constant 9480 : i32
        %dma_wait3A_24 = arith.constant 0 : i32
        %dma_wait3A_25 = tpu.memref_slice %arg8[%dma_wait3A, %dma_wait3A_24] : memref<10000x128xf32, #tpu.memory_space<vmem_shared>> -> memref<520x128xf32, #tpu.memory_space<vmem_shared>>
        %dma_wait3A_26 = arith.constant 9480 : i32
        %dma_wait3A_27 = arith.constant 0 : i32
        %dma_wait3A_28 = tpu.memref_slice %arg2[%dma_wait3A_26, %dma_wait3A_27] : memref<10000x128xf32, #tpu.memory_space<hbm>> -> memref<520x128xf32, #tpu.memory_space<hbm>>
        tpu.wait_dma2 semaphore(%run_scoped3A : memref<!tpu.dma_semaphore, #tpu.memory_space<semaphore_mem>>) src(%dma_wait3A_28 : memref<520x128xf32, #tpu.memory_space<hbm>>) dst(%dma_wait3A_25 : memref<520x128xf32, #tpu.memory_space<vmem_shared>>)
        tpu.yield
      }) : () -> ()
    } else {
    }
    %barrier3A = arith.constant 0 : index
    tpu.barrier barrier_id(%barrier3A)
    "tpu.region"() ({
      %run_scoped3A = tpu.sem_alloc : memref<!tpu.dma_semaphore, #tpu.memory_space<semaphore_mem>>
      %dma_start3A_18 = arith.constant 0 : i32
      %dma_start3A_19 = arith.constant 0 : i32
      %dma_start3A_20 = tpu.memref_slice %arg3[%arg0, %arg1, %dma_start3A_18, %dma_start3A_19] : memref<2x16x80x128xi32, #tpu.memory_space<hbm>> -> memref<1x1x80x128xi32, #tpu.memory_space<hbm>>
      %dma_start3A_21 = tpu.memref_squeeze %dma_start3A_20 : memref<1x1x80x128xi32, #tpu.memory_space<hbm>> -> memref<80x128xi32, #tpu.memory_space<hbm>>
      %dma_start3A_22 = arith.constant 0 : i32
      %dma_start3A_23 = arith.constant 0 : i32
      %dma_start3A_24 = tpu.memref_slice %arg3[%arg0, %arg1, %dma_start3A_22, %dma_start3A_23] : memref<2x16x80x128xi32, #tpu.memory_space<hbm>> -> memref<1x1x80x128xi32, #tpu.memory_space<hbm>>
      %dma_start3A_25 = tpu.memref_squeeze %dma_start3A_24 : memref<1x1x80x128xi32, #tpu.memory_space<hbm>> -> memref<80x128xi32, #tpu.memory_space<hbm>>
      tpu.enqueue_dma source(%dma_start3A_25 : memref<80x128xi32, #tpu.memory_space<hbm>>) target(%arg5 : memref<80x128xi32, #tpu.memory_space<vmem>>) target_semaphore(%run_scoped3A : memref<!tpu.dma_semaphore, #tpu.memory_space<semaphore_mem>>)
      %dma_wait3A = arith.constant 0 : i32
      %dma_wait3A_26 = arith.constant 0 : i32
      %dma_wait3A_27 = tpu.memref_slice %arg3[%arg0, %arg1, %dma_wait3A, %dma_wait3A_26] : memref<2x16x80x128xi32, #tpu.memory_space<hbm>> -> memref<1x1x80x128xi32, #tpu.memory_space<hbm>>
      %dma_wait3A_28 = tpu.memref_squeeze %dma_wait3A_27 : memref<1x1x80x128xi32, #tpu.memory_space<hbm>> -> memref<80x128xi32, #tpu.memory_space<hbm>>
      %dma_wait3A_29 = arith.constant 0 : i32
      %dma_wait3A_30 = arith.constant 0 : i32
      %dma_wait3A_31 = tpu.memref_slice %arg3[%arg0, %arg1, %dma_wait3A_29, %dma_wait3A_30] : memref<2x16x80x128xi32, #tpu.memory_space<hbm>> -> memref<1x1x80x128xi32, #tpu.memory_space<hbm>>
      %dma_wait3A_32 = tpu.memref_squeeze %dma_wait3A_31 : memref<1x1x80x128xi32, #tpu.memory_space<hbm>> -> memref<80x128xi32, #tpu.memory_space<hbm>>
      tpu.wait_dma2 semaphore(%run_scoped3A : memref<!tpu.dma_semaphore, #tpu.memory_space<semaphore_mem>>) src(%dma_wait3A_32 : memref<80x128xi32, #tpu.memory_space<hbm>>) dst(%arg5 : memref<80x128xi32, #tpu.memory_space<vmem>>)
      tpu.yield
    }) : () -> ()
    %dma_start3A = arith.constant 0 : i32
    %dma_start3A_7 = arith.constant 0 : i32
    %dma_start3A_8 = tpu.memref_slice %arg5[%dma_start3A, %dma_start3A_7] : memref<80x128xi32, #tpu.memory_space<vmem>> -> memref<1x128xi32, #tpu.memory_space<vmem>>
    %dma_start3A_9 = tpu.memref_squeeze %dma_start3A_8 : memref<1x128xi32, #tpu.memory_space<vmem>> -> memref<128xi32, #tpu.memory_space<vmem>>
    %dma_start3A_10 = arith.constant 0 : i32
    %dma_start3A_11 = arith.constant 0 : i32
    %dma_start3A_12 = tpu.memref_slice %arg8[%dma_start3A_10, %dma_start3A_11] : memref<10000x128xf32, #tpu.memory_space<vmem_shared>> -> memref<10000x128xf32, #tpu.memory_space<vmem_shared>>
    tpu.enqueue_indirect_dma source(%dma_start3A_12 : memref<10000x128xf32, #tpu.memory_space<vmem_shared>>) target(%arg6 : memref<128x128xf32, #tpu.memory_space<vmem>>) offsets(%dma_start3A_9 : memref<128xi32, #tpu.memory_space<vmem>>) semaphore(%arg9 : memref<!tpu.dma_semaphore, #tpu.memory_space<semaphore_mem>>)
    %scan3A = arith.constant 0 : i32
    %scan3A_13 = arith.constant 0 : i32
    %scan3A_14 = arith.constant 40 : i32
    %scan3A_15 = arith.addi %scan3A_13, %scan3A_14 : i32
    %scan3A_16 = arith.constant 1 : i32
    scf.for %scan3A_18 = %scan3A_13 to %scan3A_15 step %scan3A_16  : i32 {
      %mul3A_19 = arith.constant 2 : i32
      %mul3A_20 = arith.muli %mul3A_19, %scan3A_18 : i32
      %add3A = arith.constant 1 : i32
      %add3A_21 = arith.addi %mul3A_20, %add3A : i32
      %dma_start3A_22 = arith.constant 0 : i32
      %dma_start3A_23 = tpu.memref_slice %arg5[%add3A_21, %dma_start3A_22] : memref<80x128xi32, #tpu.memory_space<vmem>> -> memref<1x128xi32, #tpu.memory_space<vmem>>
      %dma_start3A_24 = tpu.memref_squeeze %dma_start3A_23 : memref<1x128xi32, #tpu.memory_space<vmem>> -> memref<128xi32, #tpu.memory_space<vmem>>
      %dma_start3A_25 = arith.constant 0 : i32
      %dma_start3A_26 = arith.constant 0 : i32
      %dma_start3A_27 = tpu.memref_slice %arg8[%dma_start3A_25, %dma_start3A_26] : memref<10000x128xf32, #tpu.memory_space<vmem_shared>> -> memref<10000x128xf32, #tpu.memory_space<vmem_shared>>
      tpu.enqueue_indirect_dma source(%dma_start3A_27 : memref<10000x128xf32, #tpu.memory_space<vmem_shared>>) target(%arg7 : memref<128x128xf32, #tpu.memory_space<vmem>>) offsets(%dma_start3A_24 : memref<128xi32, #tpu.memory_space<vmem>>) semaphore(%arg10 : memref<!tpu.dma_semaphore, #tpu.memory_space<semaphore_mem>>)
      %dma_wait3A = arith.constant 0 : i32
      %dma_wait3A_28 = tpu.memref_slice %arg5[%mul3A_20, %dma_wait3A] : memref<80x128xi32, #tpu.memory_space<vmem>> -> memref<1x128xi32, #tpu.memory_space<vmem>>
      %dma_wait3A_29 = tpu.memref_squeeze %dma_wait3A_28 : memref<1x128xi32, #tpu.memory_space<vmem>> -> memref<128xi32, #tpu.memory_space<vmem>>
      %dma_wait3A_30 = arith.constant 0 : i32
      %dma_wait3A_31 = arith.constant 0 : i32
      %dma_wait3A_32 = tpu.memref_slice %arg8[%dma_wait3A_30, %dma_wait3A_31] : memref<10000x128xf32, #tpu.memory_space<vmem_shared>> -> memref<10000x128xf32, #tpu.memory_space<vmem_shared>>
      tpu.wait_indirect_dma semaphore(%arg9 : memref<!tpu.dma_semaphore, #tpu.memory_space<semaphore_mem>>) src(%dma_wait3A_32 : memref<10000x128xf32, #tpu.memory_space<vmem_shared>>) dst(%arg6 : memref<128x128xf32, #tpu.memory_space<vmem>>)
      %add3A_33 = arith.constant 0 : i32
      %add3A_34 = arith.addi %add3A_33, %mul3A_20 : i32
      %mul3A_35 = arith.constant 128 : i32
      %mul3A_36 = arith.muli %add3A_34, %mul3A_35 : i32
      "tpu.region"() ({
        %run_scoped3A = tpu.sem_alloc : memref<!tpu.dma_semaphore, #tpu.memory_space<semaphore_mem>>
        %dma_start3A_58 = arith.constant 0 : i32
        %dma_start3A_59 = tpu.memref_slice %arg4[%arg0, %arg1, %mul3A_36, %dma_start3A_58] : memref<2x16x10240x128xf32, #tpu.memory_space<hbm>> -> memref<1x1x128x128xf32, #tpu.memory_space<hbm>>
        %dma_start3A_60 = tpu.memref_squeeze %dma_start3A_59 : memref<1x1x128x128xf32, #tpu.memory_space<hbm>> -> memref<128x128xf32, #tpu.memory_space<hbm>>
        %dma_start3A_61 = arith.constant 0 : i32
        %dma_start3A_62 = tpu.memref_slice %arg4[%arg0, %arg1, %mul3A_36, %dma_start3A_61] : memref<2x16x10240x128xf32, #tpu.memory_space<hbm>> -> memref<1x1x128x128xf32, #tpu.memory_space<hbm>>
        %dma_start3A_63 = tpu.memref_squeeze %dma_start3A_62 : memref<1x1x128x128xf32, #tpu.memory_space<hbm>> -> memref<128x128xf32, #tpu.memory_space<hbm>>
        tpu.enqueue_dma source(%arg6 : memref<128x128xf32, #tpu.memory_space<vmem>>) target(%dma_start3A_63 : memref<128x128xf32, #tpu.memory_space<hbm>>) target_semaphore(%run_scoped3A : memref<!tpu.dma_semaphore, #tpu.memory_space<semaphore_mem>>)
        %dma_wait3A_64 = arith.constant 0 : i32
        %dma_wait3A_65 = tpu.memref_slice %arg4[%arg0, %arg1, %mul3A_36, %dma_wait3A_64] : memref<2x16x10240x128xf32, #tpu.memory_space<hbm>> -> memref<1x1x128x128xf32, #tpu.memory_space<hbm>>
        %dma_wait3A_66 = tpu.memref_squeeze %dma_wait3A_65 : memref<1x1x128x128xf32, #tpu.memory_space<hbm>> -> memref<128x128xf32, #tpu.memory_space<hbm>>
        %dma_wait3A_67 = arith.constant 0 : i32
        %dma_wait3A_68 = tpu.memref_slice %arg4[%arg0, %arg1, %mul3A_36, %dma_wait3A_67] : memref<2x16x10240x128xf32, #tpu.memory_space<hbm>> -> memref<1x1x128x128xf32, #tpu.memory_space<hbm>>
        %dma_wait3A_69 = tpu.memref_squeeze %dma_wait3A_68 : memref<1x1x128x128xf32, #tpu.memory_space<hbm>> -> memref<128x128xf32, #tpu.memory_space<hbm>>
        tpu.wait_dma2 semaphore(%run_scoped3A : memref<!tpu.dma_semaphore, #tpu.memory_space<semaphore_mem>>) src(%arg6 : memref<128x128xf32, #tpu.memory_space<vmem>>) dst(%dma_wait3A_69 : memref<128x128xf32, #tpu.memory_space<hbm>>)
        tpu.yield
      }) : () -> ()
      %add3A_37 = arith.constant 2 : i32
      %add3A_38 = arith.addi %mul3A_20, %add3A_37 : i32
      %lt3A_39 = arith.constant 80 : i32
      %lt3A_40 = arith.cmpi slt, %add3A_38, %lt3A_39 : i32
      %convert_element_type3A_41 = arith.extui %lt3A_40 : i1 to i32
      %cond3A_42 = arith.constant 0 : i32
      %cond3A_43 = arith.cmpi ne, %convert_element_type3A_41, %cond3A_42 : i32
      scf.if %cond3A_43 {
        %add3A_58 = arith.constant 2 : i32
        %add3A_59 = arith.addi %mul3A_20, %add3A_58 : i32
        %dma_start3A_60 = arith.constant 0 : i32
        %dma_start3A_61 = tpu.memref_slice %arg5[%add3A_59, %dma_start3A_60] : memref<80x128xi32, #tpu.memory_space<vmem>> -> memref<1x128xi32, #tpu.memory_space<vmem>>
        %dma_start3A_62 = tpu.memref_squeeze %dma_start3A_61 : memref<1x128xi32, #tpu.memory_space<vmem>> -> memref<128xi32, #tpu.memory_space<vmem>>
        %dma_start3A_63 = arith.constant 0 : i32
        %dma_start3A_64 = arith.constant 0 : i32
        %dma_start3A_65 = tpu.memref_slice %arg8[%dma_start3A_63, %dma_start3A_64] : memref<10000x128xf32, #tpu.memory_space<vmem_shared>> -> memref<10000x128xf32, #tpu.memory_space<vmem_shared>>
        tpu.enqueue_indirect_dma source(%dma_start3A_65 : memref<10000x128xf32, #tpu.memory_space<vmem_shared>>) target(%arg6 : memref<128x128xf32, #tpu.memory_space<vmem>>) offsets(%dma_start3A_62 : memref<128xi32, #tpu.memory_space<vmem>>) semaphore(%arg9 : memref<!tpu.dma_semaphore, #tpu.memory_space<semaphore_mem>>)
      } else {
      }
      %add3A_44 = arith.constant 1 : i32
      %add3A_45 = arith.addi %mul3A_20, %add3A_44 : i32
      %dma_wait3A_46 = arith.constant 0 : i32
      %dma_wait3A_47 = tpu.memref_slice %arg5[%add3A_45, %dma_wait3A_46] : memref<80x128xi32, #tpu.memory_space<vmem>> -> memref<1x128xi32, #tpu.memory_space<vmem>>
      %dma_wait3A_48 = tpu.memref_squeeze %dma_wait3A_47 : memref<1x128xi32, #tpu.memory_space<vmem>> -> memref<128xi32, #tpu.memory_space<vmem>>
      %dma_wait3A_49 = arith.constant 0 : i32
      %dma_wait3A_50 = arith.constant 0 : i32
      %dma_wait3A_51 = tpu.memref_slice %arg8[%dma_wait3A_49, %dma_wait3A_50] : memref<10000x128xf32, #tpu.memory_space<vmem_shared>> -> memref<10000x128xf32, #tpu.memory_space<vmem_shared>>
      tpu.wait_indirect_dma semaphore(%arg10 : memref<!tpu.dma_semaphore, #tpu.memory_space<semaphore_mem>>) src(%dma_wait3A_51 : memref<10000x128xf32, #tpu.memory_space<vmem_shared>>) dst(%arg7 : memref<128x128xf32, #tpu.memory_space<vmem>>)
      %add3A_52 = arith.constant 0 : i32
      %add3A_53 = arith.addi %add3A_52, %mul3A_20 : i32
      %add3A_54 = arith.constant 1 : i32
      %add3A_55 = arith.addi %add3A_53, %add3A_54 : i32
      %mul3A_56 = arith.constant 128 : i32
      %mul3A_57 = arith.muli %add3A_55, %mul3A_56 : i32
      "tpu.region"() ({
        %run_scoped3A = tpu.sem_alloc : memref<!tpu.dma_semaphore, #tpu.memory_space<semaphore_mem>>
        %dma_start3A_58 = arith.constant 0 : i32
        %dma_start3A_59 = tpu.memref_slice %arg4[%arg0, %arg1, %mul3A_57, %dma_start3A_58] : memref<2x16x10240x128xf32, #tpu.memory_space<hbm>> -> memref<1x1x128x128xf32, #tpu.memory_space<hbm>>
        %dma_start3A_60 = tpu.memref_squeeze %dma_start3A_59 : memref<1x1x128x128xf32, #tpu.memory_space<hbm>> -> memref<128x128xf32, #tpu.memory_space<hbm>>
        %dma_start3A_61 = arith.constant 0 : i32
        %dma_start3A_62 = tpu.memref_slice %arg4[%arg0, %arg1, %mul3A_57, %dma_start3A_61] : memref<2x16x10240x128xf32, #tpu.memory_space<hbm>> -> memref<1x1x128x128xf32, #tpu.memory_space<hbm>>
        %dma_start3A_63 = tpu.memref_squeeze %dma_start3A_62 : memref<1x1x128x128xf32, #tpu.memory_space<hbm>> -> memref<128x128xf32, #tpu.memory_space<hbm>>
        tpu.enqueue_dma source(%arg7 : memref<128x128xf32, #tpu.memory_space<vmem>>) target(%dma_start3A_63 : memref<128x128xf32, #tpu.memory_space<hbm>>) target_semaphore(%run_scoped3A : memref<!tpu.dma_semaphore, #tpu.memory_space<semaphore_mem>>)
        %dma_wait3A_64 = arith.constant 0 : i32
        %dma_wait3A_65 = tpu.memref_slice %arg4[%arg0, %arg1, %mul3A_57, %dma_wait3A_64] : memref<2x16x10240x128xf32, #tpu.memory_space<hbm>> -> memref<1x1x128x128xf32, #tpu.memory_space<hbm>>
        %dma_wait3A_66 = tpu.memref_squeeze %dma_wait3A_65 : memref<1x1x128x128xf32, #tpu.memory_space<hbm>> -> memref<128x128xf32, #tpu.memory_space<hbm>>
        %dma_wait3A_67 = arith.constant 0 : i32
        %dma_wait3A_68 = tpu.memref_slice %arg4[%arg0, %arg1, %mul3A_57, %dma_wait3A_67] : memref<2x16x10240x128xf32, #tpu.memory_space<hbm>> -> memref<1x1x128x128xf32, #tpu.memory_space<hbm>>
        %dma_wait3A_69 = tpu.memref_squeeze %dma_wait3A_68 : memref<1x1x128x128xf32, #tpu.memory_space<hbm>> -> memref<128x128xf32, #tpu.memory_space<hbm>>
        tpu.wait_dma2 semaphore(%run_scoped3A : memref<!tpu.dma_semaphore, #tpu.memory_space<semaphore_mem>>) src(%arg7 : memref<128x128xf32, #tpu.memory_space<vmem>>) dst(%dma_wait3A_69 : memref<128x128xf32, #tpu.memory_space<hbm>>)
        tpu.yield
      }) : () -> ()
    }
    %scan3A_17 = arith.constant 40 : i32
    return
  }
}

#map = affine_map<(d0, d1) -> (0, 0, 0, 0)>
#map1 = affine_map<(d0, d1) -> (0, 0, 0)>
module attributes {stable_mosaic.version = 14 : i64} {
  func.func @_scatsum_body(%arg0: i32, %arg1: i32, %arg2: memref<2x16x10240x128xf32, #tpu.memory_space<hbm>>, %arg3: memref<2x16x80x128xi32, #tpu.memory_space<hbm>>, %arg4: memref<2x10000x128xf32, #tpu.memory_space<hbm>>, %arg5: memref<80x128xi32, #tpu.memory_space<vmem>>, %arg6: memref<128x128xf32, #tpu.memory_space<vmem>>, %arg7: memref<128x128xf32, #tpu.memory_space<vmem>>, %arg8: memref<10112x128xf32, #tpu.memory_space<vmem_shared>>, %arg9: memref<!tpu.dma_semaphore, #tpu.memory_space<semaphore_mem>>, %arg10: memref<!tpu.dma_semaphore, #tpu.memory_space<semaphore_mem>>) attributes {dimension_semantics = [#tpu.dimension_semantics<core_parallel>, #tpu.dimension_semantics<subcore_parallel>], iteration_bounds = array<i64: 2, 16>, scalar_prefetch = 0 : i64, scratch_operands = 6 : i64, tpu.core_type = #tpu.core_type<sc_vector_subcore>, window_params = [{transform_indices = #map}, {transform_indices = #map}, {transform_indices = #map1}]} {
    %mul3A = arith.constant 632 : i32
    %mul3A_0 = arith.muli %arg1, %mul3A : i32
    %scan3A = arith.constant 0 : i32
    %scan3A_1 = arith.constant 0 : i32
    %scan3A_2 = arith.constant 128 : i32
    %scan3A_3 = arith.addi %scan3A_1, %scan3A_2 : i32
    %scan3A_4 = arith.constant 1 : i32
    scf.for %scan3A_35 = %scan3A_1 to %scan3A_3 step %scan3A_4  : i32 {
      %broadcast_in_dim3A = arith.constant 0.000000e+00 : f32
      %broadcast_in_dim3A_36 = vector.broadcast %broadcast_in_dim3A : f32 to vector<16xf32>
      %swap3A = arith.index_cast %scan3A_35 : i32 to index
      %swap3A_37 = arith.constant 0 : index
      %swap3A_38 = tpu.vector_load %arg6[%swap3A, %swap3A_37] {strides = array<i32>} : memref<128x128xf32, #tpu.memory_space<vmem>>, vector<1x16xf32>,
      %swap3A_39 = vector.shape_cast %swap3A_38 : vector<1x16xf32> to vector<16xf32>
      %swap3A_40 = vector.shape_cast %broadcast_in_dim3A_36 : vector<16xf32> to vector<1x16xf32>
      tpu.vector_store %arg6[%swap3A, %swap3A_37], %swap3A_40 {strides = array<i32>} : memref<128x128xf32, #tpu.memory_space<vmem>>, vector<1x16xf32>,
      %broadcast_in_dim3A_41 = arith.constant 0.000000e+00 : f32
      %broadcast_in_dim3A_42 = vector.broadcast %broadcast_in_dim3A_41 : f32 to vector<16xf32>
      %swap3A_43 = arith.index_cast %scan3A_35 : i32 to index
      %swap3A_44 = arith.constant 16 : index
      %swap3A_45 = tpu.vector_load %arg6[%swap3A_43, %swap3A_44] {strides = array<i32>} : memref<128x128xf32, #tpu.memory_space<vmem>>, vector<1x16xf32>,
      %swap3A_46 = vector.shape_cast %swap3A_45 : vector<1x16xf32> to vector<16xf32>
      %swap3A_47 = vector.shape_cast %broadcast_in_dim3A_42 : vector<16xf32> to vector<1x16xf32>
      tpu.vector_store %arg6[%swap3A_43, %swap3A_44], %swap3A_47 {strides = array<i32>} : memref<128x128xf32, #tpu.memory_space<vmem>>, vector<1x16xf32>,
      %broadcast_in_dim3A_48 = arith.constant 0.000000e+00 : f32
      %broadcast_in_dim3A_49 = vector.broadcast %broadcast_in_dim3A_48 : f32 to vector<16xf32>
      %swap3A_50 = arith.index_cast %scan3A_35 : i32 to index
      %swap3A_51 = arith.constant 32 : index
      %swap3A_52 = tpu.vector_load %arg6[%swap3A_50, %swap3A_51] {strides = array<i32>} : memref<128x128xf32, #tpu.memory_space<vmem>>, vector<1x16xf32>,
      %swap3A_53 = vector.shape_cast %swap3A_52 : vector<1x16xf32> to vector<16xf32>
      %swap3A_54 = vector.shape_cast %broadcast_in_dim3A_49 : vector<16xf32> to vector<1x16xf32>
      tpu.vector_store %arg6[%swap3A_50, %swap3A_51], %swap3A_54 {strides = array<i32>} : memref<128x128xf32, #tpu.memory_space<vmem>>, vector<1x16xf32>,
      %broadcast_in_dim3A_55 = arith.constant 0.000000e+00 : f32
      %broadcast_in_dim3A_56 = vector.broadcast %broadcast_in_dim3A_55 : f32 to vector<16xf32>
      %swap3A_57 = arith.index_cast %scan3A_35 : i32 to index
      %swap3A_58 = arith.constant 48 : index
      %swap3A_59 = tpu.vector_load %arg6[%swap3A_57, %swap3A_58] {strides = array<i32>} : memref<128x128xf32, #tpu.memory_space<vmem>>, vector<1x16xf32>,
      %swap3A_60 = vector.shape_cast %swap3A_59 : vector<1x16xf32> to vector<16xf32>
      %swap3A_61 = vector.shape_cast %broadcast_in_dim3A_56 : vector<16xf32> to vector<1x16xf32>
      tpu.vector_store %arg6[%swap3A_57, %swap3A_58], %swap3A_61 {strides = array<i32>} : memref<128x128xf32, #tpu.memory_space<vmem>>, vector<1x16xf32>,
      %broadcast_in_dim3A_62 = arith.constant 0.000000e+00 : f32
      %broadcast_in_dim3A_63 = vector.broadcast %broadcast_in_dim3A_62 : f32 to vector<16xf32>
      %swap3A_64 = arith.index_cast %scan3A_35 : i32 to index
      %swap3A_65 = arith.constant 64 : index
      %swap3A_66 = tpu.vector_load %arg6[%swap3A_64, %swap3A_65] {strides = array<i32>} : memref<128x128xf32, #tpu.memory_space<vmem>>, vector<1x16xf32>,
      %swap3A_67 = vector.shape_cast %swap3A_66 : vector<1x16xf32> to vector<16xf32>
      %swap3A_68 = vector.shape_cast %broadcast_in_dim3A_63 : vector<16xf32> to vector<1x16xf32>
      tpu.vector_store %arg6[%swap3A_64, %swap3A_65], %swap3A_68 {strides = array<i32>} : memref<128x128xf32, #tpu.memory_space<vmem>>, vector<1x16xf32>,
      %broadcast_in_dim3A_69 = arith.constant 0.000000e+00 : f32
      %broadcast_in_dim3A_70 = vector.broadcast %broadcast_in_dim3A_69 : f32 to vector<16xf32>
      %swap3A_71 = arith.index_cast %scan3A_35 : i32 to index
      %swap3A_72 = arith.constant 80 : index
      %swap3A_73 = tpu.vector_load %arg6[%swap3A_71, %swap3A_72] {strides = array<i32>} : memref<128x128xf32, #tpu.memory_space<vmem>>, vector<1x16xf32>,
      %swap3A_74 = vector.shape_cast %swap3A_73 : vector<1x16xf32> to vector<16xf32>
      %swap3A_75 = vector.shape_cast %broadcast_in_dim3A_70 : vector<16xf32> to vector<1x16xf32>
      tpu.vector_store %arg6[%swap3A_71, %swap3A_72], %swap3A_75 {strides = array<i32>} : memref<128x128xf32, #tpu.memory_space<vmem>>, vector<1x16xf32>,
      %broadcast_in_dim3A_76 = arith.constant 0.000000e+00 : f32
      %broadcast_in_dim3A_77 = vector.broadcast %broadcast_in_dim3A_76 : f32 to vector<16xf32>
      %swap3A_78 = arith.index_cast %scan3A_35 : i32 to index
      %swap3A_79 = arith.constant 96 : index
      %swap3A_80 = tpu.vector_load %arg6[%swap3A_78, %swap3A_79] {strides = array<i32>} : memref<128x128xf32, #tpu.memory_space<vmem>>, vector<1x16xf32>,
      %swap3A_81 = vector.shape_cast %swap3A_80 : vector<1x16xf32> to vector<16xf32>
      %swap3A_82 = vector.shape_cast %broadcast_in_dim3A_77 : vector<16xf32> to vector<1x16xf32>
      tpu.vector_store %arg6[%swap3A_78, %swap3A_79], %swap3A_82 {strides = array<i32>} : memref<128x128xf32, #tpu.memory_space<vmem>>, vector<1x16xf32>,
      %broadcast_in_dim3A_83 = arith.constant 0.000000e+00 : f32
      %broadcast_in_dim3A_84 = vector.broadcast %broadcast_in_dim3A_83 : f32 to vector<16xf32>
      %swap3A_85 = arith.index_cast %scan3A_35 : i32 to index
      %swap3A_86 = arith.constant 112 : index
      %swap3A_87 = tpu.vector_load %arg6[%swap3A_85, %swap3A_86] {strides = array<i32>} : memref<128x128xf32, #tpu.memory_space<vmem>>, vector<1x16xf32>,
      %swap3A_88 = vector.shape_cast %swap3A_87 : vector<1x16xf32> to vector<16xf32>
      %swap3A_89 = vector.shape_cast %broadcast_in_dim3A_84 : vector<16xf32> to vector<1x16xf32>
      tpu.vector_store %arg6[%swap3A_85, %swap3A_86], %swap3A_89 {strides = array<i32>} : memref<128x128xf32, #tpu.memory_space<vmem>>, vector<1x16xf32>,
    }
    %scan3A_5 = arith.constant 128 : i32
    %add3A = arith.constant 0 : i32
    %add3A_6 = arith.addi %mul3A_0, %add3A : i32
    "tpu.region"() ({
      %run_scoped3A = tpu.sem_alloc : memref<!tpu.dma_semaphore, #tpu.memory_space<semaphore_mem>>
      %dma_start3A_35 = arith.constant 0 : i32
      %dma_start3A_36 = tpu.memref_slice %arg8[%add3A_6, %dma_start3A_35] : memref<10112x128xf32, #tpu.memory_space<vmem_shared>> -> memref<128x128xf32, #tpu.memory_space<vmem_shared>>
      %dma_start3A_37 = arith.constant 0 : i32
      %dma_start3A_38 = tpu.memref_slice %arg8[%add3A_6, %dma_start3A_37] : memref<10112x128xf32, #tpu.memory_space<vmem_shared>> -> memref<128x128xf32, #tpu.memory_space<vmem_shared>>
      tpu.enqueue_dma source(%arg6 : memref<128x128xf32, #tpu.memory_space<vmem>>) target(%dma_start3A_38 : memref<128x128xf32, #tpu.memory_space<vmem_shared>>) target_semaphore(%run_scoped3A : memref<!tpu.dma_semaphore, #tpu.memory_space<semaphore_mem>>)
      %dma_wait3A = arith.constant 0 : i32
      %dma_wait3A_39 = tpu.memref_slice %arg8[%add3A_6, %dma_wait3A] : memref<10112x128xf32, #tpu.memory_space<vmem_shared>> -> memref<128x128xf32, #tpu.memory_space<vmem_shared>>
      %dma_wait3A_40 = arith.constant 0 : i32
      %dma_wait3A_41 = tpu.memref_slice %arg8[%add3A_6, %dma_wait3A_40] : memref<10112x128xf32, #tpu.memory_space<vmem_shared>> -> memref<128x128xf32, #tpu.memory_space<vmem_shared>>
      tpu.wait_dma2 semaphore(%run_scoped3A : memref<!tpu.dma_semaphore, #tpu.memory_space<semaphore_mem>>) src(%arg6 : memref<128x128xf32, #tpu.memory_space<vmem>>) dst(%dma_wait3A_41 : memref<128x128xf32, #tpu.memory_space<vmem_shared>>)
      tpu.yield
    }) : () -> ()
    %add3A_7 = arith.constant 128 : i32
    %add3A_8 = arith.addi %mul3A_0, %add3A_7 : i32
    "tpu.region"() ({
      %run_scoped3A = tpu.sem_alloc : memref<!tpu.dma_semaphore, #tpu.memory_space<semaphore_mem>>
      %dma_start3A_35 = arith.constant 0 : i32
      %dma_start3A_36 = tpu.memref_slice %arg8[%add3A_8, %dma_start3A_35] : memref<10112x128xf32, #tpu.memory_space<vmem_shared>> -> memref<128x128xf32, #tpu.memory_space<vmem_shared>>
      %dma_start3A_37 = arith.constant 0 : i32
      %dma_start3A_38 = tpu.memref_slice %arg8[%add3A_8, %dma_start3A_37] : memref<10112x128xf32, #tpu.memory_space<vmem_shared>> -> memref<128x128xf32, #tpu.memory_space<vmem_shared>>
      tpu.enqueue_dma source(%arg6 : memref<128x128xf32, #tpu.memory_space<vmem>>) target(%dma_start3A_38 : memref<128x128xf32, #tpu.memory_space<vmem_shared>>) target_semaphore(%run_scoped3A : memref<!tpu.dma_semaphore, #tpu.memory_space<semaphore_mem>>)
      %dma_wait3A = arith.constant 0 : i32
      %dma_wait3A_39 = tpu.memref_slice %arg8[%add3A_8, %dma_wait3A] : memref<10112x128xf32, #tpu.memory_space<vmem_shared>> -> memref<128x128xf32, #tpu.memory_space<vmem_shared>>
      %dma_wait3A_40 = arith.constant 0 : i32
      %dma_wait3A_41 = tpu.memref_slice %arg8[%add3A_8, %dma_wait3A_40] : memref<10112x128xf32, #tpu.memory_space<vmem_shared>> -> memref<128x128xf32, #tpu.memory_space<vmem_shared>>
      tpu.wait_dma2 semaphore(%run_scoped3A : memref<!tpu.dma_semaphore, #tpu.memory_space<semaphore_mem>>) src(%arg6 : memref<128x128xf32, #tpu.memory_space<vmem>>) dst(%dma_wait3A_41 : memref<128x128xf32, #tpu.memory_space<vmem_shared>>)
      tpu.yield
    }) : () -> ()
    %add3A_9 = arith.constant 256 : i32
    %add3A_10 = arith.addi %mul3A_0, %add3A_9 : i32
    "tpu.region"() ({
      %run_scoped3A = tpu.sem_alloc : memref<!tpu.dma_semaphore, #tpu.memory_space<semaphore_mem>>
      %dma_start3A_35 = arith.constant 0 : i32
      %dma_start3A_36 = tpu.memref_slice %arg8[%add3A_10, %dma_start3A_35] : memref<10112x128xf32, #tpu.memory_space<vmem_shared>> -> memref<128x128xf32, #tpu.memory_space<vmem_shared>>
      %dma_start3A_37 = arith.constant 0 : i32
      %dma_start3A_38 = tpu.memref_slice %arg8[%add3A_10, %dma_start3A_37] : memref<10112x128xf32, #tpu.memory_space<vmem_shared>> -> memref<128x128xf32, #tpu.memory_space<vmem_shared>>
      tpu.enqueue_dma source(%arg6 : memref<128x128xf32, #tpu.memory_space<vmem>>) target(%dma_start3A_38 : memref<128x128xf32, #tpu.memory_space<vmem_shared>>) target_semaphore(%run_scoped3A : memref<!tpu.dma_semaphore, #tpu.memory_space<semaphore_mem>>)
      %dma_wait3A = arith.constant 0 : i32
      %dma_wait3A_39 = tpu.memref_slice %arg8[%add3A_10, %dma_wait3A] : memref<10112x128xf32, #tpu.memory_space<vmem_shared>> -> memref<128x128xf32, #tpu.memory_space<vmem_shared>>
      %dma_wait3A_40 = arith.constant 0 : i32
      %dma_wait3A_41 = tpu.memref_slice %arg8[%add3A_10, %dma_wait3A_40] : memref<10112x128xf32, #tpu.memory_space<vmem_shared>> -> memref<128x128xf32, #tpu.memory_space<vmem_shared>>
      tpu.wait_dma2 semaphore(%run_scoped3A : memref<!tpu.dma_semaphore, #tpu.memory_space<semaphore_mem>>) src(%arg6 : memref<128x128xf32, #tpu.memory_space<vmem>>) dst(%dma_wait3A_41 : memref<128x128xf32, #tpu.memory_space<vmem_shared>>)
      tpu.yield
    }) : () -> ()
    %add3A_11 = arith.constant 384 : i32
    %add3A_12 = arith.addi %mul3A_0, %add3A_11 : i32
    "tpu.region"() ({
      %run_scoped3A = tpu.sem_alloc : memref<!tpu.dma_semaphore, #tpu.memory_space<semaphore_mem>>
      %dma_start3A_35 = arith.constant 0 : i32
      %dma_start3A_36 = tpu.memref_slice %arg8[%add3A_12, %dma_start3A_35] : memref<10112x128xf32, #tpu.memory_space<vmem_shared>> -> memref<128x128xf32, #tpu.memory_space<vmem_shared>>
      %dma_start3A_37 = arith.constant 0 : i32
      %dma_start3A_38 = tpu.memref_slice %arg8[%add3A_12, %dma_start3A_37] : memref<10112x128xf32, #tpu.memory_space<vmem_shared>> -> memref<128x128xf32, #tpu.memory_space<vmem_shared>>
      tpu.enqueue_dma source(%arg6 : memref<128x128xf32, #tpu.memory_space<vmem>>) target(%dma_start3A_38 : memref<128x128xf32, #tpu.memory_space<vmem_shared>>) target_semaphore(%run_scoped3A : memref<!tpu.dma_semaphore, #tpu.memory_space<semaphore_mem>>)
      %dma_wait3A = arith.constant 0 : i32
      %dma_wait3A_39 = tpu.memref_slice %arg8[%add3A_12, %dma_wait3A] : memref<10112x128xf32, #tpu.memory_space<vmem_shared>> -> memref<128x128xf32, #tpu.memory_space<vmem_shared>>
      %dma_wait3A_40 = arith.constant 0 : i32
      %dma_wait3A_41 = tpu.memref_slice %arg8[%add3A_12, %dma_wait3A_40] : memref<10112x128xf32, #tpu.memory_space<vmem_shared>> -> memref<128x128xf32, #tpu.memory_space<vmem_shared>>
      tpu.wait_dma2 semaphore(%run_scoped3A : memref<!tpu.dma_semaphore, #tpu.memory_space<semaphore_mem>>) src(%arg6 : memref<128x128xf32, #tpu.memory_space<vmem>>) dst(%dma_wait3A_41 : memref<128x128xf32, #tpu.memory_space<vmem_shared>>)
      tpu.yield
    }) : () -> ()
    %add3A_13 = arith.constant 512 : i32
    %add3A_14 = arith.addi %mul3A_0, %add3A_13 : i32
    "tpu.region"() ({
      %run_scoped3A = tpu.sem_alloc : memref<!tpu.dma_semaphore, #tpu.memory_space<semaphore_mem>>
      %dma_start3A_35 = arith.constant 0 : i32
      %dma_start3A_36 = arith.constant 0 : i32
      %dma_start3A_37 = tpu.memref_slice %arg6[%dma_start3A_35, %dma_start3A_36] : memref<128x128xf32, #tpu.memory_space<vmem>> -> memref<120x128xf32, #tpu.memory_space<vmem>>
      %dma_start3A_38 = arith.constant 0 : i32
      %dma_start3A_39 = tpu.memref_slice %arg8[%add3A_14, %dma_start3A_38] : memref<10112x128xf32, #tpu.memory_space<vmem_shared>> -> memref<120x128xf32, #tpu.memory_space<vmem_shared>>
      %dma_start3A_40 = arith.constant 0 : i32
      %dma_start3A_41 = tpu.memref_slice %arg8[%add3A_14, %dma_start3A_40] : memref<10112x128xf32, #tpu.memory_space<vmem_shared>> -> memref<120x128xf32, #tpu.memory_space<vmem_shared>>
      %dma_start3A_42 = arith.constant 0 : i32
      %dma_start3A_43 = arith.constant 0 : i32
      %dma_start3A_44 = tpu.memref_slice %arg6[%dma_start3A_42, %dma_start3A_43] : memref<128x128xf32, #tpu.memory_space<vmem>> -> memref<120x128xf32, #tpu.memory_space<vmem>>
      tpu.enqueue_dma source(%dma_start3A_44 : memref<120x128xf32, #tpu.memory_space<vmem>>) target(%dma_start3A_41 : memref<120x128xf32, #tpu.memory_space<vmem_shared>>) target_semaphore(%run_scoped3A : memref<!tpu.dma_semaphore, #tpu.memory_space<semaphore_mem>>)
      %dma_wait3A = arith.constant 0 : i32
      %dma_wait3A_45 = arith.constant 0 : i32
      %dma_wait3A_46 = tpu.memref_slice %arg6[%dma_wait3A, %dma_wait3A_45] : memref<128x128xf32, #tpu.memory_space<vmem>> -> memref<120x128xf32, #tpu.memory_space<vmem>>
      %dma_wait3A_47 = arith.constant 0 : i32
      %dma_wait3A_48 = tpu.memref_slice %arg8[%add3A_14, %dma_wait3A_47] : memref<10112x128xf32, #tpu.memory_space<vmem_shared>> -> memref<120x128xf32, #tpu.memory_space<vmem_shared>>
      %dma_wait3A_49 = arith.constant 0 : i32
      %dma_wait3A_50 = tpu.memref_slice %arg8[%add3A_14, %dma_wait3A_49] : memref<10112x128xf32, #tpu.memory_space<vmem_shared>> -> memref<120x128xf32, #tpu.memory_space<vmem_shared>>
      %dma_wait3A_51 = arith.constant 0 : i32
      %dma_wait3A_52 = arith.constant 0 : i32
      %dma_wait3A_53 = tpu.memref_slice %arg6[%dma_wait3A_51, %dma_wait3A_52] : memref<128x128xf32, #tpu.memory_space<vmem>> -> memref<120x128xf32, #tpu.memory_space<vmem>>
      tpu.wait_dma2 semaphore(%run_scoped3A : memref<!tpu.dma_semaphore, #tpu.memory_space<semaphore_mem>>) src(%dma_wait3A_53 : memref<120x128xf32, #tpu.memory_space<vmem>>) dst(%dma_wait3A_50 : memref<120x128xf32, #tpu.memory_space<vmem_shared>>)
      tpu.yield
    }) : () -> ()
    %barrier3A = arith.constant 0 : index
    tpu.barrier barrier_id(%barrier3A)
    "tpu.region"() ({
      %run_scoped3A = tpu.sem_alloc : memref<!tpu.dma_semaphore, #tpu.memory_space<semaphore_mem>>
      %dma_start3A_35 = arith.constant 0 : i32
      %dma_start3A_36 = arith.constant 0 : i32
      %dma_start3A_37 = tpu.memref_slice %arg3[%arg0, %arg1, %dma_start3A_35, %dma_start3A_36] : memref<2x16x80x128xi32, #tpu.memory_space<hbm>> -> memref<1x1x80x128xi32, #tpu.memory_space<hbm>>
      %dma_start3A_38 = tpu.memref_squeeze %dma_start3A_37 : memref<1x1x80x128xi32, #tpu.memory_space<hbm>> -> memref<80x128xi32, #tpu.memory_space<hbm>>
      %dma_start3A_39 = arith.constant 0 : i32
      %dma_start3A_40 = arith.constant 0 : i32
      %dma_start3A_41 = tpu.memref_slice %arg3[%arg0, %arg1, %dma_start3A_39, %dma_start3A_40] : memref<2x16x80x128xi32, #tpu.memory_space<hbm>> -> memref<1x1x80x128xi32, #tpu.memory_space<hbm>>
      %dma_start3A_42 = tpu.memref_squeeze %dma_start3A_41 : memref<1x1x80x128xi32, #tpu.memory_space<hbm>> -> memref<80x128xi32, #tpu.memory_space<hbm>>
      tpu.enqueue_dma source(%dma_start3A_42 : memref<80x128xi32, #tpu.memory_space<hbm>>) target(%arg5 : memref<80x128xi32, #tpu.memory_space<vmem>>) target_semaphore(%run_scoped3A : memref<!tpu.dma_semaphore, #tpu.memory_space<semaphore_mem>>)
      %dma_wait3A = arith.constant 0 : i32
      %dma_wait3A_43 = arith.constant 0 : i32
      %dma_wait3A_44 = tpu.memref_slice %arg3[%arg0, %arg1, %dma_wait3A, %dma_wait3A_43] : memref<2x16x80x128xi32, #tpu.memory_space<hbm>> -> memref<1x1x80x128xi32, #tpu.memory_space<hbm>>
      %dma_wait3A_45 = tpu.memref_squeeze %dma_wait3A_44 : memref<1x1x80x128xi32, #tpu.memory_space<hbm>> -> memref<80x128xi32, #tpu.memory_space<hbm>>
      %dma_wait3A_46 = arith.constant 0 : i32
      %dma_wait3A_47 = arith.constant 0 : i32
      %dma_wait3A_48 = tpu.memref_slice %arg3[%arg0, %arg1, %dma_wait3A_46, %dma_wait3A_47] : memref<2x16x80x128xi32, #tpu.memory_space<hbm>> -> memref<1x1x80x128xi32, #tpu.memory_space<hbm>>
      %dma_wait3A_49 = tpu.memref_squeeze %dma_wait3A_48 : memref<1x1x80x128xi32, #tpu.memory_space<hbm>> -> memref<80x128xi32, #tpu.memory_space<hbm>>
      tpu.wait_dma2 semaphore(%run_scoped3A : memref<!tpu.dma_semaphore, #tpu.memory_space<semaphore_mem>>) src(%dma_wait3A_49 : memref<80x128xi32, #tpu.memory_space<hbm>>) dst(%arg5 : memref<80x128xi32, #tpu.memory_space<vmem>>)
      tpu.yield
    }) : () -> ()
    %dma_start3A = arith.constant 0 : i32
    %dma_start3A_15 = arith.constant 0 : i32
    %dma_start3A_16 = tpu.memref_slice %arg2[%arg0, %arg1, %dma_start3A, %dma_start3A_15] : memref<2x16x10240x128xf32, #tpu.memory_space<hbm>> -> memref<1x1x128x128xf32, #tpu.memory_space<hbm>>
    %dma_start3A_17 = tpu.memref_squeeze %dma_start3A_16 : memref<1x1x128x128xf32, #tpu.memory_space<hbm>> -> memref<128x128xf32, #tpu.memory_space<hbm>>
    %dma_start3A_18 = arith.constant 0 : i32
    %dma_start3A_19 = arith.constant 0 : i32
    %dma_start3A_20 = tpu.memref_slice %arg2[%arg0, %arg1, %dma_start3A_18, %dma_start3A_19] : memref<2x16x10240x128xf32, #tpu.memory_space<hbm>> -> memref<1x1x128x128xf32, #tpu.memory_space<hbm>>
    %dma_start3A_21 = tpu.memref_squeeze %dma_start3A_20 : memref<1x1x128x128xf32, #tpu.memory_space<hbm>> -> memref<128x128xf32, #tpu.memory_space<hbm>>
    tpu.enqueue_dma source(%dma_start3A_21 : memref<128x128xf32, #tpu.memory_space<hbm>>) target(%arg6 : memref<128x128xf32, #tpu.memory_space<vmem>>) target_semaphore(%arg9 : memref<!tpu.dma_semaphore, #tpu.memory_space<semaphore_mem>>)
    %scan3A_22 = arith.constant 0 : i32
    %scan3A_23 = arith.constant 0 : i32
    %scan3A_24 = arith.constant 40 : i32
    %scan3A_25 = arith.addi %scan3A_23, %scan3A_24 : i32
    %scan3A_26 = arith.constant 1 : i32
    scf.for %scan3A_35 = %scan3A_23 to %scan3A_25 step %scan3A_26  : i32 {
      %mul3A_36 = arith.constant 2 : i32
      %mul3A_37 = arith.muli %mul3A_36, %scan3A_35 : i32
      %add3A_38 = arith.constant 0 : i32
      %add3A_39 = arith.addi %add3A_38, %mul3A_37 : i32
      %add3A_40 = arith.constant 1 : i32
      %add3A_41 = arith.addi %add3A_39, %add3A_40 : i32
      %mul3A_42 = arith.constant 128 : i32
      %mul3A_43 = arith.muli %add3A_41, %mul3A_42 : i32
      %dma_start3A_44 = arith.constant 0 : i32
      %dma_start3A_45 = tpu.memref_slice %arg2[%arg0, %arg1, %mul3A_43, %dma_start3A_44] : memref<2x16x10240x128xf32, #tpu.memory_space<hbm>> -> memref<1x1x128x128xf32, #tpu.memory_space<hbm>>
      %dma_start3A_46 = tpu.memref_squeeze %dma_start3A_45 : memref<1x1x128x128xf32, #tpu.memory_space<hbm>> -> memref<128x128xf32, #tpu.memory_space<hbm>>
      %dma_start3A_47 = arith.constant 0 : i32
      %dma_start3A_48 = tpu.memref_slice %arg2[%arg0, %arg1, %mul3A_43, %dma_start3A_47] : memref<2x16x10240x128xf32, #tpu.memory_space<hbm>> -> memref<1x1x128x128xf32, #tpu.memory_space<hbm>>
      %dma_start3A_49 = tpu.memref_squeeze %dma_start3A_48 : memref<1x1x128x128xf32, #tpu.memory_space<hbm>> -> memref<128x128xf32, #tpu.memory_space<hbm>>
      tpu.enqueue_dma source(%dma_start3A_49 : memref<128x128xf32, #tpu.memory_space<hbm>>) target(%arg7 : memref<128x128xf32, #tpu.memory_space<vmem>>) target_semaphore(%arg10 : memref<!tpu.dma_semaphore, #tpu.memory_space<semaphore_mem>>)
      %add3A_50 = arith.constant 0 : i32
      %add3A_51 = arith.addi %add3A_50, %mul3A_37 : i32
      %mul3A_52 = arith.constant 128 : i32
      %mul3A_53 = arith.muli %add3A_51, %mul3A_52 : i32
      %dma_wait3A = arith.constant 0 : i32
      %dma_wait3A_54 = tpu.memref_slice %arg2[%arg0, %arg1, %mul3A_53, %dma_wait3A] : memref<2x16x10240x128xf32, #tpu.memory_space<hbm>> -> memref<1x1x128x128xf32, #tpu.memory_space<hbm>>
      %dma_wait3A_55 = tpu.memref_squeeze %dma_wait3A_54 : memref<1x1x128x128xf32, #tpu.memory_space<hbm>> -> memref<128x128xf32, #tpu.memory_space<hbm>>
      %dma_wait3A_56 = arith.constant 0 : i32
      %dma_wait3A_57 = tpu.memref_slice %arg2[%arg0, %arg1, %mul3A_53, %dma_wait3A_56] : memref<2x16x10240x128xf32, #tpu.memory_space<hbm>> -> memref<1x1x128x128xf32, #tpu.memory_space<hbm>>
      %dma_wait3A_58 = tpu.memref_squeeze %dma_wait3A_57 : memref<1x1x128x128xf32, #tpu.memory_space<hbm>> -> memref<128x128xf32, #tpu.memory_space<hbm>>
      tpu.wait_dma2 semaphore(%arg9 : memref<!tpu.dma_semaphore, #tpu.memory_space<semaphore_mem>>) src(%dma_wait3A_58 : memref<128x128xf32, #tpu.memory_space<hbm>>) dst(%arg6 : memref<128x128xf32, #tpu.memory_space<vmem>>)
      "tpu.region"() ({
        %run_scoped3A = tpu.sem_alloc : memref<!tpu.dma_semaphore, #tpu.memory_space<semaphore_mem>>
        %dma_start3A_80 = arith.constant 0 : i32
        %dma_start3A_81 = tpu.memref_slice %arg5[%mul3A_37, %dma_start3A_80] : memref<80x128xi32, #tpu.memory_space<vmem>> -> memref<1x128xi32, #tpu.memory_space<vmem>>
        %dma_start3A_82 = tpu.memref_squeeze %dma_start3A_81 : memref<1x128xi32, #tpu.memory_space<vmem>> -> memref<128xi32, #tpu.memory_space<vmem>>
        %dma_start3A_83 = arith.constant 0 : i32
        %dma_start3A_84 = arith.constant 0 : i32
        %dma_start3A_85 = tpu.memref_slice %arg8[%dma_start3A_83, %dma_start3A_84] : memref<10112x128xf32, #tpu.memory_space<vmem_shared>> -> memref<10112x128xf32, #tpu.memory_space<vmem_shared>>
        tpu.enqueue_indirect_dma source(%arg6 : memref<128x128xf32, #tpu.memory_space<vmem>>) target(%dma_start3A_85 : memref<10112x128xf32, #tpu.memory_space<vmem_shared>>) offsets(%dma_start3A_82 : memref<128xi32, #tpu.memory_space<vmem>>) semaphore(%run_scoped3A : memref<!tpu.dma_semaphore, #tpu.memory_space<semaphore_mem>>) {add = true}
        %dma_wait3A_86 = arith.constant 0 : i32
        %dma_wait3A_87 = tpu.memref_slice %arg5[%mul3A_37, %dma_wait3A_86] : memref<80x128xi32, #tpu.memory_space<vmem>> -> memref<1x128xi32, #tpu.memory_space<vmem>>
        %dma_wait3A_88 = tpu.memref_squeeze %dma_wait3A_87 : memref<1x128xi32, #tpu.memory_space<vmem>> -> memref<128xi32, #tpu.memory_space<vmem>>
        %dma_wait3A_89 = arith.constant 0 : i32
        %dma_wait3A_90 = arith.constant 0 : i32
        %dma_wait3A_91 = tpu.memref_slice %arg8[%dma_wait3A_89, %dma_wait3A_90] : memref<10112x128xf32, #tpu.memory_space<vmem_shared>> -> memref<10112x128xf32, #tpu.memory_space<vmem_shared>>
        tpu.wait_indirect_dma semaphore(%run_scoped3A : memref<!tpu.dma_semaphore, #tpu.memory_space<semaphore_mem>>) src(%arg6 : memref<128x128xf32, #tpu.memory_space<vmem>>) dst(%dma_wait3A_91 : memref<10112x128xf32, #tpu.memory_space<vmem_shared>>)
        tpu.yield
      }) : () -> ()
      %add3A_59 = arith.constant 2 : i32
      %add3A_60 = arith.addi %mul3A_37, %add3A_59 : i32
      %lt3A_61 = arith.constant 80 : i32
      %lt3A_62 = arith.cmpi slt, %add3A_60, %lt3A_61 : i32
      %convert_element_type3A_63 = arith.extui %lt3A_62 : i1 to i32
      %cond3A_64 = arith.constant 0 : i32
      %cond3A_65 = arith.cmpi ne, %convert_element_type3A_63, %cond3A_64 : i32
      scf.if %cond3A_65 {
        %add3A_80 = arith.constant 0 : i32
        %add3A_81 = arith.addi %add3A_80, %mul3A_37 : i32
        %add3A_82 = arith.constant 2 : i32
        %add3A_83 = arith.addi %add3A_81, %add3A_82 : i32
        %mul3A_84 = arith.constant 128 : i32
        %mul3A_85 = arith.muli %add3A_83, %mul3A_84 : i32
        %dma_start3A_86 = arith.constant 0 : i32
        %dma_start3A_87 = tpu.memref_slice %arg2[%arg0, %arg1, %mul3A_85, %dma_start3A_86] : memref<2x16x10240x128xf32, #tpu.memory_space<hbm>> -> memref<1x1x128x128xf32, #tpu.memory_space<hbm>>
        %dma_start3A_88 = tpu.memref_squeeze %dma_start3A_87 : memref<1x1x128x128xf32, #tpu.memory_space<hbm>> -> memref<128x128xf32, #tpu.memory_space<hbm>>
        %dma_start3A_89 = arith.constant 0 : i32
        %dma_start3A_90 = tpu.memref_slice %arg2[%arg0, %arg1, %mul3A_85, %dma_start3A_89] : memref<2x16x10240x128xf32, #tpu.memory_space<hbm>> -> memref<1x1x128x128xf32, #tpu.memory_space<hbm>>
        %dma_start3A_91 = tpu.memref_squeeze %dma_start3A_90 : memref<1x1x128x128xf32, #tpu.memory_space<hbm>> -> memref<128x128xf32, #tpu.memory_space<hbm>>
        tpu.enqueue_dma source(%dma_start3A_91 : memref<128x128xf32, #tpu.memory_space<hbm>>) target(%arg6 : memref<128x128xf32, #tpu.memory_space<vmem>>) target_semaphore(%arg9 : memref<!tpu.dma_semaphore, #tpu.memory_space<semaphore_mem>>)
      } else {
      }
      %add3A_66 = arith.constant 0 : i32
      %add3A_67 = arith.addi %add3A_66, %mul3A_37 : i32
      %add3A_68 = arith.constant 1 : i32
      %add3A_69 = arith.addi %add3A_67, %add3A_68 : i32
      %mul3A_70 = arith.constant 128 : i32
      %mul3A_71 = arith.muli %add3A_69, %mul3A_70 : i32
      %dma_wait3A_72 = arith.constant 0 : i32
      %dma_wait3A_73 = tpu.memref_slice %arg2[%arg0, %arg1, %mul3A_71, %dma_wait3A_72] : memref<2x16x10240x128xf32, #tpu.memory_space<hbm>> -> memref<1x1x128x128xf32, #tpu.memory_space<hbm>>
      %dma_wait3A_74 = tpu.memref_squeeze %dma_wait3A_73 : memref<1x1x128x128xf32, #tpu.memory_space<hbm>> -> memref<128x128xf32, #tpu.memory_space<hbm>>
      %dma_wait3A_75 = arith.constant 0 : i32
      %dma_wait3A_76 = tpu.memref_slice %arg2[%arg0, %arg1, %mul3A_71, %dma_wait3A_75] : memref<2x16x10240x128xf32, #tpu.memory_space<hbm>> -> memref<1x1x128x128xf32, #tpu.memory_space<hbm>>
      %dma_wait3A_77 = tpu.memref_squeeze %dma_wait3A_76 : memref<1x1x128x128xf32, #tpu.memory_space<hbm>> -> memref<128x128xf32, #tpu.memory_space<hbm>>
      tpu.wait_dma2 semaphore(%arg10 : memref<!tpu.dma_semaphore, #tpu.memory_space<semaphore_mem>>) src(%dma_wait3A_77 : memref<128x128xf32, #tpu.memory_space<hbm>>) dst(%arg7 : memref<128x128xf32, #tpu.memory_space<vmem>>)
      %add3A_78 = arith.constant 1 : i32
      %add3A_79 = arith.addi %mul3A_37, %add3A_78 : i32
      "tpu.region"() ({
        %run_scoped3A = tpu.sem_alloc : memref<!tpu.dma_semaphore, #tpu.memory_space<semaphore_mem>>
        %dma_start3A_80 = arith.constant 0 : i32
        %dma_start3A_81 = tpu.memref_slice %arg5[%add3A_79, %dma_start3A_80] : memref<80x128xi32, #tpu.memory_space<vmem>> -> memref<1x128xi32, #tpu.memory_space<vmem>>
        %dma_start3A_82 = tpu.memref_squeeze %dma_start3A_81 : memref<1x128xi32, #tpu.memory_space<vmem>> -> memref<128xi32, #tpu.memory_space<vmem>>
        %dma_start3A_83 = arith.constant 0 : i32
        %dma_start3A_84 = arith.constant 0 : i32
        %dma_start3A_85 = tpu.memref_slice %arg8[%dma_start3A_83, %dma_start3A_84] : memref<10112x128xf32, #tpu.memory_space<vmem_shared>> -> memref<10112x128xf32, #tpu.memory_space<vmem_shared>>
        tpu.enqueue_indirect_dma source(%arg7 : memref<128x128xf32, #tpu.memory_space<vmem>>) target(%dma_start3A_85 : memref<10112x128xf32, #tpu.memory_space<vmem_shared>>) offsets(%dma_start3A_82 : memref<128xi32, #tpu.memory_space<vmem>>) semaphore(%run_scoped3A : memref<!tpu.dma_semaphore, #tpu.memory_space<semaphore_mem>>) {add = true}
        %dma_wait3A_86 = arith.constant 0 : i32
        %dma_wait3A_87 = tpu.memref_slice %arg5[%add3A_79, %dma_wait3A_86] : memref<80x128xi32, #tpu.memory_space<vmem>> -> memref<1x128xi32, #tpu.memory_space<vmem>>
        %dma_wait3A_88 = tpu.memref_squeeze %dma_wait3A_87 : memref<1x128xi32, #tpu.memory_space<vmem>> -> memref<128xi32, #tpu.memory_space<vmem>>
        %dma_wait3A_89 = arith.constant 0 : i32
        %dma_wait3A_90 = arith.constant 0 : i32
        %dma_wait3A_91 = tpu.memref_slice %arg8[%dma_wait3A_89, %dma_wait3A_90] : memref<10112x128xf32, #tpu.memory_space<vmem_shared>> -> memref<10112x128xf32, #tpu.memory_space<vmem_shared>>
        tpu.wait_indirect_dma semaphore(%run_scoped3A : memref<!tpu.dma_semaphore, #tpu.memory_space<semaphore_mem>>) src(%arg7 : memref<128x128xf32, #tpu.memory_space<vmem>>) dst(%dma_wait3A_91 : memref<10112x128xf32, #tpu.memory_space<vmem_shared>>)
        tpu.yield
      }) : () -> ()
    }
    %scan3A_27 = arith.constant 40 : i32
    %barrier3A_28 = arith.constant 0 : index
    tpu.barrier barrier_id(%barrier3A_28)
    %lt3A = arith.constant 15 : i32
    %lt3A_29 = arith.cmpi slt, %arg1, %lt3A : i32
    %convert_element_type3A = arith.extui %lt3A_29 : i1 to i32
    %cond3A = arith.constant 0 : i32
    %cond3A_30 = arith.cmpi ne, %convert_element_type3A, %cond3A : i32
    scf.if %cond3A_30 {
      "tpu.region"() ({
        %run_scoped3A = tpu.sem_alloc : memref<!tpu.dma_semaphore, #tpu.memory_space<semaphore_mem>>
        %dma_start3A_35 = arith.constant 0 : i32
        %dma_start3A_36 = tpu.memref_slice %arg4[%arg0, %mul3A_0, %dma_start3A_35] : memref<2x10000x128xf32, #tpu.memory_space<hbm>> -> memref<1x632x128xf32, #tpu.memory_space<hbm>>
        %dma_start3A_37 = tpu.memref_squeeze %dma_start3A_36 : memref<1x632x128xf32, #tpu.memory_space<hbm>> -> memref<632x128xf32, #tpu.memory_space<hbm>>
        %dma_start3A_38 = arith.constant 0 : i32
        %dma_start3A_39 = tpu.memref_slice %arg8[%mul3A_0, %dma_start3A_38] : memref<10112x128xf32, #tpu.memory_space<vmem_shared>> -> memref<632x128xf32, #tpu.memory_space<vmem_shared>>
        tpu.enqueue_dma source(%dma_start3A_39 : memref<632x128xf32, #tpu.memory_space<vmem_shared>>) target(%dma_start3A_37 : memref<632x128xf32, #tpu.memory_space<hbm>>) target_semaphore(%run_scoped3A : memref<!tpu.dma_semaphore, #tpu.memory_space<semaphore_mem>>)
        %dma_wait3A = arith.constant 0 : i32
        %dma_wait3A_40 = tpu.memref_slice %arg4[%arg0, %mul3A_0, %dma_wait3A] : memref<2x10000x128xf32, #tpu.memory_space<hbm>> -> memref<1x632x128xf32, #tpu.memory_space<hbm>>
        %dma_wait3A_41 = tpu.memref_squeeze %dma_wait3A_40 : memref<1x632x128xf32, #tpu.memory_space<hbm>> -> memref<632x128xf32, #tpu.memory_space<hbm>>
        %dma_wait3A_42 = arith.constant 0 : i32
        %dma_wait3A_43 = tpu.memref_slice %arg8[%mul3A_0, %dma_wait3A_42] : memref<10112x128xf32, #tpu.memory_space<vmem_shared>> -> memref<632x128xf32, #tpu.memory_space<vmem_shared>>
        tpu.wait_dma2 semaphore(%run_scoped3A : memref<!tpu.dma_semaphore, #tpu.memory_space<semaphore_mem>>) src(%dma_wait3A_43 : memref<632x128xf32, #tpu.memory_space<vmem_shared>>) dst(%dma_wait3A_41 : memref<632x128xf32, #tpu.memory_space<hbm>>)
        tpu.yield
      }) : () -> ()
    } else {
    }
    %eq3A = arith.constant 15 : i32
    %eq3A_31 = arith.cmpi eq, %arg1, %eq3A : i32
    %convert_element_type3A_32 = arith.extui %eq3A_31 : i1 to i32
    %cond3A_33 = arith.constant 0 : i32
    %cond3A_34 = arith.cmpi ne, %convert_element_type3A_32, %cond3A_33 : i32
    scf.if %cond3A_34 {
      "tpu.region"() ({
        %run_scoped3A = tpu.sem_alloc : memref<!tpu.dma_semaphore, #tpu.memory_space<semaphore_mem>>
        %dma_start3A_35 = arith.constant 9480 : i32
        %dma_start3A_36 = arith.constant 0 : i32
        %dma_start3A_37 = tpu.memref_slice %arg4[%arg0, %dma_start3A_35, %dma_start3A_36] : memref<2x10000x128xf32, #tpu.memory_space<hbm>> -> memref<1x520x128xf32, #tpu.memory_space<hbm>>
        %dma_start3A_38 = tpu.memref_squeeze %dma_start3A_37 : memref<1x520x128xf32, #tpu.memory_space<hbm>> -> memref<520x128xf32, #tpu.memory_space<hbm>>
        %dma_start3A_39 = arith.constant 9480 : i32
        %dma_start3A_40 = arith.constant 0 : i32
        %dma_start3A_41 = tpu.memref_slice %arg8[%dma_start3A_39, %dma_start3A_40] : memref<10112x128xf32, #tpu.memory_space<vmem_shared>> -> memref<520x128xf32, #tpu.memory_space<vmem_shared>>
        tpu.enqueue_dma source(%dma_start3A_41 : memref<520x128xf32, #tpu.memory_space<vmem_shared>>) target(%dma_start3A_38 : memref<520x128xf32, #tpu.memory_space<hbm>>) target_semaphore(%run_scoped3A : memref<!tpu.dma_semaphore, #tpu.memory_space<semaphore_mem>>)
        %dma_wait3A = arith.constant 9480 : i32
        %dma_wait3A_42 = arith.constant 0 : i32
        %dma_wait3A_43 = tpu.memref_slice %arg4[%arg0, %dma_wait3A, %dma_wait3A_42] : memref<2x10000x128xf32, #tpu.memory_space<hbm>> -> memref<1x520x128xf32, #tpu.memory_space<hbm>>
        %dma_wait3A_44 = tpu.memref_squeeze %dma_wait3A_43 : memref<1x520x128xf32, #tpu.memory_space<hbm>> -> memref<520x128xf32, #tpu.memory_space<hbm>>
        %dma_wait3A_45 = arith.constant 9480 : i32
        %dma_wait3A_46 = arith.constant 0 : i32
        %dma_wait3A_47 = tpu.memref_slice %arg8[%dma_wait3A_45, %dma_wait3A_46] : memref<10112x128xf32, #tpu.memory_space<vmem_shared>> -> memref<520x128xf32, #tpu.memory_space<vmem_shared>>
        tpu.wait_dma2 semaphore(%run_scoped3A : memref<!tpu.dma_semaphore, #tpu.memory_space<semaphore_mem>>) src(%dma_wait3A_47 : memref<520x128xf32, #tpu.memory_space<vmem_shared>>) dst(%dma_wait3A_44 : memref<520x128xf32, #tpu.memory_space<hbm>>)
        tpu.yield
      }) : () -> ()
    } else {
    }
    return
  }
}

#map = affine_map<(d0, d1) -> (0, 0, 0, 0)>
#map1 = affine_map<(d0, d1) -> (0, 0, 0)>
module attributes {stable_mosaic.version = 14 : i64} {
  func.func @_degrees_body(%arg0: i32, %arg1: i32, %arg2: memref<2x16x80x128xi32, #tpu.memory_space<hbm>>, %arg3: memref<2x10000x128xf32, #tpu.memory_space<hbm>>, %arg4: memref<80x128xi32, #tpu.memory_space<vmem>>, %arg5: memref<128x128xf32, #tpu.memory_space<vmem>>, %arg6: memref<10112x128xf32, #tpu.memory_space<vmem_shared>>) attributes {dimension_semantics = [#tpu.dimension_semantics<core_parallel>, #tpu.dimension_semantics<subcore_parallel>], iteration_bounds = array<i64: 2, 16>, scalar_prefetch = 0 : i64, scratch_operands = 3 : i64, tpu.core_type = #tpu.core_type<sc_vector_subcore>, window_params = [{transform_indices = #map}, {transform_indices = #map1}]} {
    %mul3A = arith.constant 632 : i32
    %mul3A_0 = arith.muli %arg1, %mul3A : i32
    %scan3A = arith.constant 0 : i32
    %scan3A_1 = arith.constant 0 : i32
    %scan3A_2 = arith.constant 128 : i32
    %scan3A_3 = arith.addi %scan3A_1, %scan3A_2 : i32
    %scan3A_4 = arith.constant 1 : i32
    scf.for %scan3A_34 = %scan3A_1 to %scan3A_3 step %scan3A_4  : i32 {
      %broadcast_in_dim3A = arith.constant 0.000000e+00 : f32
      %broadcast_in_dim3A_35 = vector.broadcast %broadcast_in_dim3A : f32 to vector<16xf32>
      %swap3A = arith.index_cast %scan3A_34 : i32 to index
      %swap3A_36 = arith.constant 0 : index
      %swap3A_37 = tpu.vector_load %arg5[%swap3A, %swap3A_36] {strides = array<i32>} : memref<128x128xf32, #tpu.memory_space<vmem>>, vector<1x16xf32>,
      %swap3A_38 = vector.shape_cast %swap3A_37 : vector<1x16xf32> to vector<16xf32>
      %swap3A_39 = vector.shape_cast %broadcast_in_dim3A_35 : vector<16xf32> to vector<1x16xf32>
      tpu.vector_store %arg5[%swap3A, %swap3A_36], %swap3A_39 {strides = array<i32>} : memref<128x128xf32, #tpu.memory_space<vmem>>, vector<1x16xf32>,
      %broadcast_in_dim3A_40 = arith.constant 0.000000e+00 : f32
      %broadcast_in_dim3A_41 = vector.broadcast %broadcast_in_dim3A_40 : f32 to vector<16xf32>
      %swap3A_42 = arith.index_cast %scan3A_34 : i32 to index
      %swap3A_43 = arith.constant 16 : index
      %swap3A_44 = tpu.vector_load %arg5[%swap3A_42, %swap3A_43] {strides = array<i32>} : memref<128x128xf32, #tpu.memory_space<vmem>>, vector<1x16xf32>,
      %swap3A_45 = vector.shape_cast %swap3A_44 : vector<1x16xf32> to vector<16xf32>
      %swap3A_46 = vector.shape_cast %broadcast_in_dim3A_41 : vector<16xf32> to vector<1x16xf32>
      tpu.vector_store %arg5[%swap3A_42, %swap3A_43], %swap3A_46 {strides = array<i32>} : memref<128x128xf32, #tpu.memory_space<vmem>>, vector<1x16xf32>,
      %broadcast_in_dim3A_47 = arith.constant 0.000000e+00 : f32
      %broadcast_in_dim3A_48 = vector.broadcast %broadcast_in_dim3A_47 : f32 to vector<16xf32>
      %swap3A_49 = arith.index_cast %scan3A_34 : i32 to index
      %swap3A_50 = arith.constant 32 : index
      %swap3A_51 = tpu.vector_load %arg5[%swap3A_49, %swap3A_50] {strides = array<i32>} : memref<128x128xf32, #tpu.memory_space<vmem>>, vector<1x16xf32>,
      %swap3A_52 = vector.shape_cast %swap3A_51 : vector<1x16xf32> to vector<16xf32>
      %swap3A_53 = vector.shape_cast %broadcast_in_dim3A_48 : vector<16xf32> to vector<1x16xf32>
      tpu.vector_store %arg5[%swap3A_49, %swap3A_50], %swap3A_53 {strides = array<i32>} : memref<128x128xf32, #tpu.memory_space<vmem>>, vector<1x16xf32>,
      %broadcast_in_dim3A_54 = arith.constant 0.000000e+00 : f32
      %broadcast_in_dim3A_55 = vector.broadcast %broadcast_in_dim3A_54 : f32 to vector<16xf32>
      %swap3A_56 = arith.index_cast %scan3A_34 : i32 to index
      %swap3A_57 = arith.constant 48 : index
      %swap3A_58 = tpu.vector_load %arg5[%swap3A_56, %swap3A_57] {strides = array<i32>} : memref<128x128xf32, #tpu.memory_space<vmem>>, vector<1x16xf32>,
      %swap3A_59 = vector.shape_cast %swap3A_58 : vector<1x16xf32> to vector<16xf32>
      %swap3A_60 = vector.shape_cast %broadcast_in_dim3A_55 : vector<16xf32> to vector<1x16xf32>
      tpu.vector_store %arg5[%swap3A_56, %swap3A_57], %swap3A_60 {strides = array<i32>} : memref<128x128xf32, #tpu.memory_space<vmem>>, vector<1x16xf32>,
      %broadcast_in_dim3A_61 = arith.constant 0.000000e+00 : f32
      %broadcast_in_dim3A_62 = vector.broadcast %broadcast_in_dim3A_61 : f32 to vector<16xf32>
      %swap3A_63 = arith.index_cast %scan3A_34 : i32 to index
      %swap3A_64 = arith.constant 64 : index
      %swap3A_65 = tpu.vector_load %arg5[%swap3A_63, %swap3A_64] {strides = array<i32>} : memref<128x128xf32, #tpu.memory_space<vmem>>, vector<1x16xf32>,
      %swap3A_66 = vector.shape_cast %swap3A_65 : vector<1x16xf32> to vector<16xf32>
      %swap3A_67 = vector.shape_cast %broadcast_in_dim3A_62 : vector<16xf32> to vector<1x16xf32>
      tpu.vector_store %arg5[%swap3A_63, %swap3A_64], %swap3A_67 {strides = array<i32>} : memref<128x128xf32, #tpu.memory_space<vmem>>, vector<1x16xf32>,
      %broadcast_in_dim3A_68 = arith.constant 0.000000e+00 : f32
      %broadcast_in_dim3A_69 = vector.broadcast %broadcast_in_dim3A_68 : f32 to vector<16xf32>
      %swap3A_70 = arith.index_cast %scan3A_34 : i32 to index
      %swap3A_71 = arith.constant 80 : index
      %swap3A_72 = tpu.vector_load %arg5[%swap3A_70, %swap3A_71] {strides = array<i32>} : memref<128x128xf32, #tpu.memory_space<vmem>>, vector<1x16xf32>,
      %swap3A_73 = vector.shape_cast %swap3A_72 : vector<1x16xf32> to vector<16xf32>
      %swap3A_74 = vector.shape_cast %broadcast_in_dim3A_69 : vector<16xf32> to vector<1x16xf32>
      tpu.vector_store %arg5[%swap3A_70, %swap3A_71], %swap3A_74 {strides = array<i32>} : memref<128x128xf32, #tpu.memory_space<vmem>>, vector<1x16xf32>,
      %broadcast_in_dim3A_75 = arith.constant 0.000000e+00 : f32
      %broadcast_in_dim3A_76 = vector.broadcast %broadcast_in_dim3A_75 : f32 to vector<16xf32>
      %swap3A_77 = arith.index_cast %scan3A_34 : i32 to index
      %swap3A_78 = arith.constant 96 : index
      %swap3A_79 = tpu.vector_load %arg5[%swap3A_77, %swap3A_78] {strides = array<i32>} : memref<128x128xf32, #tpu.memory_space<vmem>>, vector<1x16xf32>,
      %swap3A_80 = vector.shape_cast %swap3A_79 : vector<1x16xf32> to vector<16xf32>
      %swap3A_81 = vector.shape_cast %broadcast_in_dim3A_76 : vector<16xf32> to vector<1x16xf32>
      tpu.vector_store %arg5[%swap3A_77, %swap3A_78], %swap3A_81 {strides = array<i32>} : memref<128x128xf32, #tpu.memory_space<vmem>>, vector<1x16xf32>,
      %broadcast_in_dim3A_82 = arith.constant 0.000000e+00 : f32
      %broadcast_in_dim3A_83 = vector.broadcast %broadcast_in_dim3A_82 : f32 to vector<16xf32>
      %swap3A_84 = arith.index_cast %scan3A_34 : i32 to index
      %swap3A_85 = arith.constant 112 : index
      %swap3A_86 = tpu.vector_load %arg5[%swap3A_84, %swap3A_85] {strides = array<i32>} : memref<128x128xf32, #tpu.memory_space<vmem>>, vector<1x16xf32>,
      %swap3A_87 = vector.shape_cast %swap3A_86 : vector<1x16xf32> to vector<16xf32>
      %swap3A_88 = vector.shape_cast %broadcast_in_dim3A_83 : vector<16xf32> to vector<1x16xf32>
      tpu.vector_store %arg5[%swap3A_84, %swap3A_85], %swap3A_88 {strides = array<i32>} : memref<128x128xf32, #tpu.memory_space<vmem>>, vector<1x16xf32>,
    }
    %scan3A_5 = arith.constant 128 : i32
    %add3A = arith.constant 0 : i32
    %add3A_6 = arith.addi %mul3A_0, %add3A : i32
    "tpu.region"() ({
      %run_scoped3A = tpu.sem_alloc : memref<!tpu.dma_semaphore, #tpu.memory_space<semaphore_mem>>
      %dma_start3A = arith.constant 0 : i32
      %dma_start3A_34 = tpu.memref_slice %arg6[%add3A_6, %dma_start3A] : memref<10112x128xf32, #tpu.memory_space<vmem_shared>> -> memref<128x128xf32, #tpu.memory_space<vmem_shared>>
      %dma_start3A_35 = arith.constant 0 : i32
      %dma_start3A_36 = tpu.memref_slice %arg6[%add3A_6, %dma_start3A_35] : memref<10112x128xf32, #tpu.memory_space<vmem_shared>> -> memref<128x128xf32, #tpu.memory_space<vmem_shared>>
      tpu.enqueue_dma source(%arg5 : memref<128x128xf32, #tpu.memory_space<vmem>>) target(%dma_start3A_36 : memref<128x128xf32, #tpu.memory_space<vmem_shared>>) target_semaphore(%run_scoped3A : memref<!tpu.dma_semaphore, #tpu.memory_space<semaphore_mem>>)
      %dma_wait3A = arith.constant 0 : i32
      %dma_wait3A_37 = tpu.memref_slice %arg6[%add3A_6, %dma_wait3A] : memref<10112x128xf32, #tpu.memory_space<vmem_shared>> -> memref<128x128xf32, #tpu.memory_space<vmem_shared>>
      %dma_wait3A_38 = arith.constant 0 : i32
      %dma_wait3A_39 = tpu.memref_slice %arg6[%add3A_6, %dma_wait3A_38] : memref<10112x128xf32, #tpu.memory_space<vmem_shared>> -> memref<128x128xf32, #tpu.memory_space<vmem_shared>>
      tpu.wait_dma2 semaphore(%run_scoped3A : memref<!tpu.dma_semaphore, #tpu.memory_space<semaphore_mem>>) src(%arg5 : memref<128x128xf32, #tpu.memory_space<vmem>>) dst(%dma_wait3A_39 : memref<128x128xf32, #tpu.memory_space<vmem_shared>>)
      tpu.yield
    }) : () -> ()
    %add3A_7 = arith.constant 128 : i32
    %add3A_8 = arith.addi %mul3A_0, %add3A_7 : i32
    "tpu.region"() ({
      %run_scoped3A = tpu.sem_alloc : memref<!tpu.dma_semaphore, #tpu.memory_space<semaphore_mem>>
      %dma_start3A = arith.constant 0 : i32
      %dma_start3A_34 = tpu.memref_slice %arg6[%add3A_8, %dma_start3A] : memref<10112x128xf32, #tpu.memory_space<vmem_shared>> -> memref<128x128xf32, #tpu.memory_space<vmem_shared>>
      %dma_start3A_35 = arith.constant 0 : i32
      %dma_start3A_36 = tpu.memref_slice %arg6[%add3A_8, %dma_start3A_35] : memref<10112x128xf32, #tpu.memory_space<vmem_shared>> -> memref<128x128xf32, #tpu.memory_space<vmem_shared>>
      tpu.enqueue_dma source(%arg5 : memref<128x128xf32, #tpu.memory_space<vmem>>) target(%dma_start3A_36 : memref<128x128xf32, #tpu.memory_space<vmem_shared>>) target_semaphore(%run_scoped3A : memref<!tpu.dma_semaphore, #tpu.memory_space<semaphore_mem>>)
      %dma_wait3A = arith.constant 0 : i32
      %dma_wait3A_37 = tpu.memref_slice %arg6[%add3A_8, %dma_wait3A] : memref<10112x128xf32, #tpu.memory_space<vmem_shared>> -> memref<128x128xf32, #tpu.memory_space<vmem_shared>>
      %dma_wait3A_38 = arith.constant 0 : i32
      %dma_wait3A_39 = tpu.memref_slice %arg6[%add3A_8, %dma_wait3A_38] : memref<10112x128xf32, #tpu.memory_space<vmem_shared>> -> memref<128x128xf32, #tpu.memory_space<vmem_shared>>
      tpu.wait_dma2 semaphore(%run_scoped3A : memref<!tpu.dma_semaphore, #tpu.memory_space<semaphore_mem>>) src(%arg5 : memref<128x128xf32, #tpu.memory_space<vmem>>) dst(%dma_wait3A_39 : memref<128x128xf32, #tpu.memory_space<vmem_shared>>)
      tpu.yield
    }) : () -> ()
    %add3A_9 = arith.constant 256 : i32
    %add3A_10 = arith.addi %mul3A_0, %add3A_9 : i32
    "tpu.region"() ({
      %run_scoped3A = tpu.sem_alloc : memref<!tpu.dma_semaphore, #tpu.memory_space<semaphore_mem>>
      %dma_start3A = arith.constant 0 : i32
      %dma_start3A_34 = tpu.memref_slice %arg6[%add3A_10, %dma_start3A] : memref<10112x128xf32, #tpu.memory_space<vmem_shared>> -> memref<128x128xf32, #tpu.memory_space<vmem_shared>>
      %dma_start3A_35 = arith.constant 0 : i32
      %dma_start3A_36 = tpu.memref_slice %arg6[%add3A_10, %dma_start3A_35] : memref<10112x128xf32, #tpu.memory_space<vmem_shared>> -> memref<128x128xf32, #tpu.memory_space<vmem_shared>>
      tpu.enqueue_dma source(%arg5 : memref<128x128xf32, #tpu.memory_space<vmem>>) target(%dma_start3A_36 : memref<128x128xf32, #tpu.memory_space<vmem_shared>>) target_semaphore(%run_scoped3A : memref<!tpu.dma_semaphore, #tpu.memory_space<semaphore_mem>>)
      %dma_wait3A = arith.constant 0 : i32
      %dma_wait3A_37 = tpu.memref_slice %arg6[%add3A_10, %dma_wait3A] : memref<10112x128xf32, #tpu.memory_space<vmem_shared>> -> memref<128x128xf32, #tpu.memory_space<vmem_shared>>
      %dma_wait3A_38 = arith.constant 0 : i32
      %dma_wait3A_39 = tpu.memref_slice %arg6[%add3A_10, %dma_wait3A_38] : memref<10112x128xf32, #tpu.memory_space<vmem_shared>> -> memref<128x128xf32, #tpu.memory_space<vmem_shared>>
      tpu.wait_dma2 semaphore(%run_scoped3A : memref<!tpu.dma_semaphore, #tpu.memory_space<semaphore_mem>>) src(%arg5 : memref<128x128xf32, #tpu.memory_space<vmem>>) dst(%dma_wait3A_39 : memref<128x128xf32, #tpu.memory_space<vmem_shared>>)
      tpu.yield
    }) : () -> ()
    %add3A_11 = arith.constant 384 : i32
    %add3A_12 = arith.addi %mul3A_0, %add3A_11 : i32
    "tpu.region"() ({
      %run_scoped3A = tpu.sem_alloc : memref<!tpu.dma_semaphore, #tpu.memory_space<semaphore_mem>>
      %dma_start3A = arith.constant 0 : i32
      %dma_start3A_34 = tpu.memref_slice %arg6[%add3A_12, %dma_start3A] : memref<10112x128xf32, #tpu.memory_space<vmem_shared>> -> memref<128x128xf32, #tpu.memory_space<vmem_shared>>
      %dma_start3A_35 = arith.constant 0 : i32
      %dma_start3A_36 = tpu.memref_slice %arg6[%add3A_12, %dma_start3A_35] : memref<10112x128xf32, #tpu.memory_space<vmem_shared>> -> memref<128x128xf32, #tpu.memory_space<vmem_shared>>
      tpu.enqueue_dma source(%arg5 : memref<128x128xf32, #tpu.memory_space<vmem>>) target(%dma_start3A_36 : memref<128x128xf32, #tpu.memory_space<vmem_shared>>) target_semaphore(%run_scoped3A : memref<!tpu.dma_semaphore, #tpu.memory_space<semaphore_mem>>)
      %dma_wait3A = arith.constant 0 : i32
      %dma_wait3A_37 = tpu.memref_slice %arg6[%add3A_12, %dma_wait3A] : memref<10112x128xf32, #tpu.memory_space<vmem_shared>> -> memref<128x128xf32, #tpu.memory_space<vmem_shared>>
      %dma_wait3A_38 = arith.constant 0 : i32
      %dma_wait3A_39 = tpu.memref_slice %arg6[%add3A_12, %dma_wait3A_38] : memref<10112x128xf32, #tpu.memory_space<vmem_shared>> -> memref<128x128xf32, #tpu.memory_space<vmem_shared>>
      tpu.wait_dma2 semaphore(%run_scoped3A : memref<!tpu.dma_semaphore, #tpu.memory_space<semaphore_mem>>) src(%arg5 : memref<128x128xf32, #tpu.memory_space<vmem>>) dst(%dma_wait3A_39 : memref<128x128xf32, #tpu.memory_space<vmem_shared>>)
      tpu.yield
    }) : () -> ()
    %add3A_13 = arith.constant 512 : i32
    %add3A_14 = arith.addi %mul3A_0, %add3A_13 : i32
    "tpu.region"() ({
      %run_scoped3A = tpu.sem_alloc : memref<!tpu.dma_semaphore, #tpu.memory_space<semaphore_mem>>
      %dma_start3A = arith.constant 0 : i32
      %dma_start3A_34 = arith.constant 0 : i32
      %dma_start3A_35 = tpu.memref_slice %arg5[%dma_start3A, %dma_start3A_34] : memref<128x128xf32, #tpu.memory_space<vmem>> -> memref<120x128xf32, #tpu.memory_space<vmem>>
      %dma_start3A_36 = arith.constant 0 : i32
      %dma_start3A_37 = tpu.memref_slice %arg6[%add3A_14, %dma_start3A_36] : memref<10112x128xf32, #tpu.memory_space<vmem_shared>> -> memref<120x128xf32, #tpu.memory_space<vmem_shared>>
      %dma_start3A_38 = arith.constant 0 : i32
      %dma_start3A_39 = tpu.memref_slice %arg6[%add3A_14, %dma_start3A_38] : memref<10112x128xf32, #tpu.memory_space<vmem_shared>> -> memref<120x128xf32, #tpu.memory_space<vmem_shared>>
      %dma_start3A_40 = arith.constant 0 : i32
      %dma_start3A_41 = arith.constant 0 : i32
      %dma_start3A_42 = tpu.memref_slice %arg5[%dma_start3A_40, %dma_start3A_41] : memref<128x128xf32, #tpu.memory_space<vmem>> -> memref<120x128xf32, #tpu.memory_space<vmem>>
      tpu.enqueue_dma source(%dma_start3A_42 : memref<120x128xf32, #tpu.memory_space<vmem>>) target(%dma_start3A_39 : memref<120x128xf32, #tpu.memory_space<vmem_shared>>) target_semaphore(%run_scoped3A : memref<!tpu.dma_semaphore, #tpu.memory_space<semaphore_mem>>)
      %dma_wait3A = arith.constant 0 : i32
      %dma_wait3A_43 = arith.constant 0 : i32
      %dma_wait3A_44 = tpu.memref_slice %arg5[%dma_wait3A, %dma_wait3A_43] : memref<128x128xf32, #tpu.memory_space<vmem>> -> memref<120x128xf32, #tpu.memory_space<vmem>>
      %dma_wait3A_45 = arith.constant 0 : i32
      %dma_wait3A_46 = tpu.memref_slice %arg6[%add3A_14, %dma_wait3A_45] : memref<10112x128xf32, #tpu.memory_space<vmem_shared>> -> memref<120x128xf32, #tpu.memory_space<vmem_shared>>
      %dma_wait3A_47 = arith.constant 0 : i32
      %dma_wait3A_48 = tpu.memref_slice %arg6[%add3A_14, %dma_wait3A_47] : memref<10112x128xf32, #tpu.memory_space<vmem_shared>> -> memref<120x128xf32, #tpu.memory_space<vmem_shared>>
      %dma_wait3A_49 = arith.constant 0 : i32
      %dma_wait3A_50 = arith.constant 0 : i32
      %dma_wait3A_51 = tpu.memref_slice %arg5[%dma_wait3A_49, %dma_wait3A_50] : memref<128x128xf32, #tpu.memory_space<vmem>> -> memref<120x128xf32, #tpu.memory_space<vmem>>
      tpu.wait_dma2 semaphore(%run_scoped3A : memref<!tpu.dma_semaphore, #tpu.memory_space<semaphore_mem>>) src(%dma_wait3A_51 : memref<120x128xf32, #tpu.memory_space<vmem>>) dst(%dma_wait3A_48 : memref<120x128xf32, #tpu.memory_space<vmem_shared>>)
      tpu.yield
    }) : () -> ()
    %scan3A_15 = arith.constant 0 : i32
    %scan3A_16 = arith.constant 0 : i32
    %scan3A_17 = arith.constant 128 : i32
    %scan3A_18 = arith.addi %scan3A_16, %scan3A_17 : i32
    %scan3A_19 = arith.constant 1 : i32
    scf.for %scan3A_34 = %scan3A_16 to %scan3A_18 step %scan3A_19  : i32 {
      %broadcast_in_dim3A = arith.constant 1.000000e+00 : f32
      %broadcast_in_dim3A_35 = vector.broadcast %broadcast_in_dim3A : f32 to vector<16xf32>
      %swap3A = arith.index_cast %scan3A_34 : i32 to index
      %swap3A_36 = arith.constant 0 : index
      %swap3A_37 = tpu.vector_load %arg5[%swap3A, %swap3A_36] {strides = array<i32>} : memref<128x128xf32, #tpu.memory_space<vmem>>, vector<1x16xf32>,
      %swap3A_38 = vector.shape_cast %swap3A_37 : vector<1x16xf32> to vector<16xf32>
      %swap3A_39 = vector.shape_cast %broadcast_in_dim3A_35 : vector<16xf32> to vector<1x16xf32>
      tpu.vector_store %arg5[%swap3A, %swap3A_36], %swap3A_39 {strides = array<i32>} : memref<128x128xf32, #tpu.memory_space<vmem>>, vector<1x16xf32>,
      %broadcast_in_dim3A_40 = arith.constant 1.000000e+00 : f32
      %broadcast_in_dim3A_41 = vector.broadcast %broadcast_in_dim3A_40 : f32 to vector<16xf32>
      %swap3A_42 = arith.index_cast %scan3A_34 : i32 to index
      %swap3A_43 = arith.constant 16 : index
      %swap3A_44 = tpu.vector_load %arg5[%swap3A_42, %swap3A_43] {strides = array<i32>} : memref<128x128xf32, #tpu.memory_space<vmem>>, vector<1x16xf32>,
      %swap3A_45 = vector.shape_cast %swap3A_44 : vector<1x16xf32> to vector<16xf32>
      %swap3A_46 = vector.shape_cast %broadcast_in_dim3A_41 : vector<16xf32> to vector<1x16xf32>
      tpu.vector_store %arg5[%swap3A_42, %swap3A_43], %swap3A_46 {strides = array<i32>} : memref<128x128xf32, #tpu.memory_space<vmem>>, vector<1x16xf32>,
      %broadcast_in_dim3A_47 = arith.constant 1.000000e+00 : f32
      %broadcast_in_dim3A_48 = vector.broadcast %broadcast_in_dim3A_47 : f32 to vector<16xf32>
      %swap3A_49 = arith.index_cast %scan3A_34 : i32 to index
      %swap3A_50 = arith.constant 32 : index
      %swap3A_51 = tpu.vector_load %arg5[%swap3A_49, %swap3A_50] {strides = array<i32>} : memref<128x128xf32, #tpu.memory_space<vmem>>, vector<1x16xf32>,
      %swap3A_52 = vector.shape_cast %swap3A_51 : vector<1x16xf32> to vector<16xf32>
      %swap3A_53 = vector.shape_cast %broadcast_in_dim3A_48 : vector<16xf32> to vector<1x16xf32>
      tpu.vector_store %arg5[%swap3A_49, %swap3A_50], %swap3A_53 {strides = array<i32>} : memref<128x128xf32, #tpu.memory_space<vmem>>, vector<1x16xf32>,
      %broadcast_in_dim3A_54 = arith.constant 1.000000e+00 : f32
      %broadcast_in_dim3A_55 = vector.broadcast %broadcast_in_dim3A_54 : f32 to vector<16xf32>
      %swap3A_56 = arith.index_cast %scan3A_34 : i32 to index
      %swap3A_57 = arith.constant 48 : index
      %swap3A_58 = tpu.vector_load %arg5[%swap3A_56, %swap3A_57] {strides = array<i32>} : memref<128x128xf32, #tpu.memory_space<vmem>>, vector<1x16xf32>,
      %swap3A_59 = vector.shape_cast %swap3A_58 : vector<1x16xf32> to vector<16xf32>
      %swap3A_60 = vector.shape_cast %broadcast_in_dim3A_55 : vector<16xf32> to vector<1x16xf32>
      tpu.vector_store %arg5[%swap3A_56, %swap3A_57], %swap3A_60 {strides = array<i32>} : memref<128x128xf32, #tpu.memory_space<vmem>>, vector<1x16xf32>,
      %broadcast_in_dim3A_61 = arith.constant 1.000000e+00 : f32
      %broadcast_in_dim3A_62 = vector.broadcast %broadcast_in_dim3A_61 : f32 to vector<16xf32>
      %swap3A_63 = arith.index_cast %scan3A_34 : i32 to index
      %swap3A_64 = arith.constant 64 : index
      %swap3A_65 = tpu.vector_load %arg5[%swap3A_63, %swap3A_64] {strides = array<i32>} : memref<128x128xf32, #tpu.memory_space<vmem>>, vector<1x16xf32>,
      %swap3A_66 = vector.shape_cast %swap3A_65 : vector<1x16xf32> to vector<16xf32>
      %swap3A_67 = vector.shape_cast %broadcast_in_dim3A_62 : vector<16xf32> to vector<1x16xf32>
      tpu.vector_store %arg5[%swap3A_63, %swap3A_64], %swap3A_67 {strides = array<i32>} : memref<128x128xf32, #tpu.memory_space<vmem>>, vector<1x16xf32>,
      %broadcast_in_dim3A_68 = arith.constant 1.000000e+00 : f32
      %broadcast_in_dim3A_69 = vector.broadcast %broadcast_in_dim3A_68 : f32 to vector<16xf32>
      %swap3A_70 = arith.index_cast %scan3A_34 : i32 to index
      %swap3A_71 = arith.constant 80 : index
      %swap3A_72 = tpu.vector_load %arg5[%swap3A_70, %swap3A_71] {strides = array<i32>} : memref<128x128xf32, #tpu.memory_space<vmem>>, vector<1x16xf32>,
      %swap3A_73 = vector.shape_cast %swap3A_72 : vector<1x16xf32> to vector<16xf32>
      %swap3A_74 = vector.shape_cast %broadcast_in_dim3A_69 : vector<16xf32> to vector<1x16xf32>
      tpu.vector_store %arg5[%swap3A_70, %swap3A_71], %swap3A_74 {strides = array<i32>} : memref<128x128xf32, #tpu.memory_space<vmem>>, vector<1x16xf32>,
      %broadcast_in_dim3A_75 = arith.constant 1.000000e+00 : f32
      %broadcast_in_dim3A_76 = vector.broadcast %broadcast_in_dim3A_75 : f32 to vector<16xf32>
      %swap3A_77 = arith.index_cast %scan3A_34 : i32 to index
      %swap3A_78 = arith.constant 96 : index
      %swap3A_79 = tpu.vector_load %arg5[%swap3A_77, %swap3A_78] {strides = array<i32>} : memref<128x128xf32, #tpu.memory_space<vmem>>, vector<1x16xf32>,
      %swap3A_80 = vector.shape_cast %swap3A_79 : vector<1x16xf32> to vector<16xf32>
      %swap3A_81 = vector.shape_cast %broadcast_in_dim3A_76 : vector<16xf32> to vector<1x16xf32>
      tpu.vector_store %arg5[%swap3A_77, %swap3A_78], %swap3A_81 {strides = array<i32>} : memref<128x128xf32, #tpu.memory_space<vmem>>, vector<1x16xf32>,
      %broadcast_in_dim3A_82 = arith.constant 1.000000e+00 : f32
      %broadcast_in_dim3A_83 = vector.broadcast %broadcast_in_dim3A_82 : f32 to vector<16xf32>
      %swap3A_84 = arith.index_cast %scan3A_34 : i32 to index
      %swap3A_85 = arith.constant 112 : index
      %swap3A_86 = tpu.vector_load %arg5[%swap3A_84, %swap3A_85] {strides = array<i32>} : memref<128x128xf32, #tpu.memory_space<vmem>>, vector<1x16xf32>,
      %swap3A_87 = vector.shape_cast %swap3A_86 : vector<1x16xf32> to vector<16xf32>
      %swap3A_88 = vector.shape_cast %broadcast_in_dim3A_83 : vector<16xf32> to vector<1x16xf32>
      tpu.vector_store %arg5[%swap3A_84, %swap3A_85], %swap3A_88 {strides = array<i32>} : memref<128x128xf32, #tpu.memory_space<vmem>>, vector<1x16xf32>,
    }
    %scan3A_20 = arith.constant 128 : i32
    %barrier3A = arith.constant 0 : index
    tpu.barrier barrier_id(%barrier3A)
    "tpu.region"() ({
      %run_scoped3A = tpu.sem_alloc : memref<!tpu.dma_semaphore, #tpu.memory_space<semaphore_mem>>
      %dma_start3A = arith.constant 0 : i32
      %dma_start3A_34 = arith.constant 0 : i32
      %dma_start3A_35 = tpu.memref_slice %arg2[%arg0, %arg1, %dma_start3A, %dma_start3A_34] : memref<2x16x80x128xi32, #tpu.memory_space<hbm>> -> memref<1x1x80x128xi32, #tpu.memory_space<hbm>>
      %dma_start3A_36 = tpu.memref_squeeze %dma_start3A_35 : memref<1x1x80x128xi32, #tpu.memory_space<hbm>> -> memref<80x128xi32, #tpu.memory_space<hbm>>
      %dma_start3A_37 = arith.constant 0 : i32
      %dma_start3A_38 = arith.constant 0 : i32
      %dma_start3A_39 = tpu.memref_slice %arg2[%arg0, %arg1, %dma_start3A_37, %dma_start3A_38] : memref<2x16x80x128xi32, #tpu.memory_space<hbm>> -> memref<1x1x80x128xi32, #tpu.memory_space<hbm>>
      %dma_start3A_40 = tpu.memref_squeeze %dma_start3A_39 : memref<1x1x80x128xi32, #tpu.memory_space<hbm>> -> memref<80x128xi32, #tpu.memory_space<hbm>>
      tpu.enqueue_dma source(%dma_start3A_40 : memref<80x128xi32, #tpu.memory_space<hbm>>) target(%arg4 : memref<80x128xi32, #tpu.memory_space<vmem>>) target_semaphore(%run_scoped3A : memref<!tpu.dma_semaphore, #tpu.memory_space<semaphore_mem>>)
      %dma_wait3A = arith.constant 0 : i32
      %dma_wait3A_41 = arith.constant 0 : i32
      %dma_wait3A_42 = tpu.memref_slice %arg2[%arg0, %arg1, %dma_wait3A, %dma_wait3A_41] : memref<2x16x80x128xi32, #tpu.memory_space<hbm>> -> memref<1x1x80x128xi32, #tpu.memory_space<hbm>>
      %dma_wait3A_43 = tpu.memref_squeeze %dma_wait3A_42 : memref<1x1x80x128xi32, #tpu.memory_space<hbm>> -> memref<80x128xi32, #tpu.memory_space<hbm>>
      %dma_wait3A_44 = arith.constant 0 : i32
      %dma_wait3A_45 = arith.constant 0 : i32
      %dma_wait3A_46 = tpu.memref_slice %arg2[%arg0, %arg1, %dma_wait3A_44, %dma_wait3A_45] : memref<2x16x80x128xi32, #tpu.memory_space<hbm>> -> memref<1x1x80x128xi32, #tpu.memory_space<hbm>>
      %dma_wait3A_47 = tpu.memref_squeeze %dma_wait3A_46 : memref<1x1x80x128xi32, #tpu.memory_space<hbm>> -> memref<80x128xi32, #tpu.memory_space<hbm>>
      tpu.wait_dma2 semaphore(%run_scoped3A : memref<!tpu.dma_semaphore, #tpu.memory_space<semaphore_mem>>) src(%dma_wait3A_47 : memref<80x128xi32, #tpu.memory_space<hbm>>) dst(%arg4 : memref<80x128xi32, #tpu.memory_space<vmem>>)
      tpu.yield
    }) : () -> ()
    %scan3A_21 = arith.constant 0 : i32
    %scan3A_22 = arith.constant 0 : i32
    %scan3A_23 = arith.constant 80 : i32
    %scan3A_24 = arith.addi %scan3A_22, %scan3A_23 : i32
    %scan3A_25 = arith.constant 1 : i32
    scf.for %scan3A_34 = %scan3A_22 to %scan3A_24 step %scan3A_25  : i32 {
      "tpu.region"() ({
        %run_scoped3A = tpu.sem_alloc : memref<!tpu.dma_semaphore, #tpu.memory_space<semaphore_mem>>
        %dma_start3A = arith.constant 0 : i32
        %dma_start3A_35 = tpu.memref_slice %arg4[%scan3A_34, %dma_start3A] : memref<80x128xi32, #tpu.memory_space<vmem>> -> memref<1x128xi32, #tpu.memory_space<vmem>>
        %dma_start3A_36 = tpu.memref_squeeze %dma_start3A_35 : memref<1x128xi32, #tpu.memory_space<vmem>> -> memref<128xi32, #tpu.memory_space<vmem>>
        %dma_start3A_37 = arith.constant 0 : i32
        %dma_start3A_38 = arith.constant 0 : i32
        %dma_start3A_39 = tpu.memref_slice %arg6[%dma_start3A_37, %dma_start3A_38] : memref<10112x128xf32, #tpu.memory_space<vmem_shared>> -> memref<10112x128xf32, #tpu.memory_space<vmem_shared>>
        tpu.enqueue_indirect_dma source(%arg5 : memref<128x128xf32, #tpu.memory_space<vmem>>) target(%dma_start3A_39 : memref<10112x128xf32, #tpu.memory_space<vmem_shared>>) offsets(%dma_start3A_36 : memref<128xi32, #tpu.memory_space<vmem>>) semaphore(%run_scoped3A : memref<!tpu.dma_semaphore, #tpu.memory_space<semaphore_mem>>) {add = true}
        %dma_wait3A = arith.constant 0 : i32
        %dma_wait3A_40 = tpu.memref_slice %arg4[%scan3A_34, %dma_wait3A] : memref<80x128xi32, #tpu.memory_space<vmem>> -> memref<1x128xi32, #tpu.memory_space<vmem>>
        %dma_wait3A_41 = tpu.memref_squeeze %dma_wait3A_40 : memref<1x128xi32, #tpu.memory_space<vmem>> -> memref<128xi32, #tpu.memory_space<vmem>>
        %dma_wait3A_42 = arith.constant 0 : i32
        %dma_wait3A_43 = arith.constant 0 : i32
        %dma_wait3A_44 = tpu.memref_slice %arg6[%dma_wait3A_42, %dma_wait3A_43] : memref<10112x128xf32, #tpu.memory_space<vmem_shared>> -> memref<10112x128xf32, #tpu.memory_space<vmem_shared>>
        tpu.wait_indirect_dma semaphore(%run_scoped3A : memref<!tpu.dma_semaphore, #tpu.memory_space<semaphore_mem>>) src(%arg5 : memref<128x128xf32, #tpu.memory_space<vmem>>) dst(%dma_wait3A_44 : memref<10112x128xf32, #tpu.memory_space<vmem_shared>>)
        tpu.yield
      }) : () -> ()
    }
    %scan3A_26 = arith.constant 80 : i32
    %barrier3A_27 = arith.constant 0 : index
    tpu.barrier barrier_id(%barrier3A_27)
    %lt3A = arith.constant 15 : i32
    %lt3A_28 = arith.cmpi slt, %arg1, %lt3A : i32
    %convert_element_type3A = arith.extui %lt3A_28 : i1 to i32
    %cond3A = arith.constant 0 : i32
    %cond3A_29 = arith.cmpi ne, %convert_element_type3A, %cond3A : i32
    scf.if %cond3A_29 {
      "tpu.region"() ({
        %run_scoped3A = tpu.sem_alloc : memref<!tpu.dma_semaphore, #tpu.memory_space<semaphore_mem>>
        %dma_start3A = arith.constant 0 : i32
        %dma_start3A_34 = tpu.memref_slice %arg3[%arg0, %mul3A_0, %dma_start3A] : memref<2x10000x128xf32, #tpu.memory_space<hbm>> -> memref<1x632x128xf32, #tpu.memory_space<hbm>>
        %dma_start3A_35 = tpu.memref_squeeze %dma_start3A_34 : memref<1x632x128xf32, #tpu.memory_space<hbm>> -> memref<632x128xf32, #tpu.memory_space<hbm>>
        %dma_start3A_36 = arith.constant 0 : i32
        %dma_start3A_37 = tpu.memref_slice %arg6[%mul3A_0, %dma_start3A_36] : memref<10112x128xf32, #tpu.memory_space<vmem_shared>> -> memref<632x128xf32, #tpu.memory_space<vmem_shared>>
        tpu.enqueue_dma source(%dma_start3A_37 : memref<632x128xf32, #tpu.memory_space<vmem_shared>>) target(%dma_start3A_35 : memref<632x128xf32, #tpu.memory_space<hbm>>) target_semaphore(%run_scoped3A : memref<!tpu.dma_semaphore, #tpu.memory_space<semaphore_mem>>)
        %dma_wait3A = arith.constant 0 : i32
        %dma_wait3A_38 = tpu.memref_slice %arg3[%arg0, %mul3A_0, %dma_wait3A] : memref<2x10000x128xf32, #tpu.memory_space<hbm>> -> memref<1x632x128xf32, #tpu.memory_space<hbm>>
        %dma_wait3A_39 = tpu.memref_squeeze %dma_wait3A_38 : memref<1x632x128xf32, #tpu.memory_space<hbm>> -> memref<632x128xf32, #tpu.memory_space<hbm>>
        %dma_wait3A_40 = arith.constant 0 : i32
        %dma_wait3A_41 = tpu.memref_slice %arg6[%mul3A_0, %dma_wait3A_40] : memref<10112x128xf32, #tpu.memory_space<vmem_shared>> -> memref<632x128xf32, #tpu.memory_space<vmem_shared>>
        tpu.wait_dma2 semaphore(%run_scoped3A : memref<!tpu.dma_semaphore, #tpu.memory_space<semaphore_mem>>) src(%dma_wait3A_41 : memref<632x128xf32, #tpu.memory_space<vmem_shared>>) dst(%dma_wait3A_39 : memref<632x128xf32, #tpu.memory_space<hbm>>)
        tpu.yield
      }) : () -> ()
    } else {
    }
    %eq3A = arith.constant 15 : i32
    %eq3A_30 = arith.cmpi eq, %arg1, %eq3A : i32
    %convert_element_type3A_31 = arith.extui %eq3A_30 : i1 to i32
    %cond3A_32 = arith.constant 0 : i32
    %cond3A_33 = arith.cmpi ne, %convert_element_type3A_31, %cond3A_32 : i32
    scf.if %cond3A_33 {
      "tpu.region"() ({
        %run_scoped3A = tpu.sem_alloc : memref<!tpu.dma_semaphore, #tpu.memory_space<semaphore_mem>>
        %dma_start3A = arith.constant 9480 : i32
        %dma_start3A_34 = arith.constant 0 : i32
        %dma_start3A_35 = tpu.memref_slice %arg3[%arg0, %dma_start3A, %dma_start3A_34] : memref<2x10000x128xf32, #tpu.memory_space<hbm>> -> memref<1x520x128xf32, #tpu.memory_space<hbm>>
        %dma_start3A_36 = tpu.memref_squeeze %dma_start3A_35 : memref<1x520x128xf32, #tpu.memory_space<hbm>> -> memref<520x128xf32, #tpu.memory_space<hbm>>
        %dma_start3A_37 = arith.constant 9480 : i32
        %dma_start3A_38 = arith.constant 0 : i32
        %dma_start3A_39 = tpu.memref_slice %arg6[%dma_start3A_37, %dma_start3A_38] : memref<10112x128xf32, #tpu.memory_space<vmem_shared>> -> memref<520x128xf32, #tpu.memory_space<vmem_shared>>
        tpu.enqueue_dma source(%dma_start3A_39 : memref<520x128xf32, #tpu.memory_space<vmem_shared>>) target(%dma_start3A_36 : memref<520x128xf32, #tpu.memory_space<hbm>>) target_semaphore(%run_scoped3A : memref<!tpu.dma_semaphore, #tpu.memory_space<semaphore_mem>>)
        %dma_wait3A = arith.constant 9480 : i32
        %dma_wait3A_40 = arith.constant 0 : i32
        %dma_wait3A_41 = tpu.memref_slice %arg3[%arg0, %dma_wait3A, %dma_wait3A_40] : memref<2x10000x128xf32, #tpu.memory_space<hbm>> -> memref<1x520x128xf32, #tpu.memory_space<hbm>>
        %dma_wait3A_42 = tpu.memref_squeeze %dma_wait3A_41 : memref<1x520x128xf32, #tpu.memory_space<hbm>> -> memref<520x128xf32, #tpu.memory_space<hbm>>
        %dma_wait3A_43 = arith.constant 9480 : i32
        %dma_wait3A_44 = arith.constant 0 : i32
        %dma_wait3A_45 = tpu.memref_slice %arg6[%dma_wait3A_43, %dma_wait3A_44] : memref<10112x128xf32, #tpu.memory_space<vmem_shared>> -> memref<520x128xf32, #tpu.memory_space<vmem_shared>>
        tpu.wait_dma2 semaphore(%run_scoped3A : memref<!tpu.dma_semaphore, #tpu.memory_space<semaphore_mem>>) src(%dma_wait3A_45 : memref<520x128xf32, #tpu.memory_space<vmem_shared>>) dst(%dma_wait3A_42 : memref<520x128xf32, #tpu.memory_space<hbm>>)
        tpu.yield
      }) : () -> ()
    } else {
    }
    return
  }
}

#map = affine_map<(d0, d1) -> (0, 0, 0, 0)>
#map1 = affine_map<(d0, d1) -> (0, 0, 0)>
module attributes {stable_mosaic.version = 14 : i64} {
  func.func @_scatsum_body(%arg0: i32, %arg1: i32, %arg2: memref<2x16x10240x128xf32, #tpu.memory_space<hbm>>, %arg3: memref<2x16x80x128xi32, #tpu.memory_space<hbm>>, %arg4: memref<2x10000x128xf32, #tpu.memory_space<hbm>>, %arg5: memref<80x128xi32, #tpu.memory_space<vmem>>, %arg6: memref<128x128xf32, #tpu.memory_space<vmem>>, %arg7: memref<128x128xf32, #tpu.memory_space<vmem>>, %arg8: memref<10112x128xf32, #tpu.memory_space<vmem_shared>>, %arg9: memref<!tpu.dma_semaphore, #tpu.memory_space<semaphore_mem>>, %arg10: memref<!tpu.dma_semaphore, #tpu.memory_space<semaphore_mem>>) attributes {dimension_semantics = [#tpu.dimension_semantics<core_parallel>, #tpu.dimension_semantics<subcore_parallel>], iteration_bounds = array<i64: 2, 16>, scalar_prefetch = 0 : i64, scratch_operands = 6 : i64, tpu.core_type = #tpu.core_type<sc_vector_subcore>, window_params = [{transform_indices = #map}, {transform_indices = #map}, {transform_indices = #map1}]} {
    %mul3A = arith.constant 632 : i32
    %mul3A_0 = arith.muli %arg1, %mul3A : i32
    %scan3A = arith.constant 0 : i32
    %scan3A_1 = arith.constant 0 : i32
    %scan3A_2 = arith.constant 128 : i32
    %scan3A_3 = arith.addi %scan3A_1, %scan3A_2 : i32
    %scan3A_4 = arith.constant 1 : i32
    scf.for %scan3A_35 = %scan3A_1 to %scan3A_3 step %scan3A_4  : i32 {
      %broadcast_in_dim3A = arith.constant 0.000000e+00 : f32
      %broadcast_in_dim3A_36 = vector.broadcast %broadcast_in_dim3A : f32 to vector<16xf32>
      %swap3A = arith.index_cast %scan3A_35 : i32 to index
      %swap3A_37 = arith.constant 0 : index
      %swap3A_38 = tpu.vector_load %arg6[%swap3A, %swap3A_37] {strides = array<i32>} : memref<128x128xf32, #tpu.memory_space<vmem>>, vector<1x16xf32>,
      %swap3A_39 = vector.shape_cast %swap3A_38 : vector<1x16xf32> to vector<16xf32>
      %swap3A_40 = vector.shape_cast %broadcast_in_dim3A_36 : vector<16xf32> to vector<1x16xf32>
      tpu.vector_store %arg6[%swap3A, %swap3A_37], %swap3A_40 {strides = array<i32>} : memref<128x128xf32, #tpu.memory_space<vmem>>, vector<1x16xf32>,
      %broadcast_in_dim3A_41 = arith.constant 0.000000e+00 : f32
      %broadcast_in_dim3A_42 = vector.broadcast %broadcast_in_dim3A_41 : f32 to vector<16xf32>
      %swap3A_43 = arith.index_cast %scan3A_35 : i32 to index
      %swap3A_44 = arith.constant 16 : index
      %swap3A_45 = tpu.vector_load %arg6[%swap3A_43, %swap3A_44] {strides = array<i32>} : memref<128x128xf32, #tpu.memory_space<vmem>>, vector<1x16xf32>,
      %swap3A_46 = vector.shape_cast %swap3A_45 : vector<1x16xf32> to vector<16xf32>
      %swap3A_47 = vector.shape_cast %broadcast_in_dim3A_42 : vector<16xf32> to vector<1x16xf32>
      tpu.vector_store %arg6[%swap3A_43, %swap3A_44], %swap3A_47 {strides = array<i32>} : memref<128x128xf32, #tpu.memory_space<vmem>>, vector<1x16xf32>,
      %broadcast_in_dim3A_48 = arith.constant 0.000000e+00 : f32
      %broadcast_in_dim3A_49 = vector.broadcast %broadcast_in_dim3A_48 : f32 to vector<16xf32>
      %swap3A_50 = arith.index_cast %scan3A_35 : i32 to index
      %swap3A_51 = arith.constant 32 : index
      %swap3A_52 = tpu.vector_load %arg6[%swap3A_50, %swap3A_51] {strides = array<i32>} : memref<128x128xf32, #tpu.memory_space<vmem>>, vector<1x16xf32>,
      %swap3A_53 = vector.shape_cast %swap3A_52 : vector<1x16xf32> to vector<16xf32>
      %swap3A_54 = vector.shape_cast %broadcast_in_dim3A_49 : vector<16xf32> to vector<1x16xf32>
      tpu.vector_store %arg6[%swap3A_50, %swap3A_51], %swap3A_54 {strides = array<i32>} : memref<128x128xf32, #tpu.memory_space<vmem>>, vector<1x16xf32>,
      %broadcast_in_dim3A_55 = arith.constant 0.000000e+00 : f32
      %broadcast_in_dim3A_56 = vector.broadcast %broadcast_in_dim3A_55 : f32 to vector<16xf32>
      %swap3A_57 = arith.index_cast %scan3A_35 : i32 to index
      %swap3A_58 = arith.constant 48 : index
      %swap3A_59 = tpu.vector_load %arg6[%swap3A_57, %swap3A_58] {strides = array<i32>} : memref<128x128xf32, #tpu.memory_space<vmem>>, vector<1x16xf32>,
      %swap3A_60 = vector.shape_cast %swap3A_59 : vector<1x16xf32> to vector<16xf32>
      %swap3A_61 = vector.shape_cast %broadcast_in_dim3A_56 : vector<16xf32> to vector<1x16xf32>
      tpu.vector_store %arg6[%swap3A_57, %swap3A_58], %swap3A_61 {strides = array<i32>} : memref<128x128xf32, #tpu.memory_space<vmem>>, vector<1x16xf32>,
      %broadcast_in_dim3A_62 = arith.constant 0.000000e+00 : f32
      %broadcast_in_dim3A_63 = vector.broadcast %broadcast_in_dim3A_62 : f32 to vector<16xf32>
      %swap3A_64 = arith.index_cast %scan3A_35 : i32 to index
      %swap3A_65 = arith.constant 64 : index
      %swap3A_66 = tpu.vector_load %arg6[%swap3A_64, %swap3A_65] {strides = array<i32>} : memref<128x128xf32, #tpu.memory_space<vmem>>, vector<1x16xf32>,
      %swap3A_67 = vector.shape_cast %swap3A_66 : vector<1x16xf32> to vector<16xf32>
      %swap3A_68 = vector.shape_cast %broadcast_in_dim3A_63 : vector<16xf32> to vector<1x16xf32>
      tpu.vector_store %arg6[%swap3A_64, %swap3A_65], %swap3A_68 {strides = array<i32>} : memref<128x128xf32, #tpu.memory_space<vmem>>, vector<1x16xf32>,
      %broadcast_in_dim3A_69 = arith.constant 0.000000e+00 : f32
      %broadcast_in_dim3A_70 = vector.broadcast %broadcast_in_dim3A_69 : f32 to vector<16xf32>
      %swap3A_71 = arith.index_cast %scan3A_35 : i32 to index
      %swap3A_72 = arith.constant 80 : index
      %swap3A_73 = tpu.vector_load %arg6[%swap3A_71, %swap3A_72] {strides = array<i32>} : memref<128x128xf32, #tpu.memory_space<vmem>>, vector<1x16xf32>,
      %swap3A_74 = vector.shape_cast %swap3A_73 : vector<1x16xf32> to vector<16xf32>
      %swap3A_75 = vector.shape_cast %broadcast_in_dim3A_70 : vector<16xf32> to vector<1x16xf32>
      tpu.vector_store %arg6[%swap3A_71, %swap3A_72], %swap3A_75 {strides = array<i32>} : memref<128x128xf32, #tpu.memory_space<vmem>>, vector<1x16xf32>,
      %broadcast_in_dim3A_76 = arith.constant 0.000000e+00 : f32
      %broadcast_in_dim3A_77 = vector.broadcast %broadcast_in_dim3A_76 : f32 to vector<16xf32>
      %swap3A_78 = arith.index_cast %scan3A_35 : i32 to index
      %swap3A_79 = arith.constant 96 : index
      %swap3A_80 = tpu.vector_load %arg6[%swap3A_78, %swap3A_79] {strides = array<i32>} : memref<128x128xf32, #tpu.memory_space<vmem>>, vector<1x16xf32>,
      %swap3A_81 = vector.shape_cast %swap3A_80 : vector<1x16xf32> to vector<16xf32>
      %swap3A_82 = vector.shape_cast %broadcast_in_dim3A_77 : vector<16xf32> to vector<1x16xf32>
      tpu.vector_store %arg6[%swap3A_78, %swap3A_79], %swap3A_82 {strides = array<i32>} : memref<128x128xf32, #tpu.memory_space<vmem>>, vector<1x16xf32>,
      %broadcast_in_dim3A_83 = arith.constant 0.000000e+00 : f32
      %broadcast_in_dim3A_84 = vector.broadcast %broadcast_in_dim3A_83 : f32 to vector<16xf32>
      %swap3A_85 = arith.index_cast %scan3A_35 : i32 to index
      %swap3A_86 = arith.constant 112 : index
      %swap3A_87 = tpu.vector_load %arg6[%swap3A_85, %swap3A_86] {strides = array<i32>} : memref<128x128xf32, #tpu.memory_space<vmem>>, vector<1x16xf32>,
      %swap3A_88 = vector.shape_cast %swap3A_87 : vector<1x16xf32> to vector<16xf32>
      %swap3A_89 = vector.shape_cast %broadcast_in_dim3A_84 : vector<16xf32> to vector<1x16xf32>
      tpu.vector_store %arg6[%swap3A_85, %swap3A_86], %swap3A_89 {strides = array<i32>} : memref<128x128xf32, #tpu.memory_space<vmem>>, vector<1x16xf32>,
    }
    %scan3A_5 = arith.constant 128 : i32
    %add3A = arith.constant 0 : i32
    %add3A_6 = arith.addi %mul3A_0, %add3A : i32
    "tpu.region"() ({
      %run_scoped3A = tpu.sem_alloc : memref<!tpu.dma_semaphore, #tpu.memory_space<semaphore_mem>>
      %dma_start3A_35 = arith.constant 0 : i32
      %dma_start3A_36 = tpu.memref_slice %arg8[%add3A_6, %dma_start3A_35] : memref<10112x128xf32, #tpu.memory_space<vmem_shared>> -> memref<128x128xf32, #tpu.memory_space<vmem_shared>>
      %dma_start3A_37 = arith.constant 0 : i32
      %dma_start3A_38 = tpu.memref_slice %arg8[%add3A_6, %dma_start3A_37] : memref<10112x128xf32, #tpu.memory_space<vmem_shared>> -> memref<128x128xf32, #tpu.memory_space<vmem_shared>>
      tpu.enqueue_dma source(%arg6 : memref<128x128xf32, #tpu.memory_space<vmem>>) target(%dma_start3A_38 : memref<128x128xf32, #tpu.memory_space<vmem_shared>>) target_semaphore(%run_scoped3A : memref<!tpu.dma_semaphore, #tpu.memory_space<semaphore_mem>>)
      %dma_wait3A = arith.constant 0 : i32
      %dma_wait3A_39 = tpu.memref_slice %arg8[%add3A_6, %dma_wait3A] : memref<10112x128xf32, #tpu.memory_space<vmem_shared>> -> memref<128x128xf32, #tpu.memory_space<vmem_shared>>
      %dma_wait3A_40 = arith.constant 0 : i32
      %dma_wait3A_41 = tpu.memref_slice %arg8[%add3A_6, %dma_wait3A_40] : memref<10112x128xf32, #tpu.memory_space<vmem_shared>> -> memref<128x128xf32, #tpu.memory_space<vmem_shared>>
      tpu.wait_dma2 semaphore(%run_scoped3A : memref<!tpu.dma_semaphore, #tpu.memory_space<semaphore_mem>>) src(%arg6 : memref<128x128xf32, #tpu.memory_space<vmem>>) dst(%dma_wait3A_41 : memref<128x128xf32, #tpu.memory_space<vmem_shared>>)
      tpu.yield
    }) : () -> ()
    %add3A_7 = arith.constant 128 : i32
    %add3A_8 = arith.addi %mul3A_0, %add3A_7 : i32
    "tpu.region"() ({
      %run_scoped3A = tpu.sem_alloc : memref<!tpu.dma_semaphore, #tpu.memory_space<semaphore_mem>>
      %dma_start3A_35 = arith.constant 0 : i32
      %dma_start3A_36 = tpu.memref_slice %arg8[%add3A_8, %dma_start3A_35] : memref<10112x128xf32, #tpu.memory_space<vmem_shared>> -> memref<128x128xf32, #tpu.memory_space<vmem_shared>>
      %dma_start3A_37 = arith.constant 0 : i32
      %dma_start3A_38 = tpu.memref_slice %arg8[%add3A_8, %dma_start3A_37] : memref<10112x128xf32, #tpu.memory_space<vmem_shared>> -> memref<128x128xf32, #tpu.memory_space<vmem_shared>>
      tpu.enqueue_dma source(%arg6 : memref<128x128xf32, #tpu.memory_space<vmem>>) target(%dma_start3A_38 : memref<128x128xf32, #tpu.memory_space<vmem_shared>>) target_semaphore(%run_scoped3A : memref<!tpu.dma_semaphore, #tpu.memory_space<semaphore_mem>>)
      %dma_wait3A = arith.constant 0 : i32
      %dma_wait3A_39 = tpu.memref_slice %arg8[%add3A_8, %dma_wait3A] : memref<10112x128xf32, #tpu.memory_space<vmem_shared>> -> memref<128x128xf32, #tpu.memory_space<vmem_shared>>
      %dma_wait3A_40 = arith.constant 0 : i32
      %dma_wait3A_41 = tpu.memref_slice %arg8[%add3A_8, %dma_wait3A_40] : memref<10112x128xf32, #tpu.memory_space<vmem_shared>> -> memref<128x128xf32, #tpu.memory_space<vmem_shared>>
      tpu.wait_dma2 semaphore(%run_scoped3A : memref<!tpu.dma_semaphore, #tpu.memory_space<semaphore_mem>>) src(%arg6 : memref<128x128xf32, #tpu.memory_space<vmem>>) dst(%dma_wait3A_41 : memref<128x128xf32, #tpu.memory_space<vmem_shared>>)
      tpu.yield
    }) : () -> ()
    %add3A_9 = arith.constant 256 : i32
    %add3A_10 = arith.addi %mul3A_0, %add3A_9 : i32
    "tpu.region"() ({
      %run_scoped3A = tpu.sem_alloc : memref<!tpu.dma_semaphore, #tpu.memory_space<semaphore_mem>>
      %dma_start3A_35 = arith.constant 0 : i32
      %dma_start3A_36 = tpu.memref_slice %arg8[%add3A_10, %dma_start3A_35] : memref<10112x128xf32, #tpu.memory_space<vmem_shared>> -> memref<128x128xf32, #tpu.memory_space<vmem_shared>>
      %dma_start3A_37 = arith.constant 0 : i32
      %dma_start3A_38 = tpu.memref_slice %arg8[%add3A_10, %dma_start3A_37] : memref<10112x128xf32, #tpu.memory_space<vmem_shared>> -> memref<128x128xf32, #tpu.memory_space<vmem_shared>>
      tpu.enqueue_dma source(%arg6 : memref<128x128xf32, #tpu.memory_space<vmem>>) target(%dma_start3A_38 : memref<128x128xf32, #tpu.memory_space<vmem_shared>>) target_semaphore(%run_scoped3A : memref<!tpu.dma_semaphore, #tpu.memory_space<semaphore_mem>>)
      %dma_wait3A = arith.constant 0 : i32
      %dma_wait3A_39 = tpu.memref_slice %arg8[%add3A_10, %dma_wait3A] : memref<10112x128xf32, #tpu.memory_space<vmem_shared>> -> memref<128x128xf32, #tpu.memory_space<vmem_shared>>
      %dma_wait3A_40 = arith.constant 0 : i32
      %dma_wait3A_41 = tpu.memref_slice %arg8[%add3A_10, %dma_wait3A_40] : memref<10112x128xf32, #tpu.memory_space<vmem_shared>> -> memref<128x128xf32, #tpu.memory_space<vmem_shared>>
      tpu.wait_dma2 semaphore(%run_scoped3A : memref<!tpu.dma_semaphore, #tpu.memory_space<semaphore_mem>>) src(%arg6 : memref<128x128xf32, #tpu.memory_space<vmem>>) dst(%dma_wait3A_41 : memref<128x128xf32, #tpu.memory_space<vmem_shared>>)
      tpu.yield
    }) : () -> ()
    %add3A_11 = arith.constant 384 : i32
    %add3A_12 = arith.addi %mul3A_0, %add3A_11 : i32
    "tpu.region"() ({
      %run_scoped3A = tpu.sem_alloc : memref<!tpu.dma_semaphore, #tpu.memory_space<semaphore_mem>>
      %dma_start3A_35 = arith.constant 0 : i32
      %dma_start3A_36 = tpu.memref_slice %arg8[%add3A_12, %dma_start3A_35] : memref<10112x128xf32, #tpu.memory_space<vmem_shared>> -> memref<128x128xf32, #tpu.memory_space<vmem_shared>>
      %dma_start3A_37 = arith.constant 0 : i32
      %dma_start3A_38 = tpu.memref_slice %arg8[%add3A_12, %dma_start3A_37] : memref<10112x128xf32, #tpu.memory_space<vmem_shared>> -> memref<128x128xf32, #tpu.memory_space<vmem_shared>>
      tpu.enqueue_dma source(%arg6 : memref<128x128xf32, #tpu.memory_space<vmem>>) target(%dma_start3A_38 : memref<128x128xf32, #tpu.memory_space<vmem_shared>>) target_semaphore(%run_scoped3A : memref<!tpu.dma_semaphore, #tpu.memory_space<semaphore_mem>>)
      %dma_wait3A = arith.constant 0 : i32
      %dma_wait3A_39 = tpu.memref_slice %arg8[%add3A_12, %dma_wait3A] : memref<10112x128xf32, #tpu.memory_space<vmem_shared>> -> memref<128x128xf32, #tpu.memory_space<vmem_shared>>
      %dma_wait3A_40 = arith.constant 0 : i32
      %dma_wait3A_41 = tpu.memref_slice %arg8[%add3A_12, %dma_wait3A_40] : memref<10112x128xf32, #tpu.memory_space<vmem_shared>> -> memref<128x128xf32, #tpu.memory_space<vmem_shared>>
      tpu.wait_dma2 semaphore(%run_scoped3A : memref<!tpu.dma_semaphore, #tpu.memory_space<semaphore_mem>>) src(%arg6 : memref<128x128xf32, #tpu.memory_space<vmem>>) dst(%dma_wait3A_41 : memref<128x128xf32, #tpu.memory_space<vmem_shared>>)
      tpu.yield
    }) : () -> ()
    %add3A_13 = arith.constant 512 : i32
    %add3A_14 = arith.addi %mul3A_0, %add3A_13 : i32
    "tpu.region"() ({
      %run_scoped3A = tpu.sem_alloc : memref<!tpu.dma_semaphore, #tpu.memory_space<semaphore_mem>>
      %dma_start3A_35 = arith.constant 0 : i32
      %dma_start3A_36 = arith.constant 0 : i32
      %dma_start3A_37 = tpu.memref_slice %arg6[%dma_start3A_35, %dma_start3A_36] : memref<128x128xf32, #tpu.memory_space<vmem>> -> memref<120x128xf32, #tpu.memory_space<vmem>>
      %dma_start3A_38 = arith.constant 0 : i32
      %dma_start3A_39 = tpu.memref_slice %arg8[%add3A_14, %dma_start3A_38] : memref<10112x128xf32, #tpu.memory_space<vmem_shared>> -> memref<120x128xf32, #tpu.memory_space<vmem_shared>>
      %dma_start3A_40 = arith.constant 0 : i32
      %dma_start3A_41 = tpu.memref_slice %arg8[%add3A_14, %dma_start3A_40] : memref<10112x128xf32, #tpu.memory_space<vmem_shared>> -> memref<120x128xf32, #tpu.memory_space<vmem_shared>>
      %dma_start3A_42 = arith.constant 0 : i32
      %dma_start3A_43 = arith.constant 0 : i32
      %dma_start3A_44 = tpu.memref_slice %arg6[%dma_start3A_42, %dma_start3A_43] : memref<128x128xf32, #tpu.memory_space<vmem>> -> memref<120x128xf32, #tpu.memory_space<vmem>>
      tpu.enqueue_dma source(%dma_start3A_44 : memref<120x128xf32, #tpu.memory_space<vmem>>) target(%dma_start3A_41 : memref<120x128xf32, #tpu.memory_space<vmem_shared>>) target_semaphore(%run_scoped3A : memref<!tpu.dma_semaphore, #tpu.memory_space<semaphore_mem>>)
      %dma_wait3A = arith.constant 0 : i32
      %dma_wait3A_45 = arith.constant 0 : i32
      %dma_wait3A_46 = tpu.memref_slice %arg6[%dma_wait3A, %dma_wait3A_45] : memref<128x128xf32, #tpu.memory_space<vmem>> -> memref<120x128xf32, #tpu.memory_space<vmem>>
      %dma_wait3A_47 = arith.constant 0 : i32
      %dma_wait3A_48 = tpu.memref_slice %arg8[%add3A_14, %dma_wait3A_47] : memref<10112x128xf32, #tpu.memory_space<vmem_shared>> -> memref<120x128xf32, #tpu.memory_space<vmem_shared>>
      %dma_wait3A_49 = arith.constant 0 : i32
      %dma_wait3A_50 = tpu.memref_slice %arg8[%add3A_14, %dma_wait3A_49] : memref<10112x128xf32, #tpu.memory_space<vmem_shared>> -> memref<120x128xf32, #tpu.memory_space<vmem_shared>>
      %dma_wait3A_51 = arith.constant 0 : i32
      %dma_wait3A_52 = arith.constant 0 : i32
      %dma_wait3A_53 = tpu.memref_slice %arg6[%dma_wait3A_51, %dma_wait3A_52] : memref<128x128xf32, #tpu.memory_space<vmem>> -> memref<120x128xf32, #tpu.memory_space<vmem>>
      tpu.wait_dma2 semaphore(%run_scoped3A : memref<!tpu.dma_semaphore, #tpu.memory_space<semaphore_mem>>) src(%dma_wait3A_53 : memref<120x128xf32, #tpu.memory_space<vmem>>) dst(%dma_wait3A_50 : memref<120x128xf32, #tpu.memory_space<vmem_shared>>)
      tpu.yield
    }) : () -> ()
    %barrier3A = arith.constant 0 : index
    tpu.barrier barrier_id(%barrier3A)
    "tpu.region"() ({
      %run_scoped3A = tpu.sem_alloc : memref<!tpu.dma_semaphore, #tpu.memory_space<semaphore_mem>>
      %dma_start3A_35 = arith.constant 0 : i32
      %dma_start3A_36 = arith.constant 0 : i32
      %dma_start3A_37 = tpu.memref_slice %arg3[%arg0, %arg1, %dma_start3A_35, %dma_start3A_36] : memref<2x16x80x128xi32, #tpu.memory_space<hbm>> -> memref<1x1x80x128xi32, #tpu.memory_space<hbm>>
      %dma_start3A_38 = tpu.memref_squeeze %dma_start3A_37 : memref<1x1x80x128xi32, #tpu.memory_space<hbm>> -> memref<80x128xi32, #tpu.memory_space<hbm>>
      %dma_start3A_39 = arith.constant 0 : i32
      %dma_start3A_40 = arith.constant 0 : i32
      %dma_start3A_41 = tpu.memref_slice %arg3[%arg0, %arg1, %dma_start3A_39, %dma_start3A_40] : memref<2x16x80x128xi32, #tpu.memory_space<hbm>> -> memref<1x1x80x128xi32, #tpu.memory_space<hbm>>
      %dma_start3A_42 = tpu.memref_squeeze %dma_start3A_41 : memref<1x1x80x128xi32, #tpu.memory_space<hbm>> -> memref<80x128xi32, #tpu.memory_space<hbm>>
      tpu.enqueue_dma source(%dma_start3A_42 : memref<80x128xi32, #tpu.memory_space<hbm>>) target(%arg5 : memref<80x128xi32, #tpu.memory_space<vmem>>) target_semaphore(%run_scoped3A : memref<!tpu.dma_semaphore, #tpu.memory_space<semaphore_mem>>)
      %dma_wait3A = arith.constant 0 : i32
      %dma_wait3A_43 = arith.constant 0 : i32
      %dma_wait3A_44 = tpu.memref_slice %arg3[%arg0, %arg1, %dma_wait3A, %dma_wait3A_43] : memref<2x16x80x128xi32, #tpu.memory_space<hbm>> -> memref<1x1x80x128xi32, #tpu.memory_space<hbm>>
      %dma_wait3A_45 = tpu.memref_squeeze %dma_wait3A_44 : memref<1x1x80x128xi32, #tpu.memory_space<hbm>> -> memref<80x128xi32, #tpu.memory_space<hbm>>
      %dma_wait3A_46 = arith.constant 0 : i32
      %dma_wait3A_47 = arith.constant 0 : i32
      %dma_wait3A_48 = tpu.memref_slice %arg3[%arg0, %arg1, %dma_wait3A_46, %dma_wait3A_47] : memref<2x16x80x128xi32, #tpu.memory_space<hbm>> -> memref<1x1x80x128xi32, #tpu.memory_space<hbm>>
      %dma_wait3A_49 = tpu.memref_squeeze %dma_wait3A_48 : memref<1x1x80x128xi32, #tpu.memory_space<hbm>> -> memref<80x128xi32, #tpu.memory_space<hbm>>
      tpu.wait_dma2 semaphore(%run_scoped3A : memref<!tpu.dma_semaphore, #tpu.memory_space<semaphore_mem>>) src(%dma_wait3A_49 : memref<80x128xi32, #tpu.memory_space<hbm>>) dst(%arg5 : memref<80x128xi32, #tpu.memory_space<vmem>>)
      tpu.yield
    }) : () -> ()
    %dma_start3A = arith.constant 0 : i32
    %dma_start3A_15 = arith.constant 0 : i32
    %dma_start3A_16 = tpu.memref_slice %arg2[%arg0, %arg1, %dma_start3A, %dma_start3A_15] : memref<2x16x10240x128xf32, #tpu.memory_space<hbm>> -> memref<1x1x128x128xf32, #tpu.memory_space<hbm>>
    %dma_start3A_17 = tpu.memref_squeeze %dma_start3A_16 : memref<1x1x128x128xf32, #tpu.memory_space<hbm>> -> memref<128x128xf32, #tpu.memory_space<hbm>>
    %dma_start3A_18 = arith.constant 0 : i32
    %dma_start3A_19 = arith.constant 0 : i32
    %dma_start3A_20 = tpu.memref_slice %arg2[%arg0, %arg1, %dma_start3A_18, %dma_start3A_19] : memref<2x16x10240x128xf32, #tpu.memory_space<hbm>> -> memref<1x1x128x128xf32, #tpu.memory_space<hbm>>
    %dma_start3A_21 = tpu.memref_squeeze %dma_start3A_20 : memref<1x1x128x128xf32, #tpu.memory_space<hbm>> -> memref<128x128xf32, #tpu.memory_space<hbm>>
    tpu.enqueue_dma source(%dma_start3A_21 : memref<128x128xf32, #tpu.memory_space<hbm>>) target(%arg6 : memref<128x128xf32, #tpu.memory_space<vmem>>) target_semaphore(%arg9 : memref<!tpu.dma_semaphore, #tpu.memory_space<semaphore_mem>>)
    %scan3A_22 = arith.constant 0 : i32
    %scan3A_23 = arith.constant 0 : i32
    %scan3A_24 = arith.constant 40 : i32
    %scan3A_25 = arith.addi %scan3A_23, %scan3A_24 : i32
    %scan3A_26 = arith.constant 1 : i32
    scf.for %scan3A_35 = %scan3A_23 to %scan3A_25 step %scan3A_26  : i32 {
      %mul3A_36 = arith.constant 2 : i32
      %mul3A_37 = arith.muli %mul3A_36, %scan3A_35 : i32
      %add3A_38 = arith.constant 0 : i32
      %add3A_39 = arith.addi %add3A_38, %mul3A_37 : i32
      %add3A_40 = arith.constant 1 : i32
      %add3A_41 = arith.addi %add3A_39, %add3A_40 : i32
      %mul3A_42 = arith.constant 128 : i32
      %mul3A_43 = arith.muli %add3A_41, %mul3A_42 : i32
      %dma_start3A_44 = arith.constant 0 : i32
      %dma_start3A_45 = tpu.memref_slice %arg2[%arg0, %arg1, %mul3A_43, %dma_start3A_44] : memref<2x16x10240x128xf32, #tpu.memory_space<hbm>> -> memref<1x1x128x128xf32, #tpu.memory_space<hbm>>
      %dma_start3A_46 = tpu.memref_squeeze %dma_start3A_45 : memref<1x1x128x128xf32, #tpu.memory_space<hbm>> -> memref<128x128xf32, #tpu.memory_space<hbm>>
      %dma_start3A_47 = arith.constant 0 : i32
      %dma_start3A_48 = tpu.memref_slice %arg2[%arg0, %arg1, %mul3A_43, %dma_start3A_47] : memref<2x16x10240x128xf32, #tpu.memory_space<hbm>> -> memref<1x1x128x128xf32, #tpu.memory_space<hbm>>
      %dma_start3A_49 = tpu.memref_squeeze %dma_start3A_48 : memref<1x1x128x128xf32, #tpu.memory_space<hbm>> -> memref<128x128xf32, #tpu.memory_space<hbm>>
      tpu.enqueue_dma source(%dma_start3A_49 : memref<128x128xf32, #tpu.memory_space<hbm>>) target(%arg7 : memref<128x128xf32, #tpu.memory_space<vmem>>) target_semaphore(%arg10 : memref<!tpu.dma_semaphore, #tpu.memory_space<semaphore_mem>>)
      %add3A_50 = arith.constant 0 : i32
      %add3A_51 = arith.addi %add3A_50, %mul3A_37 : i32
      %mul3A_52 = arith.constant 128 : i32
      %mul3A_53 = arith.muli %add3A_51, %mul3A_52 : i32
      %dma_wait3A = arith.constant 0 : i32
      %dma_wait3A_54 = tpu.memref_slice %arg2[%arg0, %arg1, %mul3A_53, %dma_wait3A] : memref<2x16x10240x128xf32, #tpu.memory_space<hbm>> -> memref<1x1x128x128xf32, #tpu.memory_space<hbm>>
      %dma_wait3A_55 = tpu.memref_squeeze %dma_wait3A_54 : memref<1x1x128x128xf32, #tpu.memory_space<hbm>> -> memref<128x128xf32, #tpu.memory_space<hbm>>
      %dma_wait3A_56 = arith.constant 0 : i32
      %dma_wait3A_57 = tpu.memref_slice %arg2[%arg0, %arg1, %mul3A_53, %dma_wait3A_56] : memref<2x16x10240x128xf32, #tpu.memory_space<hbm>> -> memref<1x1x128x128xf32, #tpu.memory_space<hbm>>
      %dma_wait3A_58 = tpu.memref_squeeze %dma_wait3A_57 : memref<1x1x128x128xf32, #tpu.memory_space<hbm>> -> memref<128x128xf32, #tpu.memory_space<hbm>>
      tpu.wait_dma2 semaphore(%arg9 : memref<!tpu.dma_semaphore, #tpu.memory_space<semaphore_mem>>) src(%dma_wait3A_58 : memref<128x128xf32, #tpu.memory_space<hbm>>) dst(%arg6 : memref<128x128xf32, #tpu.memory_space<vmem>>)
      "tpu.region"() ({
        %run_scoped3A = tpu.sem_alloc : memref<!tpu.dma_semaphore, #tpu.memory_space<semaphore_mem>>
        %dma_start3A_80 = arith.constant 0 : i32
        %dma_start3A_81 = tpu.memref_slice %arg5[%mul3A_37, %dma_start3A_80] : memref<80x128xi32, #tpu.memory_space<vmem>> -> memref<1x128xi32, #tpu.memory_space<vmem>>
        %dma_start3A_82 = tpu.memref_squeeze %dma_start3A_81 : memref<1x128xi32, #tpu.memory_space<vmem>> -> memref<128xi32, #tpu.memory_space<vmem>>
        %dma_start3A_83 = arith.constant 0 : i32
        %dma_start3A_84 = arith.constant 0 : i32
        %dma_start3A_85 = tpu.memref_slice %arg8[%dma_start3A_83, %dma_start3A_84] : memref<10112x128xf32, #tpu.memory_space<vmem_shared>> -> memref<10112x128xf32, #tpu.memory_space<vmem_shared>>
        tpu.enqueue_indirect_dma source(%arg6 : memref<128x128xf32, #tpu.memory_space<vmem>>) target(%dma_start3A_85 : memref<10112x128xf32, #tpu.memory_space<vmem_shared>>) offsets(%dma_start3A_82 : memref<128xi32, #tpu.memory_space<vmem>>) semaphore(%run_scoped3A : memref<!tpu.dma_semaphore, #tpu.memory_space<semaphore_mem>>) {add = true}
        %dma_wait3A_86 = arith.constant 0 : i32
        %dma_wait3A_87 = tpu.memref_slice %arg5[%mul3A_37, %dma_wait3A_86] : memref<80x128xi32, #tpu.memory_space<vmem>> -> memref<1x128xi32, #tpu.memory_space<vmem>>
        %dma_wait3A_88 = tpu.memref_squeeze %dma_wait3A_87 : memref<1x128xi32, #tpu.memory_space<vmem>> -> memref<128xi32, #tpu.memory_space<vmem>>
        %dma_wait3A_89 = arith.constant 0 : i32
        %dma_wait3A_90 = arith.constant 0 : i32
        %dma_wait3A_91 = tpu.memref_slice %arg8[%dma_wait3A_89, %dma_wait3A_90] : memref<10112x128xf32, #tpu.memory_space<vmem_shared>> -> memref<10112x128xf32, #tpu.memory_space<vmem_shared>>
        tpu.wait_indirect_dma semaphore(%run_scoped3A : memref<!tpu.dma_semaphore, #tpu.memory_space<semaphore_mem>>) src(%arg6 : memref<128x128xf32, #tpu.memory_space<vmem>>) dst(%dma_wait3A_91 : memref<10112x128xf32, #tpu.memory_space<vmem_shared>>)
        tpu.yield
      }) : () -> ()
      %add3A_59 = arith.constant 2 : i32
      %add3A_60 = arith.addi %mul3A_37, %add3A_59 : i32
      %lt3A_61 = arith.constant 80 : i32
      %lt3A_62 = arith.cmpi slt, %add3A_60, %lt3A_61 : i32
      %convert_element_type3A_63 = arith.extui %lt3A_62 : i1 to i32
      %cond3A_64 = arith.constant 0 : i32
      %cond3A_65 = arith.cmpi ne, %convert_element_type3A_63, %cond3A_64 : i32
      scf.if %cond3A_65 {
        %add3A_80 = arith.constant 0 : i32
        %add3A_81 = arith.addi %add3A_80, %mul3A_37 : i32
        %add3A_82 = arith.constant 2 : i32
        %add3A_83 = arith.addi %add3A_81, %add3A_82 : i32
        %mul3A_84 = arith.constant 128 : i32
        %mul3A_85 = arith.muli %add3A_83, %mul3A_84 : i32
        %dma_start3A_86 = arith.constant 0 : i32
        %dma_start3A_87 = tpu.memref_slice %arg2[%arg0, %arg1, %mul3A_85, %dma_start3A_86] : memref<2x16x10240x128xf32, #tpu.memory_space<hbm>> -> memref<1x1x128x128xf32, #tpu.memory_space<hbm>>
        %dma_start3A_88 = tpu.memref_squeeze %dma_start3A_87 : memref<1x1x128x128xf32, #tpu.memory_space<hbm>> -> memref<128x128xf32, #tpu.memory_space<hbm>>
        %dma_start3A_89 = arith.constant 0 : i32
        %dma_start3A_90 = tpu.memref_slice %arg2[%arg0, %arg1, %mul3A_85, %dma_start3A_89] : memref<2x16x10240x128xf32, #tpu.memory_space<hbm>> -> memref<1x1x128x128xf32, #tpu.memory_space<hbm>>
        %dma_start3A_91 = tpu.memref_squeeze %dma_start3A_90 : memref<1x1x128x128xf32, #tpu.memory_space<hbm>> -> memref<128x128xf32, #tpu.memory_space<hbm>>
        tpu.enqueue_dma source(%dma_start3A_91 : memref<128x128xf32, #tpu.memory_space<hbm>>) target(%arg6 : memref<128x128xf32, #tpu.memory_space<vmem>>) target_semaphore(%arg9 : memref<!tpu.dma_semaphore, #tpu.memory_space<semaphore_mem>>)
      } else {
      }
      %add3A_66 = arith.constant 0 : i32
      %add3A_67 = arith.addi %add3A_66, %mul3A_37 : i32
      %add3A_68 = arith.constant 1 : i32
      %add3A_69 = arith.addi %add3A_67, %add3A_68 : i32
      %mul3A_70 = arith.constant 128 : i32
      %mul3A_71 = arith.muli %add3A_69, %mul3A_70 : i32
      %dma_wait3A_72 = arith.constant 0 : i32
      %dma_wait3A_73 = tpu.memref_slice %arg2[%arg0, %arg1, %mul3A_71, %dma_wait3A_72] : memref<2x16x10240x128xf32, #tpu.memory_space<hbm>> -> memref<1x1x128x128xf32, #tpu.memory_space<hbm>>
      %dma_wait3A_74 = tpu.memref_squeeze %dma_wait3A_73 : memref<1x1x128x128xf32, #tpu.memory_space<hbm>> -> memref<128x128xf32, #tpu.memory_space<hbm>>
      %dma_wait3A_75 = arith.constant 0 : i32
      %dma_wait3A_76 = tpu.memref_slice %arg2[%arg0, %arg1, %mul3A_71, %dma_wait3A_75] : memref<2x16x10240x128xf32, #tpu.memory_space<hbm>> -> memref<1x1x128x128xf32, #tpu.memory_space<hbm>>
      %dma_wait3A_77 = tpu.memref_squeeze %dma_wait3A_76 : memref<1x1x128x128xf32, #tpu.memory_space<hbm>> -> memref<128x128xf32, #tpu.memory_space<hbm>>
      tpu.wait_dma2 semaphore(%arg10 : memref<!tpu.dma_semaphore, #tpu.memory_space<semaphore_mem>>) src(%dma_wait3A_77 : memref<128x128xf32, #tpu.memory_space<hbm>>) dst(%arg7 : memref<128x128xf32, #tpu.memory_space<vmem>>)
      %add3A_78 = arith.constant 1 : i32
      %add3A_79 = arith.addi %mul3A_37, %add3A_78 : i32
      "tpu.region"() ({
        %run_scoped3A = tpu.sem_alloc : memref<!tpu.dma_semaphore, #tpu.memory_space<semaphore_mem>>
        %dma_start3A_80 = arith.constant 0 : i32
        %dma_start3A_81 = tpu.memref_slice %arg5[%add3A_79, %dma_start3A_80] : memref<80x128xi32, #tpu.memory_space<vmem>> -> memref<1x128xi32, #tpu.memory_space<vmem>>
        %dma_start3A_82 = tpu.memref_squeeze %dma_start3A_81 : memref<1x128xi32, #tpu.memory_space<vmem>> -> memref<128xi32, #tpu.memory_space<vmem>>
        %dma_start3A_83 = arith.constant 0 : i32
        %dma_start3A_84 = arith.constant 0 : i32
        %dma_start3A_85 = tpu.memref_slice %arg8[%dma_start3A_83, %dma_start3A_84] : memref<10112x128xf32, #tpu.memory_space<vmem_shared>> -> memref<10112x128xf32, #tpu.memory_space<vmem_shared>>
        tpu.enqueue_indirect_dma source(%arg7 : memref<128x128xf32, #tpu.memory_space<vmem>>) target(%dma_start3A_85 : memref<10112x128xf32, #tpu.memory_space<vmem_shared>>) offsets(%dma_start3A_82 : memref<128xi32, #tpu.memory_space<vmem>>) semaphore(%run_scoped3A : memref<!tpu.dma_semaphore, #tpu.memory_space<semaphore_mem>>) {add = true}
        %dma_wait3A_86 = arith.constant 0 : i32
        %dma_wait3A_87 = tpu.memref_slice %arg5[%add3A_79, %dma_wait3A_86] : memref<80x128xi32, #tpu.memory_space<vmem>> -> memref<1x128xi32, #tpu.memory_space<vmem>>
        %dma_wait3A_88 = tpu.memref_squeeze %dma_wait3A_87 : memref<1x128xi32, #tpu.memory_space<vmem>> -> memref<128xi32, #tpu.memory_space<vmem>>
        %dma_wait3A_89 = arith.constant 0 : i32
        %dma_wait3A_90 = arith.constant 0 : i32
        %dma_wait3A_91 = tpu.memref_slice %arg8[%dma_wait3A_89, %dma_wait3A_90] : memref<10112x128xf32, #tpu.memory_space<vmem_shared>> -> memref<10112x128xf32, #tpu.memory_space<vmem_shared>>
        tpu.wait_indirect_dma semaphore(%run_scoped3A : memref<!tpu.dma_semaphore, #tpu.memory_space<semaphore_mem>>) src(%arg7 : memref<128x128xf32, #tpu.memory_space<vmem>>) dst(%dma_wait3A_91 : memref<10112x128xf32, #tpu.memory_space<vmem_shared>>)
        tpu.yield
      }) : () -> ()
    }
    %scan3A_27 = arith.constant 40 : i32
    %barrier3A_28 = arith.constant 0 : index
    tpu.barrier barrier_id(%barrier3A_28)
    %lt3A = arith.constant 15 : i32
    %lt3A_29 = arith.cmpi slt, %arg1, %lt3A : i32
    %convert_element_type3A = arith.extui %lt3A_29 : i1 to i32
    %cond3A = arith.constant 0 : i32
    %cond3A_30 = arith.cmpi ne, %convert_element_type3A, %cond3A : i32
    scf.if %cond3A_30 {
      "tpu.region"() ({
        %run_scoped3A = tpu.sem_alloc : memref<!tpu.dma_semaphore, #tpu.memory_space<semaphore_mem>>
        %dma_start3A_35 = arith.constant 0 : i32
        %dma_start3A_36 = tpu.memref_slice %arg4[%arg0, %mul3A_0, %dma_start3A_35] : memref<2x10000x128xf32, #tpu.memory_space<hbm>> -> memref<1x632x128xf32, #tpu.memory_space<hbm>>
        %dma_start3A_37 = tpu.memref_squeeze %dma_start3A_36 : memref<1x632x128xf32, #tpu.memory_space<hbm>> -> memref<632x128xf32, #tpu.memory_space<hbm>>
        %dma_start3A_38 = arith.constant 0 : i32
        %dma_start3A_39 = tpu.memref_slice %arg8[%mul3A_0, %dma_start3A_38] : memref<10112x128xf32, #tpu.memory_space<vmem_shared>> -> memref<632x128xf32, #tpu.memory_space<vmem_shared>>
        tpu.enqueue_dma source(%dma_start3A_39 : memref<632x128xf32, #tpu.memory_space<vmem_shared>>) target(%dma_start3A_37 : memref<632x128xf32, #tpu.memory_space<hbm>>) target_semaphore(%run_scoped3A : memref<!tpu.dma_semaphore, #tpu.memory_space<semaphore_mem>>)
        %dma_wait3A = arith.constant 0 : i32
        %dma_wait3A_40 = tpu.memref_slice %arg4[%arg0, %mul3A_0, %dma_wait3A] : memref<2x10000x128xf32, #tpu.memory_space<hbm>> -> memref<1x632x128xf32, #tpu.memory_space<hbm>>
        %dma_wait3A_41 = tpu.memref_squeeze %dma_wait3A_40 : memref<1x632x128xf32, #tpu.memory_space<hbm>> -> memref<632x128xf32, #tpu.memory_space<hbm>>
        %dma_wait3A_42 = arith.constant 0 : i32
        %dma_wait3A_43 = tpu.memref_slice %arg8[%mul3A_0, %dma_wait3A_42] : memref<10112x128xf32, #tpu.memory_space<vmem_shared>> -> memref<632x128xf32, #tpu.memory_space<vmem_shared>>
        tpu.wait_dma2 semaphore(%run_scoped3A : memref<!tpu.dma_semaphore, #tpu.memory_space<semaphore_mem>>) src(%dma_wait3A_43 : memref<632x128xf32, #tpu.memory_space<vmem_shared>>) dst(%dma_wait3A_41 : memref<632x128xf32, #tpu.memory_space<hbm>>)
        tpu.yield
      }) : () -> ()
    } else {
    }
    %eq3A = arith.constant 15 : i32
    %eq3A_31 = arith.cmpi eq, %arg1, %eq3A : i32
    %convert_element_type3A_32 = arith.extui %eq3A_31 : i1 to i32
    %cond3A_33 = arith.constant 0 : i32
    %cond3A_34 = arith.cmpi ne, %convert_element_type3A_32, %cond3A_33 : i32
    scf.if %cond3A_34 {
      "tpu.region"() ({
        %run_scoped3A = tpu.sem_alloc : memref<!tpu.dma_semaphore, #tpu.memory_space<semaphore_mem>>
        %dma_start3A_35 = arith.constant 9480 : i32
        %dma_start3A_36 = arith.constant 0 : i32
        %dma_start3A_37 = tpu.memref_slice %arg4[%arg0, %dma_start3A_35, %dma_start3A_36] : memref<2x10000x128xf32, #tpu.memory_space<hbm>> -> memref<1x520x128xf32, #tpu.memory_space<hbm>>
        %dma_start3A_38 = tpu.memref_squeeze %dma_start3A_37 : memref<1x520x128xf32, #tpu.memory_space<hbm>> -> memref<520x128xf32, #tpu.memory_space<hbm>>
        %dma_start3A_39 = arith.constant 9480 : i32
        %dma_start3A_40 = arith.constant 0 : i32
        %dma_start3A_41 = tpu.memref_slice %arg8[%dma_start3A_39, %dma_start3A_40] : memref<10112x128xf32, #tpu.memory_space<vmem_shared>> -> memref<520x128xf32, #tpu.memory_space<vmem_shared>>
        tpu.enqueue_dma source(%dma_start3A_41 : memref<520x128xf32, #tpu.memory_space<vmem_shared>>) target(%dma_start3A_38 : memref<520x128xf32, #tpu.memory_space<hbm>>) target_semaphore(%run_scoped3A : memref<!tpu.dma_semaphore, #tpu.memory_space<semaphore_mem>>)
        %dma_wait3A = arith.constant 9480 : i32
        %dma_wait3A_42 = arith.constant 0 : i32
        %dma_wait3A_43 = tpu.memref_slice %arg4[%arg0, %dma_wait3A, %dma_wait3A_42] : memref<2x10000x128xf32, #tpu.memory_space<hbm>> -> memref<1x520x128xf32, #tpu.memory_space<hbm>>
        %dma_wait3A_44 = tpu.memref_squeeze %dma_wait3A_43 : memref<1x520x128xf32, #tpu.memory_space<hbm>> -> memref<520x128xf32, #tpu.memory_space<hbm>>
        %dma_wait3A_45 = arith.constant 9480 : i32
        %dma_wait3A_46 = arith.constant 0 : i32
        %dma_wait3A_47 = tpu.memref_slice %arg8[%dma_wait3A_45, %dma_wait3A_46] : memref<10112x128xf32, #tpu.memory_space<vmem_shared>> -> memref<520x128xf32, #tpu.memory_space<vmem_shared>>
        tpu.wait_dma2 semaphore(%run_scoped3A : memref<!tpu.dma_semaphore, #tpu.memory_space<semaphore_mem>>) src(%dma_wait3A_47 : memref<520x128xf32, #tpu.memory_space<vmem_shared>>) dst(%dma_wait3A_44 : memref<520x128xf32, #tpu.memory_space<hbm>>)
        tpu.yield
      }) : () -> ()
    } else {
    }
    return
  }
}

#map = affine_map<(d0, d1) -> (0, 0)>
#map1 = affine_map<(d0, d1) -> (0, 0, 0, 0)>
module attributes {stable_mosaic.version = 14 : i64} {
  func.func @_permute_body(%arg0: i32, %arg1: i32, %arg2: memref<10000x128xf32, #tpu.memory_space<hbm>>, %arg3: memref<2x16x80x128xi32, #tpu.memory_space<hbm>>, %arg4: memref<2x16x10240x128xf32, #tpu.memory_space<hbm>>, %arg5: memref<80x128xi32, #tpu.memory_space<vmem>>, %arg6: memref<128x128xf32, #tpu.memory_space<vmem>>, %arg7: memref<128x128xf32, #tpu.memory_space<vmem>>, %arg8: memref<10000x128xf32, #tpu.memory_space<vmem_shared>>, %arg9: memref<!tpu.dma_semaphore, #tpu.memory_space<semaphore_mem>>, %arg10: memref<!tpu.dma_semaphore, #tpu.memory_space<semaphore_mem>>) attributes {dimension_semantics = [#tpu.dimension_semantics<core_parallel>, #tpu.dimension_semantics<subcore_parallel>], iteration_bounds = array<i64: 2, 16>, scalar_prefetch = 0 : i64, scratch_operands = 6 : i64, tpu.core_type = #tpu.core_type<sc_vector_subcore>, window_params = [{transform_indices = #map}, {transform_indices = #map1}, {transform_indices = #map1}]} {
    %mul3A = arith.constant 632 : i32
    %mul3A_0 = arith.muli %arg1, %mul3A : i32
    %lt3A = arith.constant 15 : i32
    %lt3A_1 = arith.cmpi slt, %arg1, %lt3A : i32
    %convert_element_type3A = arith.extui %lt3A_1 : i1 to i32
    %cond3A = arith.constant 0 : i32
    %cond3A_2 = arith.cmpi ne, %convert_element_type3A, %cond3A : i32
    scf.if %cond3A_2 {
      "tpu.region"() ({
        %run_scoped3A = tpu.sem_alloc : memref<!tpu.dma_semaphore, #tpu.memory_space<semaphore_mem>>
        %dma_start3A_18 = arith.constant 0 : i32
        %dma_start3A_19 = tpu.memref_slice %arg8[%mul3A_0, %dma_start3A_18] : memref<10000x128xf32, #tpu.memory_space<vmem_shared>> -> memref<632x128xf32, #tpu.memory_space<vmem_shared>>
        %dma_start3A_20 = arith.constant 0 : i32
        %dma_start3A_21 = tpu.memref_slice %arg2[%mul3A_0, %dma_start3A_20] : memref<10000x128xf32, #tpu.memory_space<hbm>> -> memref<632x128xf32, #tpu.memory_space<hbm>>
        tpu.enqueue_dma source(%dma_start3A_21 : memref<632x128xf32, #tpu.memory_space<hbm>>) target(%dma_start3A_19 : memref<632x128xf32, #tpu.memory_space<vmem_shared>>) target_semaphore(%run_scoped3A : memref<!tpu.dma_semaphore, #tpu.memory_space<semaphore_mem>>)
        %dma_wait3A = arith.constant 0 : i32
        %dma_wait3A_22 = tpu.memref_slice %arg8[%mul3A_0, %dma_wait3A] : memref<10000x128xf32, #tpu.memory_space<vmem_shared>> -> memref<632x128xf32, #tpu.memory_space<vmem_shared>>
        %dma_wait3A_23 = arith.constant 0 : i32
        %dma_wait3A_24 = tpu.memref_slice %arg2[%mul3A_0, %dma_wait3A_23] : memref<10000x128xf32, #tpu.memory_space<hbm>> -> memref<632x128xf32, #tpu.memory_space<hbm>>
        tpu.wait_dma2 semaphore(%run_scoped3A : memref<!tpu.dma_semaphore, #tpu.memory_space<semaphore_mem>>) src(%dma_wait3A_24 : memref<632x128xf32, #tpu.memory_space<hbm>>) dst(%dma_wait3A_22 : memref<632x128xf32, #tpu.memory_space<vmem_shared>>)
        tpu.yield
      }) : () -> ()
    } else {
    }
    %eq3A = arith.constant 15 : i32
    %eq3A_3 = arith.cmpi eq, %arg1, %eq3A : i32
    %convert_element_type3A_4 = arith.extui %eq3A_3 : i1 to i32
    %cond3A_5 = arith.constant 0 : i32
    %cond3A_6 = arith.cmpi ne, %convert_element_type3A_4, %cond3A_5 : i32
    scf.if %cond3A_6 {
      "tpu.region"() ({
        %run_scoped3A = tpu.sem_alloc : memref<!tpu.dma_semaphore, #tpu.memory_space<semaphore_mem>>
        %dma_start3A_18 = arith.constant 9480 : i32
        %dma_start3A_19 = arith.constant 0 : i32
        %dma_start3A_20 = tpu.memref_slice %arg8[%dma_start3A_18, %dma_start3A_19] : memref<10000x128xf32, #tpu.memory_space<vmem_shared>> -> memref<520x128xf32, #tpu.memory_space<vmem_shared>>
        %dma_start3A_21 = arith.constant 9480 : i32
        %dma_start3A_22 = arith.constant 0 : i32
        %dma_start3A_23 = tpu.memref_slice %arg2[%dma_start3A_21, %dma_start3A_22] : memref<10000x128xf32, #tpu.memory_space<hbm>> -> memref<520x128xf32, #tpu.memory_space<hbm>>
        tpu.enqueue_dma source(%dma_start3A_23 : memref<520x128xf32, #tpu.memory_space<hbm>>) target(%dma_start3A_20 : memref<520x128xf32, #tpu.memory_space<vmem_shared>>) target_semaphore(%run_scoped3A : memref<!tpu.dma_semaphore, #tpu.memory_space<semaphore_mem>>)
        %dma_wait3A = arith.constant 9480 : i32
        %dma_wait3A_24 = arith.constant 0 : i32
        %dma_wait3A_25 = tpu.memref_slice %arg8[%dma_wait3A, %dma_wait3A_24] : memref<10000x128xf32, #tpu.memory_space<vmem_shared>> -> memref<520x128xf32, #tpu.memory_space<vmem_shared>>
        %dma_wait3A_26 = arith.constant 9480 : i32
        %dma_wait3A_27 = arith.constant 0 : i32
        %dma_wait3A_28 = tpu.memref_slice %arg2[%dma_wait3A_26, %dma_wait3A_27] : memref<10000x128xf32, #tpu.memory_space<hbm>> -> memref<520x128xf32, #tpu.memory_space<hbm>>
        tpu.wait_dma2 semaphore(%run_scoped3A : memref<!tpu.dma_semaphore, #tpu.memory_space<semaphore_mem>>) src(%dma_wait3A_28 : memref<520x128xf32, #tpu.memory_space<hbm>>) dst(%dma_wait3A_25 : memref<520x128xf32, #tpu.memory_space<vmem_shared>>)
        tpu.yield
      }) : () -> ()
    } else {
    }
    %barrier3A = arith.constant 0 : index
    tpu.barrier barrier_id(%barrier3A)
    "tpu.region"() ({
      %run_scoped3A = tpu.sem_alloc : memref<!tpu.dma_semaphore, #tpu.memory_space<semaphore_mem>>
      %dma_start3A_18 = arith.constant 0 : i32
      %dma_start3A_19 = arith.constant 0 : i32
      %dma_start3A_20 = tpu.memref_slice %arg3[%arg0, %arg1, %dma_start3A_18, %dma_start3A_19] : memref<2x16x80x128xi32, #tpu.memory_space<hbm>> -> memref<1x1x80x128xi32, #tpu.memory_space<hbm>>
      %dma_start3A_21 = tpu.memref_squeeze %dma_start3A_20 : memref<1x1x80x128xi32, #tpu.memory_space<hbm>> -> memref<80x128xi32, #tpu.memory_space<hbm>>
      %dma_start3A_22 = arith.constant 0 : i32
      %dma_start3A_23 = arith.constant 0 : i32
      %dma_start3A_24 = tpu.memref_slice %arg3[%arg0, %arg1, %dma_start3A_22, %dma_start3A_23] : memref<2x16x80x128xi32, #tpu.memory_space<hbm>> -> memref<1x1x80x128xi32, #tpu.memory_space<hbm>>
      %dma_start3A_25 = tpu.memref_squeeze %dma_start3A_24 : memref<1x1x80x128xi32, #tpu.memory_space<hbm>> -> memref<80x128xi32, #tpu.memory_space<hbm>>
      tpu.enqueue_dma source(%dma_start3A_25 : memref<80x128xi32, #tpu.memory_space<hbm>>) target(%arg5 : memref<80x128xi32, #tpu.memory_space<vmem>>) target_semaphore(%run_scoped3A : memref<!tpu.dma_semaphore, #tpu.memory_space<semaphore_mem>>)
      %dma_wait3A = arith.constant 0 : i32
      %dma_wait3A_26 = arith.constant 0 : i32
      %dma_wait3A_27 = tpu.memref_slice %arg3[%arg0, %arg1, %dma_wait3A, %dma_wait3A_26] : memref<2x16x80x128xi32, #tpu.memory_space<hbm>> -> memref<1x1x80x128xi32, #tpu.memory_space<hbm>>
      %dma_wait3A_28 = tpu.memref_squeeze %dma_wait3A_27 : memref<1x1x80x128xi32, #tpu.memory_space<hbm>> -> memref<80x128xi32, #tpu.memory_space<hbm>>
      %dma_wait3A_29 = arith.constant 0 : i32
      %dma_wait3A_30 = arith.constant 0 : i32
      %dma_wait3A_31 = tpu.memref_slice %arg3[%arg0, %arg1, %dma_wait3A_29, %dma_wait3A_30] : memref<2x16x80x128xi32, #tpu.memory_space<hbm>> -> memref<1x1x80x128xi32, #tpu.memory_space<hbm>>
      %dma_wait3A_32 = tpu.memref_squeeze %dma_wait3A_31 : memref<1x1x80x128xi32, #tpu.memory_space<hbm>> -> memref<80x128xi32, #tpu.memory_space<hbm>>
      tpu.wait_dma2 semaphore(%run_scoped3A : memref<!tpu.dma_semaphore, #tpu.memory_space<semaphore_mem>>) src(%dma_wait3A_32 : memref<80x128xi32, #tpu.memory_space<hbm>>) dst(%arg5 : memref<80x128xi32, #tpu.memory_space<vmem>>)
      tpu.yield
    }) : () -> ()
    %dma_start3A = arith.constant 0 : i32
    %dma_start3A_7 = arith.constant 0 : i32
    %dma_start3A_8 = tpu.memref_slice %arg5[%dma_start3A, %dma_start3A_7] : memref<80x128xi32, #tpu.memory_space<vmem>> -> memref<1x128xi32, #tpu.memory_space<vmem>>
    %dma_start3A_9 = tpu.memref_squeeze %dma_start3A_8 : memref<1x128xi32, #tpu.memory_space<vmem>> -> memref<128xi32, #tpu.memory_space<vmem>>
    %dma_start3A_10 = arith.constant 0 : i32
    %dma_start3A_11 = arith.constant 0 : i32
    %dma_start3A_12 = tpu.memref_slice %arg8[%dma_start3A_10, %dma_start3A_11] : memref<10000x128xf32, #tpu.memory_space<vmem_shared>> -> memref<10000x128xf32, #tpu.memory_space<vmem_shared>>
    tpu.enqueue_indirect_dma source(%dma_start3A_12 : memref<10000x128xf32, #tpu.memory_space<vmem_shared>>) target(%arg6 : memref<128x128xf32, #tpu.memory_space<vmem>>) offsets(%dma_start3A_9 : memref<128xi32, #tpu.memory_space<vmem>>) semaphore(%arg9 : memref<!tpu.dma_semaphore, #tpu.memory_space<semaphore_mem>>)
    %scan3A = arith.constant 0 : i32
    %scan3A_13 = arith.constant 0 : i32
    %scan3A_14 = arith.constant 40 : i32
    %scan3A_15 = arith.addi %scan3A_13, %scan3A_14 : i32
    %scan3A_16 = arith.constant 1 : i32
    scf.for %scan3A_18 = %scan3A_13 to %scan3A_15 step %scan3A_16  : i32 {
      %mul3A_19 = arith.constant 2 : i32
      %mul3A_20 = arith.muli %mul3A_19, %scan3A_18 : i32
      %add3A = arith.constant 1 : i32
      %add3A_21 = arith.addi %mul3A_20, %add3A : i32
      %dma_start3A_22 = arith.constant 0 : i32
      %dma_start3A_23 = tpu.memref_slice %arg5[%add3A_21, %dma_start3A_22] : memref<80x128xi32, #tpu.memory_space<vmem>> -> memref<1x128xi32, #tpu.memory_space<vmem>>
      %dma_start3A_24 = tpu.memref_squeeze %dma_start3A_23 : memref<1x128xi32, #tpu.memory_space<vmem>> -> memref<128xi32, #tpu.memory_space<vmem>>
      %dma_start3A_25 = arith.constant 0 : i32
      %dma_start3A_26 = arith.constant 0 : i32
      %dma_start3A_27 = tpu.memref_slice %arg8[%dma_start3A_25, %dma_start3A_26] : memref<10000x128xf32, #tpu.memory_space<vmem_shared>> -> memref<10000x128xf32, #tpu.memory_space<vmem_shared>>
      tpu.enqueue_indirect_dma source(%dma_start3A_27 : memref<10000x128xf32, #tpu.memory_space<vmem_shared>>) target(%arg7 : memref<128x128xf32, #tpu.memory_space<vmem>>) offsets(%dma_start3A_24 : memref<128xi32, #tpu.memory_space<vmem>>) semaphore(%arg10 : memref<!tpu.dma_semaphore, #tpu.memory_space<semaphore_mem>>)
      %dma_wait3A = arith.constant 0 : i32
      %dma_wait3A_28 = tpu.memref_slice %arg5[%mul3A_20, %dma_wait3A] : memref<80x128xi32, #tpu.memory_space<vmem>> -> memref<1x128xi32, #tpu.memory_space<vmem>>
      %dma_wait3A_29 = tpu.memref_squeeze %dma_wait3A_28 : memref<1x128xi32, #tpu.memory_space<vmem>> -> memref<128xi32, #tpu.memory_space<vmem>>
      %dma_wait3A_30 = arith.constant 0 : i32
      %dma_wait3A_31 = arith.constant 0 : i32
      %dma_wait3A_32 = tpu.memref_slice %arg8[%dma_wait3A_30, %dma_wait3A_31] : memref<10000x128xf32, #tpu.memory_space<vmem_shared>> -> memref<10000x128xf32, #tpu.memory_space<vmem_shared>>
      tpu.wait_indirect_dma semaphore(%arg9 : memref<!tpu.dma_semaphore, #tpu.memory_space<semaphore_mem>>) src(%dma_wait3A_32 : memref<10000x128xf32, #tpu.memory_space<vmem_shared>>) dst(%arg6 : memref<128x128xf32, #tpu.memory_space<vmem>>)
      %add3A_33 = arith.constant 0 : i32
      %add3A_34 = arith.addi %add3A_33, %mul3A_20 : i32
      %mul3A_35 = arith.constant 128 : i32
      %mul3A_36 = arith.muli %add3A_34, %mul3A_35 : i32
      "tpu.region"() ({
        %run_scoped3A = tpu.sem_alloc : memref<!tpu.dma_semaphore, #tpu.memory_space<semaphore_mem>>
        %dma_start3A_58 = arith.constant 0 : i32
        %dma_start3A_59 = tpu.memref_slice %arg4[%arg0, %arg1, %mul3A_36, %dma_start3A_58] : memref<2x16x10240x128xf32, #tpu.memory_space<hbm>> -> memref<1x1x128x128xf32, #tpu.memory_space<hbm>>
        %dma_start3A_60 = tpu.memref_squeeze %dma_start3A_59 : memref<1x1x128x128xf32, #tpu.memory_space<hbm>> -> memref<128x128xf32, #tpu.memory_space<hbm>>
        %dma_start3A_61 = arith.constant 0 : i32
        %dma_start3A_62 = tpu.memref_slice %arg4[%arg0, %arg1, %mul3A_36, %dma_start3A_61] : memref<2x16x10240x128xf32, #tpu.memory_space<hbm>> -> memref<1x1x128x128xf32, #tpu.memory_space<hbm>>
        %dma_start3A_63 = tpu.memref_squeeze %dma_start3A_62 : memref<1x1x128x128xf32, #tpu.memory_space<hbm>> -> memref<128x128xf32, #tpu.memory_space<hbm>>
        tpu.enqueue_dma source(%arg6 : memref<128x128xf32, #tpu.memory_space<vmem>>) target(%dma_start3A_63 : memref<128x128xf32, #tpu.memory_space<hbm>>) target_semaphore(%run_scoped3A : memref<!tpu.dma_semaphore, #tpu.memory_space<semaphore_mem>>)
        %dma_wait3A_64 = arith.constant 0 : i32
        %dma_wait3A_65 = tpu.memref_slice %arg4[%arg0, %arg1, %mul3A_36, %dma_wait3A_64] : memref<2x16x10240x128xf32, #tpu.memory_space<hbm>> -> memref<1x1x128x128xf32, #tpu.memory_space<hbm>>
        %dma_wait3A_66 = tpu.memref_squeeze %dma_wait3A_65 : memref<1x1x128x128xf32, #tpu.memory_space<hbm>> -> memref<128x128xf32, #tpu.memory_space<hbm>>
        %dma_wait3A_67 = arith.constant 0 : i32
        %dma_wait3A_68 = tpu.memref_slice %arg4[%arg0, %arg1, %mul3A_36, %dma_wait3A_67] : memref<2x16x10240x128xf32, #tpu.memory_space<hbm>> -> memref<1x1x128x128xf32, #tpu.memory_space<hbm>>
        %dma_wait3A_69 = tpu.memref_squeeze %dma_wait3A_68 : memref<1x1x128x128xf32, #tpu.memory_space<hbm>> -> memref<128x128xf32, #tpu.memory_space<hbm>>
        tpu.wait_dma2 semaphore(%run_scoped3A : memref<!tpu.dma_semaphore, #tpu.memory_space<semaphore_mem>>) src(%arg6 : memref<128x128xf32, #tpu.memory_space<vmem>>) dst(%dma_wait3A_69 : memref<128x128xf32, #tpu.memory_space<hbm>>)
        tpu.yield
      }) : () -> ()
      %add3A_37 = arith.constant 2 : i32
      %add3A_38 = arith.addi %mul3A_20, %add3A_37 : i32
      %lt3A_39 = arith.constant 80 : i32
      %lt3A_40 = arith.cmpi slt, %add3A_38, %lt3A_39 : i32
      %convert_element_type3A_41 = arith.extui %lt3A_40 : i1 to i32
      %cond3A_42 = arith.constant 0 : i32
      %cond3A_43 = arith.cmpi ne, %convert_element_type3A_41, %cond3A_42 : i32
      scf.if %cond3A_43 {
        %add3A_58 = arith.constant 2 : i32
        %add3A_59 = arith.addi %mul3A_20, %add3A_58 : i32
        %dma_start3A_60 = arith.constant 0 : i32
        %dma_start3A_61 = tpu.memref_slice %arg5[%add3A_59, %dma_start3A_60] : memref<80x128xi32, #tpu.memory_space<vmem>> -> memref<1x128xi32, #tpu.memory_space<vmem>>
        %dma_start3A_62 = tpu.memref_squeeze %dma_start3A_61 : memref<1x128xi32, #tpu.memory_space<vmem>> -> memref<128xi32, #tpu.memory_space<vmem>>
        %dma_start3A_63 = arith.constant 0 : i32
        %dma_start3A_64 = arith.constant 0 : i32
        %dma_start3A_65 = tpu.memref_slice %arg8[%dma_start3A_63, %dma_start3A_64] : memref<10000x128xf32, #tpu.memory_space<vmem_shared>> -> memref<10000x128xf32, #tpu.memory_space<vmem_shared>>
        tpu.enqueue_indirect_dma source(%dma_start3A_65 : memref<10000x128xf32, #tpu.memory_space<vmem_shared>>) target(%arg6 : memref<128x128xf32, #tpu.memory_space<vmem>>) offsets(%dma_start3A_62 : memref<128xi32, #tpu.memory_space<vmem>>) semaphore(%arg9 : memref<!tpu.dma_semaphore, #tpu.memory_space<semaphore_mem>>)
      } else {
      }
      %add3A_44 = arith.constant 1 : i32
      %add3A_45 = arith.addi %mul3A_20, %add3A_44 : i32
      %dma_wait3A_46 = arith.constant 0 : i32
      %dma_wait3A_47 = tpu.memref_slice %arg5[%add3A_45, %dma_wait3A_46] : memref<80x128xi32, #tpu.memory_space<vmem>> -> memref<1x128xi32, #tpu.memory_space<vmem>>
      %dma_wait3A_48 = tpu.memref_squeeze %dma_wait3A_47 : memref<1x128xi32, #tpu.memory_space<vmem>> -> memref<128xi32, #tpu.memory_space<vmem>>
      %dma_wait3A_49 = arith.constant 0 : i32
      %dma_wait3A_50 = arith.constant 0 : i32
      %dma_wait3A_51 = tpu.memref_slice %arg8[%dma_wait3A_49, %dma_wait3A_50] : memref<10000x128xf32, #tpu.memory_space<vmem_shared>> -> memref<10000x128xf32, #tpu.memory_space<vmem_shared>>
      tpu.wait_indirect_dma semaphore(%arg10 : memref<!tpu.dma_semaphore, #tpu.memory_space<semaphore_mem>>) src(%dma_wait3A_51 : memref<10000x128xf32, #tpu.memory_space<vmem_shared>>) dst(%arg7 : memref<128x128xf32, #tpu.memory_space<vmem>>)
      %add3A_52 = arith.constant 0 : i32
      %add3A_53 = arith.addi %add3A_52, %mul3A_20 : i32
      %add3A_54 = arith.constant 1 : i32
      %add3A_55 = arith.addi %add3A_53, %add3A_54 : i32
      %mul3A_56 = arith.constant 128 : i32
      %mul3A_57 = arith.muli %add3A_55, %mul3A_56 : i32
      "tpu.region"() ({
        %run_scoped3A = tpu.sem_alloc : memref<!tpu.dma_semaphore, #tpu.memory_space<semaphore_mem>>
        %dma_start3A_58 = arith.constant 0 : i32
        %dma_start3A_59 = tpu.memref_slice %arg4[%arg0, %arg1, %mul3A_57, %dma_start3A_58] : memref<2x16x10240x128xf32, #tpu.memory_space<hbm>> -> memref<1x1x128x128xf32, #tpu.memory_space<hbm>>
        %dma_start3A_60 = tpu.memref_squeeze %dma_start3A_59 : memref<1x1x128x128xf32, #tpu.memory_space<hbm>> -> memref<128x128xf32, #tpu.memory_space<hbm>>
        %dma_start3A_61 = arith.constant 0 : i32
        %dma_start3A_62 = tpu.memref_slice %arg4[%arg0, %arg1, %mul3A_57, %dma_start3A_61] : memref<2x16x10240x128xf32, #tpu.memory_space<hbm>> -> memref<1x1x128x128xf32, #tpu.memory_space<hbm>>
        %dma_start3A_63 = tpu.memref_squeeze %dma_start3A_62 : memref<1x1x128x128xf32, #tpu.memory_space<hbm>> -> memref<128x128xf32, #tpu.memory_space<hbm>>
        tpu.enqueue_dma source(%arg7 : memref<128x128xf32, #tpu.memory_space<vmem>>) target(%dma_start3A_63 : memref<128x128xf32, #tpu.memory_space<hbm>>) target_semaphore(%run_scoped3A : memref<!tpu.dma_semaphore, #tpu.memory_space<semaphore_mem>>)
        %dma_wait3A_64 = arith.constant 0 : i32
        %dma_wait3A_65 = tpu.memref_slice %arg4[%arg0, %arg1, %mul3A_57, %dma_wait3A_64] : memref<2x16x10240x128xf32, #tpu.memory_space<hbm>> -> memref<1x1x128x128xf32, #tpu.memory_space<hbm>>
        %dma_wait3A_66 = tpu.memref_squeeze %dma_wait3A_65 : memref<1x1x128x128xf32, #tpu.memory_space<hbm>> -> memref<128x128xf32, #tpu.memory_space<hbm>>
        %dma_wait3A_67 = arith.constant 0 : i32
        %dma_wait3A_68 = tpu.memref_slice %arg4[%arg0, %arg1, %mul3A_57, %dma_wait3A_67] : memref<2x16x10240x128xf32, #tpu.memory_space<hbm>> -> memref<1x1x128x128xf32, #tpu.memory_space<hbm>>
        %dma_wait3A_69 = tpu.memref_squeeze %dma_wait3A_68 : memref<1x1x128x128xf32, #tpu.memory_space<hbm>> -> memref<128x128xf32, #tpu.memory_space<hbm>>
        tpu.wait_dma2 semaphore(%run_scoped3A : memref<!tpu.dma_semaphore, #tpu.memory_space<semaphore_mem>>) src(%arg7 : memref<128x128xf32, #tpu.memory_space<vmem>>) dst(%dma_wait3A_69 : memref<128x128xf32, #tpu.memory_space<hbm>>)
        tpu.yield
      }) : () -> ()
    }
    %scan3A_17 = arith.constant 40 : i32
    return
  }
}

#map = affine_map<(d0, d1) -> (0, 0, 0, 0)>
#map1 = affine_map<(d0, d1) -> (0, 0, 0)>
module attributes {stable_mosaic.version = 14 : i64} {
  func.func @_scatsum_body(%arg0: i32, %arg1: i32, %arg2: memref<2x16x10240x128xf32, #tpu.memory_space<hbm>>, %arg3: memref<2x16x80x128xi32, #tpu.memory_space<hbm>>, %arg4: memref<2x10000x128xf32, #tpu.memory_space<hbm>>, %arg5: memref<80x128xi32, #tpu.memory_space<vmem>>, %arg6: memref<128x128xf32, #tpu.memory_space<vmem>>, %arg7: memref<128x128xf32, #tpu.memory_space<vmem>>, %arg8: memref<10112x128xf32, #tpu.memory_space<vmem_shared>>, %arg9: memref<!tpu.dma_semaphore, #tpu.memory_space<semaphore_mem>>, %arg10: memref<!tpu.dma_semaphore, #tpu.memory_space<semaphore_mem>>) attributes {dimension_semantics = [#tpu.dimension_semantics<core_parallel>, #tpu.dimension_semantics<subcore_parallel>], iteration_bounds = array<i64: 2, 16>, scalar_prefetch = 0 : i64, scratch_operands = 6 : i64, tpu.core_type = #tpu.core_type<sc_vector_subcore>, window_params = [{transform_indices = #map}, {transform_indices = #map}, {transform_indices = #map1}]} {
    %mul3A = arith.constant 632 : i32
    %mul3A_0 = arith.muli %arg1, %mul3A : i32
    %scan3A = arith.constant 0 : i32
    %scan3A_1 = arith.constant 0 : i32
    %scan3A_2 = arith.constant 128 : i32
    %scan3A_3 = arith.addi %scan3A_1, %scan3A_2 : i32
    %scan3A_4 = arith.constant 1 : i32
    scf.for %scan3A_35 = %scan3A_1 to %scan3A_3 step %scan3A_4  : i32 {
      %broadcast_in_dim3A = arith.constant 0.000000e+00 : f32
      %broadcast_in_dim3A_36 = vector.broadcast %broadcast_in_dim3A : f32 to vector<16xf32>
      %swap3A = arith.index_cast %scan3A_35 : i32 to index
      %swap3A_37 = arith.constant 0 : index
      %swap3A_38 = tpu.vector_load %arg6[%swap3A, %swap3A_37] {strides = array<i32>} : memref<128x128xf32, #tpu.memory_space<vmem>>, vector<1x16xf32>,
      %swap3A_39 = vector.shape_cast %swap3A_38 : vector<1x16xf32> to vector<16xf32>
      %swap3A_40 = vector.shape_cast %broadcast_in_dim3A_36 : vector<16xf32> to vector<1x16xf32>
      tpu.vector_store %arg6[%swap3A, %swap3A_37], %swap3A_40 {strides = array<i32>} : memref<128x128xf32, #tpu.memory_space<vmem>>, vector<1x16xf32>,
      %broadcast_in_dim3A_41 = arith.constant 0.000000e+00 : f32
      %broadcast_in_dim3A_42 = vector.broadcast %broadcast_in_dim3A_41 : f32 to vector<16xf32>
      %swap3A_43 = arith.index_cast %scan3A_35 : i32 to index
      %swap3A_44 = arith.constant 16 : index
      %swap3A_45 = tpu.vector_load %arg6[%swap3A_43, %swap3A_44] {strides = array<i32>} : memref<128x128xf32, #tpu.memory_space<vmem>>, vector<1x16xf32>,
      %swap3A_46 = vector.shape_cast %swap3A_45 : vector<1x16xf32> to vector<16xf32>
      %swap3A_47 = vector.shape_cast %broadcast_in_dim3A_42 : vector<16xf32> to vector<1x16xf32>
      tpu.vector_store %arg6[%swap3A_43, %swap3A_44], %swap3A_47 {strides = array<i32>} : memref<128x128xf32, #tpu.memory_space<vmem>>, vector<1x16xf32>,
      %broadcast_in_dim3A_48 = arith.constant 0.000000e+00 : f32
      %broadcast_in_dim3A_49 = vector.broadcast %broadcast_in_dim3A_48 : f32 to vector<16xf32>
      %swap3A_50 = arith.index_cast %scan3A_35 : i32 to index
      %swap3A_51 = arith.constant 32 : index
      %swap3A_52 = tpu.vector_load %arg6[%swap3A_50, %swap3A_51] {strides = array<i32>} : memref<128x128xf32, #tpu.memory_space<vmem>>, vector<1x16xf32>,
      %swap3A_53 = vector.shape_cast %swap3A_52 : vector<1x16xf32> to vector<16xf32>
      %swap3A_54 = vector.shape_cast %broadcast_in_dim3A_49 : vector<16xf32> to vector<1x16xf32>
      tpu.vector_store %arg6[%swap3A_50, %swap3A_51], %swap3A_54 {strides = array<i32>} : memref<128x128xf32, #tpu.memory_space<vmem>>, vector<1x16xf32>,
      %broadcast_in_dim3A_55 = arith.constant 0.000000e+00 : f32
      %broadcast_in_dim3A_56 = vector.broadcast %broadcast_in_dim3A_55 : f32 to vector<16xf32>
      %swap3A_57 = arith.index_cast %scan3A_35 : i32 to index
      %swap3A_58 = arith.constant 48 : index
      %swap3A_59 = tpu.vector_load %arg6[%swap3A_57, %swap3A_58] {strides = array<i32>} : memref<128x128xf32, #tpu.memory_space<vmem>>, vector<1x16xf32>,
      %swap3A_60 = vector.shape_cast %swap3A_59 : vector<1x16xf32> to vector<16xf32>
      %swap3A_61 = vector.shape_cast %broadcast_in_dim3A_56 : vector<16xf32> to vector<1x16xf32>
      tpu.vector_store %arg6[%swap3A_57, %swap3A_58], %swap3A_61 {strides = array<i32>} : memref<128x128xf32, #tpu.memory_space<vmem>>, vector<1x16xf32>,
      %broadcast_in_dim3A_62 = arith.constant 0.000000e+00 : f32
      %broadcast_in_dim3A_63 = vector.broadcast %broadcast_in_dim3A_62 : f32 to vector<16xf32>
      %swap3A_64 = arith.index_cast %scan3A_35 : i32 to index
      %swap3A_65 = arith.constant 64 : index
      %swap3A_66 = tpu.vector_load %arg6[%swap3A_64, %swap3A_65] {strides = array<i32>} : memref<128x128xf32, #tpu.memory_space<vmem>>, vector<1x16xf32>,
      %swap3A_67 = vector.shape_cast %swap3A_66 : vector<1x16xf32> to vector<16xf32>
      %swap3A_68 = vector.shape_cast %broadcast_in_dim3A_63 : vector<16xf32> to vector<1x16xf32>
      tpu.vector_store %arg6[%swap3A_64, %swap3A_65], %swap3A_68 {strides = array<i32>} : memref<128x128xf32, #tpu.memory_space<vmem>>, vector<1x16xf32>,
      %broadcast_in_dim3A_69 = arith.constant 0.000000e+00 : f32
      %broadcast_in_dim3A_70 = vector.broadcast %broadcast_in_dim3A_69 : f32 to vector<16xf32>
      %swap3A_71 = arith.index_cast %scan3A_35 : i32 to index
      %swap3A_72 = arith.constant 80 : index
      %swap3A_73 = tpu.vector_load %arg6[%swap3A_71, %swap3A_72] {strides = array<i32>} : memref<128x128xf32, #tpu.memory_space<vmem>>, vector<1x16xf32>,
      %swap3A_74 = vector.shape_cast %swap3A_73 : vector<1x16xf32> to vector<16xf32>
      %swap3A_75 = vector.shape_cast %broadcast_in_dim3A_70 : vector<16xf32> to vector<1x16xf32>
      tpu.vector_store %arg6[%swap3A_71, %swap3A_72], %swap3A_75 {strides = array<i32>} : memref<128x128xf32, #tpu.memory_space<vmem>>, vector<1x16xf32>,
      %broadcast_in_dim3A_76 = arith.constant 0.000000e+00 : f32
      %broadcast_in_dim3A_77 = vector.broadcast %broadcast_in_dim3A_76 : f32 to vector<16xf32>
      %swap3A_78 = arith.index_cast %scan3A_35 : i32 to index
      %swap3A_79 = arith.constant 96 : index
      %swap3A_80 = tpu.vector_load %arg6[%swap3A_78, %swap3A_79] {strides = array<i32>} : memref<128x128xf32, #tpu.memory_space<vmem>>, vector<1x16xf32>,
      %swap3A_81 = vector.shape_cast %swap3A_80 : vector<1x16xf32> to vector<16xf32>
      %swap3A_82 = vector.shape_cast %broadcast_in_dim3A_77 : vector<16xf32> to vector<1x16xf32>
      tpu.vector_store %arg6[%swap3A_78, %swap3A_79], %swap3A_82 {strides = array<i32>} : memref<128x128xf32, #tpu.memory_space<vmem>>, vector<1x16xf32>,
      %broadcast_in_dim3A_83 = arith.constant 0.000000e+00 : f32
      %broadcast_in_dim3A_84 = vector.broadcast %broadcast_in_dim3A_83 : f32 to vector<16xf32>
      %swap3A_85 = arith.index_cast %scan3A_35 : i32 to index
      %swap3A_86 = arith.constant 112 : index
      %swap3A_87 = tpu.vector_load %arg6[%swap3A_85, %swap3A_86] {strides = array<i32>} : memref<128x128xf32, #tpu.memory_space<vmem>>, vector<1x16xf32>,
      %swap3A_88 = vector.shape_cast %swap3A_87 : vector<1x16xf32> to vector<16xf32>
      %swap3A_89 = vector.shape_cast %broadcast_in_dim3A_84 : vector<16xf32> to vector<1x16xf32>
      tpu.vector_store %arg6[%swap3A_85, %swap3A_86], %swap3A_89 {strides = array<i32>} : memref<128x128xf32, #tpu.memory_space<vmem>>, vector<1x16xf32>,
    }
    %scan3A_5 = arith.constant 128 : i32
    %add3A = arith.constant 0 : i32
    %add3A_6 = arith.addi %mul3A_0, %add3A : i32
    "tpu.region"() ({
      %run_scoped3A = tpu.sem_alloc : memref<!tpu.dma_semaphore, #tpu.memory_space<semaphore_mem>>
      %dma_start3A_35 = arith.constant 0 : i32
      %dma_start3A_36 = tpu.memref_slice %arg8[%add3A_6, %dma_start3A_35] : memref<10112x128xf32, #tpu.memory_space<vmem_shared>> -> memref<128x128xf32, #tpu.memory_space<vmem_shared>>
      %dma_start3A_37 = arith.constant 0 : i32
      %dma_start3A_38 = tpu.memref_slice %arg8[%add3A_6, %dma_start3A_37] : memref<10112x128xf32, #tpu.memory_space<vmem_shared>> -> memref<128x128xf32, #tpu.memory_space<vmem_shared>>
      tpu.enqueue_dma source(%arg6 : memref<128x128xf32, #tpu.memory_space<vmem>>) target(%dma_start3A_38 : memref<128x128xf32, #tpu.memory_space<vmem_shared>>) target_semaphore(%run_scoped3A : memref<!tpu.dma_semaphore, #tpu.memory_space<semaphore_mem>>)
      %dma_wait3A = arith.constant 0 : i32
      %dma_wait3A_39 = tpu.memref_slice %arg8[%add3A_6, %dma_wait3A] : memref<10112x128xf32, #tpu.memory_space<vmem_shared>> -> memref<128x128xf32, #tpu.memory_space<vmem_shared>>
      %dma_wait3A_40 = arith.constant 0 : i32
      %dma_wait3A_41 = tpu.memref_slice %arg8[%add3A_6, %dma_wait3A_40] : memref<10112x128xf32, #tpu.memory_space<vmem_shared>> -> memref<128x128xf32, #tpu.memory_space<vmem_shared>>
      tpu.wait_dma2 semaphore(%run_scoped3A : memref<!tpu.dma_semaphore, #tpu.memory_space<semaphore_mem>>) src(%arg6 : memref<128x128xf32, #tpu.memory_space<vmem>>) dst(%dma_wait3A_41 : memref<128x128xf32, #tpu.memory_space<vmem_shared>>)
      tpu.yield
    }) : () -> ()
    %add3A_7 = arith.constant 128 : i32
    %add3A_8 = arith.addi %mul3A_0, %add3A_7 : i32
    "tpu.region"() ({
      %run_scoped3A = tpu.sem_alloc : memref<!tpu.dma_semaphore, #tpu.memory_space<semaphore_mem>>
      %dma_start3A_35 = arith.constant 0 : i32
      %dma_start3A_36 = tpu.memref_slice %arg8[%add3A_8, %dma_start3A_35] : memref<10112x128xf32, #tpu.memory_space<vmem_shared>> -> memref<128x128xf32, #tpu.memory_space<vmem_shared>>
      %dma_start3A_37 = arith.constant 0 : i32
      %dma_start3A_38 = tpu.memref_slice %arg8[%add3A_8, %dma_start3A_37] : memref<10112x128xf32, #tpu.memory_space<vmem_shared>> -> memref<128x128xf32, #tpu.memory_space<vmem_shared>>
      tpu.enqueue_dma source(%arg6 : memref<128x128xf32, #tpu.memory_space<vmem>>) target(%dma_start3A_38 : memref<128x128xf32, #tpu.memory_space<vmem_shared>>) target_semaphore(%run_scoped3A : memref<!tpu.dma_semaphore, #tpu.memory_space<semaphore_mem>>)
      %dma_wait3A = arith.constant 0 : i32
      %dma_wait3A_39 = tpu.memref_slice %arg8[%add3A_8, %dma_wait3A] : memref<10112x128xf32, #tpu.memory_space<vmem_shared>> -> memref<128x128xf32, #tpu.memory_space<vmem_shared>>
      %dma_wait3A_40 = arith.constant 0 : i32
      %dma_wait3A_41 = tpu.memref_slice %arg8[%add3A_8, %dma_wait3A_40] : memref<10112x128xf32, #tpu.memory_space<vmem_shared>> -> memref<128x128xf32, #tpu.memory_space<vmem_shared>>
      tpu.wait_dma2 semaphore(%run_scoped3A : memref<!tpu.dma_semaphore, #tpu.memory_space<semaphore_mem>>) src(%arg6 : memref<128x128xf32, #tpu.memory_space<vmem>>) dst(%dma_wait3A_41 : memref<128x128xf32, #tpu.memory_space<vmem_shared>>)
      tpu.yield
    }) : () -> ()
    %add3A_9 = arith.constant 256 : i32
    %add3A_10 = arith.addi %mul3A_0, %add3A_9 : i32
    "tpu.region"() ({
      %run_scoped3A = tpu.sem_alloc : memref<!tpu.dma_semaphore, #tpu.memory_space<semaphore_mem>>
      %dma_start3A_35 = arith.constant 0 : i32
      %dma_start3A_36 = tpu.memref_slice %arg8[%add3A_10, %dma_start3A_35] : memref<10112x128xf32, #tpu.memory_space<vmem_shared>> -> memref<128x128xf32, #tpu.memory_space<vmem_shared>>
      %dma_start3A_37 = arith.constant 0 : i32
      %dma_start3A_38 = tpu.memref_slice %arg8[%add3A_10, %dma_start3A_37] : memref<10112x128xf32, #tpu.memory_space<vmem_shared>> -> memref<128x128xf32, #tpu.memory_space<vmem_shared>>
      tpu.enqueue_dma source(%arg6 : memref<128x128xf32, #tpu.memory_space<vmem>>) target(%dma_start3A_38 : memref<128x128xf32, #tpu.memory_space<vmem_shared>>) target_semaphore(%run_scoped3A : memref<!tpu.dma_semaphore, #tpu.memory_space<semaphore_mem>>)
      %dma_wait3A = arith.constant 0 : i32
      %dma_wait3A_39 = tpu.memref_slice %arg8[%add3A_10, %dma_wait3A] : memref<10112x128xf32, #tpu.memory_space<vmem_shared>> -> memref<128x128xf32, #tpu.memory_space<vmem_shared>>
      %dma_wait3A_40 = arith.constant 0 : i32
      %dma_wait3A_41 = tpu.memref_slice %arg8[%add3A_10, %dma_wait3A_40] : memref<10112x128xf32, #tpu.memory_space<vmem_shared>> -> memref<128x128xf32, #tpu.memory_space<vmem_shared>>
      tpu.wait_dma2 semaphore(%run_scoped3A : memref<!tpu.dma_semaphore, #tpu.memory_space<semaphore_mem>>) src(%arg6 : memref<128x128xf32, #tpu.memory_space<vmem>>) dst(%dma_wait3A_41 : memref<128x128xf32, #tpu.memory_space<vmem_shared>>)
      tpu.yield
    }) : () -> ()
    %add3A_11 = arith.constant 384 : i32
    %add3A_12 = arith.addi %mul3A_0, %add3A_11 : i32
    "tpu.region"() ({
      %run_scoped3A = tpu.sem_alloc : memref<!tpu.dma_semaphore, #tpu.memory_space<semaphore_mem>>
      %dma_start3A_35 = arith.constant 0 : i32
      %dma_start3A_36 = tpu.memref_slice %arg8[%add3A_12, %dma_start3A_35] : memref<10112x128xf32, #tpu.memory_space<vmem_shared>> -> memref<128x128xf32, #tpu.memory_space<vmem_shared>>
      %dma_start3A_37 = arith.constant 0 : i32
      %dma_start3A_38 = tpu.memref_slice %arg8[%add3A_12, %dma_start3A_37] : memref<10112x128xf32, #tpu.memory_space<vmem_shared>> -> memref<128x128xf32, #tpu.memory_space<vmem_shared>>
      tpu.enqueue_dma source(%arg6 : memref<128x128xf32, #tpu.memory_space<vmem>>) target(%dma_start3A_38 : memref<128x128xf32, #tpu.memory_space<vmem_shared>>) target_semaphore(%run_scoped3A : memref<!tpu.dma_semaphore, #tpu.memory_space<semaphore_mem>>)
      %dma_wait3A = arith.constant 0 : i32
      %dma_wait3A_39 = tpu.memref_slice %arg8[%add3A_12, %dma_wait3A] : memref<10112x128xf32, #tpu.memory_space<vmem_shared>> -> memref<128x128xf32, #tpu.memory_space<vmem_shared>>
      %dma_wait3A_40 = arith.constant 0 : i32
      %dma_wait3A_41 = tpu.memref_slice %arg8[%add3A_12, %dma_wait3A_40] : memref<10112x128xf32, #tpu.memory_space<vmem_shared>> -> memref<128x128xf32, #tpu.memory_space<vmem_shared>>
      tpu.wait_dma2 semaphore(%run_scoped3A : memref<!tpu.dma_semaphore, #tpu.memory_space<semaphore_mem>>) src(%arg6 : memref<128x128xf32, #tpu.memory_space<vmem>>) dst(%dma_wait3A_41 : memref<128x128xf32, #tpu.memory_space<vmem_shared>>)
      tpu.yield
    }) : () -> ()
    %add3A_13 = arith.constant 512 : i32
    %add3A_14 = arith.addi %mul3A_0, %add3A_13 : i32
    "tpu.region"() ({
      %run_scoped3A = tpu.sem_alloc : memref<!tpu.dma_semaphore, #tpu.memory_space<semaphore_mem>>
      %dma_start3A_35 = arith.constant 0 : i32
      %dma_start3A_36 = arith.constant 0 : i32
      %dma_start3A_37 = tpu.memref_slice %arg6[%dma_start3A_35, %dma_start3A_36] : memref<128x128xf32, #tpu.memory_space<vmem>> -> memref<120x128xf32, #tpu.memory_space<vmem>>
      %dma_start3A_38 = arith.constant 0 : i32
      %dma_start3A_39 = tpu.memref_slice %arg8[%add3A_14, %dma_start3A_38] : memref<10112x128xf32, #tpu.memory_space<vmem_shared>> -> memref<120x128xf32, #tpu.memory_space<vmem_shared>>
      %dma_start3A_40 = arith.constant 0 : i32
      %dma_start3A_41 = tpu.memref_slice %arg8[%add3A_14, %dma_start3A_40] : memref<10112x128xf32, #tpu.memory_space<vmem_shared>> -> memref<120x128xf32, #tpu.memory_space<vmem_shared>>
      %dma_start3A_42 = arith.constant 0 : i32
      %dma_start3A_43 = arith.constant 0 : i32
      %dma_start3A_44 = tpu.memref_slice %arg6[%dma_start3A_42, %dma_start3A_43] : memref<128x128xf32, #tpu.memory_space<vmem>> -> memref<120x128xf32, #tpu.memory_space<vmem>>
      tpu.enqueue_dma source(%dma_start3A_44 : memref<120x128xf32, #tpu.memory_space<vmem>>) target(%dma_start3A_41 : memref<120x128xf32, #tpu.memory_space<vmem_shared>>) target_semaphore(%run_scoped3A : memref<!tpu.dma_semaphore, #tpu.memory_space<semaphore_mem>>)
      %dma_wait3A = arith.constant 0 : i32
      %dma_wait3A_45 = arith.constant 0 : i32
      %dma_wait3A_46 = tpu.memref_slice %arg6[%dma_wait3A, %dma_wait3A_45] : memref<128x128xf32, #tpu.memory_space<vmem>> -> memref<120x128xf32, #tpu.memory_space<vmem>>
      %dma_wait3A_47 = arith.constant 0 : i32
      %dma_wait3A_48 = tpu.memref_slice %arg8[%add3A_14, %dma_wait3A_47] : memref<10112x128xf32, #tpu.memory_space<vmem_shared>> -> memref<120x128xf32, #tpu.memory_space<vmem_shared>>
      %dma_wait3A_49 = arith.constant 0 : i32
      %dma_wait3A_50 = tpu.memref_slice %arg8[%add3A_14, %dma_wait3A_49] : memref<10112x128xf32, #tpu.memory_space<vmem_shared>> -> memref<120x128xf32, #tpu.memory_space<vmem_shared>>
      %dma_wait3A_51 = arith.constant 0 : i32
      %dma_wait3A_52 = arith.constant 0 : i32
      %dma_wait3A_53 = tpu.memref_slice %arg6[%dma_wait3A_51, %dma_wait3A_52] : memref<128x128xf32, #tpu.memory_space<vmem>> -> memref<120x128xf32, #tpu.memory_space<vmem>>
      tpu.wait_dma2 semaphore(%run_scoped3A : memref<!tpu.dma_semaphore, #tpu.memory_space<semaphore_mem>>) src(%dma_wait3A_53 : memref<120x128xf32, #tpu.memory_space<vmem>>) dst(%dma_wait3A_50 : memref<120x128xf32, #tpu.memory_space<vmem_shared>>)
      tpu.yield
    }) : () -> ()
    %barrier3A = arith.constant 0 : index
    tpu.barrier barrier_id(%barrier3A)
    "tpu.region"() ({
      %run_scoped3A = tpu.sem_alloc : memref<!tpu.dma_semaphore, #tpu.memory_space<semaphore_mem>>
      %dma_start3A_35 = arith.constant 0 : i32
      %dma_start3A_36 = arith.constant 0 : i32
      %dma_start3A_37 = tpu.memref_slice %arg3[%arg0, %arg1, %dma_start3A_35, %dma_start3A_36] : memref<2x16x80x128xi32, #tpu.memory_space<hbm>> -> memref<1x1x80x128xi32, #tpu.memory_space<hbm>>
      %dma_start3A_38 = tpu.memref_squeeze %dma_start3A_37 : memref<1x1x80x128xi32, #tpu.memory_space<hbm>> -> memref<80x128xi32, #tpu.memory_space<hbm>>
      %dma_start3A_39 = arith.constant 0 : i32
      %dma_start3A_40 = arith.constant 0 : i32
      %dma_start3A_41 = tpu.memref_slice %arg3[%arg0, %arg1, %dma_start3A_39, %dma_start3A_40] : memref<2x16x80x128xi32, #tpu.memory_space<hbm>> -> memref<1x1x80x128xi32, #tpu.memory_space<hbm>>
      %dma_start3A_42 = tpu.memref_squeeze %dma_start3A_41 : memref<1x1x80x128xi32, #tpu.memory_space<hbm>> -> memref<80x128xi32, #tpu.memory_space<hbm>>
      tpu.enqueue_dma source(%dma_start3A_42 : memref<80x128xi32, #tpu.memory_space<hbm>>) target(%arg5 : memref<80x128xi32, #tpu.memory_space<vmem>>) target_semaphore(%run_scoped3A : memref<!tpu.dma_semaphore, #tpu.memory_space<semaphore_mem>>)
      %dma_wait3A = arith.constant 0 : i32
      %dma_wait3A_43 = arith.constant 0 : i32
      %dma_wait3A_44 = tpu.memref_slice %arg3[%arg0, %arg1, %dma_wait3A, %dma_wait3A_43] : memref<2x16x80x128xi32, #tpu.memory_space<hbm>> -> memref<1x1x80x128xi32, #tpu.memory_space<hbm>>
      %dma_wait3A_45 = tpu.memref_squeeze %dma_wait3A_44 : memref<1x1x80x128xi32, #tpu.memory_space<hbm>> -> memref<80x128xi32, #tpu.memory_space<hbm>>
      %dma_wait3A_46 = arith.constant 0 : i32
      %dma_wait3A_47 = arith.constant 0 : i32
      %dma_wait3A_48 = tpu.memref_slice %arg3[%arg0, %arg1, %dma_wait3A_46, %dma_wait3A_47] : memref<2x16x80x128xi32, #tpu.memory_space<hbm>> -> memref<1x1x80x128xi32, #tpu.memory_space<hbm>>
      %dma_wait3A_49 = tpu.memref_squeeze %dma_wait3A_48 : memref<1x1x80x128xi32, #tpu.memory_space<hbm>> -> memref<80x128xi32, #tpu.memory_space<hbm>>
      tpu.wait_dma2 semaphore(%run_scoped3A : memref<!tpu.dma_semaphore, #tpu.memory_space<semaphore_mem>>) src(%dma_wait3A_49 : memref<80x128xi32, #tpu.memory_space<hbm>>) dst(%arg5 : memref<80x128xi32, #tpu.memory_space<vmem>>)
      tpu.yield
    }) : () -> ()
    %dma_start3A = arith.constant 0 : i32
    %dma_start3A_15 = arith.constant 0 : i32
    %dma_start3A_16 = tpu.memref_slice %arg2[%arg0, %arg1, %dma_start3A, %dma_start3A_15] : memref<2x16x10240x128xf32, #tpu.memory_space<hbm>> -> memref<1x1x128x128xf32, #tpu.memory_space<hbm>>
    %dma_start3A_17 = tpu.memref_squeeze %dma_start3A_16 : memref<1x1x128x128xf32, #tpu.memory_space<hbm>> -> memref<128x128xf32, #tpu.memory_space<hbm>>
    %dma_start3A_18 = arith.constant 0 : i32
    %dma_start3A_19 = arith.constant 0 : i32
    %dma_start3A_20 = tpu.memref_slice %arg2[%arg0, %arg1, %dma_start3A_18, %dma_start3A_19] : memref<2x16x10240x128xf32, #tpu.memory_space<hbm>> -> memref<1x1x128x128xf32, #tpu.memory_space<hbm>>
    %dma_start3A_21 = tpu.memref_squeeze %dma_start3A_20 : memref<1x1x128x128xf32, #tpu.memory_space<hbm>> -> memref<128x128xf32, #tpu.memory_space<hbm>>
    tpu.enqueue_dma source(%dma_start3A_21 : memref<128x128xf32, #tpu.memory_space<hbm>>) target(%arg6 : memref<128x128xf32, #tpu.memory_space<vmem>>) target_semaphore(%arg9 : memref<!tpu.dma_semaphore, #tpu.memory_space<semaphore_mem>>)
    %scan3A_22 = arith.constant 0 : i32
    %scan3A_23 = arith.constant 0 : i32
    %scan3A_24 = arith.constant 40 : i32
    %scan3A_25 = arith.addi %scan3A_23, %scan3A_24 : i32
    %scan3A_26 = arith.constant 1 : i32
    scf.for %scan3A_35 = %scan3A_23 to %scan3A_25 step %scan3A_26  : i32 {
      %mul3A_36 = arith.constant 2 : i32
      %mul3A_37 = arith.muli %mul3A_36, %scan3A_35 : i32
      %add3A_38 = arith.constant 0 : i32
      %add3A_39 = arith.addi %add3A_38, %mul3A_37 : i32
      %add3A_40 = arith.constant 1 : i32
      %add3A_41 = arith.addi %add3A_39, %add3A_40 : i32
      %mul3A_42 = arith.constant 128 : i32
      %mul3A_43 = arith.muli %add3A_41, %mul3A_42 : i32
      %dma_start3A_44 = arith.constant 0 : i32
      %dma_start3A_45 = tpu.memref_slice %arg2[%arg0, %arg1, %mul3A_43, %dma_start3A_44] : memref<2x16x10240x128xf32, #tpu.memory_space<hbm>> -> memref<1x1x128x128xf32, #tpu.memory_space<hbm>>
      %dma_start3A_46 = tpu.memref_squeeze %dma_start3A_45 : memref<1x1x128x128xf32, #tpu.memory_space<hbm>> -> memref<128x128xf32, #tpu.memory_space<hbm>>
      %dma_start3A_47 = arith.constant 0 : i32
      %dma_start3A_48 = tpu.memref_slice %arg2[%arg0, %arg1, %mul3A_43, %dma_start3A_47] : memref<2x16x10240x128xf32, #tpu.memory_space<hbm>> -> memref<1x1x128x128xf32, #tpu.memory_space<hbm>>
      %dma_start3A_49 = tpu.memref_squeeze %dma_start3A_48 : memref<1x1x128x128xf32, #tpu.memory_space<hbm>> -> memref<128x128xf32, #tpu.memory_space<hbm>>
      tpu.enqueue_dma source(%dma_start3A_49 : memref<128x128xf32, #tpu.memory_space<hbm>>) target(%arg7 : memref<128x128xf32, #tpu.memory_space<vmem>>) target_semaphore(%arg10 : memref<!tpu.dma_semaphore, #tpu.memory_space<semaphore_mem>>)
      %add3A_50 = arith.constant 0 : i32
      %add3A_51 = arith.addi %add3A_50, %mul3A_37 : i32
      %mul3A_52 = arith.constant 128 : i32
      %mul3A_53 = arith.muli %add3A_51, %mul3A_52 : i32
      %dma_wait3A = arith.constant 0 : i32
      %dma_wait3A_54 = tpu.memref_slice %arg2[%arg0, %arg1, %mul3A_53, %dma_wait3A] : memref<2x16x10240x128xf32, #tpu.memory_space<hbm>> -> memref<1x1x128x128xf32, #tpu.memory_space<hbm>>
      %dma_wait3A_55 = tpu.memref_squeeze %dma_wait3A_54 : memref<1x1x128x128xf32, #tpu.memory_space<hbm>> -> memref<128x128xf32, #tpu.memory_space<hbm>>
      %dma_wait3A_56 = arith.constant 0 : i32
      %dma_wait3A_57 = tpu.memref_slice %arg2[%arg0, %arg1, %mul3A_53, %dma_wait3A_56] : memref<2x16x10240x128xf32, #tpu.memory_space<hbm>> -> memref<1x1x128x128xf32, #tpu.memory_space<hbm>>
      %dma_wait3A_58 = tpu.memref_squeeze %dma_wait3A_57 : memref<1x1x128x128xf32, #tpu.memory_space<hbm>> -> memref<128x128xf32, #tpu.memory_space<hbm>>
      tpu.wait_dma2 semaphore(%arg9 : memref<!tpu.dma_semaphore, #tpu.memory_space<semaphore_mem>>) src(%dma_wait3A_58 : memref<128x128xf32, #tpu.memory_space<hbm>>) dst(%arg6 : memref<128x128xf32, #tpu.memory_space<vmem>>)
      "tpu.region"() ({
        %run_scoped3A = tpu.sem_alloc : memref<!tpu.dma_semaphore, #tpu.memory_space<semaphore_mem>>
        %dma_start3A_80 = arith.constant 0 : i32
        %dma_start3A_81 = tpu.memref_slice %arg5[%mul3A_37, %dma_start3A_80] : memref<80x128xi32, #tpu.memory_space<vmem>> -> memref<1x128xi32, #tpu.memory_space<vmem>>
        %dma_start3A_82 = tpu.memref_squeeze %dma_start3A_81 : memref<1x128xi32, #tpu.memory_space<vmem>> -> memref<128xi32, #tpu.memory_space<vmem>>
        %dma_start3A_83 = arith.constant 0 : i32
        %dma_start3A_84 = arith.constant 0 : i32
        %dma_start3A_85 = tpu.memref_slice %arg8[%dma_start3A_83, %dma_start3A_84] : memref<10112x128xf32, #tpu.memory_space<vmem_shared>> -> memref<10112x128xf32, #tpu.memory_space<vmem_shared>>
        tpu.enqueue_indirect_dma source(%arg6 : memref<128x128xf32, #tpu.memory_space<vmem>>) target(%dma_start3A_85 : memref<10112x128xf32, #tpu.memory_space<vmem_shared>>) offsets(%dma_start3A_82 : memref<128xi32, #tpu.memory_space<vmem>>) semaphore(%run_scoped3A : memref<!tpu.dma_semaphore, #tpu.memory_space<semaphore_mem>>) {add = true}
        %dma_wait3A_86 = arith.constant 0 : i32
        %dma_wait3A_87 = tpu.memref_slice %arg5[%mul3A_37, %dma_wait3A_86] : memref<80x128xi32, #tpu.memory_space<vmem>> -> memref<1x128xi32, #tpu.memory_space<vmem>>
        %dma_wait3A_88 = tpu.memref_squeeze %dma_wait3A_87 : memref<1x128xi32, #tpu.memory_space<vmem>> -> memref<128xi32, #tpu.memory_space<vmem>>
        %dma_wait3A_89 = arith.constant 0 : i32
        %dma_wait3A_90 = arith.constant 0 : i32
        %dma_wait3A_91 = tpu.memref_slice %arg8[%dma_wait3A_89, %dma_wait3A_90] : memref<10112x128xf32, #tpu.memory_space<vmem_shared>> -> memref<10112x128xf32, #tpu.memory_space<vmem_shared>>
        tpu.wait_indirect_dma semaphore(%run_scoped3A : memref<!tpu.dma_semaphore, #tpu.memory_space<semaphore_mem>>) src(%arg6 : memref<128x128xf32, #tpu.memory_space<vmem>>) dst(%dma_wait3A_91 : memref<10112x128xf32, #tpu.memory_space<vmem_shared>>)
        tpu.yield
      }) : () -> ()
      %add3A_59 = arith.constant 2 : i32
      %add3A_60 = arith.addi %mul3A_37, %add3A_59 : i32
      %lt3A_61 = arith.constant 80 : i32
      %lt3A_62 = arith.cmpi slt, %add3A_60, %lt3A_61 : i32
      %convert_element_type3A_63 = arith.extui %lt3A_62 : i1 to i32
      %cond3A_64 = arith.constant 0 : i32
      %cond3A_65 = arith.cmpi ne, %convert_element_type3A_63, %cond3A_64 : i32
      scf.if %cond3A_65 {
        %add3A_80 = arith.constant 0 : i32
        %add3A_81 = arith.addi %add3A_80, %mul3A_37 : i32
        %add3A_82 = arith.constant 2 : i32
        %add3A_83 = arith.addi %add3A_81, %add3A_82 : i32
        %mul3A_84 = arith.constant 128 : i32
        %mul3A_85 = arith.muli %add3A_83, %mul3A_84 : i32
        %dma_start3A_86 = arith.constant 0 : i32
        %dma_start3A_87 = tpu.memref_slice %arg2[%arg0, %arg1, %mul3A_85, %dma_start3A_86] : memref<2x16x10240x128xf32, #tpu.memory_space<hbm>> -> memref<1x1x128x128xf32, #tpu.memory_space<hbm>>
        %dma_start3A_88 = tpu.memref_squeeze %dma_start3A_87 : memref<1x1x128x128xf32, #tpu.memory_space<hbm>> -> memref<128x128xf32, #tpu.memory_space<hbm>>
        %dma_start3A_89 = arith.constant 0 : i32
        %dma_start3A_90 = tpu.memref_slice %arg2[%arg0, %arg1, %mul3A_85, %dma_start3A_89] : memref<2x16x10240x128xf32, #tpu.memory_space<hbm>> -> memref<1x1x128x128xf32, #tpu.memory_space<hbm>>
        %dma_start3A_91 = tpu.memref_squeeze %dma_start3A_90 : memref<1x1x128x128xf32, #tpu.memory_space<hbm>> -> memref<128x128xf32, #tpu.memory_space<hbm>>
        tpu.enqueue_dma source(%dma_start3A_91 : memref<128x128xf32, #tpu.memory_space<hbm>>) target(%arg6 : memref<128x128xf32, #tpu.memory_space<vmem>>) target_semaphore(%arg9 : memref<!tpu.dma_semaphore, #tpu.memory_space<semaphore_mem>>)
      } else {
      }
      %add3A_66 = arith.constant 0 : i32
      %add3A_67 = arith.addi %add3A_66, %mul3A_37 : i32
      %add3A_68 = arith.constant 1 : i32
      %add3A_69 = arith.addi %add3A_67, %add3A_68 : i32
      %mul3A_70 = arith.constant 128 : i32
      %mul3A_71 = arith.muli %add3A_69, %mul3A_70 : i32
      %dma_wait3A_72 = arith.constant 0 : i32
      %dma_wait3A_73 = tpu.memref_slice %arg2[%arg0, %arg1, %mul3A_71, %dma_wait3A_72] : memref<2x16x10240x128xf32, #tpu.memory_space<hbm>> -> memref<1x1x128x128xf32, #tpu.memory_space<hbm>>
      %dma_wait3A_74 = tpu.memref_squeeze %dma_wait3A_73 : memref<1x1x128x128xf32, #tpu.memory_space<hbm>> -> memref<128x128xf32, #tpu.memory_space<hbm>>
      %dma_wait3A_75 = arith.constant 0 : i32
      %dma_wait3A_76 = tpu.memref_slice %arg2[%arg0, %arg1, %mul3A_71, %dma_wait3A_75] : memref<2x16x10240x128xf32, #tpu.memory_space<hbm>> -> memref<1x1x128x128xf32, #tpu.memory_space<hbm>>
      %dma_wait3A_77 = tpu.memref_squeeze %dma_wait3A_76 : memref<1x1x128x128xf32, #tpu.memory_space<hbm>> -> memref<128x128xf32, #tpu.memory_space<hbm>>
      tpu.wait_dma2 semaphore(%arg10 : memref<!tpu.dma_semaphore, #tpu.memory_space<semaphore_mem>>) src(%dma_wait3A_77 : memref<128x128xf32, #tpu.memory_space<hbm>>) dst(%arg7 : memref<128x128xf32, #tpu.memory_space<vmem>>)
      %add3A_78 = arith.constant 1 : i32
      %add3A_79 = arith.addi %mul3A_37, %add3A_78 : i32
      "tpu.region"() ({
        %run_scoped3A = tpu.sem_alloc : memref<!tpu.dma_semaphore, #tpu.memory_space<semaphore_mem>>
        %dma_start3A_80 = arith.constant 0 : i32
        %dma_start3A_81 = tpu.memref_slice %arg5[%add3A_79, %dma_start3A_80] : memref<80x128xi32, #tpu.memory_space<vmem>> -> memref<1x128xi32, #tpu.memory_space<vmem>>
        %dma_start3A_82 = tpu.memref_squeeze %dma_start3A_81 : memref<1x128xi32, #tpu.memory_space<vmem>> -> memref<128xi32, #tpu.memory_space<vmem>>
        %dma_start3A_83 = arith.constant 0 : i32
        %dma_start3A_84 = arith.constant 0 : i32
        %dma_start3A_85 = tpu.memref_slice %arg8[%dma_start3A_83, %dma_start3A_84] : memref<10112x128xf32, #tpu.memory_space<vmem_shared>> -> memref<10112x128xf32, #tpu.memory_space<vmem_shared>>
        tpu.enqueue_indirect_dma source(%arg7 : memref<128x128xf32, #tpu.memory_space<vmem>>) target(%dma_start3A_85 : memref<10112x128xf32, #tpu.memory_space<vmem_shared>>) offsets(%dma_start3A_82 : memref<128xi32, #tpu.memory_space<vmem>>) semaphore(%run_scoped3A : memref<!tpu.dma_semaphore, #tpu.memory_space<semaphore_mem>>) {add = true}
        %dma_wait3A_86 = arith.constant 0 : i32
        %dma_wait3A_87 = tpu.memref_slice %arg5[%add3A_79, %dma_wait3A_86] : memref<80x128xi32, #tpu.memory_space<vmem>> -> memref<1x128xi32, #tpu.memory_space<vmem>>
        %dma_wait3A_88 = tpu.memref_squeeze %dma_wait3A_87 : memref<1x128xi32, #tpu.memory_space<vmem>> -> memref<128xi32, #tpu.memory_space<vmem>>
        %dma_wait3A_89 = arith.constant 0 : i32
        %dma_wait3A_90 = arith.constant 0 : i32
        %dma_wait3A_91 = tpu.memref_slice %arg8[%dma_wait3A_89, %dma_wait3A_90] : memref<10112x128xf32, #tpu.memory_space<vmem_shared>> -> memref<10112x128xf32, #tpu.memory_space<vmem_shared>>
        tpu.wait_indirect_dma semaphore(%run_scoped3A : memref<!tpu.dma_semaphore, #tpu.memory_space<semaphore_mem>>) src(%arg7 : memref<128x128xf32, #tpu.memory_space<vmem>>) dst(%dma_wait3A_91 : memref<10112x128xf32, #tpu.memory_space<vmem_shared>>)
        tpu.yield
      }) : () -> ()
    }
    %scan3A_27 = arith.constant 40 : i32
    %barrier3A_28 = arith.constant 0 : index
    tpu.barrier barrier_id(%barrier3A_28)
    %lt3A = arith.constant 15 : i32
    %lt3A_29 = arith.cmpi slt, %arg1, %lt3A : i32
    %convert_element_type3A = arith.extui %lt3A_29 : i1 to i32
    %cond3A = arith.constant 0 : i32
    %cond3A_30 = arith.cmpi ne, %convert_element_type3A, %cond3A : i32
    scf.if %cond3A_30 {
      "tpu.region"() ({
        %run_scoped3A = tpu.sem_alloc : memref<!tpu.dma_semaphore, #tpu.memory_space<semaphore_mem>>
        %dma_start3A_35 = arith.constant 0 : i32
        %dma_start3A_36 = tpu.memref_slice %arg4[%arg0, %mul3A_0, %dma_start3A_35] : memref<2x10000x128xf32, #tpu.memory_space<hbm>> -> memref<1x632x128xf32, #tpu.memory_space<hbm>>
        %dma_start3A_37 = tpu.memref_squeeze %dma_start3A_36 : memref<1x632x128xf32, #tpu.memory_space<hbm>> -> memref<632x128xf32, #tpu.memory_space<hbm>>
        %dma_start3A_38 = arith.constant 0 : i32
        %dma_start3A_39 = tpu.memref_slice %arg8[%mul3A_0, %dma_start3A_38] : memref<10112x128xf32, #tpu.memory_space<vmem_shared>> -> memref<632x128xf32, #tpu.memory_space<vmem_shared>>
        tpu.enqueue_dma source(%dma_start3A_39 : memref<632x128xf32, #tpu.memory_space<vmem_shared>>) target(%dma_start3A_37 : memref<632x128xf32, #tpu.memory_space<hbm>>) target_semaphore(%run_scoped3A : memref<!tpu.dma_semaphore, #tpu.memory_space<semaphore_mem>>)
        %dma_wait3A = arith.constant 0 : i32
        %dma_wait3A_40 = tpu.memref_slice %arg4[%arg0, %mul3A_0, %dma_wait3A] : memref<2x10000x128xf32, #tpu.memory_space<hbm>> -> memref<1x632x128xf32, #tpu.memory_space<hbm>>
        %dma_wait3A_41 = tpu.memref_squeeze %dma_wait3A_40 : memref<1x632x128xf32, #tpu.memory_space<hbm>> -> memref<632x128xf32, #tpu.memory_space<hbm>>
        %dma_wait3A_42 = arith.constant 0 : i32
        %dma_wait3A_43 = tpu.memref_slice %arg8[%mul3A_0, %dma_wait3A_42] : memref<10112x128xf32, #tpu.memory_space<vmem_shared>> -> memref<632x128xf32, #tpu.memory_space<vmem_shared>>
        tpu.wait_dma2 semaphore(%run_scoped3A : memref<!tpu.dma_semaphore, #tpu.memory_space<semaphore_mem>>) src(%dma_wait3A_43 : memref<632x128xf32, #tpu.memory_space<vmem_shared>>) dst(%dma_wait3A_41 : memref<632x128xf32, #tpu.memory_space<hbm>>)
        tpu.yield
      }) : () -> ()
    } else {
    }
    %eq3A = arith.constant 15 : i32
    %eq3A_31 = arith.cmpi eq, %arg1, %eq3A : i32
    %convert_element_type3A_32 = arith.extui %eq3A_31 : i1 to i32
    %cond3A_33 = arith.constant 0 : i32
    %cond3A_34 = arith.cmpi ne, %convert_element_type3A_32, %cond3A_33 : i32
    scf.if %cond3A_34 {
      "tpu.region"() ({
        %run_scoped3A = tpu.sem_alloc : memref<!tpu.dma_semaphore, #tpu.memory_space<semaphore_mem>>
        %dma_start3A_35 = arith.constant 9480 : i32
        %dma_start3A_36 = arith.constant 0 : i32
        %dma_start3A_37 = tpu.memref_slice %arg4[%arg0, %dma_start3A_35, %dma_start3A_36] : memref<2x10000x128xf32, #tpu.memory_space<hbm>> -> memref<1x520x128xf32, #tpu.memory_space<hbm>>
        %dma_start3A_38 = tpu.memref_squeeze %dma_start3A_37 : memref<1x520x128xf32, #tpu.memory_space<hbm>> -> memref<520x128xf32, #tpu.memory_space<hbm>>
        %dma_start3A_39 = arith.constant 9480 : i32
        %dma_start3A_40 = arith.constant 0 : i32
        %dma_start3A_41 = tpu.memref_slice %arg8[%dma_start3A_39, %dma_start3A_40] : memref<10112x128xf32, #tpu.memory_space<vmem_shared>> -> memref<520x128xf32, #tpu.memory_space<vmem_shared>>
        tpu.enqueue_dma source(%dma_start3A_41 : memref<520x128xf32, #tpu.memory_space<vmem_shared>>) target(%dma_start3A_38 : memref<520x128xf32, #tpu.memory_space<hbm>>) target_semaphore(%run_scoped3A : memref<!tpu.dma_semaphore, #tpu.memory_space<semaphore_mem>>)
        %dma_wait3A = arith.constant 9480 : i32
        %dma_wait3A_42 = arith.constant 0 : i32
        %dma_wait3A_43 = tpu.memref_slice %arg4[%arg0, %dma_wait3A, %dma_wait3A_42] : memref<2x10000x128xf32, #tpu.memory_space<hbm>> -> memref<1x520x128xf32, #tpu.memory_space<hbm>>
        %dma_wait3A_44 = tpu.memref_squeeze %dma_wait3A_43 : memref<1x520x128xf32, #tpu.memory_space<hbm>> -> memref<520x128xf32, #tpu.memory_space<hbm>>
        %dma_wait3A_45 = arith.constant 9480 : i32
        %dma_wait3A_46 = arith.constant 0 : i32
        %dma_wait3A_47 = tpu.memref_slice %arg8[%dma_wait3A_45, %dma_wait3A_46] : memref<10112x128xf32, #tpu.memory_space<vmem_shared>> -> memref<520x128xf32, #tpu.memory_space<vmem_shared>>
        tpu.wait_dma2 semaphore(%run_scoped3A : memref<!tpu.dma_semaphore, #tpu.memory_space<semaphore_mem>>) src(%dma_wait3A_47 : memref<520x128xf32, #tpu.memory_space<vmem_shared>>) dst(%dma_wait3A_44 : memref<520x128xf32, #tpu.memory_space<hbm>>)
        tpu.yield
      }) : () -> ()
    } else {
    }
    return
  }
}

#map = affine_map<(d0, d1) -> (0, 0)>
#map1 = affine_map<(d0, d1) -> (0, 0, 0, 0)>
module attributes {stable_mosaic.version = 14 : i64} {
  func.func @_permute_body(%arg0: i32, %arg1: i32, %arg2: memref<10000x128xf32, #tpu.memory_space<hbm>>, %arg3: memref<2x16x80x128xi32, #tpu.memory_space<hbm>>, %arg4: memref<2x16x10240x128xf32, #tpu.memory_space<hbm>>, %arg5: memref<80x128xi32, #tpu.memory_space<vmem>>, %arg6: memref<128x128xf32, #tpu.memory_space<vmem>>, %arg7: memref<128x128xf32, #tpu.memory_space<vmem>>, %arg8: memref<10000x128xf32, #tpu.memory_space<vmem_shared>>, %arg9: memref<!tpu.dma_semaphore, #tpu.memory_space<semaphore_mem>>, %arg10: memref<!tpu.dma_semaphore, #tpu.memory_space<semaphore_mem>>) attributes {dimension_semantics = [#tpu.dimension_semantics<core_parallel>, #tpu.dimension_semantics<subcore_parallel>], iteration_bounds = array<i64: 2, 16>, scalar_prefetch = 0 : i64, scratch_operands = 6 : i64, tpu.core_type = #tpu.core_type<sc_vector_subcore>, window_params = [{transform_indices = #map}, {transform_indices = #map1}, {transform_indices = #map1}]} {
    %mul3A = arith.constant 632 : i32
    %mul3A_0 = arith.muli %arg1, %mul3A : i32
    %lt3A = arith.constant 15 : i32
    %lt3A_1 = arith.cmpi slt, %arg1, %lt3A : i32
    %convert_element_type3A = arith.extui %lt3A_1 : i1 to i32
    %cond3A = arith.constant 0 : i32
    %cond3A_2 = arith.cmpi ne, %convert_element_type3A, %cond3A : i32
    scf.if %cond3A_2 {
      "tpu.region"() ({
        %run_scoped3A = tpu.sem_alloc : memref<!tpu.dma_semaphore, #tpu.memory_space<semaphore_mem>>
        %dma_start3A_18 = arith.constant 0 : i32
        %dma_start3A_19 = tpu.memref_slice %arg8[%mul3A_0, %dma_start3A_18] : memref<10000x128xf32, #tpu.memory_space<vmem_shared>> -> memref<632x128xf32, #tpu.memory_space<vmem_shared>>
        %dma_start3A_20 = arith.constant 0 : i32
        %dma_start3A_21 = tpu.memref_slice %arg2[%mul3A_0, %dma_start3A_20] : memref<10000x128xf32, #tpu.memory_space<hbm>> -> memref<632x128xf32, #tpu.memory_space<hbm>>
        tpu.enqueue_dma source(%dma_start3A_21 : memref<632x128xf32, #tpu.memory_space<hbm>>) target(%dma_start3A_19 : memref<632x128xf32, #tpu.memory_space<vmem_shared>>) target_semaphore(%run_scoped3A : memref<!tpu.dma_semaphore, #tpu.memory_space<semaphore_mem>>)
        %dma_wait3A = arith.constant 0 : i32
        %dma_wait3A_22 = tpu.memref_slice %arg8[%mul3A_0, %dma_wait3A] : memref<10000x128xf32, #tpu.memory_space<vmem_shared>> -> memref<632x128xf32, #tpu.memory_space<vmem_shared>>
        %dma_wait3A_23 = arith.constant 0 : i32
        %dma_wait3A_24 = tpu.memref_slice %arg2[%mul3A_0, %dma_wait3A_23] : memref<10000x128xf32, #tpu.memory_space<hbm>> -> memref<632x128xf32, #tpu.memory_space<hbm>>
        tpu.wait_dma2 semaphore(%run_scoped3A : memref<!tpu.dma_semaphore, #tpu.memory_space<semaphore_mem>>) src(%dma_wait3A_24 : memref<632x128xf32, #tpu.memory_space<hbm>>) dst(%dma_wait3A_22 : memref<632x128xf32, #tpu.memory_space<vmem_shared>>)
        tpu.yield
      }) : () -> ()
    } else {
    }
    %eq3A = arith.constant 15 : i32
    %eq3A_3 = arith.cmpi eq, %arg1, %eq3A : i32
    %convert_element_type3A_4 = arith.extui %eq3A_3 : i1 to i32
    %cond3A_5 = arith.constant 0 : i32
    %cond3A_6 = arith.cmpi ne, %convert_element_type3A_4, %cond3A_5 : i32
    scf.if %cond3A_6 {
      "tpu.region"() ({
        %run_scoped3A = tpu.sem_alloc : memref<!tpu.dma_semaphore, #tpu.memory_space<semaphore_mem>>
        %dma_start3A_18 = arith.constant 9480 : i32
        %dma_start3A_19 = arith.constant 0 : i32
        %dma_start3A_20 = tpu.memref_slice %arg8[%dma_start3A_18, %dma_start3A_19] : memref<10000x128xf32, #tpu.memory_space<vmem_shared>> -> memref<520x128xf32, #tpu.memory_space<vmem_shared>>
        %dma_start3A_21 = arith.constant 9480 : i32
        %dma_start3A_22 = arith.constant 0 : i32
        %dma_start3A_23 = tpu.memref_slice %arg2[%dma_start3A_21, %dma_start3A_22] : memref<10000x128xf32, #tpu.memory_space<hbm>> -> memref<520x128xf32, #tpu.memory_space<hbm>>
        tpu.enqueue_dma source(%dma_start3A_23 : memref<520x128xf32, #tpu.memory_space<hbm>>) target(%dma_start3A_20 : memref<520x128xf32, #tpu.memory_space<vmem_shared>>) target_semaphore(%run_scoped3A : memref<!tpu.dma_semaphore, #tpu.memory_space<semaphore_mem>>)
        %dma_wait3A = arith.constant 9480 : i32
        %dma_wait3A_24 = arith.constant 0 : i32
        %dma_wait3A_25 = tpu.memref_slice %arg8[%dma_wait3A, %dma_wait3A_24] : memref<10000x128xf32, #tpu.memory_space<vmem_shared>> -> memref<520x128xf32, #tpu.memory_space<vmem_shared>>
        %dma_wait3A_26 = arith.constant 9480 : i32
        %dma_wait3A_27 = arith.constant 0 : i32
        %dma_wait3A_28 = tpu.memref_slice %arg2[%dma_wait3A_26, %dma_wait3A_27] : memref<10000x128xf32, #tpu.memory_space<hbm>> -> memref<520x128xf32, #tpu.memory_space<hbm>>
        tpu.wait_dma2 semaphore(%run_scoped3A : memref<!tpu.dma_semaphore, #tpu.memory_space<semaphore_mem>>) src(%dma_wait3A_28 : memref<520x128xf32, #tpu.memory_space<hbm>>) dst(%dma_wait3A_25 : memref<520x128xf32, #tpu.memory_space<vmem_shared>>)
        tpu.yield
      }) : () -> ()
    } else {
    }
    %barrier3A = arith.constant 0 : index
    tpu.barrier barrier_id(%barrier3A)
    "tpu.region"() ({
      %run_scoped3A = tpu.sem_alloc : memref<!tpu.dma_semaphore, #tpu.memory_space<semaphore_mem>>
      %dma_start3A_18 = arith.constant 0 : i32
      %dma_start3A_19 = arith.constant 0 : i32
      %dma_start3A_20 = tpu.memref_slice %arg3[%arg0, %arg1, %dma_start3A_18, %dma_start3A_19] : memref<2x16x80x128xi32, #tpu.memory_space<hbm>> -> memref<1x1x80x128xi32, #tpu.memory_space<hbm>>
      %dma_start3A_21 = tpu.memref_squeeze %dma_start3A_20 : memref<1x1x80x128xi32, #tpu.memory_space<hbm>> -> memref<80x128xi32, #tpu.memory_space<hbm>>
      %dma_start3A_22 = arith.constant 0 : i32
      %dma_start3A_23 = arith.constant 0 : i32
      %dma_start3A_24 = tpu.memref_slice %arg3[%arg0, %arg1, %dma_start3A_22, %dma_start3A_23] : memref<2x16x80x128xi32, #tpu.memory_space<hbm>> -> memref<1x1x80x128xi32, #tpu.memory_space<hbm>>
      %dma_start3A_25 = tpu.memref_squeeze %dma_start3A_24 : memref<1x1x80x128xi32, #tpu.memory_space<hbm>> -> memref<80x128xi32, #tpu.memory_space<hbm>>
      tpu.enqueue_dma source(%dma_start3A_25 : memref<80x128xi32, #tpu.memory_space<hbm>>) target(%arg5 : memref<80x128xi32, #tpu.memory_space<vmem>>) target_semaphore(%run_scoped3A : memref<!tpu.dma_semaphore, #tpu.memory_space<semaphore_mem>>)
      %dma_wait3A = arith.constant 0 : i32
      %dma_wait3A_26 = arith.constant 0 : i32
      %dma_wait3A_27 = tpu.memref_slice %arg3[%arg0, %arg1, %dma_wait3A, %dma_wait3A_26] : memref<2x16x80x128xi32, #tpu.memory_space<hbm>> -> memref<1x1x80x128xi32, #tpu.memory_space<hbm>>
      %dma_wait3A_28 = tpu.memref_squeeze %dma_wait3A_27 : memref<1x1x80x128xi32, #tpu.memory_space<hbm>> -> memref<80x128xi32, #tpu.memory_space<hbm>>
      %dma_wait3A_29 = arith.constant 0 : i32
      %dma_wait3A_30 = arith.constant 0 : i32
      %dma_wait3A_31 = tpu.memref_slice %arg3[%arg0, %arg1, %dma_wait3A_29, %dma_wait3A_30] : memref<2x16x80x128xi32, #tpu.memory_space<hbm>> -> memref<1x1x80x128xi32, #tpu.memory_space<hbm>>
      %dma_wait3A_32 = tpu.memref_squeeze %dma_wait3A_31 : memref<1x1x80x128xi32, #tpu.memory_space<hbm>> -> memref<80x128xi32, #tpu.memory_space<hbm>>
      tpu.wait_dma2 semaphore(%run_scoped3A : memref<!tpu.dma_semaphore, #tpu.memory_space<semaphore_mem>>) src(%dma_wait3A_32 : memref<80x128xi32, #tpu.memory_space<hbm>>) dst(%arg5 : memref<80x128xi32, #tpu.memory_space<vmem>>)
      tpu.yield
    }) : () -> ()
    %dma_start3A = arith.constant 0 : i32
    %dma_start3A_7 = arith.constant 0 : i32
    %dma_start3A_8 = tpu.memref_slice %arg5[%dma_start3A, %dma_start3A_7] : memref<80x128xi32, #tpu.memory_space<vmem>> -> memref<1x128xi32, #tpu.memory_space<vmem>>
    %dma_start3A_9 = tpu.memref_squeeze %dma_start3A_8 : memref<1x128xi32, #tpu.memory_space<vmem>> -> memref<128xi32, #tpu.memory_space<vmem>>
    %dma_start3A_10 = arith.constant 0 : i32
    %dma_start3A_11 = arith.constant 0 : i32
    %dma_start3A_12 = tpu.memref_slice %arg8[%dma_start3A_10, %dma_start3A_11] : memref<10000x128xf32, #tpu.memory_space<vmem_shared>> -> memref<10000x128xf32, #tpu.memory_space<vmem_shared>>
    tpu.enqueue_indirect_dma source(%dma_start3A_12 : memref<10000x128xf32, #tpu.memory_space<vmem_shared>>) target(%arg6 : memref<128x128xf32, #tpu.memory_space<vmem>>) offsets(%dma_start3A_9 : memref<128xi32, #tpu.memory_space<vmem>>) semaphore(%arg9 : memref<!tpu.dma_semaphore, #tpu.memory_space<semaphore_mem>>)
    %scan3A = arith.constant 0 : i32
    %scan3A_13 = arith.constant 0 : i32
    %scan3A_14 = arith.constant 40 : i32
    %scan3A_15 = arith.addi %scan3A_13, %scan3A_14 : i32
    %scan3A_16 = arith.constant 1 : i32
    scf.for %scan3A_18 = %scan3A_13 to %scan3A_15 step %scan3A_16  : i32 {
      %mul3A_19 = arith.constant 2 : i32
      %mul3A_20 = arith.muli %mul3A_19, %scan3A_18 : i32
      %add3A = arith.constant 1 : i32
      %add3A_21 = arith.addi %mul3A_20, %add3A : i32
      %dma_start3A_22 = arith.constant 0 : i32
      %dma_start3A_23 = tpu.memref_slice %arg5[%add3A_21, %dma_start3A_22] : memref<80x128xi32, #tpu.memory_space<vmem>> -> memref<1x128xi32, #tpu.memory_space<vmem>>
      %dma_start3A_24 = tpu.memref_squeeze %dma_start3A_23 : memref<1x128xi32, #tpu.memory_space<vmem>> -> memref<128xi32, #tpu.memory_space<vmem>>
      %dma_start3A_25 = arith.constant 0 : i32
      %dma_start3A_26 = arith.constant 0 : i32
      %dma_start3A_27 = tpu.memref_slice %arg8[%dma_start3A_25, %dma_start3A_26] : memref<10000x128xf32, #tpu.memory_space<vmem_shared>> -> memref<10000x128xf32, #tpu.memory_space<vmem_shared>>
      tpu.enqueue_indirect_dma source(%dma_start3A_27 : memref<10000x128xf32, #tpu.memory_space<vmem_shared>>) target(%arg7 : memref<128x128xf32, #tpu.memory_space<vmem>>) offsets(%dma_start3A_24 : memref<128xi32, #tpu.memory_space<vmem>>) semaphore(%arg10 : memref<!tpu.dma_semaphore, #tpu.memory_space<semaphore_mem>>)
      %dma_wait3A = arith.constant 0 : i32
      %dma_wait3A_28 = tpu.memref_slice %arg5[%mul3A_20, %dma_wait3A] : memref<80x128xi32, #tpu.memory_space<vmem>> -> memref<1x128xi32, #tpu.memory_space<vmem>>
      %dma_wait3A_29 = tpu.memref_squeeze %dma_wait3A_28 : memref<1x128xi32, #tpu.memory_space<vmem>> -> memref<128xi32, #tpu.memory_space<vmem>>
      %dma_wait3A_30 = arith.constant 0 : i32
      %dma_wait3A_31 = arith.constant 0 : i32
      %dma_wait3A_32 = tpu.memref_slice %arg8[%dma_wait3A_30, %dma_wait3A_31] : memref<10000x128xf32, #tpu.memory_space<vmem_shared>> -> memref<10000x128xf32, #tpu.memory_space<vmem_shared>>
      tpu.wait_indirect_dma semaphore(%arg9 : memref<!tpu.dma_semaphore, #tpu.memory_space<semaphore_mem>>) src(%dma_wait3A_32 : memref<10000x128xf32, #tpu.memory_space<vmem_shared>>) dst(%arg6 : memref<128x128xf32, #tpu.memory_space<vmem>>)
      %add3A_33 = arith.constant 0 : i32
      %add3A_34 = arith.addi %add3A_33, %mul3A_20 : i32
      %mul3A_35 = arith.constant 128 : i32
      %mul3A_36 = arith.muli %add3A_34, %mul3A_35 : i32
      "tpu.region"() ({
        %run_scoped3A = tpu.sem_alloc : memref<!tpu.dma_semaphore, #tpu.memory_space<semaphore_mem>>
        %dma_start3A_58 = arith.constant 0 : i32
        %dma_start3A_59 = tpu.memref_slice %arg4[%arg0, %arg1, %mul3A_36, %dma_start3A_58] : memref<2x16x10240x128xf32, #tpu.memory_space<hbm>> -> memref<1x1x128x128xf32, #tpu.memory_space<hbm>>
        %dma_start3A_60 = tpu.memref_squeeze %dma_start3A_59 : memref<1x1x128x128xf32, #tpu.memory_space<hbm>> -> memref<128x128xf32, #tpu.memory_space<hbm>>
        %dma_start3A_61 = arith.constant 0 : i32
        %dma_start3A_62 = tpu.memref_slice %arg4[%arg0, %arg1, %mul3A_36, %dma_start3A_61] : memref<2x16x10240x128xf32, #tpu.memory_space<hbm>> -> memref<1x1x128x128xf32, #tpu.memory_space<hbm>>
        %dma_start3A_63 = tpu.memref_squeeze %dma_start3A_62 : memref<1x1x128x128xf32, #tpu.memory_space<hbm>> -> memref<128x128xf32, #tpu.memory_space<hbm>>
        tpu.enqueue_dma source(%arg6 : memref<128x128xf32, #tpu.memory_space<vmem>>) target(%dma_start3A_63 : memref<128x128xf32, #tpu.memory_space<hbm>>) target_semaphore(%run_scoped3A : memref<!tpu.dma_semaphore, #tpu.memory_space<semaphore_mem>>)
        %dma_wait3A_64 = arith.constant 0 : i32
        %dma_wait3A_65 = tpu.memref_slice %arg4[%arg0, %arg1, %mul3A_36, %dma_wait3A_64] : memref<2x16x10240x128xf32, #tpu.memory_space<hbm>> -> memref<1x1x128x128xf32, #tpu.memory_space<hbm>>
        %dma_wait3A_66 = tpu.memref_squeeze %dma_wait3A_65 : memref<1x1x128x128xf32, #tpu.memory_space<hbm>> -> memref<128x128xf32, #tpu.memory_space<hbm>>
        %dma_wait3A_67 = arith.constant 0 : i32
        %dma_wait3A_68 = tpu.memref_slice %arg4[%arg0, %arg1, %mul3A_36, %dma_wait3A_67] : memref<2x16x10240x128xf32, #tpu.memory_space<hbm>> -> memref<1x1x128x128xf32, #tpu.memory_space<hbm>>
        %dma_wait3A_69 = tpu.memref_squeeze %dma_wait3A_68 : memref<1x1x128x128xf32, #tpu.memory_space<hbm>> -> memref<128x128xf32, #tpu.memory_space<hbm>>
        tpu.wait_dma2 semaphore(%run_scoped3A : memref<!tpu.dma_semaphore, #tpu.memory_space<semaphore_mem>>) src(%arg6 : memref<128x128xf32, #tpu.memory_space<vmem>>) dst(%dma_wait3A_69 : memref<128x128xf32, #tpu.memory_space<hbm>>)
        tpu.yield
      }) : () -> ()
      %add3A_37 = arith.constant 2 : i32
      %add3A_38 = arith.addi %mul3A_20, %add3A_37 : i32
      %lt3A_39 = arith.constant 80 : i32
      %lt3A_40 = arith.cmpi slt, %add3A_38, %lt3A_39 : i32
      %convert_element_type3A_41 = arith.extui %lt3A_40 : i1 to i32
      %cond3A_42 = arith.constant 0 : i32
      %cond3A_43 = arith.cmpi ne, %convert_element_type3A_41, %cond3A_42 : i32
      scf.if %cond3A_43 {
        %add3A_58 = arith.constant 2 : i32
        %add3A_59 = arith.addi %mul3A_20, %add3A_58 : i32
        %dma_start3A_60 = arith.constant 0 : i32
        %dma_start3A_61 = tpu.memref_slice %arg5[%add3A_59, %dma_start3A_60] : memref<80x128xi32, #tpu.memory_space<vmem>> -> memref<1x128xi32, #tpu.memory_space<vmem>>
        %dma_start3A_62 = tpu.memref_squeeze %dma_start3A_61 : memref<1x128xi32, #tpu.memory_space<vmem>> -> memref<128xi32, #tpu.memory_space<vmem>>
        %dma_start3A_63 = arith.constant 0 : i32
        %dma_start3A_64 = arith.constant 0 : i32
        %dma_start3A_65 = tpu.memref_slice %arg8[%dma_start3A_63, %dma_start3A_64] : memref<10000x128xf32, #tpu.memory_space<vmem_shared>> -> memref<10000x128xf32, #tpu.memory_space<vmem_shared>>
        tpu.enqueue_indirect_dma source(%dma_start3A_65 : memref<10000x128xf32, #tpu.memory_space<vmem_shared>>) target(%arg6 : memref<128x128xf32, #tpu.memory_space<vmem>>) offsets(%dma_start3A_62 : memref<128xi32, #tpu.memory_space<vmem>>) semaphore(%arg9 : memref<!tpu.dma_semaphore, #tpu.memory_space<semaphore_mem>>)
      } else {
      }
      %add3A_44 = arith.constant 1 : i32
      %add3A_45 = arith.addi %mul3A_20, %add3A_44 : i32
      %dma_wait3A_46 = arith.constant 0 : i32
      %dma_wait3A_47 = tpu.memref_slice %arg5[%add3A_45, %dma_wait3A_46] : memref<80x128xi32, #tpu.memory_space<vmem>> -> memref<1x128xi32, #tpu.memory_space<vmem>>
      %dma_wait3A_48 = tpu.memref_squeeze %dma_wait3A_47 : memref<1x128xi32, #tpu.memory_space<vmem>> -> memref<128xi32, #tpu.memory_space<vmem>>
      %dma_wait3A_49 = arith.constant 0 : i32
      %dma_wait3A_50 = arith.constant 0 : i32
      %dma_wait3A_51 = tpu.memref_slice %arg8[%dma_wait3A_49, %dma_wait3A_50] : memref<10000x128xf32, #tpu.memory_space<vmem_shared>> -> memref<10000x128xf32, #tpu.memory_space<vmem_shared>>
      tpu.wait_indirect_dma semaphore(%arg10 : memref<!tpu.dma_semaphore, #tpu.memory_space<semaphore_mem>>) src(%dma_wait3A_51 : memref<10000x128xf32, #tpu.memory_space<vmem_shared>>) dst(%arg7 : memref<128x128xf32, #tpu.memory_space<vmem>>)
      %add3A_52 = arith.constant 0 : i32
      %add3A_53 = arith.addi %add3A_52, %mul3A_20 : i32
      %add3A_54 = arith.constant 1 : i32
      %add3A_55 = arith.addi %add3A_53, %add3A_54 : i32
      %mul3A_56 = arith.constant 128 : i32
      %mul3A_57 = arith.muli %add3A_55, %mul3A_56 : i32
      "tpu.region"() ({
        %run_scoped3A = tpu.sem_alloc : memref<!tpu.dma_semaphore, #tpu.memory_space<semaphore_mem>>
        %dma_start3A_58 = arith.constant 0 : i32
        %dma_start3A_59 = tpu.memref_slice %arg4[%arg0, %arg1, %mul3A_57, %dma_start3A_58] : memref<2x16x10240x128xf32, #tpu.memory_space<hbm>> -> memref<1x1x128x128xf32, #tpu.memory_space<hbm>>
        %dma_start3A_60 = tpu.memref_squeeze %dma_start3A_59 : memref<1x1x128x128xf32, #tpu.memory_space<hbm>> -> memref<128x128xf32, #tpu.memory_space<hbm>>
        %dma_start3A_61 = arith.constant 0 : i32
        %dma_start3A_62 = tpu.memref_slice %arg4[%arg0, %arg1, %mul3A_57, %dma_start3A_61] : memref<2x16x10240x128xf32, #tpu.memory_space<hbm>> -> memref<1x1x128x128xf32, #tpu.memory_space<hbm>>
        %dma_start3A_63 = tpu.memref_squeeze %dma_start3A_62 : memref<1x1x128x128xf32, #tpu.memory_space<hbm>> -> memref<128x128xf32, #tpu.memory_space<hbm>>
        tpu.enqueue_dma source(%arg7 : memref<128x128xf32, #tpu.memory_space<vmem>>) target(%dma_start3A_63 : memref<128x128xf32, #tpu.memory_space<hbm>>) target_semaphore(%run_scoped3A : memref<!tpu.dma_semaphore, #tpu.memory_space<semaphore_mem>>)
        %dma_wait3A_64 = arith.constant 0 : i32
        %dma_wait3A_65 = tpu.memref_slice %arg4[%arg0, %arg1, %mul3A_57, %dma_wait3A_64] : memref<2x16x10240x128xf32, #tpu.memory_space<hbm>> -> memref<1x1x128x128xf32, #tpu.memory_space<hbm>>
        %dma_wait3A_66 = tpu.memref_squeeze %dma_wait3A_65 : memref<1x1x128x128xf32, #tpu.memory_space<hbm>> -> memref<128x128xf32, #tpu.memory_space<hbm>>
        %dma_wait3A_67 = arith.constant 0 : i32
        %dma_wait3A_68 = tpu.memref_slice %arg4[%arg0, %arg1, %mul3A_57, %dma_wait3A_67] : memref<2x16x10240x128xf32, #tpu.memory_space<hbm>> -> memref<1x1x128x128xf32, #tpu.memory_space<hbm>>
        %dma_wait3A_69 = tpu.memref_squeeze %dma_wait3A_68 : memref<1x1x128x128xf32, #tpu.memory_space<hbm>> -> memref<128x128xf32, #tpu.memory_space<hbm>>
        tpu.wait_dma2 semaphore(%run_scoped3A : memref<!tpu.dma_semaphore, #tpu.memory_space<semaphore_mem>>) src(%arg7 : memref<128x128xf32, #tpu.memory_space<vmem>>) dst(%dma_wait3A_69 : memref<128x128xf32, #tpu.memory_space<hbm>>)
        tpu.yield
      }) : () -> ()
    }
    %scan3A_17 = arith.constant 40 : i32
    return
  }
}

#map = affine_map<(d0, d1) -> (0, 0, 0, 0)>
#map1 = affine_map<(d0, d1) -> (0, 0, 0)>
module attributes {stable_mosaic.version = 14 : i64} {
  func.func @_scatsum_body(%arg0: i32, %arg1: i32, %arg2: memref<2x16x10240x128xf32, #tpu.memory_space<hbm>>, %arg3: memref<2x16x80x128xi32, #tpu.memory_space<hbm>>, %arg4: memref<2x10000x128xf32, #tpu.memory_space<hbm>>, %arg5: memref<80x128xi32, #tpu.memory_space<vmem>>, %arg6: memref<128x128xf32, #tpu.memory_space<vmem>>, %arg7: memref<128x128xf32, #tpu.memory_space<vmem>>, %arg8: memref<10112x128xf32, #tpu.memory_space<vmem_shared>>, %arg9: memref<!tpu.dma_semaphore, #tpu.memory_space<semaphore_mem>>, %arg10: memref<!tpu.dma_semaphore, #tpu.memory_space<semaphore_mem>>) attributes {dimension_semantics = [#tpu.dimension_semantics<core_parallel>, #tpu.dimension_semantics<subcore_parallel>], iteration_bounds = array<i64: 2, 16>, scalar_prefetch = 0 : i64, scratch_operands = 6 : i64, tpu.core_type = #tpu.core_type<sc_vector_subcore>, window_params = [{transform_indices = #map}, {transform_indices = #map}, {transform_indices = #map1}]} {
    %mul3A = arith.constant 632 : i32
    %mul3A_0 = arith.muli %arg1, %mul3A : i32
    %scan3A = arith.constant 0 : i32
    %scan3A_1 = arith.constant 0 : i32
    %scan3A_2 = arith.constant 128 : i32
    %scan3A_3 = arith.addi %scan3A_1, %scan3A_2 : i32
    %scan3A_4 = arith.constant 1 : i32
    scf.for %scan3A_35 = %scan3A_1 to %scan3A_3 step %scan3A_4  : i32 {
      %broadcast_in_dim3A = arith.constant 0.000000e+00 : f32
      %broadcast_in_dim3A_36 = vector.broadcast %broadcast_in_dim3A : f32 to vector<16xf32>
      %swap3A = arith.index_cast %scan3A_35 : i32 to index
      %swap3A_37 = arith.constant 0 : index
      %swap3A_38 = tpu.vector_load %arg6[%swap3A, %swap3A_37] {strides = array<i32>} : memref<128x128xf32, #tpu.memory_space<vmem>>, vector<1x16xf32>,
      %swap3A_39 = vector.shape_cast %swap3A_38 : vector<1x16xf32> to vector<16xf32>
      %swap3A_40 = vector.shape_cast %broadcast_in_dim3A_36 : vector<16xf32> to vector<1x16xf32>
      tpu.vector_store %arg6[%swap3A, %swap3A_37], %swap3A_40 {strides = array<i32>} : memref<128x128xf32, #tpu.memory_space<vmem>>, vector<1x16xf32>,
      %broadcast_in_dim3A_41 = arith.constant 0.000000e+00 : f32
      %broadcast_in_dim3A_42 = vector.broadcast %broadcast_in_dim3A_41 : f32 to vector<16xf32>
      %swap3A_43 = arith.index_cast %scan3A_35 : i32 to index
      %swap3A_44 = arith.constant 16 : index
      %swap3A_45 = tpu.vector_load %arg6[%swap3A_43, %swap3A_44] {strides = array<i32>} : memref<128x128xf32, #tpu.memory_space<vmem>>, vector<1x16xf32>,
      %swap3A_46 = vector.shape_cast %swap3A_45 : vector<1x16xf32> to vector<16xf32>
      %swap3A_47 = vector.shape_cast %broadcast_in_dim3A_42 : vector<16xf32> to vector<1x16xf32>
      tpu.vector_store %arg6[%swap3A_43, %swap3A_44], %swap3A_47 {strides = array<i32>} : memref<128x128xf32, #tpu.memory_space<vmem>>, vector<1x16xf32>,
      %broadcast_in_dim3A_48 = arith.constant 0.000000e+00 : f32
      %broadcast_in_dim3A_49 = vector.broadcast %broadcast_in_dim3A_48 : f32 to vector<16xf32>
      %swap3A_50 = arith.index_cast %scan3A_35 : i32 to index
      %swap3A_51 = arith.constant 32 : index
      %swap3A_52 = tpu.vector_load %arg6[%swap3A_50, %swap3A_51] {strides = array<i32>} : memref<128x128xf32, #tpu.memory_space<vmem>>, vector<1x16xf32>,
      %swap3A_53 = vector.shape_cast %swap3A_52 : vector<1x16xf32> to vector<16xf32>
      %swap3A_54 = vector.shape_cast %broadcast_in_dim3A_49 : vector<16xf32> to vector<1x16xf32>
      tpu.vector_store %arg6[%swap3A_50, %swap3A_51], %swap3A_54 {strides = array<i32>} : memref<128x128xf32, #tpu.memory_space<vmem>>, vector<1x16xf32>,
      %broadcast_in_dim3A_55 = arith.constant 0.000000e+00 : f32
      %broadcast_in_dim3A_56 = vector.broadcast %broadcast_in_dim3A_55 : f32 to vector<16xf32>
      %swap3A_57 = arith.index_cast %scan3A_35 : i32 to index
      %swap3A_58 = arith.constant 48 : index
      %swap3A_59 = tpu.vector_load %arg6[%swap3A_57, %swap3A_58] {strides = array<i32>} : memref<128x128xf32, #tpu.memory_space<vmem>>, vector<1x16xf32>,
      %swap3A_60 = vector.shape_cast %swap3A_59 : vector<1x16xf32> to vector<16xf32>
      %swap3A_61 = vector.shape_cast %broadcast_in_dim3A_56 : vector<16xf32> to vector<1x16xf32>
      tpu.vector_store %arg6[%swap3A_57, %swap3A_58], %swap3A_61 {strides = array<i32>} : memref<128x128xf32, #tpu.memory_space<vmem>>, vector<1x16xf32>,
      %broadcast_in_dim3A_62 = arith.constant 0.000000e+00 : f32
      %broadcast_in_dim3A_63 = vector.broadcast %broadcast_in_dim3A_62 : f32 to vector<16xf32>
      %swap3A_64 = arith.index_cast %scan3A_35 : i32 to index
      %swap3A_65 = arith.constant 64 : index
      %swap3A_66 = tpu.vector_load %arg6[%swap3A_64, %swap3A_65] {strides = array<i32>} : memref<128x128xf32, #tpu.memory_space<vmem>>, vector<1x16xf32>,
      %swap3A_67 = vector.shape_cast %swap3A_66 : vector<1x16xf32> to vector<16xf32>
      %swap3A_68 = vector.shape_cast %broadcast_in_dim3A_63 : vector<16xf32> to vector<1x16xf32>
      tpu.vector_store %arg6[%swap3A_64, %swap3A_65], %swap3A_68 {strides = array<i32>} : memref<128x128xf32, #tpu.memory_space<vmem>>, vector<1x16xf32>,
      %broadcast_in_dim3A_69 = arith.constant 0.000000e+00 : f32
      %broadcast_in_dim3A_70 = vector.broadcast %broadcast_in_dim3A_69 : f32 to vector<16xf32>
      %swap3A_71 = arith.index_cast %scan3A_35 : i32 to index
      %swap3A_72 = arith.constant 80 : index
      %swap3A_73 = tpu.vector_load %arg6[%swap3A_71, %swap3A_72] {strides = array<i32>} : memref<128x128xf32, #tpu.memory_space<vmem>>, vector<1x16xf32>,
      %swap3A_74 = vector.shape_cast %swap3A_73 : vector<1x16xf32> to vector<16xf32>
      %swap3A_75 = vector.shape_cast %broadcast_in_dim3A_70 : vector<16xf32> to vector<1x16xf32>
      tpu.vector_store %arg6[%swap3A_71, %swap3A_72], %swap3A_75 {strides = array<i32>} : memref<128x128xf32, #tpu.memory_space<vmem>>, vector<1x16xf32>,
      %broadcast_in_dim3A_76 = arith.constant 0.000000e+00 : f32
      %broadcast_in_dim3A_77 = vector.broadcast %broadcast_in_dim3A_76 : f32 to vector<16xf32>
      %swap3A_78 = arith.index_cast %scan3A_35 : i32 to index
      %swap3A_79 = arith.constant 96 : index
      %swap3A_80 = tpu.vector_load %arg6[%swap3A_78, %swap3A_79] {strides = array<i32>} : memref<128x128xf32, #tpu.memory_space<vmem>>, vector<1x16xf32>,
      %swap3A_81 = vector.shape_cast %swap3A_80 : vector<1x16xf32> to vector<16xf32>
      %swap3A_82 = vector.shape_cast %broadcast_in_dim3A_77 : vector<16xf32> to vector<1x16xf32>
      tpu.vector_store %arg6[%swap3A_78, %swap3A_79], %swap3A_82 {strides = array<i32>} : memref<128x128xf32, #tpu.memory_space<vmem>>, vector<1x16xf32>,
      %broadcast_in_dim3A_83 = arith.constant 0.000000e+00 : f32
      %broadcast_in_dim3A_84 = vector.broadcast %broadcast_in_dim3A_83 : f32 to vector<16xf32>
      %swap3A_85 = arith.index_cast %scan3A_35 : i32 to index
      %swap3A_86 = arith.constant 112 : index
      %swap3A_87 = tpu.vector_load %arg6[%swap3A_85, %swap3A_86] {strides = array<i32>} : memref<128x128xf32, #tpu.memory_space<vmem>>, vector<1x16xf32>,
      %swap3A_88 = vector.shape_cast %swap3A_87 : vector<1x16xf32> to vector<16xf32>
      %swap3A_89 = vector.shape_cast %broadcast_in_dim3A_84 : vector<16xf32> to vector<1x16xf32>
      tpu.vector_store %arg6[%swap3A_85, %swap3A_86], %swap3A_89 {strides = array<i32>} : memref<128x128xf32, #tpu.memory_space<vmem>>, vector<1x16xf32>,
    }
    %scan3A_5 = arith.constant 128 : i32
    %add3A = arith.constant 0 : i32
    %add3A_6 = arith.addi %mul3A_0, %add3A : i32
    "tpu.region"() ({
      %run_scoped3A = tpu.sem_alloc : memref<!tpu.dma_semaphore, #tpu.memory_space<semaphore_mem>>
      %dma_start3A_35 = arith.constant 0 : i32
      %dma_start3A_36 = tpu.memref_slice %arg8[%add3A_6, %dma_start3A_35] : memref<10112x128xf32, #tpu.memory_space<vmem_shared>> -> memref<128x128xf32, #tpu.memory_space<vmem_shared>>
      %dma_start3A_37 = arith.constant 0 : i32
      %dma_start3A_38 = tpu.memref_slice %arg8[%add3A_6, %dma_start3A_37] : memref<10112x128xf32, #tpu.memory_space<vmem_shared>> -> memref<128x128xf32, #tpu.memory_space<vmem_shared>>
      tpu.enqueue_dma source(%arg6 : memref<128x128xf32, #tpu.memory_space<vmem>>) target(%dma_start3A_38 : memref<128x128xf32, #tpu.memory_space<vmem_shared>>) target_semaphore(%run_scoped3A : memref<!tpu.dma_semaphore, #tpu.memory_space<semaphore_mem>>)
      %dma_wait3A = arith.constant 0 : i32
      %dma_wait3A_39 = tpu.memref_slice %arg8[%add3A_6, %dma_wait3A] : memref<10112x128xf32, #tpu.memory_space<vmem_shared>> -> memref<128x128xf32, #tpu.memory_space<vmem_shared>>
      %dma_wait3A_40 = arith.constant 0 : i32
      %dma_wait3A_41 = tpu.memref_slice %arg8[%add3A_6, %dma_wait3A_40] : memref<10112x128xf32, #tpu.memory_space<vmem_shared>> -> memref<128x128xf32, #tpu.memory_space<vmem_shared>>
      tpu.wait_dma2 semaphore(%run_scoped3A : memref<!tpu.dma_semaphore, #tpu.memory_space<semaphore_mem>>) src(%arg6 : memref<128x128xf32, #tpu.memory_space<vmem>>) dst(%dma_wait3A_41 : memref<128x128xf32, #tpu.memory_space<vmem_shared>>)
      tpu.yield
    }) : () -> ()
    %add3A_7 = arith.constant 128 : i32
    %add3A_8 = arith.addi %mul3A_0, %add3A_7 : i32
    "tpu.region"() ({
      %run_scoped3A = tpu.sem_alloc : memref<!tpu.dma_semaphore, #tpu.memory_space<semaphore_mem>>
      %dma_start3A_35 = arith.constant 0 : i32
      %dma_start3A_36 = tpu.memref_slice %arg8[%add3A_8, %dma_start3A_35] : memref<10112x128xf32, #tpu.memory_space<vmem_shared>> -> memref<128x128xf32, #tpu.memory_space<vmem_shared>>
      %dma_start3A_37 = arith.constant 0 : i32
      %dma_start3A_38 = tpu.memref_slice %arg8[%add3A_8, %dma_start3A_37] : memref<10112x128xf32, #tpu.memory_space<vmem_shared>> -> memref<128x128xf32, #tpu.memory_space<vmem_shared>>
      tpu.enqueue_dma source(%arg6 : memref<128x128xf32, #tpu.memory_space<vmem>>) target(%dma_start3A_38 : memref<128x128xf32, #tpu.memory_space<vmem_shared>>) target_semaphore(%run_scoped3A : memref<!tpu.dma_semaphore, #tpu.memory_space<semaphore_mem>>)
      %dma_wait3A = arith.constant 0 : i32
      %dma_wait3A_39 = tpu.memref_slice %arg8[%add3A_8, %dma_wait3A] : memref<10112x128xf32, #tpu.memory_space<vmem_shared>> -> memref<128x128xf32, #tpu.memory_space<vmem_shared>>
      %dma_wait3A_40 = arith.constant 0 : i32
      %dma_wait3A_41 = tpu.memref_slice %arg8[%add3A_8, %dma_wait3A_40] : memref<10112x128xf32, #tpu.memory_space<vmem_shared>> -> memref<128x128xf32, #tpu.memory_space<vmem_shared>>
      tpu.wait_dma2 semaphore(%run_scoped3A : memref<!tpu.dma_semaphore, #tpu.memory_space<semaphore_mem>>) src(%arg6 : memref<128x128xf32, #tpu.memory_space<vmem>>) dst(%dma_wait3A_41 : memref<128x128xf32, #tpu.memory_space<vmem_shared>>)
      tpu.yield
    }) : () -> ()
    %add3A_9 = arith.constant 256 : i32
    %add3A_10 = arith.addi %mul3A_0, %add3A_9 : i32
    "tpu.region"() ({
      %run_scoped3A = tpu.sem_alloc : memref<!tpu.dma_semaphore, #tpu.memory_space<semaphore_mem>>
      %dma_start3A_35 = arith.constant 0 : i32
      %dma_start3A_36 = tpu.memref_slice %arg8[%add3A_10, %dma_start3A_35] : memref<10112x128xf32, #tpu.memory_space<vmem_shared>> -> memref<128x128xf32, #tpu.memory_space<vmem_shared>>
      %dma_start3A_37 = arith.constant 0 : i32
      %dma_start3A_38 = tpu.memref_slice %arg8[%add3A_10, %dma_start3A_37] : memref<10112x128xf32, #tpu.memory_space<vmem_shared>> -> memref<128x128xf32, #tpu.memory_space<vmem_shared>>
      tpu.enqueue_dma source(%arg6 : memref<128x128xf32, #tpu.memory_space<vmem>>) target(%dma_start3A_38 : memref<128x128xf32, #tpu.memory_space<vmem_shared>>) target_semaphore(%run_scoped3A : memref<!tpu.dma_semaphore, #tpu.memory_space<semaphore_mem>>)
      %dma_wait3A = arith.constant 0 : i32
      %dma_wait3A_39 = tpu.memref_slice %arg8[%add3A_10, %dma_wait3A] : memref<10112x128xf32, #tpu.memory_space<vmem_shared>> -> memref<128x128xf32, #tpu.memory_space<vmem_shared>>
      %dma_wait3A_40 = arith.constant 0 : i32
      %dma_wait3A_41 = tpu.memref_slice %arg8[%add3A_10, %dma_wait3A_40] : memref<10112x128xf32, #tpu.memory_space<vmem_shared>> -> memref<128x128xf32, #tpu.memory_space<vmem_shared>>
      tpu.wait_dma2 semaphore(%run_scoped3A : memref<!tpu.dma_semaphore, #tpu.memory_space<semaphore_mem>>) src(%arg6 : memref<128x128xf32, #tpu.memory_space<vmem>>) dst(%dma_wait3A_41 : memref<128x128xf32, #tpu.memory_space<vmem_shared>>)
      tpu.yield
    }) : () -> ()
    %add3A_11 = arith.constant 384 : i32
    %add3A_12 = arith.addi %mul3A_0, %add3A_11 : i32
    "tpu.region"() ({
      %run_scoped3A = tpu.sem_alloc : memref<!tpu.dma_semaphore, #tpu.memory_space<semaphore_mem>>
      %dma_start3A_35 = arith.constant 0 : i32
      %dma_start3A_36 = tpu.memref_slice %arg8[%add3A_12, %dma_start3A_35] : memref<10112x128xf32, #tpu.memory_space<vmem_shared>> -> memref<128x128xf32, #tpu.memory_space<vmem_shared>>
      %dma_start3A_37 = arith.constant 0 : i32
      %dma_start3A_38 = tpu.memref_slice %arg8[%add3A_12, %dma_start3A_37] : memref<10112x128xf32, #tpu.memory_space<vmem_shared>> -> memref<128x128xf32, #tpu.memory_space<vmem_shared>>
      tpu.enqueue_dma source(%arg6 : memref<128x128xf32, #tpu.memory_space<vmem>>) target(%dma_start3A_38 : memref<128x128xf32, #tpu.memory_space<vmem_shared>>) target_semaphore(%run_scoped3A : memref<!tpu.dma_semaphore, #tpu.memory_space<semaphore_mem>>)
      %dma_wait3A = arith.constant 0 : i32
      %dma_wait3A_39 = tpu.memref_slice %arg8[%add3A_12, %dma_wait3A] : memref<10112x128xf32, #tpu.memory_space<vmem_shared>> -> memref<128x128xf32, #tpu.memory_space<vmem_shared>>
      %dma_wait3A_40 = arith.constant 0 : i32
      %dma_wait3A_41 = tpu.memref_slice %arg8[%add3A_12, %dma_wait3A_40] : memref<10112x128xf32, #tpu.memory_space<vmem_shared>> -> memref<128x128xf32, #tpu.memory_space<vmem_shared>>
      tpu.wait_dma2 semaphore(%run_scoped3A : memref<!tpu.dma_semaphore, #tpu.memory_space<semaphore_mem>>) src(%arg6 : memref<128x128xf32, #tpu.memory_space<vmem>>) dst(%dma_wait3A_41 : memref<128x128xf32, #tpu.memory_space<vmem_shared>>)
      tpu.yield
    }) : () -> ()
    %add3A_13 = arith.constant 512 : i32
    %add3A_14 = arith.addi %mul3A_0, %add3A_13 : i32
    "tpu.region"() ({
      %run_scoped3A = tpu.sem_alloc : memref<!tpu.dma_semaphore, #tpu.memory_space<semaphore_mem>>
      %dma_start3A_35 = arith.constant 0 : i32
      %dma_start3A_36 = arith.constant 0 : i32
      %dma_start3A_37 = tpu.memref_slice %arg6[%dma_start3A_35, %dma_start3A_36] : memref<128x128xf32, #tpu.memory_space<vmem>> -> memref<120x128xf32, #tpu.memory_space<vmem>>
      %dma_start3A_38 = arith.constant 0 : i32
      %dma_start3A_39 = tpu.memref_slice %arg8[%add3A_14, %dma_start3A_38] : memref<10112x128xf32, #tpu.memory_space<vmem_shared>> -> memref<120x128xf32, #tpu.memory_space<vmem_shared>>
      %dma_start3A_40 = arith.constant 0 : i32
      %dma_start3A_41 = tpu.memref_slice %arg8[%add3A_14, %dma_start3A_40] : memref<10112x128xf32, #tpu.memory_space<vmem_shared>> -> memref<120x128xf32, #tpu.memory_space<vmem_shared>>
      %dma_start3A_42 = arith.constant 0 : i32
      %dma_start3A_43 = arith.constant 0 : i32
      %dma_start3A_44 = tpu.memref_slice %arg6[%dma_start3A_42, %dma_start3A_43] : memref<128x128xf32, #tpu.memory_space<vmem>> -> memref<120x128xf32, #tpu.memory_space<vmem>>
      tpu.enqueue_dma source(%dma_start3A_44 : memref<120x128xf32, #tpu.memory_space<vmem>>) target(%dma_start3A_41 : memref<120x128xf32, #tpu.memory_space<vmem_shared>>) target_semaphore(%run_scoped3A : memref<!tpu.dma_semaphore, #tpu.memory_space<semaphore_mem>>)
      %dma_wait3A = arith.constant 0 : i32
      %dma_wait3A_45 = arith.constant 0 : i32
      %dma_wait3A_46 = tpu.memref_slice %arg6[%dma_wait3A, %dma_wait3A_45] : memref<128x128xf32, #tpu.memory_space<vmem>> -> memref<120x128xf32, #tpu.memory_space<vmem>>
      %dma_wait3A_47 = arith.constant 0 : i32
      %dma_wait3A_48 = tpu.memref_slice %arg8[%add3A_14, %dma_wait3A_47] : memref<10112x128xf32, #tpu.memory_space<vmem_shared>> -> memref<120x128xf32, #tpu.memory_space<vmem_shared>>
      %dma_wait3A_49 = arith.constant 0 : i32
      %dma_wait3A_50 = tpu.memref_slice %arg8[%add3A_14, %dma_wait3A_49] : memref<10112x128xf32, #tpu.memory_space<vmem_shared>> -> memref<120x128xf32, #tpu.memory_space<vmem_shared>>
      %dma_wait3A_51 = arith.constant 0 : i32
      %dma_wait3A_52 = arith.constant 0 : i32
      %dma_wait3A_53 = tpu.memref_slice %arg6[%dma_wait3A_51, %dma_wait3A_52] : memref<128x128xf32, #tpu.memory_space<vmem>> -> memref<120x128xf32, #tpu.memory_space<vmem>>
      tpu.wait_dma2 semaphore(%run_scoped3A : memref<!tpu.dma_semaphore, #tpu.memory_space<semaphore_mem>>) src(%dma_wait3A_53 : memref<120x128xf32, #tpu.memory_space<vmem>>) dst(%dma_wait3A_50 : memref<120x128xf32, #tpu.memory_space<vmem_shared>>)
      tpu.yield
    }) : () -> ()
    %barrier3A = arith.constant 0 : index
    tpu.barrier barrier_id(%barrier3A)
    "tpu.region"() ({
      %run_scoped3A = tpu.sem_alloc : memref<!tpu.dma_semaphore, #tpu.memory_space<semaphore_mem>>
      %dma_start3A_35 = arith.constant 0 : i32
      %dma_start3A_36 = arith.constant 0 : i32
      %dma_start3A_37 = tpu.memref_slice %arg3[%arg0, %arg1, %dma_start3A_35, %dma_start3A_36] : memref<2x16x80x128xi32, #tpu.memory_space<hbm>> -> memref<1x1x80x128xi32, #tpu.memory_space<hbm>>
      %dma_start3A_38 = tpu.memref_squeeze %dma_start3A_37 : memref<1x1x80x128xi32, #tpu.memory_space<hbm>> -> memref<80x128xi32, #tpu.memory_space<hbm>>
      %dma_start3A_39 = arith.constant 0 : i32
      %dma_start3A_40 = arith.constant 0 : i32
      %dma_start3A_41 = tpu.memref_slice %arg3[%arg0, %arg1, %dma_start3A_39, %dma_start3A_40] : memref<2x16x80x128xi32, #tpu.memory_space<hbm>> -> memref<1x1x80x128xi32, #tpu.memory_space<hbm>>
      %dma_start3A_42 = tpu.memref_squeeze %dma_start3A_41 : memref<1x1x80x128xi32, #tpu.memory_space<hbm>> -> memref<80x128xi32, #tpu.memory_space<hbm>>
      tpu.enqueue_dma source(%dma_start3A_42 : memref<80x128xi32, #tpu.memory_space<hbm>>) target(%arg5 : memref<80x128xi32, #tpu.memory_space<vmem>>) target_semaphore(%run_scoped3A : memref<!tpu.dma_semaphore, #tpu.memory_space<semaphore_mem>>)
      %dma_wait3A = arith.constant 0 : i32
      %dma_wait3A_43 = arith.constant 0 : i32
      %dma_wait3A_44 = tpu.memref_slice %arg3[%arg0, %arg1, %dma_wait3A, %dma_wait3A_43] : memref<2x16x80x128xi32, #tpu.memory_space<hbm>> -> memref<1x1x80x128xi32, #tpu.memory_space<hbm>>
      %dma_wait3A_45 = tpu.memref_squeeze %dma_wait3A_44 : memref<1x1x80x128xi32, #tpu.memory_space<hbm>> -> memref<80x128xi32, #tpu.memory_space<hbm>>
      %dma_wait3A_46 = arith.constant 0 : i32
      %dma_wait3A_47 = arith.constant 0 : i32
      %dma_wait3A_48 = tpu.memref_slice %arg3[%arg0, %arg1, %dma_wait3A_46, %dma_wait3A_47] : memref<2x16x80x128xi32, #tpu.memory_space<hbm>> -> memref<1x1x80x128xi32, #tpu.memory_space<hbm>>
      %dma_wait3A_49 = tpu.memref_squeeze %dma_wait3A_48 : memref<1x1x80x128xi32, #tpu.memory_space<hbm>> -> memref<80x128xi32, #tpu.memory_space<hbm>>
      tpu.wait_dma2 semaphore(%run_scoped3A : memref<!tpu.dma_semaphore, #tpu.memory_space<semaphore_mem>>) src(%dma_wait3A_49 : memref<80x128xi32, #tpu.memory_space<hbm>>) dst(%arg5 : memref<80x128xi32, #tpu.memory_space<vmem>>)
      tpu.yield
    }) : () -> ()
    %dma_start3A = arith.constant 0 : i32
    %dma_start3A_15 = arith.constant 0 : i32
    %dma_start3A_16 = tpu.memref_slice %arg2[%arg0, %arg1, %dma_start3A, %dma_start3A_15] : memref<2x16x10240x128xf32, #tpu.memory_space<hbm>> -> memref<1x1x128x128xf32, #tpu.memory_space<hbm>>
    %dma_start3A_17 = tpu.memref_squeeze %dma_start3A_16 : memref<1x1x128x128xf32, #tpu.memory_space<hbm>> -> memref<128x128xf32, #tpu.memory_space<hbm>>
    %dma_start3A_18 = arith.constant 0 : i32
    %dma_start3A_19 = arith.constant 0 : i32
    %dma_start3A_20 = tpu.memref_slice %arg2[%arg0, %arg1, %dma_start3A_18, %dma_start3A_19] : memref<2x16x10240x128xf32, #tpu.memory_space<hbm>> -> memref<1x1x128x128xf32, #tpu.memory_space<hbm>>
    %dma_start3A_21 = tpu.memref_squeeze %dma_start3A_20 : memref<1x1x128x128xf32, #tpu.memory_space<hbm>> -> memref<128x128xf32, #tpu.memory_space<hbm>>
    tpu.enqueue_dma source(%dma_start3A_21 : memref<128x128xf32, #tpu.memory_space<hbm>>) target(%arg6 : memref<128x128xf32, #tpu.memory_space<vmem>>) target_semaphore(%arg9 : memref<!tpu.dma_semaphore, #tpu.memory_space<semaphore_mem>>)
    %scan3A_22 = arith.constant 0 : i32
    %scan3A_23 = arith.constant 0 : i32
    %scan3A_24 = arith.constant 40 : i32
    %scan3A_25 = arith.addi %scan3A_23, %scan3A_24 : i32
    %scan3A_26 = arith.constant 1 : i32
    scf.for %scan3A_35 = %scan3A_23 to %scan3A_25 step %scan3A_26  : i32 {
      %mul3A_36 = arith.constant 2 : i32
      %mul3A_37 = arith.muli %mul3A_36, %scan3A_35 : i32
      %add3A_38 = arith.constant 0 : i32
      %add3A_39 = arith.addi %add3A_38, %mul3A_37 : i32
      %add3A_40 = arith.constant 1 : i32
      %add3A_41 = arith.addi %add3A_39, %add3A_40 : i32
      %mul3A_42 = arith.constant 128 : i32
      %mul3A_43 = arith.muli %add3A_41, %mul3A_42 : i32
      %dma_start3A_44 = arith.constant 0 : i32
      %dma_start3A_45 = tpu.memref_slice %arg2[%arg0, %arg1, %mul3A_43, %dma_start3A_44] : memref<2x16x10240x128xf32, #tpu.memory_space<hbm>> -> memref<1x1x128x128xf32, #tpu.memory_space<hbm>>
      %dma_start3A_46 = tpu.memref_squeeze %dma_start3A_45 : memref<1x1x128x128xf32, #tpu.memory_space<hbm>> -> memref<128x128xf32, #tpu.memory_space<hbm>>
      %dma_start3A_47 = arith.constant 0 : i32
      %dma_start3A_48 = tpu.memref_slice %arg2[%arg0, %arg1, %mul3A_43, %dma_start3A_47] : memref<2x16x10240x128xf32, #tpu.memory_space<hbm>> -> memref<1x1x128x128xf32, #tpu.memory_space<hbm>>
      %dma_start3A_49 = tpu.memref_squeeze %dma_start3A_48 : memref<1x1x128x128xf32, #tpu.memory_space<hbm>> -> memref<128x128xf32, #tpu.memory_space<hbm>>
      tpu.enqueue_dma source(%dma_start3A_49 : memref<128x128xf32, #tpu.memory_space<hbm>>) target(%arg7 : memref<128x128xf32, #tpu.memory_space<vmem>>) target_semaphore(%arg10 : memref<!tpu.dma_semaphore, #tpu.memory_space<semaphore_mem>>)
      %add3A_50 = arith.constant 0 : i32
      %add3A_51 = arith.addi %add3A_50, %mul3A_37 : i32
      %mul3A_52 = arith.constant 128 : i32
      %mul3A_53 = arith.muli %add3A_51, %mul3A_52 : i32
      %dma_wait3A = arith.constant 0 : i32
      %dma_wait3A_54 = tpu.memref_slice %arg2[%arg0, %arg1, %mul3A_53, %dma_wait3A] : memref<2x16x10240x128xf32, #tpu.memory_space<hbm>> -> memref<1x1x128x128xf32, #tpu.memory_space<hbm>>
      %dma_wait3A_55 = tpu.memref_squeeze %dma_wait3A_54 : memref<1x1x128x128xf32, #tpu.memory_space<hbm>> -> memref<128x128xf32, #tpu.memory_space<hbm>>
      %dma_wait3A_56 = arith.constant 0 : i32
      %dma_wait3A_57 = tpu.memref_slice %arg2[%arg0, %arg1, %mul3A_53, %dma_wait3A_56] : memref<2x16x10240x128xf32, #tpu.memory_space<hbm>> -> memref<1x1x128x128xf32, #tpu.memory_space<hbm>>
      %dma_wait3A_58 = tpu.memref_squeeze %dma_wait3A_57 : memref<1x1x128x128xf32, #tpu.memory_space<hbm>> -> memref<128x128xf32, #tpu.memory_space<hbm>>
      tpu.wait_dma2 semaphore(%arg9 : memref<!tpu.dma_semaphore, #tpu.memory_space<semaphore_mem>>) src(%dma_wait3A_58 : memref<128x128xf32, #tpu.memory_space<hbm>>) dst(%arg6 : memref<128x128xf32, #tpu.memory_space<vmem>>)
      "tpu.region"() ({
        %run_scoped3A = tpu.sem_alloc : memref<!tpu.dma_semaphore, #tpu.memory_space<semaphore_mem>>
        %dma_start3A_80 = arith.constant 0 : i32
        %dma_start3A_81 = tpu.memref_slice %arg5[%mul3A_37, %dma_start3A_80] : memref<80x128xi32, #tpu.memory_space<vmem>> -> memref<1x128xi32, #tpu.memory_space<vmem>>
        %dma_start3A_82 = tpu.memref_squeeze %dma_start3A_81 : memref<1x128xi32, #tpu.memory_space<vmem>> -> memref<128xi32, #tpu.memory_space<vmem>>
        %dma_start3A_83 = arith.constant 0 : i32
        %dma_start3A_84 = arith.constant 0 : i32
        %dma_start3A_85 = tpu.memref_slice %arg8[%dma_start3A_83, %dma_start3A_84] : memref<10112x128xf32, #tpu.memory_space<vmem_shared>> -> memref<10112x128xf32, #tpu.memory_space<vmem_shared>>
        tpu.enqueue_indirect_dma source(%arg6 : memref<128x128xf32, #tpu.memory_space<vmem>>) target(%dma_start3A_85 : memref<10112x128xf32, #tpu.memory_space<vmem_shared>>) offsets(%dma_start3A_82 : memref<128xi32, #tpu.memory_space<vmem>>) semaphore(%run_scoped3A : memref<!tpu.dma_semaphore, #tpu.memory_space<semaphore_mem>>) {add = true}
        %dma_wait3A_86 = arith.constant 0 : i32
        %dma_wait3A_87 = tpu.memref_slice %arg5[%mul3A_37, %dma_wait3A_86] : memref<80x128xi32, #tpu.memory_space<vmem>> -> memref<1x128xi32, #tpu.memory_space<vmem>>
        %dma_wait3A_88 = tpu.memref_squeeze %dma_wait3A_87 : memref<1x128xi32, #tpu.memory_space<vmem>> -> memref<128xi32, #tpu.memory_space<vmem>>
        %dma_wait3A_89 = arith.constant 0 : i32
        %dma_wait3A_90 = arith.constant 0 : i32
        %dma_wait3A_91 = tpu.memref_slice %arg8[%dma_wait3A_89, %dma_wait3A_90] : memref<10112x128xf32, #tpu.memory_space<vmem_shared>> -> memref<10112x128xf32, #tpu.memory_space<vmem_shared>>
        tpu.wait_indirect_dma semaphore(%run_scoped3A : memref<!tpu.dma_semaphore, #tpu.memory_space<semaphore_mem>>) src(%arg6 : memref<128x128xf32, #tpu.memory_space<vmem>>) dst(%dma_wait3A_91 : memref<10112x128xf32, #tpu.memory_space<vmem_shared>>)
        tpu.yield
      }) : () -> ()
      %add3A_59 = arith.constant 2 : i32
      %add3A_60 = arith.addi %mul3A_37, %add3A_59 : i32
      %lt3A_61 = arith.constant 80 : i32
      %lt3A_62 = arith.cmpi slt, %add3A_60, %lt3A_61 : i32
      %convert_element_type3A_63 = arith.extui %lt3A_62 : i1 to i32
      %cond3A_64 = arith.constant 0 : i32
      %cond3A_65 = arith.cmpi ne, %convert_element_type3A_63, %cond3A_64 : i32
      scf.if %cond3A_65 {
        %add3A_80 = arith.constant 0 : i32
        %add3A_81 = arith.addi %add3A_80, %mul3A_37 : i32
        %add3A_82 = arith.constant 2 : i32
        %add3A_83 = arith.addi %add3A_81, %add3A_82 : i32
        %mul3A_84 = arith.constant 128 : i32
        %mul3A_85 = arith.muli %add3A_83, %mul3A_84 : i32
        %dma_start3A_86 = arith.constant 0 : i32
        %dma_start3A_87 = tpu.memref_slice %arg2[%arg0, %arg1, %mul3A_85, %dma_start3A_86] : memref<2x16x10240x128xf32, #tpu.memory_space<hbm>> -> memref<1x1x128x128xf32, #tpu.memory_space<hbm>>
        %dma_start3A_88 = tpu.memref_squeeze %dma_start3A_87 : memref<1x1x128x128xf32, #tpu.memory_space<hbm>> -> memref<128x128xf32, #tpu.memory_space<hbm>>
        %dma_start3A_89 = arith.constant 0 : i32
        %dma_start3A_90 = tpu.memref_slice %arg2[%arg0, %arg1, %mul3A_85, %dma_start3A_89] : memref<2x16x10240x128xf32, #tpu.memory_space<hbm>> -> memref<1x1x128x128xf32, #tpu.memory_space<hbm>>
        %dma_start3A_91 = tpu.memref_squeeze %dma_start3A_90 : memref<1x1x128x128xf32, #tpu.memory_space<hbm>> -> memref<128x128xf32, #tpu.memory_space<hbm>>
        tpu.enqueue_dma source(%dma_start3A_91 : memref<128x128xf32, #tpu.memory_space<hbm>>) target(%arg6 : memref<128x128xf32, #tpu.memory_space<vmem>>) target_semaphore(%arg9 : memref<!tpu.dma_semaphore, #tpu.memory_space<semaphore_mem>>)
      } else {
      }
      %add3A_66 = arith.constant 0 : i32
      %add3A_67 = arith.addi %add3A_66, %mul3A_37 : i32
      %add3A_68 = arith.constant 1 : i32
      %add3A_69 = arith.addi %add3A_67, %add3A_68 : i32
      %mul3A_70 = arith.constant 128 : i32
      %mul3A_71 = arith.muli %add3A_69, %mul3A_70 : i32
      %dma_wait3A_72 = arith.constant 0 : i32
      %dma_wait3A_73 = tpu.memref_slice %arg2[%arg0, %arg1, %mul3A_71, %dma_wait3A_72] : memref<2x16x10240x128xf32, #tpu.memory_space<hbm>> -> memref<1x1x128x128xf32, #tpu.memory_space<hbm>>
      %dma_wait3A_74 = tpu.memref_squeeze %dma_wait3A_73 : memref<1x1x128x128xf32, #tpu.memory_space<hbm>> -> memref<128x128xf32, #tpu.memory_space<hbm>>
      %dma_wait3A_75 = arith.constant 0 : i32
      %dma_wait3A_76 = tpu.memref_slice %arg2[%arg0, %arg1, %mul3A_71, %dma_wait3A_75] : memref<2x16x10240x128xf32, #tpu.memory_space<hbm>> -> memref<1x1x128x128xf32, #tpu.memory_space<hbm>>
      %dma_wait3A_77 = tpu.memref_squeeze %dma_wait3A_76 : memref<1x1x128x128xf32, #tpu.memory_space<hbm>> -> memref<128x128xf32, #tpu.memory_space<hbm>>
      tpu.wait_dma2 semaphore(%arg10 : memref<!tpu.dma_semaphore, #tpu.memory_space<semaphore_mem>>) src(%dma_wait3A_77 : memref<128x128xf32, #tpu.memory_space<hbm>>) dst(%arg7 : memref<128x128xf32, #tpu.memory_space<vmem>>)
      %add3A_78 = arith.constant 1 : i32
      %add3A_79 = arith.addi %mul3A_37, %add3A_78 : i32
      "tpu.region"() ({
        %run_scoped3A = tpu.sem_alloc : memref<!tpu.dma_semaphore, #tpu.memory_space<semaphore_mem>>
        %dma_start3A_80 = arith.constant 0 : i32
        %dma_start3A_81 = tpu.memref_slice %arg5[%add3A_79, %dma_start3A_80] : memref<80x128xi32, #tpu.memory_space<vmem>> -> memref<1x128xi32, #tpu.memory_space<vmem>>
        %dma_start3A_82 = tpu.memref_squeeze %dma_start3A_81 : memref<1x128xi32, #tpu.memory_space<vmem>> -> memref<128xi32, #tpu.memory_space<vmem>>
        %dma_start3A_83 = arith.constant 0 : i32
        %dma_start3A_84 = arith.constant 0 : i32
        %dma_start3A_85 = tpu.memref_slice %arg8[%dma_start3A_83, %dma_start3A_84] : memref<10112x128xf32, #tpu.memory_space<vmem_shared>> -> memref<10112x128xf32, #tpu.memory_space<vmem_shared>>
        tpu.enqueue_indirect_dma source(%arg7 : memref<128x128xf32, #tpu.memory_space<vmem>>) target(%dma_start3A_85 : memref<10112x128xf32, #tpu.memory_space<vmem_shared>>) offsets(%dma_start3A_82 : memref<128xi32, #tpu.memory_space<vmem>>) semaphore(%run_scoped3A : memref<!tpu.dma_semaphore, #tpu.memory_space<semaphore_mem>>) {add = true}
        %dma_wait3A_86 = arith.constant 0 : i32
        %dma_wait3A_87 = tpu.memref_slice %arg5[%add3A_79, %dma_wait3A_86] : memref<80x128xi32, #tpu.memory_space<vmem>> -> memref<1x128xi32, #tpu.memory_space<vmem>>
        %dma_wait3A_88 = tpu.memref_squeeze %dma_wait3A_87 : memref<1x128xi32, #tpu.memory_space<vmem>> -> memref<128xi32, #tpu.memory_space<vmem>>
        %dma_wait3A_89 = arith.constant 0 : i32
        %dma_wait3A_90 = arith.constant 0 : i32
        %dma_wait3A_91 = tpu.memref_slice %arg8[%dma_wait3A_89, %dma_wait3A_90] : memref<10112x128xf32, #tpu.memory_space<vmem_shared>> -> memref<10112x128xf32, #tpu.memory_space<vmem_shared>>
        tpu.wait_indirect_dma semaphore(%run_scoped3A : memref<!tpu.dma_semaphore, #tpu.memory_space<semaphore_mem>>) src(%arg7 : memref<128x128xf32, #tpu.memory_space<vmem>>) dst(%dma_wait3A_91 : memref<10112x128xf32, #tpu.memory_space<vmem_shared>>)
        tpu.yield
      }) : () -> ()
    }
    %scan3A_27 = arith.constant 40 : i32
    %barrier3A_28 = arith.constant 0 : index
    tpu.barrier barrier_id(%barrier3A_28)
    %lt3A = arith.constant 15 : i32
    %lt3A_29 = arith.cmpi slt, %arg1, %lt3A : i32
    %convert_element_type3A = arith.extui %lt3A_29 : i1 to i32
    %cond3A = arith.constant 0 : i32
    %cond3A_30 = arith.cmpi ne, %convert_element_type3A, %cond3A : i32
    scf.if %cond3A_30 {
      "tpu.region"() ({
        %run_scoped3A = tpu.sem_alloc : memref<!tpu.dma_semaphore, #tpu.memory_space<semaphore_mem>>
        %dma_start3A_35 = arith.constant 0 : i32
        %dma_start3A_36 = tpu.memref_slice %arg4[%arg0, %mul3A_0, %dma_start3A_35] : memref<2x10000x128xf32, #tpu.memory_space<hbm>> -> memref<1x632x128xf32, #tpu.memory_space<hbm>>
        %dma_start3A_37 = tpu.memref_squeeze %dma_start3A_36 : memref<1x632x128xf32, #tpu.memory_space<hbm>> -> memref<632x128xf32, #tpu.memory_space<hbm>>
        %dma_start3A_38 = arith.constant 0 : i32
        %dma_start3A_39 = tpu.memref_slice %arg8[%mul3A_0, %dma_start3A_38] : memref<10112x128xf32, #tpu.memory_space<vmem_shared>> -> memref<632x128xf32, #tpu.memory_space<vmem_shared>>
        tpu.enqueue_dma source(%dma_start3A_39 : memref<632x128xf32, #tpu.memory_space<vmem_shared>>) target(%dma_start3A_37 : memref<632x128xf32, #tpu.memory_space<hbm>>) target_semaphore(%run_scoped3A : memref<!tpu.dma_semaphore, #tpu.memory_space<semaphore_mem>>)
        %dma_wait3A = arith.constant 0 : i32
        %dma_wait3A_40 = tpu.memref_slice %arg4[%arg0, %mul3A_0, %dma_wait3A] : memref<2x10000x128xf32, #tpu.memory_space<hbm>> -> memref<1x632x128xf32, #tpu.memory_space<hbm>>
        %dma_wait3A_41 = tpu.memref_squeeze %dma_wait3A_40 : memref<1x632x128xf32, #tpu.memory_space<hbm>> -> memref<632x128xf32, #tpu.memory_space<hbm>>
        %dma_wait3A_42 = arith.constant 0 : i32
        %dma_wait3A_43 = tpu.memref_slice %arg8[%mul3A_0, %dma_wait3A_42] : memref<10112x128xf32, #tpu.memory_space<vmem_shared>> -> memref<632x128xf32, #tpu.memory_space<vmem_shared>>
        tpu.wait_dma2 semaphore(%run_scoped3A : memref<!tpu.dma_semaphore, #tpu.memory_space<semaphore_mem>>) src(%dma_wait3A_43 : memref<632x128xf32, #tpu.memory_space<vmem_shared>>) dst(%dma_wait3A_41 : memref<632x128xf32, #tpu.memory_space<hbm>>)
        tpu.yield
      }) : () -> ()
    } else {
    }
    %eq3A = arith.constant 15 : i32
    %eq3A_31 = arith.cmpi eq, %arg1, %eq3A : i32
    %convert_element_type3A_32 = arith.extui %eq3A_31 : i1 to i32
    %cond3A_33 = arith.constant 0 : i32
    %cond3A_34 = arith.cmpi ne, %convert_element_type3A_32, %cond3A_33 : i32
    scf.if %cond3A_34 {
      "tpu.region"() ({
        %run_scoped3A = tpu.sem_alloc : memref<!tpu.dma_semaphore, #tpu.memory_space<semaphore_mem>>
        %dma_start3A_35 = arith.constant 9480 : i32
        %dma_start3A_36 = arith.constant 0 : i32
        %dma_start3A_37 = tpu.memref_slice %arg4[%arg0, %dma_start3A_35, %dma_start3A_36] : memref<2x10000x128xf32, #tpu.memory_space<hbm>> -> memref<1x520x128xf32, #tpu.memory_space<hbm>>
        %dma_start3A_38 = tpu.memref_squeeze %dma_start3A_37 : memref<1x520x128xf32, #tpu.memory_space<hbm>> -> memref<520x128xf32, #tpu.memory_space<hbm>>
        %dma_start3A_39 = arith.constant 9480 : i32
        %dma_start3A_40 = arith.constant 0 : i32
        %dma_start3A_41 = tpu.memref_slice %arg8[%dma_start3A_39, %dma_start3A_40] : memref<10112x128xf32, #tpu.memory_space<vmem_shared>> -> memref<520x128xf32, #tpu.memory_space<vmem_shared>>
        tpu.enqueue_dma source(%dma_start3A_41 : memref<520x128xf32, #tpu.memory_space<vmem_shared>>) target(%dma_start3A_38 : memref<520x128xf32, #tpu.memory_space<hbm>>) target_semaphore(%run_scoped3A : memref<!tpu.dma_semaphore, #tpu.memory_space<semaphore_mem>>)
        %dma_wait3A = arith.constant 9480 : i32
        %dma_wait3A_42 = arith.constant 0 : i32
        %dma_wait3A_43 = tpu.memref_slice %arg4[%arg0, %dma_wait3A, %dma_wait3A_42] : memref<2x10000x128xf32, #tpu.memory_space<hbm>> -> memref<1x520x128xf32, #tpu.memory_space<hbm>>
        %dma_wait3A_44 = tpu.memref_squeeze %dma_wait3A_43 : memref<1x520x128xf32, #tpu.memory_space<hbm>> -> memref<520x128xf32, #tpu.memory_space<hbm>>
        %dma_wait3A_45 = arith.constant 9480 : i32
        %dma_wait3A_46 = arith.constant 0 : i32
        %dma_wait3A_47 = tpu.memref_slice %arg8[%dma_wait3A_45, %dma_wait3A_46] : memref<10112x128xf32, #tpu.memory_space<vmem_shared>> -> memref<520x128xf32, #tpu.memory_space<vmem_shared>>
        tpu.wait_dma2 semaphore(%run_scoped3A : memref<!tpu.dma_semaphore, #tpu.memory_space<semaphore_mem>>) src(%dma_wait3A_47 : memref<520x128xf32, #tpu.memory_space<vmem_shared>>) dst(%dma_wait3A_44 : memref<520x128xf32, #tpu.memory_space<hbm>>)
        tpu.yield
      }) : () -> ()
    } else {
    }
    return
  }
}

module attributes {stable_mosaic.version = 14 : i64} {
  func.func @_mm_first_body(%arg0: i32, %arg1: memref<1000x128xf32, #tpu.memory_space<vmem>>, %arg2: memref<128x128xf32, #tpu.memory_space<vmem>>, %arg3: memref<128x128xf32, #tpu.memory_space<vmem>>, %arg4: memref<1x128xf32, #tpu.memory_space<vmem>>, %arg5: memref<1000x128xf32, #tpu.memory_space<vmem>>, %arg6: memref<1000x128xf32, #tpu.memory_space<vmem>>) attributes {dimension_semantics = [#tpu.dimension_semantics<arbitrary>], iteration_bounds = array<i64: 10>, scalar_prefetch = 0 : i64, scratch_operands = 0 : i64, tpu.core_type = #tpu.core_type<tc>, window_params = [{transform_indices = @transform_0, window_bounds = array<i64: 1000, 128>}, {pipeline_mode = #tpu.pipeline_mode<synchronous>, transform_indices = @transform_1, window_bounds = array<i64: 128, 128>}, {pipeline_mode = #tpu.pipeline_mode<synchronous>, transform_indices = @transform_2, window_bounds = array<i64: 128, 128>}, {pipeline_mode = #tpu.pipeline_mode<synchronous>, transform_indices = @transform_3, window_bounds = array<i64: 1, 128>}, {transform_indices = @transform_4, window_bounds = array<i64: 1000, 128>}, {transform_indices = @transform_5, window_bounds = array<i64: 1000, 128>}]} {
    %get3A = arith.constant 0 : index
    %get3A_0 = arith.constant 0 : index
    %get3A_1 = vector.load %arg1[%get3A, %get3A_0] : memref<1000x128xf32, #tpu.memory_space<vmem>>, vector<1000x128xf32>
    %get3A_2 = arith.constant 0 : index
    %get3A_3 = arith.constant 0 : index
    %get3A_4 = vector.load %arg2[%get3A_2, %get3A_3] : memref<128x128xf32, #tpu.memory_space<vmem>>, vector<128x128xf32>
    %dot_general3A = arith.constant dense<0.000000e+00> : vector<1000x128xf32>
    %dot_general3A_5 = tpu.matmul %get3A_1, %get3A_4, %dot_general3A {dimension_numbers = #tpu.dot_dimension_numbers<[1], [0], [0], [1], [0, 0, 1, 1], [], []>, transpose_lhs_hint = false} : vector<1000x128xf32>, vector<128x128xf32>, vector<1000x128xf32> -> vector<1000x128xf32>
    %swap3A = arith.constant 0 : index
    %swap3A_6 = arith.constant 0 : index
    %swap3A_7 = vector.load %arg5[%swap3A, %swap3A_6] : memref<1000x128xf32, #tpu.memory_space<vmem>>, vector<1000x128xf32>
    tpu.vector_store %arg5[%swap3A, %swap3A_6], %dot_general3A_5 {strides = array<i32>} : memref<1000x128xf32, #tpu.memory_space<vmem>>, vector<1000x128xf32>,
    %get3A_8 = arith.constant 0 : index
    %get3A_9 = arith.constant 0 : index
    %get3A_10 = vector.load %arg3[%get3A_8, %get3A_9] : memref<128x128xf32, #tpu.memory_space<vmem>>, vector<128x128xf32>
    %dot_general3A_11 = arith.constant dense<0.000000e+00> : vector<1000x128xf32>
    %dot_general3A_12 = tpu.matmul %get3A_1, %get3A_10, %dot_general3A_11 {dimension_numbers = #tpu.dot_dimension_numbers<[1], [0], [0], [1], [0, 0, 1, 1], [], []>, transpose_lhs_hint = false} : vector<1000x128xf32>, vector<128x128xf32>, vector<1000x128xf32> -> vector<1000x128xf32>
    %get3A_13 = arith.constant 0 : index
    %get3A_14 = arith.constant 0 : index
    %get3A_15 = vector.load %arg4[%get3A_13, %get3A_14] : memref<1x128xf32, #tpu.memory_space<vmem>>, vector<1x128xf32>
    %add3A = vector.broadcast %get3A_15 : vector<1x128xf32> to vector<1000x128xf32>
    %add3A_16 = arith.addf %dot_general3A_12, %add3A : vector<1000x128xf32>
    %swap3A_17 = arith.constant 0 : index
    %swap3A_18 = arith.constant 0 : index
    %swap3A_19 = vector.load %arg6[%swap3A_17, %swap3A_18] : memref<1000x128xf32, #tpu.memory_space<vmem>>, vector<1000x128xf32>
    tpu.vector_store %arg6[%swap3A_17, %swap3A_18], %add3A_16 {strides = array<i32>} : memref<1000x128xf32, #tpu.memory_space<vmem>>, vector<1000x128xf32>,
    return
  }
  func.func @transform_0(%arg0: i32) -> (i32, i32) {
    %c0_i32 = arith.constant 0 : i32
    %c0_i32_0 = arith.constant 0 : i32
    return %arg0, %c0_i32 : i32, i32
  }
  func.func @transform_1(%arg0: i32) -> (i32, i32) {
    %c0_i32 = arith.constant 0 : i32
    %c0_i32_0 = arith.constant 0 : i32
    %c0_i32_1 = arith.constant 0 : i32
    return %c0_i32, %c0_i32_0 : i32, i32
  }
  func.func @transform_2(%arg0: i32) -> (i32, i32) {
    %c0_i32 = arith.constant 0 : i32
    %c0_i32_0 = arith.constant 0 : i32
    %c0_i32_1 = arith.constant 0 : i32
    return %c0_i32, %c0_i32_0 : i32, i32
  }
  func.func @transform_3(%arg0: i32) -> (i32, i32) {
    %c0_i32 = arith.constant 0 : i32
    %c0_i32_0 = arith.constant 0 : i32
    %c0_i32_1 = arith.constant 0 : i32
    return %c0_i32, %c0_i32_0 : i32, i32
  }
  func.func @transform_4(%arg0: i32) -> (i32, i32) {
    %c0_i32 = arith.constant 0 : i32
    %c0_i32_0 = arith.constant 0 : i32
    return %arg0, %c0_i32 : i32, i32
  }
  func.func @transform_5(%arg0: i32) -> (i32, i32) {
    %c0_i32 = arith.constant 0 : i32
    %c0_i32_0 = arith.constant 0 : i32
    return %arg0, %c0_i32 : i32, i32
  }
}

module attributes {stable_mosaic.version = 14 : i64} {
  func.func @_mm_mid_body(%arg0: i32, %arg1: memref<2x1000x128xf32, #tpu.memory_space<vmem>>, %arg2: memref<1000x128xf32, #tpu.memory_space<vmem>>, %arg3: memref<2x1000x8xf32, #tpu.memory_space<vmem>>, %arg4: memref<128x128xf32, #tpu.memory_space<vmem>>, %arg5: memref<128x128xf32, #tpu.memory_space<vmem>>, %arg6: memref<1x128xf32, #tpu.memory_space<vmem>>, %arg7: memref<1000x128xf32, #tpu.memory_space<vmem>>, %arg8: memref<1000x128xf32, #tpu.memory_space<vmem>>) attributes {dimension_semantics = [#tpu.dimension_semantics<arbitrary>], iteration_bounds = array<i64: 10>, scalar_prefetch = 0 : i64, scratch_operands = 0 : i64, tpu.core_type = #tpu.core_type<tc>, window_params = [{transform_indices = @transform_0, window_bounds = array<i64: 2, 1000, 128>}, {transform_indices = @transform_1, window_bounds = array<i64: 1000, 128>}, {transform_indices = @transform_2, window_bounds = array<i64: 2, 1000, 8>}, {pipeline_mode = #tpu.pipeline_mode<synchronous>, transform_indices = @transform_3, window_bounds = array<i64: 128, 128>}, {pipeline_mode = #tpu.pipeline_mode<synchronous>, transform_indices = @transform_4, window_bounds = array<i64: 128, 128>}, {pipeline_mode = #tpu.pipeline_mode<synchronous>, transform_indices = @transform_5, window_bounds = array<i64: 1, 128>}, {transform_indices = @transform_6, window_bounds = array<i64: 1000, 128>}, {transform_indices = @transform_7, window_bounds = array<i64: 1000, 128>}]} {
    %get3A = arith.constant 0 : index
    %get3A_0 = arith.constant 0 : index
    %get3A_1 = arith.constant 0 : index
    %get3A_2 = vector.load %arg1[%get3A, %get3A_0, %get3A_1] : memref<2x1000x128xf32, #tpu.memory_space<vmem>>, vector<1x1000x128xf32>
    %get3A_3 = vector.shape_cast %get3A_2 : vector<1x1000x128xf32> to vector<1000x128xf32>
    %get3A_4 = arith.constant 1 : index
    %get3A_5 = arith.constant 0 : index
    %get3A_6 = arith.constant 0 : index
    %get3A_7 = vector.load %arg1[%get3A_4, %get3A_5, %get3A_6] : memref<2x1000x128xf32, #tpu.memory_space<vmem>>, vector<1x1000x128xf32>
    %get3A_8 = vector.shape_cast %get3A_7 : vector<1x1000x128xf32> to vector<1000x128xf32>
    %add3A = arith.addf %get3A_3, %get3A_8 : vector<1000x128xf32>
    %get3A_9 = arith.constant 0 : index
    %get3A_10 = arith.constant 0 : index
    %get3A_11 = arith.constant 0 : index
    %get3A_12 = vector.load %arg3[%get3A_9, %get3A_10, %get3A_11] : memref<2x1000x8xf32, #tpu.memory_space<vmem>>, vector<1x1000x1xf32>
    %get3A_13 = vector.shape_cast %get3A_12 : vector<1x1000x1xf32> to vector<1000x1xf32>
    %get3A_14 = arith.constant 1 : index
    %get3A_15 = arith.constant 0 : index
    %get3A_16 = arith.constant 0 : index
    %get3A_17 = vector.load %arg3[%get3A_14, %get3A_15, %get3A_16] : memref<2x1000x8xf32, #tpu.memory_space<vmem>>, vector<1x1000x1xf32>
    %get3A_18 = vector.shape_cast %get3A_17 : vector<1x1000x1xf32> to vector<1000x1xf32>
    %add3A_19 = arith.addf %get3A_13, %get3A_18 : vector<1000x1xf32>
    %max3A = arith.constant 1.000000e+00 : f32
    %max3A_20 = vector.broadcast %max3A : f32 to vector<1000x1xf32>
    %max3A_21 = arith.maximumf %add3A_19, %max3A_20 : vector<1000x1xf32>
    %div3A = arith.constant 1.000000e+00 : f32
    %div3A_22 = vector.broadcast %div3A : f32 to vector<1000x1xf32>
    %div3A_23 = arith.divf %div3A_22, %max3A_21 : vector<1000x1xf32>
    %mul3A = vector.broadcast %div3A_23 : vector<1000x1xf32> to vector<1000x128xf32>
    %mul3A_24 = arith.mulf %add3A, %mul3A : vector<1000x128xf32>
    %get3A_25 = arith.constant 0 : index
    %get3A_26 = arith.constant 0 : index
    %get3A_27 = vector.load %arg2[%get3A_25, %get3A_26] : memref<1000x128xf32, #tpu.memory_space<vmem>>, vector<1000x128xf32>
    %add3A_28 = arith.addf %mul3A_24, %get3A_27 : vector<1000x128xf32>
    %max3A_29 = arith.constant 0.000000e+00 : f32
    %max3A_30 = vector.broadcast %max3A_29 : f32 to vector<1000x128xf32>
    %max3A_31 = arith.maximumf %add3A_28, %max3A_30 : vector<1000x128xf32>
    %get3A_32 = arith.constant 0 : index
    %get3A_33 = arith.constant 0 : index
    %get3A_34 = vector.load %arg4[%get3A_32, %get3A_33] : memref<128x128xf32, #tpu.memory_space<vmem>>, vector<128x128xf32>
    %dot_general3A = arith.constant dense<0.000000e+00> : vector<1000x128xf32>
    %dot_general3A_35 = tpu.matmul %max3A_31, %get3A_34, %dot_general3A {dimension_numbers = #tpu.dot_dimension_numbers<[1], [0], [0], [1], [0, 0, 1, 1], [], []>, transpose_lhs_hint = false} : vector<1000x128xf32>, vector<128x128xf32>, vector<1000x128xf32> -> vector<1000x128xf32>
    %swap3A = arith.constant 0 : index
    %swap3A_36 = arith.constant 0 : index
    %swap3A_37 = vector.load %arg7[%swap3A, %swap3A_36] : memref<1000x128xf32, #tpu.memory_space<vmem>>, vector<1000x128xf32>
    tpu.vector_store %arg7[%swap3A, %swap3A_36], %dot_general3A_35 {strides = array<i32>} : memref<1000x128xf32, #tpu.memory_space<vmem>>, vector<1000x128xf32>,
    %get3A_38 = arith.constant 0 : index
    %get3A_39 = arith.constant 0 : index
    %get3A_40 = vector.load %arg5[%get3A_38, %get3A_39] : memref<128x128xf32, #tpu.memory_space<vmem>>, vector<128x128xf32>
    %dot_general3A_41 = arith.constant dense<0.000000e+00> : vector<1000x128xf32>
    %dot_general3A_42 = tpu.matmul %max3A_31, %get3A_40, %dot_general3A_41 {dimension_numbers = #tpu.dot_dimension_numbers<[1], [0], [0], [1], [0, 0, 1, 1], [], []>, transpose_lhs_hint = false} : vector<1000x128xf32>, vector<128x128xf32>, vector<1000x128xf32> -> vector<1000x128xf32>
    %get3A_43 = arith.constant 0 : index
    %get3A_44 = arith.constant 0 : index
    %get3A_45 = vector.load %arg6[%get3A_43, %get3A_44] : memref<1x128xf32, #tpu.memory_space<vmem>>, vector<1x128xf32>
    %add3A_46 = vector.broadcast %get3A_45 : vector<1x128xf32> to vector<1000x128xf32>
    %add3A_47 = arith.addf %dot_general3A_42, %add3A_46 : vector<1000x128xf32>
    %swap3A_48 = arith.constant 0 : index
    %swap3A_49 = arith.constant 0 : index
    %swap3A_50 = vector.load %arg8[%swap3A_48, %swap3A_49] : memref<1000x128xf32, #tpu.memory_space<vmem>>, vector<1000x128xf32>
    tpu.vector_store %arg8[%swap3A_48, %swap3A_49], %add3A_47 {strides = array<i32>} : memref<1000x128xf32, #tpu.memory_space<vmem>>, vector<1000x128xf32>,
    return
  }
  func.func @transform_0(%arg0: i32) -> (i32, i32, i32) {
    %c0_i32 = arith.constant 0 : i32
    %c0_i32_0 = arith.constant 0 : i32
    %c0_i32_1 = arith.constant 0 : i32
    return %c0_i32, %arg0, %c0_i32_0 : i32, i32, i32
  }
  func.func @transform_1(%arg0: i32) -> (i32, i32) {
    %c0_i32 = arith.constant 0 : i32
    %c0_i32_0 = arith.constant 0 : i32
    return %arg0, %c0_i32 : i32, i32
  }
  func.func @transform_2(%arg0: i32) -> (i32, i32, i32) {
    %c0_i32 = arith.constant 0 : i32
    %c0_i32_0 = arith.constant 0 : i32
    %c0_i32_1 = arith.constant 0 : i32
    return %c0_i32, %arg0, %c0_i32_0 : i32, i32, i32
  }
  func.func @transform_3(%arg0: i32) -> (i32, i32) {
    %c0_i32 = arith.constant 0 : i32
    %c0_i32_0 = arith.constant 0 : i32
    %c0_i32_1 = arith.constant 0 : i32
    return %c0_i32, %c0_i32_0 : i32, i32
  }
  func.func @transform_4(%arg0: i32) -> (i32, i32) {
    %c0_i32 = arith.constant 0 : i32
    %c0_i32_0 = arith.constant 0 : i32
    %c0_i32_1 = arith.constant 0 : i32
    return %c0_i32, %c0_i32_0 : i32, i32
  }
  func.func @transform_5(%arg0: i32) -> (i32, i32) {
    %c0_i32 = arith.constant 0 : i32
    %c0_i32_0 = arith.constant 0 : i32
    %c0_i32_1 = arith.constant 0 : i32
    return %c0_i32, %c0_i32_0 : i32, i32
  }
  func.func @transform_6(%arg0: i32) -> (i32, i32) {
    %c0_i32 = arith.constant 0 : i32
    %c0_i32_0 = arith.constant 0 : i32
    return %arg0, %c0_i32 : i32, i32
  }
  func.func @transform_7(%arg0: i32) -> (i32, i32) {
    %c0_i32 = arith.constant 0 : i32
    %c0_i32_0 = arith.constant 0 : i32
    return %arg0, %c0_i32 : i32, i32
  }
}

module attributes {stable_mosaic.version = 14 : i64} {
  func.func @_mm_final_body(%arg0: i32, %arg1: memref<2x1000x128xf32, #tpu.memory_space<vmem>>, %arg2: memref<1000x128xf32, #tpu.memory_space<vmem>>, %arg3: memref<2x1000x8xf32, #tpu.memory_space<vmem>>, %arg4: memref<128x64xf32, #tpu.memory_space<vmem>>, %arg5: memref<1x64xf32, #tpu.memory_space<vmem>>, %arg6: memref<1000x64xf32, #tpu.memory_space<vmem>>) attributes {dimension_semantics = [#tpu.dimension_semantics<arbitrary>], iteration_bounds = array<i64: 10>, scalar_prefetch = 0 : i64, scratch_operands = 0 : i64, tpu.core_type = #tpu.core_type<tc>, window_params = [{transform_indices = @transform_0, window_bounds = array<i64: 2, 1000, 128>}, {transform_indices = @transform_1, window_bounds = array<i64: 1000, 128>}, {transform_indices = @transform_2, window_bounds = array<i64: 2, 1000, 8>}, {pipeline_mode = #tpu.pipeline_mode<synchronous>, transform_indices = @transform_3, window_bounds = array<i64: 128, 64>}, {pipeline_mode = #tpu.pipeline_mode<synchronous>, transform_indices = @transform_4, window_bounds = array<i64: 1, 64>}, {transform_indices = @transform_5, window_bounds = array<i64: 1000, 64>}]} {
    %get3A = arith.constant 0 : index
    %get3A_0 = arith.constant 0 : index
    %get3A_1 = arith.constant 0 : index
    %get3A_2 = vector.load %arg1[%get3A, %get3A_0, %get3A_1] : memref<2x1000x128xf32, #tpu.memory_space<vmem>>, vector<1x1000x128xf32>
    %get3A_3 = vector.shape_cast %get3A_2 : vector<1x1000x128xf32> to vector<1000x128xf32>
    %get3A_4 = arith.constant 1 : index
    %get3A_5 = arith.constant 0 : index
    %get3A_6 = arith.constant 0 : index
    %get3A_7 = vector.load %arg1[%get3A_4, %get3A_5, %get3A_6] : memref<2x1000x128xf32, #tpu.memory_space<vmem>>, vector<1x1000x128xf32>
    %get3A_8 = vector.shape_cast %get3A_7 : vector<1x1000x128xf32> to vector<1000x128xf32>
    %add3A = arith.addf %get3A_3, %get3A_8 : vector<1000x128xf32>
    %get3A_9 = arith.constant 0 : index
    %get3A_10 = arith.constant 0 : index
    %get3A_11 = arith.constant 0 : index
    %get3A_12 = vector.load %arg3[%get3A_9, %get3A_10, %get3A_11] : memref<2x1000x8xf32, #tpu.memory_space<vmem>>, vector<1x1000x1xf32>
    %get3A_13 = vector.shape_cast %get3A_12 : vector<1x1000x1xf32> to vector<1000x1xf32>
    %get3A_14 = arith.constant 1 : index
    %get3A_15 = arith.constant 0 : index
    %get3A_16 = arith.constant 0 : index
    %get3A_17 = vector.load %arg3[%get3A_14, %get3A_15, %get3A_16] : memref<2x1000x8xf32, #tpu.memory_space<vmem>>, vector<1x1000x1xf32>
    %get3A_18 = vector.shape_cast %get3A_17 : vector<1x1000x1xf32> to vector<1000x1xf32>
    %add3A_19 = arith.addf %get3A_13, %get3A_18 : vector<1000x1xf32>
    %max3A = arith.constant 1.000000e+00 : f32
    %max3A_20 = vector.broadcast %max3A : f32 to vector<1000x1xf32>
    %max3A_21 = arith.maximumf %add3A_19, %max3A_20 : vector<1000x1xf32>
    %div3A = arith.constant 1.000000e+00 : f32
    %div3A_22 = vector.broadcast %div3A : f32 to vector<1000x1xf32>
    %div3A_23 = arith.divf %div3A_22, %max3A_21 : vector<1000x1xf32>
    %mul3A = vector.broadcast %div3A_23 : vector<1000x1xf32> to vector<1000x128xf32>
    %mul3A_24 = arith.mulf %add3A, %mul3A : vector<1000x128xf32>
    %get3A_25 = arith.constant 0 : index
    %get3A_26 = arith.constant 0 : index
    %get3A_27 = vector.load %arg2[%get3A_25, %get3A_26] : memref<1000x128xf32, #tpu.memory_space<vmem>>, vector<1000x128xf32>
    %add3A_28 = arith.addf %mul3A_24, %get3A_27 : vector<1000x128xf32>
    %max3A_29 = arith.constant 0.000000e+00 : f32
    %max3A_30 = vector.broadcast %max3A_29 : f32 to vector<1000x128xf32>
    %max3A_31 = arith.maximumf %add3A_28, %max3A_30 : vector<1000x128xf32>
    %get3A_32 = arith.constant 0 : index
    %get3A_33 = arith.constant 0 : index
    %get3A_34 = vector.load %arg4[%get3A_32, %get3A_33] : memref<128x64xf32, #tpu.memory_space<vmem>>, vector<128x64xf32>
    %dot_general3A = arith.constant dense<0.000000e+00> : vector<1000x64xf32>
    %dot_general3A_35 = tpu.matmul %max3A_31, %get3A_34, %dot_general3A {dimension_numbers = #tpu.dot_dimension_numbers<[1], [0], [0], [1], [0, 0, 1, 1], [], []>, transpose_lhs_hint = false} : vector<1000x128xf32>, vector<128x64xf32>, vector<1000x64xf32> -> vector<1000x64xf32>
    %get3A_36 = arith.constant 0 : index
    %get3A_37 = arith.constant 0 : index
    %get3A_38 = vector.load %arg5[%get3A_36, %get3A_37] : memref<1x64xf32, #tpu.memory_space<vmem>>, vector<1x64xf32>
    %add3A_39 = vector.broadcast %get3A_38 : vector<1x64xf32> to vector<1000x64xf32>
    %add3A_40 = arith.addf %dot_general3A_35, %add3A_39 : vector<1000x64xf32>
    %swap3A = arith.constant 0 : index
    %swap3A_41 = arith.constant 0 : index
    %swap3A_42 = vector.load %arg6[%swap3A, %swap3A_41] : memref<1000x64xf32, #tpu.memory_space<vmem>>, vector<1000x64xf32>
    tpu.vector_store %arg6[%swap3A, %swap3A_41], %add3A_40 {strides = array<i32>} : memref<1000x64xf32, #tpu.memory_space<vmem>>, vector<1000x64xf32>,
    return
  }
  func.func @transform_0(%arg0: i32) -> (i32, i32, i32) {
    %c0_i32 = arith.constant 0 : i32
    %c0_i32_0 = arith.constant 0 : i32
    %c0_i32_1 = arith.constant 0 : i32
    return %c0_i32, %arg0, %c0_i32_0 : i32, i32, i32
  }
  func.func @transform_1(%arg0: i32) -> (i32, i32) {
    %c0_i32 = arith.constant 0 : i32
    %c0_i32_0 = arith.constant 0 : i32
    return %arg0, %c0_i32 : i32, i32
  }
  func.func @transform_2(%arg0: i32) -> (i32, i32, i32) {
    %c0_i32 = arith.constant 0 : i32
    %c0_i32_0 = arith.constant 0 : i32
    %c0_i32_1 = arith.constant 0 : i32
    return %c0_i32, %arg0, %c0_i32_0 : i32, i32, i32
  }
  func.func @transform_3(%arg0: i32) -> (i32, i32) {
    %c0_i32 = arith.constant 0 : i32
    %c0_i32_0 = arith.constant 0 : i32
    %c0_i32_1 = arith.constant 0 : i32
    return %c0_i32, %c0_i32_0 : i32, i32
  }
  func.func @transform_4(%arg0: i32) -> (i32, i32) {
    %c0_i32 = arith.constant 0 : i32
    %c0_i32_0 = arith.constant 0 : i32
    %c0_i32_1 = arith.constant 0 : i32
    return %c0_i32, %c0_i32_0 : i32, i32
  }
  func.func @transform_5(%arg0: i32) -> (i32, i32) {
    %c0_i32 = arith.constant 0 : i32
    %c0_i32_0 = arith.constant 0 : i32
    return %arg0, %c0_i32 : i32, i32
  }
}

</mosaic_0001>

<sc_bundles>
// kernel: kernel.16.cloned.1.call-start
scs
__scs_entry_jumppad:
0x0: {  	(pc) =	sbr.rel $0x88, $3  }
0x1: {  	(tag) =	ssettag $0x0;
	lr =	simm.s32 $0x1  }
0x2: {  	[smem:$0x3F91] =	sst lr;
	_ =	strace $0xD0000000  }
0x3: {  	_ = 	snop  }
0x4: {  	_ = 	snop  }
0x5: {  	_ = 	snop  }
0x6: {  	_ = 	snop  }
0x7: {  	_ = 	snop  }
__scs_overlays_trampoline_lowered:
0x8: {  	[smem:$0x3FA0] =	sst s0  }
0x9: {  	[smem:$0x3FA1] =	sst s1  }
0xa: {  	[smem:$0x3FA2] =	sst s2  }
0xb: {  	[smem:$0x3FA3] =	sst s3  }
0xc: {  	[smem:$0x3FA4] =	sst s4  }
0xd: {  	[smem:$0x3FA5] =	sst s5  }
0xe: {  	[smem:$0x3FA6] =	sst s6  }
0xf: {  	[smem:$0x3FA7] =	sst s7  }
0x10: {  	[smem:$0x3FA8] =	sst s8  }
0x11: {  	[smem:$0x3FA9] =	sst s9;
	s0 =	simm.s32 @!p0 $0x0  }
0x12: {  	s1 =	sld [smem:$0x3F8F];
	s0 =	simm.s32 @p0 $0x1  }
0x13: {  	[smem:$0x3FAA] =	sst s0;
	s0 =	simm.s32 @!p1 $0x0  }
0x14: {  	s2 =	sld [smem:$0x3F8E];
	s0 =	simm.s32 @p1 $0x1  }
0x15: {  	[smem:$0x3FAB] =	sst s0;
	s0 =	simm.s32 @!p2 $0x0  }
0x16: {  	s3 =	sld [smem:$0x3FDB];
	s0 =	simm.s32 @p2 $0x1  }
0x17: {  	s4 =	simm.s32 $0x1BF5;
	[smem:$0x3FAD] =	sst s0  }
0x18: {  	s0 =	sld [smem:$0x3F90];
	_ =	swait.ge [sflag:s4], $0x0  }
0x19: {  	s7 =	sld [smem:$0x3F91]  }
0x1a: {  	s8 =	sadd.s32 $0xFFFFE003, lr  }
0x1b: {  	s9 =	sadd.s32 $0xFFFFFEF7, lr;
	s5 =	simm.s32 $0xFFFFFFFF;
	p2 =	slt.u32 s8, $0xFFFFF086  }
0x1c: {  	p1 =	slt.u32 s9, $0xF7A;
	s5 =	simm.s32 @!p2 $0x0  }
0x1d: {  	s5 =	simm.s32 @p1 $0x1;
	p0 =	seq.s32 s7, s2  }
0x1e: {  	s7 =	smul.u32 @!p0 $0xF7A, s2;
	p2 =	seq.s32 @!p0 s5, $0x0  }
0x1f: {  	s9 =	smul.u32 $0xF7A, s1;
	s8 =	simm.s32 @!p0 $0x1BF5;
	p2 =	por !p2, p0  }
0x20: {  	[sflag:s8] =	ssyncset.s32 @!p0 $0xFFFFF086;
	s6 =	sadd.s32 @!p0 s3, s7;
	s7 =	simm.s32 @!p0 $0x108  }
0x21: {  	s3 =	sadd.s32 s3, s9;
	s6 =	sadd.s32 @!p0 $0x88, s6;
	s7 =	simm.s32 @p2 $0x1082  }
0x22: {  	[simem:s7], [sflag:s8] =	dma.local @!p0 [hbm:s6], $0xF7A  }
0x23: {  	s9 =	sor.u32 $0xD0000000, s2;
	s6 =	simm.s32 $0x108;
	_ =	swait.ge @!p0 [sflag:s8], $0x0  }
0x24: {  	s3 =	sadd.s32 $0x88, s3;
	s6 =	simm.s32 @!p1 $0x1082;
	[sflag:s4] =	ssyncset.s32 $0xFFFFF086  }
0x25: {  	[simem:s6], [sflag:s4] =	dma.local [hbm:s3], $0xF7A  }
0x26: {  	[smem:$0x3F91] =	sst s1;
	(tag) =	ssettag s2;
	_ =	strace s9  }
0x27: {  	s1 =	sld [smem:$0x3FA1]  }
0x28: {  	s2 =	sld [smem:$0x3FA2]  }
0x29: {  	s4 =	sld [smem:$0x3FA4]  }
0x2a: {  	p0 =	seq.s32 s5, $0x0;
	s5 =	sld [smem:$0x3FA5]  }
0x2b: {  	s6 =	sld [smem:$0x3FA6]  }
0x2c: {  	s7 =	sld [smem:$0x3FA7]  }
0x2d: {  	s3 =	simm.s32 $0x108;
	s8 =	sld [smem:$0x3FA8]  }
0x2e: {  	s3 =	simm.s32 @!p0 $0x1082;
	s9 =	sld [smem:$0x3FA9]  }
0x2f: {  	lr =	sadd.s32 s0, s3;
	s0 =	sld [smem:$0x3FA0]  }
0x30: {  	s3 =	sld [smem:$0x3FA3]  }
0x31: {  	[smem:$0x3FAC] =	sst s10  }
0x32: {  	s10 =	sld [smem:$0x3FAA];
	_ =	sdelay $0x3  }
0x33: {  	p0 =	seq.s32 s10, $0x1;
	s10 =	sld [smem:$0x3FAC];
	_ =	sdelay $0x3  }
0x34: {  	[smem:$0x3FAC] =	sst s10  }
0x35: {  	s10 =	sld [smem:$0x3FAB];
	_ =	sdelay $0x3  }
0x36: {  	p1 =	seq.s32 s10, $0x1;
	s10 =	sld [smem:$0x3FAC];
	_ =	sdelay $0x3  }
0x37: {  	[smem:$0x3FAC] =	sst s10  }
0x38: {  	s10 =	sld [smem:$0x3FAD]  }
0x39: {  	_ = 	snop;
	(pc) =	sbr.ind lr, $3  }
0x3a: {  	_ = 	snop  }
0x3b: {  	_ = 	snop  }
0x3c: {  	p2 =	seq.s32 s10, $0x1;
	s10 =	sld [smem:$0x3FAC]  }
0x3d: {  	_ =	shalt  }
0x3e: {  	_ =	shalt  }
0x3f: {  	_ =	shalt  }
0x40: {  	_ =	shalt  }
0x41: {  	_ =	shalt  }
0x42: {  	_ =	shalt  }
0x43: {  	_ =	shalt  }
0x44: {  	_ =	shalt  }
0x45: {  	_ =	shalt  }
0x46: {  	_ =	shalt  }
0x47: {  	_ =	shalt  }
0x48: {  	_ =	shalt  }
0x49: {  	_ =	shalt  }
0x4a: {  	_ =	shalt  }
0x4b: {  	_ =	shalt  }
0x4c: {  	_ =	shalt  }
0x4d: {  	_ =	shalt  }
0x4e: {  	_ =	shalt  }
0x4f: {  	_ =	shalt  }
0x50: {  	_ =	shalt  }
0x51: {  	_ =	shalt  }
0x52: {  	_ =	shalt  }
0x53: {  	_ =	shalt  }
0x54: {  	_ =	shalt  }
0x55: {  	_ =	shalt  }
0x56: {  	_ =	shalt  }
0x57: {  	_ =	shalt  }
0x58: {  	_ =	shalt  }
0x59: {  	_ =	shalt  }
0x5a: {  	_ =	shalt  }
0x5b: {  	_ =	shalt  }
0x5c: {  	_ =	shalt  }
0x5d: {  	_ =	shalt  }
0x5e: {  	_ =	shalt  }
0x5f: {  	_ =	shalt  }
0x60: {  	_ =	shalt  }
0x61: {  	_ =	shalt  }
0x62: {  	_ =	shalt  }
0x63: {  	_ =	shalt  }
0x64: {  	_ =	shalt  }
0x65: {  	_ =	shalt  }
0x66: {  	_ =	shalt  }
0x67: {  	_ =	shalt  }
0x68: {  	_ =	shalt  }
0x69: {  	_ =	shalt  }
0x6a: {  	_ =	shalt  }
0x6b: {  	_ =	shalt  }
0x6c: {  	_ =	shalt  }
0x6d: {  	_ =	shalt  }
0x6e: {  	_ =	shalt  }
0x6f: {  	_ =	shalt  }
0x70: {  	_ =	shalt  }
0x71: {  	_ =	shalt  }
0x72: {  	_ =	shalt  }
0x73: {  	_ =	shalt  }
0x74: {  	_ =	shalt  }
0x75: {  	_ =	shalt  }
0x76: {  	_ =	shalt  }
0x77: {  	_ =	shalt  }
0x78: {  	_ =	shalt  }
0x79: {  	_ =	shalt  }
0x7a: {  	_ =	shalt  }
0x7b: {  	_ =	shalt  }
0x7c: {  	_ =	shalt  }
0x7d: {  	_ =	shalt  }
0x7e: {  	_ =	shalt  }
0x7f: {  	_ =	shalt  }
0x80: {  	_ =	shalt  }
0x81: {  	_ =	shalt  }
0x82: {  	_ =	shalt  }
0x83: {  	_ =	shalt  }
0x84: {  	_ =	shalt  }
0x85: {  	_ =	shalt  }
0x86: {  	_ =	shalt  }
0x87: {  	_ =	shalt  }
.Lfunc_end0:
.L_simem_size_0:
called_computation_lowered:
.L_overlay_start_0:
0x88: {  	s2 =	sld [smem:$0x3FD9]  }
0x89: {  	s3 =	sld [smem:$0x3FFE];
	_ =	sdelay $0x1  }
0x8a: {  	s1 =	srdreg.scid  }
0x8b: {  	s0 =	sand.u32 $0x1, s1  }
0x8c: {  	s17 =	sshll.u32 s0, $0xA;
	s2 =	sadd.s32 s3, s2  }
0x8d: {  	s2 =	sadd.s32 s2, s17  }
0x8e: {  	[smem:$0x3FB8] =	sst s2  }
0x8f: {  	_ = 	snop  }
0x90: {  	(tm) =	ssettm $0x1  }
0x91: {  	s18 =	sld [smem:$0x3FFB];
	_ =	sdelay $0x3  }
0x92: {  	_ =	strace s18  }
0x93: {  	s2 =	sld [smem:$0x3FFC];
	_ =	sdelay $0x3  }
0x94: {  	_ =	strace s2  }
0x95: {  	s2 =	sld [smem:$0x3FFD];
	_ =	sdelay $0x3  }
0x96: {  	_ =	strace s2  }
0x97: {  	_ =	strace $0x8FFFFFFF  }
0x98: {  	s19 =	sld [smem:$0x3FDB];
	_ =	sdelay $0x1  }
0x99: {  	s20 =	simm.s32 $_scs_section_size  }
0x9a: {  	s4 =	simm.s32 $_size__tile_overlayer_lowered;
	s5 =	simm.s32 $_tile_overlayer_lowered  }
0x9b: {  	s6 =	simm.s32 $0x1BFF;
	s21 =	sshll.u32 s5, $0x1;
	s3 =	sadd.s32 s20, s19  }
0x9c: {  	s22 =	simm.s32 $0x0;
	s4 =	sshll.u32 s4, $0x1;
	s5 =	sadd.s32 s21, s3  }
0x9d: {  	[timem:s22], [sflag:s6] =	dma.local [hbm:s5], s4  }
0x9e: {  	_ =	swait.ge [sflag:s6], s4  }
0x9f: {  	s4 =	ssub.s32 $0x0, s4;
	[sflag:s6] =	ssyncset.done $0x0  }
0xa0: {  	[sflag:s6] =	ssyncadd.s32 s4;
	_ =	sdelay $0x1  }
0xa1: {  	s23 =	simm.s32 $0x1B8B  }
0xa2: {  	_ =	swait.ge [sflag:s23], $0x1  }
0xa3: {  	[sflag:s23] =	ssyncset.done $0x0  }
0xa4: {  	[sflag:s23] =	ssyncadd.s32 $0xFFFFFFFF  }
0xa5: {  	s4 =	sld [smem:$0x0]  }
0xa6: {  	s5 =	sand.u32 $0xFFFFFFFE, s1  }
0xa7: {  	p0 =	sne.s32 s1, s5  }
0xa8: {  	s5 =	sshll.u32 @p0 s5, $0xE  }
0xa9: {  	s5 =	sadd.s32 @p0 $0x11B8D, s5;
	s6 =	sshll.u32 @p0 s4, $0x11  }
0xaa: {  	s5 =	sor.u32 @p0 s6, s5  }
0xab: {  	[sflag:s5] =	ssyncadd.remote.s32 @p0 $0x1;
	_ =	sdelay $0x1  }
0xac: {  	s5 =	simm.s32 @p0 $0x1B8D  }
0xad: {  	_ =	swait.eq @p0 [sflag:s5], $0x1  }
0xae: {  	[sflag:s5] =	ssyncadd.s32 @p0 $0xFFFFFFFF  }
0xaf: {  	s6 =	sshll.u32 @!p0 s1, $0xE  }
0xb0: {  	s6 =	sor.u32 @!p0 $0x4000, s6;
	s5 =	simm.s32 @!p0 $0x1B8D  }
0xb1: {  	s4 =	sshll.u32 @!p0 s4, $0x11;
	s6 =	sadd.s32 @!p0 $0x11B8D, s6;
	_ =	swait.eq @!p0 [sflag:s5], $0x1  }
0xb2: {  	s4 =	sor.u32 @!p0 s4, s6;
	[sflag:s5] =	ssyncadd.s32 @!p0 $0xFFFFFFFF  }
0xb3: {  	s25 =	simm.s32 $0x1B8E;
	s24 =	sld [smem:$0x3FFE];
	[sflag:s4] =	ssyncadd.remote.s32 @!p0 $0x1  }
0xb4: {  	s26 =	simm.s32 $execute0_lowered;
	[smem:$0x3FD2] =	sst s25  }
0xb5: {  	s5 =	sshll.u32 s26, $0x1;
	_ =	strace $0x80000049;
	[dreg:$0x1] =	wrdreg $0xFFFFFFFF  }
0xb6: {  	s28 =	simm.s32 $_size_execute0_lowered;
	s3 =	sadd.s32 s3, s5;
	[dreg:$0x0] =	wrdreg $0x0  }
0xb7: {  	s5 =	sshll.u32 s28, $0x1;
	[dreg:$0x2] =	wrdreg s3  }
0xb8: {  	[dreg:$0x3] =	wrdreg s5  }
0xb9: {  	[dreg:$0x4] =	wrdreg $0xC0  }
0xba: {  	_ =	task [dreg:s22], $0x5FFFF  }
0xbb: {  	[dreg:$0x1] =	wrdreg $0xFFFFFFFF  }
0xbc: {  	[dreg:$0x0] =	wrdreg $0x60  }
0xbd: {  	[dreg:$0x2] =	wrdreg s24  }
0xbe: {  	[dreg:$0x3] =	wrdreg $0x68000  }
0xbf: {  	[dreg:$0x4] =	wrdreg $0x9  }
0xc0: {  	_ =	task.clear_ibuf [dreg:s22], $0x5FFFF;
	_ =	strace $0x90000049  }
0xc1: {  	s29 =	simm.s32 $0x9;
	_ =	strace $0x8000004B  }
0xc2: {  	_ =	swait.ge [sflag:s29], $0x1  }
0xc3: {  	[sflag:s29] =	ssyncadd.s32 $0xFFFFFFFF  }
0xc4: {  	_ =	strace $0x9000004B  }
0xc5: {  	_ =	sfence  }
0xc6: {  	s30 =	sld [smem:$0x0];
	_ =	sdelay $0x2  }
0xc7: {  	s31 =	sshll.u32 s1, $0xD;
	s1 =	sshrl.u32 s1, $0x2  }
0xc8: {  	s4 =	sand.u32 $0x4000, s31;
	s1 =	sadd.s32 s1, s30  }
0xc9: {  	s0 =	sor.u32 s4, s0;
	s1 =	sshll.u32 s1, $0x11  }
0xca: {  	s0 =	sor.u32 s1, s0  }
0xcb: {  	s0 =	sadd.s32 $0x8F2B, s0  }
0xcc: {  	[sflag:s0] =	ssyncadd.remote.s32 $0x1  }
0xcd: {  	_ =	sfence.sel $0xFFFF  }
0xce: {  	[dreg:$0x0] =	wrdreg $0xFFFFFFFF;
	(pc) =	sbr.abs _section_cstart, $3  }
0xcf: {  	[dreg:$0x1] =	wrdreg $0xFFFFFFFF  }
0xd0: {  	_ =	task.clear_ibuf [dreg:s22], $0x2FFFF;
	_ =	strace $0x9FFFFFFF  }
0xd1: {  	(tm) =	ssettm $0x7FFFFFFF  }
tec
execute0_lowered:
.L_overlay_start_1:
0x0: {  	(tag) =	ssettag $0x1  }
0x1: {  	s4 =	rddreg [dreg:$0x0]  }
0x2: {  	s0 =	srdreg.scid;
	s2 =	rddreg [dreg:$0x1]  }
0x3: {  	s1 =	rddreg [dreg:$0x2];
	s5 =	sand.u32 $0x1, s0  }
0x4: {  	s3 =	simm.s32 $0x0;
	s0 =	stileid.u32;
	s6 =	smul.u32 $0x28000, s5  }
0x5: {  	s14 =	simm.s32 $0x1;
	s10 =	sadd.s32 $0x568600, s4;
	s7 =	smul.u32 $0x2800, s0  }
0x6: {  	[smem:$0x7FF] =	sst s3;
	s16 =	sadd.s32 $0x128400, s2;
	s29 =	smul.u32 $0x4F000, s0  }
0x7: {  	s15 =	simm.s32 $0x80;
	_ =	strace $0x8000004A;
	s11 =	smul.u32 $0x138800, s5  }
0x8: {  	s30 =	ssub.s32 $0x2, s5;
	s13 =	smul.u32 $0x13C00, s0;
	p0 =	seq.s32 s0, $0xF  }
0x9: {  	s31 =	sshrl.u32 s30, $0x1;
	s17 =	sshll.u32 @!p0 s0, $0x6;
	s16 =	sshrl.u32 @p0 s16, $0x3  }
0xa: {  	s6 =	sadd.s32 s7, s6;
	s7 =	sshrl.u32 s29, $0x2;
	s12 =	ssub.s32 s30, s31  }
0xb: {  	s13 =	sadd.s32 s13, s11;
	s11 =	sshrl.u32 s11, $0x3;
	s17 =	sor.u32 @!p0 $0x1C01, s17  }
0xc: {  	s6 =	sshrl.u32 s6, $0x3;
	s13 =	sshrl.u32 s13, $0x3;
	s11 =	sadd.s32 s10, s11  }
0xd: {  	s12 =	smax.u32 s12, $0x1;
	s9 =	sadd.s32 s6, s4;
	s4 =	sadd.s32 s7, s2  }
0xe: {  	s10 =	sadd.s32 s10, s13;
	s11 =	sadd.s32 $0x25080, s11;
	s13 =	simm.s32 $0x2800  }
0xf: {  	s5 =	sadd.s32 $0x4000, s4;
	s6 =	sadd.s32 $0x8000, s4;
	s7 =	sadd.s32 $0xC000, s4  }
0x10: {  	v0 =	vimm.f32 $0.0e+00;
	v1 =	vimm.f32 $1.000000000e+00;
	s8 =	sadd.s32 $0x10000, s4;
	s9 =	sadd.s32 $0x55E600, s9;
	s18 =	sshrl.u32 @!p0 s4, $0x3  }
.LBB2_1:
0x11: {  	s19 =	simm.s32 $0x0;
	s20 =	simm.s32 $0x200  }
.LBB2_2:
0x12: {  	p1 =	sne.s32 s20, $0xFE00;
	[tilespmem:s19+$0x2870] =	vst v0  }
0x13: {  	[tilespmem:s19+$0x2800] =	vst v0  }
0x14: {  	[tilespmem:s19+$0x2810] =	vst v0  }
.Ltmp0:
0x15: {  	[tilespmem:s19+$0x2820] =	vst v0;
	(pc) =	sbr.rel @p1 .LBB2_2-.Ltmp0, $4  }
0x16: {  	[tilespmem:s19+$0x2830] =	vst v0  }
0x17: {  	[tilespmem:s19+$0x2840] =	vst v0  }
0x18: {  	[tilespmem:s19+$0x2850] =	vst v0  }
0x19: {  	[tilespmem:s19+$0x2860] =	vst v0;
	s19 =	sshra.s32 s20, $0x2;
	s20 =	sadd.s32 $0x200, s20  }
0x1a: {  	[tilespmem:s19+$0x2870] =	vst v0  }
0x1b: {  	[tilespmem:s19+$0x2800] =	vst v0  }
0x1c: {  	[tilespmem:s19+$0x2810] =	vst v0  }
0x1d: {  	[tilespmem:s19+$0x2820] =	vst v0  }
0x1e: {  	[tilespmem:s19+$0x2830] =	vst v0  }
0x1f: {  	[tilespmem:s19+$0x2840] =	vst v0  }
0x20: {  	[tilespmem:s19+$0x2850] =	vst v0  }
0x21: {  	[tilespmem:s19+$0x2860] =	vst v0  }
0x22: {  	[spmem:s4] =	stream.linear.scatter [tilespmem:s13], [sflag:$0x1], $0x4000, $0x38;
	[tilespmem:$0x1A400] =	vst v63  }
0x23: {  	_ =	swait.ge [sflag:s14], $0x4000  }
0x24: {  	[sflag:s14] =	ssyncset.done $0x0  }
0x25: {  	[sflag:s14] =	ssyncadd.s32 $0xFFFFC000  }
0x26: {  	[spmem:s5] =	stream.linear.scatter [tilespmem:s13], [sflag:$0x1], $0x4000, $0x38;
	[tilespmem:$0x1A400] =	vst v63  }
0x27: {  	_ =	swait.ge [sflag:s14], $0x4000  }
0x28: {  	[sflag:s14] =	ssyncset.done $0x0  }
0x29: {  	[sflag:s14] =	ssyncadd.s32 $0xFFFFC000  }
0x2a: {  	[spmem:s6] =	stream.linear.scatter [tilespmem:s13], [sflag:$0x1], $0x4000, $0x38;
	[tilespmem:$0x1A400] =	vst v63  }
0x2b: {  	_ =	swait.ge [sflag:s14], $0x4000  }
0x2c: {  	[sflag:s14] =	ssyncset.done $0x0  }
0x2d: {  	[sflag:s14] =	ssyncadd.s32 $0xFFFFC000  }
0x2e: {  	[spmem:s7] =	stream.linear.scatter [tilespmem:s13], [sflag:$0x1], $0x4000, $0x38;
	[tilespmem:$0x1A400] =	vst v63  }
0x2f: {  	_ =	swait.ge [sflag:s14], $0x4000  }
0x30: {  	[sflag:s14] =	ssyncset.done $0x0  }
0x31: {  	[sflag:s14] =	ssyncadd.s32 $0xFFFFC000  }
0x32: {  	[spmem:s8] =	stream.linear.scatter [tilespmem:s13], [sflag:$0x1], $0x3C00, $0x38;
	[tilespmem:$0x1A400] =	vst v63  }
0x33: {  	_ =	swait.ge [sflag:s14], $0x3C00  }
0x34: {  	[sflag:s14] =	ssyncset.done $0x0  }
0x35: {  	s19 =	simm.s32 $0x0;
	s20 =	simm.s32 $0x200;
	[sflag:s14] =	ssyncadd.s32 $0xFFFFC400  }
.LBB2_4:
0x36: {  	p1 =	sne.s32 s20, $0xFE00;
	[tilespmem:s19+$0x2870] =	vst v1  }
0x37: {  	[tilespmem:s19+$0x2800] =	vst v1  }
0x38: {  	[tilespmem:s19+$0x2810] =	vst v1  }
.Ltmp1:
0x39: {  	[tilespmem:s19+$0x2820] =	vst v1;
	(pc) =	sbr.rel @p1 .LBB2_4-.Ltmp1, $4  }
0x3a: {  	[tilespmem:s19+$0x2830] =	vst v1  }
0x3b: {  	[tilespmem:s19+$0x2840] =	vst v1  }
0x3c: {  	[tilespmem:s19+$0x2850] =	vst v1  }
0x3d: {  	[tilespmem:s19+$0x2860] =	vst v1;
	s19 =	sshra.s32 s20, $0x2;
	s20 =	sadd.s32 $0x200, s20  }
0x3e: {  	[tilespmem:s19+$0x2870] =	vst v1  }
0x3f: {  	[tilespmem:s19+$0x2800] =	vst v1  }
0x40: {  	[tilespmem:s19+$0x2810] =	vst v1  }
0x41: {  	[tilespmem:s19+$0x2820] =	vst v1  }
0x42: {  	[tilespmem:s19+$0x2830] =	vst v1  }
0x43: {  	[tilespmem:s19+$0x2840] =	vst v1  }
0x44: {  	[tilespmem:s19+$0x2850] =	vst v1  }
0x45: {  	[tilespmem:s19+$0x2860] =	vst v1  }
0x46: {  	s30 =	simm.s32 $0x0;
	[bflag:$0x0] =	sbarrier.arrive $0xFFFF  }
0x47: {  	[tilespmem:s30], [sflag:$0x1] =	stream.linear.gather [hbm4b:s9+s30], $0x2800, $0x38;
	[tilespmem:$0x1A400] =	vst v63  }
0x48: {  	_ =	swait.ge [sflag:s14], $0x2800  }
0x49: {  	[sflag:s14] =	ssyncset.done $0x0  }
0x4a: {  	s31 =	simm.s32 $0x0;
	[sflag:s14] =	ssyncadd.s32 $0xFFFFD800  }
0x4b: {  	[spmem:s2] =	stream.indirect.scatter.add.f32 [tilespmem:s13], [sflag:$0x1], $0x80, s31, s15, $0xb8;
	[tilespmem:$0x1A400] =	vst v63  }
0x4c: {  	_ =	swait.ge [sflag:s14], $0x4000  }
0x4d: {  	s19 =	simm.s32 $0x200;
	[sflag:s14] =	ssyncset.done $0x0  }
.LBB2_6:
0x4e: {  	s20 =	sshra.s32 s19, $0x2;
	[sflag:s14] =	ssyncadd.s32 $0xFFFFC000;
	p1 =	sne.s32 s19, $0x9E00  }
0x4f: {  	[spmem:s2] =	stream.indirect.scatter.add.f32 [tilespmem:s13], [sflag:$0x1], $0x80, s20, s15, $0xb8;
	[tilespmem:$0x1A400] =	vst v63  }
.Ltmp2:
0x50: {  	_ = 	snop;
	(pc) =	sbr.rel @p1 .LBB2_6-.Ltmp2, $4  }
0x51: {  	_ = 	snop  }
0x52: {  	s19 =	sadd.s32 $0x200, s19  }
0x53: {  	_ =	swait.ge [sflag:s14], $0x4000  }
0x54: {  	[sflag:s14] =	ssyncset.done $0x0  }
0x55: {  	[sflag:s14] =	ssyncadd.s32 $0xFFFFC000  }
0x56: {  	s19 =	simm.s32 @p0 $0x1FC1;
	[bflag:$0x0] =	sbarrier.arrive $0xFFFF  }
0x57: {  	[hbm:s11], [sflag:s19] =	dma.local @p0 [spmem:s16], $0x2080  }
0x58: {  	s19 =	simm.s32 @p0 $0x1  }
0x59: {  	s3 =	sadd.s32 $0x1, s3;
	_ =	swait.ge @p0 [sflag:s19], $0x2080  }
0x5a: {  	p1 =	sne.s32 s3, s12;
	[sflag:s19] =	ssyncset.done @p0 $0x0  }
.Ltmp3:
0x5b: {  	[sflag:s19] =	ssyncadd.s32 @p0 $0xFFFFDF80;
	s19 =	simm.s32 @!p0 $0x1;
	(pc) =	sbr.rel @p1 .LBB2_1-.Ltmp3, $4  }
0x5c: {  	[hbm:s10], [sflag:s17] =	dma.local @!p0 [spmem:s18], $0x2780  }
0x5d: {  	_ =	swait.ge @!p0 [sflag:s19], $0x2780  }
0x5e: {  	[sflag:s19] =	ssyncset.done @!p0 $0x0  }
0x5f: {  	[sflag:s19] =	ssyncadd.s32 @!p0 $0xFFFFD880  }
0x60: {  	_ =	sfence.sel $0x180000  }
0x61: {  	[bflag:$0x0] =	sbarrier.arrive $0xFFFF  }
0x62: {  	p0 =	sne.s32 s0, $0x0;
	_ =	strace $0x9000004A  }
0x63: {  	s0 =	sadd.s32 @!p0 $0x100000, s1;
	[bflag:$0x2] =	sbarrier.arrive $0xFFFF  }
0x64: {  	[sflag:s0] =	ssyncadd.tile.s32 @!p0 $0x1;
	_ =	shalt  }
.Lfunc_end2:
_tile_overlayer_lowered:
.L_overlay_start_2:
0x65: {  	(tag) =	ssettag $0x2  }
0x66: {  	s0 =	rddreg [dreg:$0x0];
	s2 =	stileid.u32  }
0x67: {  	s1 =	rddreg [dreg:$0x1];
	p0 =	sne.s32 s2, $0x0  }
0x68: {  	s3 =	rddreg [dreg:$0x2];
	[bflag:$0x3] =	sbarrier.arrive $0xFFFF;
	s2 =	simm.s32 @!p0 $0x1C01  }
0x69: {  	[timem:s3], [sflag:s2] =	dma.local @!p0 [hbm:s0], s1  }
0x6a: {  	s0 =	simm.s32 @!p0 $0x1  }
0x6b: {  	_ =	swait.ge @!p0 [sflag:s0], s1  }
0x6c: {  	s1 =	ssub.s32 @!p0 $0x0, s1;
	[sflag:s0] =	ssyncset.done @!p0 $0x0  }
0x6d: {  	[sflag:s0] =	ssyncadd.s32 @!p0 s1  }
0x6e: {  	[bflag:$0x3] =	sbarrier.arrive $0xFFFF  }
0x6f: {  	_ =	shalt  }

// kernel: kernel.19.cloned.1.call-start
scs
__scs_entry_jumppad:
0x0: {  	(pc) =	sbr.rel $0x88, $3  }
0x1: {  	(tag) =	ssettag $0x0;
	lr =	simm.s32 $0x1  }
0x2: {  	[smem:$0x3F91] =	sst lr;
	_ =	strace $0xD0000000  }
0x3: {  	_ = 	snop  }
0x4: {  	_ = 	snop  }
0x5: {  	_ = 	snop  }
0x6: {  	_ = 	snop  }
0x7: {  	_ = 	snop  }
__scs_overlays_trampoline_lowered:
0x8: {  	[smem:$0x3FA0] =	sst s0  }
0x9: {  	[smem:$0x3FA1] =	sst s1  }
0xa: {  	[smem:$0x3FA2] =	sst s2  }
0xb: {  	[smem:$0x3FA3] =	sst s3  }
0xc: {  	[smem:$0x3FA4] =	sst s4  }
0xd: {  	[smem:$0x3FA5] =	sst s5  }
0xe: {  	[smem:$0x3FA6] =	sst s6  }
0xf: {  	[smem:$0x3FA7] =	sst s7  }
0x10: {  	[smem:$0x3FA8] =	sst s8  }
0x11: {  	[smem:$0x3FA9] =	sst s9;
	s0 =	simm.s32 @!p0 $0x0  }
0x12: {  	s1 =	sld [smem:$0x3F8F];
	s0 =	simm.s32 @p0 $0x1  }
0x13: {  	[smem:$0x3FAA] =	sst s0;
	s0 =	simm.s32 @!p1 $0x0  }
0x14: {  	s2 =	sld [smem:$0x3F8E];
	s0 =	simm.s32 @p1 $0x1  }
0x15: {  	[smem:$0x3FAB] =	sst s0;
	s0 =	simm.s32 @!p2 $0x0  }
0x16: {  	s3 =	sld [smem:$0x3FDB];
	s0 =	simm.s32 @p2 $0x1  }
0x17: {  	s4 =	simm.s32 $0x1BF5;
	[smem:$0x3FAD] =	sst s0  }
0x18: {  	s0 =	sld [smem:$0x3F90];
	_ =	swait.ge [sflag:s4], $0x0  }
0x19: {  	s7 =	sld [smem:$0x3F91]  }
0x1a: {  	s8 =	sadd.s32 $0xFFFFE003, lr  }
0x1b: {  	s9 =	sadd.s32 $0xFFFFFEF7, lr;
	s5 =	simm.s32 $0xFFFFFFFF;
	p2 =	slt.u32 s8, $0xFFFFF086  }
0x1c: {  	p1 =	slt.u32 s9, $0xF7A;
	s5 =	simm.s32 @!p2 $0x0  }
0x1d: {  	s5 =	simm.s32 @p1 $0x1;
	p0 =	seq.s32 s7, s2  }
0x1e: {  	s7 =	smul.u32 @!p0 $0xF7A, s2;
	p2 =	seq.s32 @!p0 s5, $0x0  }
0x1f: {  	s9 =	smul.u32 $0xF7A, s1;
	s8 =	simm.s32 @!p0 $0x1BF5;
	p2 =	por !p2, p0  }
0x20: {  	[sflag:s8] =	ssyncset.s32 @!p0 $0xFFFFF086;
	s6 =	sadd.s32 @!p0 s3, s7;
	s7 =	simm.s32 @!p0 $0x108  }
0x21: {  	s3 =	sadd.s32 s3, s9;
	s6 =	sadd.s32 @!p0 $0x88, s6;
	s7 =	simm.s32 @p2 $0x1082  }
0x22: {  	[simem:s7], [sflag:s8] =	dma.local @!p0 [hbm:s6], $0xF7A  }
0x23: {  	s9 =	sor.u32 $0xD0000000, s2;
	s6 =	simm.s32 $0x108;
	_ =	swait.ge @!p0 [sflag:s8], $0x0  }
0x24: {  	s3 =	sadd.s32 $0x88, s3;
	s6 =	simm.s32 @!p1 $0x1082;
	[sflag:s4] =	ssyncset.s32 $0xFFFFF086  }
0x25: {  	[simem:s6], [sflag:s4] =	dma.local [hbm:s3], $0xF7A  }
0x26: {  	[smem:$0x3F91] =	sst s1;
	(tag) =	ssettag s2;
	_ =	strace s9  }
0x27: {  	s1 =	sld [smem:$0x3FA1]  }
0x28: {  	s2 =	sld [smem:$0x3FA2]  }
0x29: {  	s4 =	sld [smem:$0x3FA4]  }
0x2a: {  	p0 =	seq.s32 s5, $0x0;
	s5 =	sld [smem:$0x3FA5]  }
0x2b: {  	s6 =	sld [smem:$0x3FA6]  }
0x2c: {  	s7 =	sld [smem:$0x3FA7]  }
0x2d: {  	s3 =	simm.s32 $0x108;
	s8 =	sld [smem:$0x3FA8]  }
0x2e: {  	s3 =	simm.s32 @!p0 $0x1082;
	s9 =	sld [smem:$0x3FA9]  }
0x2f: {  	lr =	sadd.s32 s0, s3;
	s0 =	sld [smem:$0x3FA0]  }
0x30: {  	s3 =	sld [smem:$0x3FA3]  }
0x31: {  	[smem:$0x3FAC] =	sst s10  }
0x32: {  	s10 =	sld [smem:$0x3FAA];
	_ =	sdelay $0x3  }
0x33: {  	p0 =	seq.s32 s10, $0x1;
	s10 =	sld [smem:$0x3FAC];
	_ =	sdelay $0x3  }
0x34: {  	[smem:$0x3FAC] =	sst s10  }
0x35: {  	s10 =	sld [smem:$0x3FAB];
	_ =	sdelay $0x3  }
0x36: {  	p1 =	seq.s32 s10, $0x1;
	s10 =	sld [smem:$0x3FAC];
	_ =	sdelay $0x3  }
0x37: {  	[smem:$0x3FAC] =	sst s10  }
0x38: {  	s10 =	sld [smem:$0x3FAD]  }
0x39: {  	_ = 	snop;
	(pc) =	sbr.ind lr, $3  }
0x3a: {  	_ = 	snop  }
0x3b: {  	_ = 	snop  }
0x3c: {  	p2 =	seq.s32 s10, $0x1;
	s10 =	sld [smem:$0x3FAC]  }
0x3d: {  	_ =	shalt  }
0x3e: {  	_ =	shalt  }
0x3f: {  	_ =	shalt  }
0x40: {  	_ =	shalt  }
0x41: {  	_ =	shalt  }
0x42: {  	_ =	shalt  }
0x43: {  	_ =	shalt  }
0x44: {  	_ =	shalt  }
0x45: {  	_ =	shalt  }
0x46: {  	_ =	shalt  }
0x47: {  	_ =	shalt  }
0x48: {  	_ =	shalt  }
0x49: {  	_ =	shalt  }
0x4a: {  	_ =	shalt  }
0x4b: {  	_ =	shalt  }
0x4c: {  	_ =	shalt  }
0x4d: {  	_ =	shalt  }
0x4e: {  	_ =	shalt  }
0x4f: {  	_ =	shalt  }
0x50: {  	_ =	shalt  }
0x51: {  	_ =	shalt  }
0x52: {  	_ =	shalt  }
0x53: {  	_ =	shalt  }
0x54: {  	_ =	shalt  }
0x55: {  	_ =	shalt  }
0x56: {  	_ =	shalt  }
0x57: {  	_ =	shalt  }
0x58: {  	_ =	shalt  }
0x59: {  	_ =	shalt  }
0x5a: {  	_ =	shalt  }
0x5b: {  	_ =	shalt  }
0x5c: {  	_ =	shalt  }
0x5d: {  	_ =	shalt  }
0x5e: {  	_ =	shalt  }
0x5f: {  	_ =	shalt  }
0x60: {  	_ =	shalt  }
0x61: {  	_ =	shalt  }
0x62: {  	_ =	shalt  }
0x63: {  	_ =	shalt  }
0x64: {  	_ =	shalt  }
0x65: {  	_ =	shalt  }
0x66: {  	_ =	shalt  }
0x67: {  	_ =	shalt  }
0x68: {  	_ =	shalt  }
0x69: {  	_ =	shalt  }
0x6a: {  	_ =	shalt  }
0x6b: {  	_ =	shalt  }
0x6c: {  	_ =	shalt  }
0x6d: {  	_ =	shalt  }
0x6e: {  	_ =	shalt  }
0x6f: {  	_ =	shalt  }
0x70: {  	_ =	shalt  }
0x71: {  	_ =	shalt  }
0x72: {  	_ =	shalt  }
0x73: {  	_ =	shalt  }
0x74: {  	_ =	shalt  }
0x75: {  	_ =	shalt  }
0x76: {  	_ =	shalt  }
0x77: {  	_ =	shalt  }
0x78: {  	_ =	shalt  }
0x79: {  	_ =	shalt  }
0x7a: {  	_ =	shalt  }
0x7b: {  	_ =	shalt  }
0x7c: {  	_ =	shalt  }
0x7d: {  	_ =	shalt  }
0x7e: {  	_ =	shalt  }
0x7f: {  	_ =	shalt  }
0x80: {  	_ =	shalt  }
0x81: {  	_ =	shalt  }
0x82: {  	_ =	shalt  }
0x83: {  	_ =	shalt  }
0x84: {  	_ =	shalt  }
0x85: {  	_ =	shalt  }
0x86: {  	_ =	shalt  }
0x87: {  	_ =	shalt  }
.Lfunc_end0:
.L_simem_size_0:
called_computation.1_lowered:
.L_overlay_start_0:
0x88: {  	s2 =	sld [smem:$0x3FD9]  }
0x89: {  	s3 =	sld [smem:$0x3FFE];
	_ =	sdelay $0x1  }
0x8a: {  	s1 =	srdreg.scid  }
0x8b: {  	s0 =	sand.u32 $0x1, s1  }
0x8c: {  	s17 =	sshll.u32 s0, $0xA;
	s2 =	sadd.s32 s3, s2  }
0x8d: {  	s2 =	sadd.s32 s2, s17  }
0x8e: {  	[smem:$0x3FB8] =	sst s2  }
0x8f: {  	_ = 	snop  }
0x90: {  	s2 =	sld [smem:$0x3FD0];
	(tm) =	ssettm $0x1  }
0x91: {  	s18 =	sld [smem:$0x3FFB];
	_ =	sdelay $0x3  }
0x92: {  	_ =	strace s18  }
0x93: {  	s3 =	sld [smem:$0x3FFC];
	_ =	sdelay $0x3  }
0x94: {  	_ =	strace s3  }
0x95: {  	s3 =	sld [smem:$0x3FFD];
	_ =	sdelay $0x3  }
0x96: {  	_ =	strace s3  }
0x97: {  	_ =	strace $0x8FFFFFFF  }
0x98: {  	s19 =	sld [smem:$0x3FDB];
	_ =	sdelay $0x1  }
0x99: {  	s4 =	simm.s32 $_scs_section_size  }
0x9a: {  	s5 =	simm.s32 $_size__tile_overlayer_lowered;
	s6 =	simm.s32 $_tile_overlayer_lowered  }
0x9b: {  	s22 =	simm.s32 $0x1BFF;
	s21 =	sshll.u32 s6, $0x1;
	s3 =	sadd.s32 s4, s19  }
0x9c: {  	s7 =	simm.s32 $0x0;
	s20 =	sshll.u32 s5, $0x1;
	s5 =	sadd.s32 s21, s3  }
0x9d: {  	[timem:s7], [sflag:s22] =	dma.local [hbm:s5], s20  }
0x9e: {  	_ =	swait.ge [sflag:s22], s20  }
0x9f: {  	s4 =	ssub.s32 $0x0, s20;
	[sflag:s22] =	ssyncset.done $0x0  }
0xa0: {  	[sflag:s22] =	ssyncadd.s32 s4;
	_ =	sdelay $0x1  }
0xa1: {  	s23 =	simm.s32 $0x1B8B  }
0xa2: {  	_ =	swait.ge [sflag:s23], $0x1  }
0xa3: {  	[sflag:s23] =	ssyncset.done $0x0  }
0xa4: {  	s25 =	simm.s32 $0x1B8E;
	s24 =	sld [smem:$0x3FFE];
	[sflag:s23] =	ssyncadd.s32 $0xFFFFFFFF  }
0xa5: {  	s26 =	simm.s32 $execute0_lowered;
	[smem:$0x3FD2] =	sst s25  }
0xa6: {  	s5 =	sshll.u32 s26, $0x1;
	_ =	strace $0x80000046;
	[dreg:$0x1] =	wrdreg $0xFFFFFFFF  }
0xa7: {  	s28 =	simm.s32 $_size_execute0_lowered;
	s3 =	sadd.s32 s3, s5;
	[dreg:$0x0] =	wrdreg $0x0  }
0xa8: {  	s5 =	sshll.u32 s28, $0x1;
	[dreg:$0x2] =	wrdreg s3  }
0xa9: {  	[dreg:$0x3] =	wrdreg s5  }
0xaa: {  	[dreg:$0x4] =	wrdreg $0xC0  }
0xab: {  	_ =	task [dreg:s7], $0x5FFFF  }
0xac: {  	[dreg:$0x1] =	wrdreg $0xFFFFFFFF  }
0xad: {  	[dreg:$0x0] =	wrdreg $0x60  }
0xae: {  	[dreg:$0x2] =	wrdreg s24  }
0xaf: {  	[dreg:$0x3] =	wrdreg s2  }
0xb0: {  	[dreg:$0x4] =	wrdreg $0xA8000  }
0xb1: {  	[dreg:$0x5] =	wrdreg $0xA  }
0xb2: {  	_ =	task.clear_ibuf [dreg:s7], $0x6FFFF;
	_ =	strace $0x90000046  }
0xb3: {  	s29 =	simm.s32 $0xA;
	_ =	strace $0x80000048  }
0xb4: {  	_ =	swait.ge [sflag:s29], $0x1  }
0xb5: {  	[sflag:s29] =	ssyncadd.s32 $0xFFFFFFFF  }
0xb6: {  	_ =	strace $0x90000048  }
0xb7: {  	_ =	sfence  }
0xb8: {  	s30 =	sld [smem:$0x0];
	_ =	sdelay $0x2  }
0xb9: {  	s31 =	sshll.u32 s1, $0xD;
	s1 =	sshrl.u32 s1, $0x2  }
0xba: {  	s3 =	sand.u32 $0x4000, s31;
	s1 =	sadd.s32 s1, s30  }
0xbb: {  	s0 =	sor.u32 s3, s0;
	s1 =	sshll.u32 s1, $0x11  }
0xbc: {  	s0 =	sor.u32 s1, s0  }
0xbd: {  	s0 =	sadd.s32 $0x8F2B, s0  }
0xbe: {  	[sflag:s0] =	ssyncadd.remote.s32 $0x1  }
0xbf: {  	_ =	sfence.sel $0xFFFF  }
0xc0: {  	[dreg:$0x0] =	wrdreg $0xFFFFFFFF;
	(pc) =	sbr.abs _section_cstart, $3  }
0xc1: {  	[dreg:$0x1] =	wrdreg $0xFFFFFFFF  }
0xc2: {  	_ =	task.clear_ibuf [dreg:s7], $0x2FFFF;
	_ =	strace $0x9FFFFFFF  }
0xc3: {  	(tm) =	ssettm $0x7FFFFFFF  }
tec
execute0_lowered:
.L_overlay_start_1:
0x0: {  	(tag) =	ssettag $0x1  }
0x1: {  	s5 =	rddreg [dreg:$0x0]  }
0x2: {  	s6 =	rddreg [dreg:$0x1]  }
0x3: {  	s2 =	rddreg [dreg:$0x2]  }
0x4: {  	s0 =	rddreg [dreg:$0x3]  }
0x5: {  	s1 =	stileid.u32;
	s7 =	srdreg.scid  }
0x6: {  	s3 =	simm.s32 $0x0;
	s16 =	simm.s32 $0x2800;
	s17 =	simm.s32 $0x80  }
0x7: {  	s18 =	simm.s32 $0x6800;
	s19 =	simm.s32 $0x1;
	s4 =	smul.u32 $0x2780, s1  }
0x8: {  	s20 =	simm.s32 $0x2;
	s21 =	simm.s32 $0x2780;
	s8 =	smul.u32 $0x4F000, s1  }
0x9: {  	s22 =	simm.s32 $0x0;
	s7 =	sand.u32 $0x1, s7;
	s10 =	smul.u32 $0x2800, s1  }
0xa: {  	[smem:$0x7FF] =	sst s3;
	s11 =	sadd.s32 $0x5E600, s5;
	s14 =	smul.u32 $0x140000, s1  }
0xb: {  	p0 =	seq.s32 s1, $0xF;
	s9 =	smul.u32 $0x28000, s7;
	_ =	strace $0x80000047  }
0xc: {  	s12 =	ssub.s32 $0x2, s7;
	s7 =	smul.u32 $0x1400000, s7;
	s4 =	sadd.s32 s4, s5  }
0xd: {  	s13 =	sshrl.u32 s12, $0x1;
	s8 =	sshrl.u32 s8, $0x2;
	s5 =	sadd.s32 $0x35280, s5  }
0xe: {  	s12 =	ssub.s32 s12, s13;
	s15 =	sadd.s32 s8, s2;
	s4 =	sadd.s32 $0x10200, s4  }
0xf: {  	s13 =	sadd.s32 $0x128400, s2;
	s26 =	sadd.s32 s10, s9;
	s28 =	sadd.s32 s14, s7  }
0x10: {  	s14 =	sshll.u32 @!p0 s1, $0x6;
	s29 =	sshrl.u32 s26, $0x3;
	s30 =	sshrl.u32 s28, $0x3  }
0x11: {  	s7 =	smax.u32 s12, $0x1;
	s31 =	sor.u32 $0x4000, s28;
	s8 =	sadd.s32 s30, s11  }
0x12: {  	s6 =	sadd.s32 s6, s29;
	s12 =	sshrl.u32 s31, $0x3;
	s9 =	sadd.s32 $0x27000, s8  }
0x13: {  	s10 =	sadd.s32 $0x27800, s8;
	s11 =	sadd.s32 s12, s11;
	s12 =	sshrl.u32 @p0 s13, $0x3  }
0x14: {  	s13 =	sor.u32 @!p0 $0x1C03, s14;
	s14 =	sshrl.u32 @!p0 s15, $0x3;
	s15 =	simm.s32 $0x3  }
.LBB2_1:
0x15: {  	s23 =	simm.s32 @p0 $0x1FC3  }
0x16: {  	[spmem:s12], [sflag:s23] =	dma.local @p0 [hbm:s5], $0x2080  }
0x17: {  	s23 =	simm.s32 @p0 $0x3  }
0x18: {  	_ =	swait.ge @p0 [sflag:s23], $0x2080  }
0x19: {  	[sflag:s23] =	ssyncset.done @p0 $0x0  }
0x1a: {  	[sflag:s23] =	ssyncadd.s32 @p0 $0xFFFFDF80;
	s23 =	simm.s32 @!p0 $0x3  }
0x1b: {  	[spmem:s14], [sflag:s13] =	dma.local @!p0 [hbm:s4], $0x2780  }
0x1c: {  	_ =	swait.ge @!p0 [sflag:s23], $0x2780  }
0x1d: {  	[sflag:s23] =	ssyncset.done @!p0 $0x0  }
0x1e: {  	[sflag:s23] =	ssyncadd.s32 @!p0 $0xFFFFD880  }
0x1f: {  	[bflag:$0x0] =	sbarrier.arrive $0xFFFF  }
0x20: {  	[tilespmem:s3], [sflag:$0x3] =	stream.linear.gather [hbm4b:s6+s3], $0x2800, $0x38;
	[tilespmem:$0x1E080] =	vst v63  }
0x21: {  	_ =	swait.ge [sflag:s15], $0x2800  }
0x22: {  	[sflag:s15] =	ssyncset.done $0x0  }
0x23: {  	[sflag:s15] =	ssyncadd.s32 $0xFFFFD800  }
0x24: {  	[tilespmem:s16], [sflag:$0x1] =	stream.indirect.gather [spmem:s2], $0x80, s3, s17, $0xb8;
	[tilespmem:$0x1E080] =	vst v63  }
0x25: {  	_ = 	snop  }
0x26: {  	[tilespmem:s18], [sflag:$0x2] =	stream.indirect.gather [spmem:s2], $0x80, s17, s17, $0xb8;
	[tilespmem:$0x1E080] =	vst v63  }
0x27: {  	_ =	swait.ge [sflag:s19], $0x4000  }
0x28: {  	[sflag:s19] =	ssyncset.done $0x0  }
0x29: {  	s29 =	sadd.s32 $0x0, s8;
	[sflag:s19] =	ssyncadd.s32 $0xFFFFC000  }
0x2a: {  	[hbm4b:s29+s3] =	stream.linear.scatter [tilespmem:s16], [sflag:$0x3], $0x4000, $0x38;
	[tilespmem:$0x1E080] =	vst v63  }
0x2b: {  	_ =	swait.ge [sflag:s15], $0x4000  }
0x2c: {  	[sflag:s15] =	ssyncset.done $0x0  }
0x2d: {  	s30 =	simm.s32 $0x100;
	[sflag:s15] =	ssyncadd.s32 $0xFFFFC000  }
0x2e: {  	[tilespmem:s16], [sflag:$0x1] =	stream.indirect.gather [spmem:s2], $0x80, s30, s17, $0xb8;
	[tilespmem:$0x1E080] =	vst v63  }
0x2f: {  	_ =	swait.ge [sflag:s20], $0x4000  }
0x30: {  	[sflag:s20] =	ssyncset.done $0x0  }
0x31: {  	s31 =	sadd.s32 $0x0, s11;
	[sflag:s20] =	ssyncadd.s32 $0xFFFFC000  }
0x32: {  	[hbm4b:s31+s3] =	stream.linear.scatter [tilespmem:s18], [sflag:$0x3], $0x4000, $0x38;
	[tilespmem:$0x1E080] =	vst v63  }
0x33: {  	_ =	swait.ge [sflag:s15], $0x4000  }
0x34: {  	s24 =	simm.s32 $0x80;
	s23 =	simm.s32 $0x1000;
	[sflag:s15] =	ssyncset.done $0x0  }
.LBB2_2:
0x35: {  	p1 =	sne.s32 s23, $0x26000;
	[sflag:s15] =	ssyncadd.s32 $0xFFFFC000;
	s24 =	sadd.s32 $0x100, s24  }
0x36: {  	[tilespmem:s18], [sflag:$0x2] =	stream.indirect.gather [spmem:s2], $0x80, s24, s17, $0xb8;
	[tilespmem:$0x1E080] =	vst v63  }
0x37: {  	s25 =	smov.u32 s23;
	s23 =	sadd.s32 $0x1000, s23;
	_ =	swait.ge [sflag:s19], $0x4000  }
0x38: {  	[sflag:s19] =	ssyncset.done $0x0  }
0x39: {  	s26 =	sadd.s32 s25, s8;
	[sflag:s19] =	ssyncadd.s32 $0xFFFFC000  }
0x3a: {  	[hbm4b:s26+s3] =	stream.linear.scatter [tilespmem:s16], [sflag:$0x3], $0x4000, $0x38;
	[tilespmem:$0x1E080] =	vst v63  }
0x3b: {  	_ =	swait.ge [sflag:s15], $0x4000  }
0x3c: {  	[sflag:s15] =	ssyncset.done $0x0  }
0x3d: {  	s26 =	sadd.s32 $0x80, s24;
	[sflag:s15] =	ssyncadd.s32 $0xFFFFC000  }
0x3e: {  	[tilespmem:s16], [sflag:$0x1] =	stream.indirect.gather [spmem:s2], $0x80, s26, s17, $0xb8;
	[tilespmem:$0x1E080] =	vst v63  }
0x3f: {  	_ =	swait.ge [sflag:s20], $0x4000  }
.Ltmp0:
0x40: {  	[sflag:s20] =	ssyncset.done $0x0;
	(pc) =	sbr.rel @p1 .LBB2_2-.Ltmp0, $4  }
0x41: {  	s25 =	sadd.s32 s25, s11;
	[sflag:s20] =	ssyncadd.s32 $0xFFFFC000  }
0x42: {  	[hbm4b:s25+s3] =	stream.linear.scatter [tilespmem:s18], [sflag:$0x3], $0x4000, $0x38;
	[tilespmem:$0x1E080] =	vst v63  }
0x43: {  	_ =	swait.ge [sflag:s15], $0x4000  }
0x44: {  	[sflag:s15] =	ssyncset.done $0x0  }
0x45: {  	[sflag:s15] =	ssyncadd.s32 $0xFFFFC000  }
0x46: {  	[tilespmem:s18], [sflag:$0x2] =	stream.indirect.gather [spmem:s2], $0x80, s21, s17, $0xb8;
	[tilespmem:$0x1E080] =	vst v63  }
0x47: {  	_ =	swait.ge [sflag:s19], $0x4000  }
0x48: {  	[sflag:s19] =	ssyncset.done $0x0  }
0x49: {  	[sflag:s19] =	ssyncadd.s32 $0xFFFFC000  }
0x4a: {  	[hbm4b:s9+s3] =	stream.linear.scatter [tilespmem:s16], [sflag:$0x3], $0x4000, $0x38;
	[tilespmem:$0x1E080] =	vst v63  }
0x4b: {  	_ =	swait.ge [sflag:s15], $0x4000  }
0x4c: {  	[sflag:s15] =	ssyncset.done $0x0  }
0x4d: {  	[sflag:s15] =	ssyncadd.s32 $0xFFFFC000  }
0x4e: {  	s22 =	sadd.s32 $0x1, s22;
	_ =	swait.ge [sflag:s20], $0x4000  }
0x4f: {  	p1 =	sne.s32 s22, s7;
	[sflag:s20] =	ssyncset.done $0x0  }
.Ltmp1:
0x50: {  	[sflag:s20] =	ssyncadd.s32 $0xFFFFC000;
	(pc) =	sbr.rel @p1 .LBB2_1-.Ltmp1, $4  }
0x51: {  	[hbm4b:s10+s3] =	stream.linear.scatter [tilespmem:s18], [sflag:$0x3], $0x4000, $0x38;
	[tilespmem:$0x1E080] =	vst v63  }
0x52: {  	_ =	swait.ge [sflag:s15], $0x4000  }
0x53: {  	[sflag:s15] =	ssyncset.done $0x0  }
0x54: {  	[sflag:s15] =	ssyncadd.s32 $0xFFFFC000  }
0x55: {  	_ =	sfence.sel $0x180000  }
0x56: {  	[bflag:$0x0] =	sbarrier.arrive $0xFFFF  }
0x57: {  	p0 =	sne.s32 s1, $0x0;
	_ =	strace $0x90000047  }
0x58: {  	s0 =	sadd.s32 @!p0 $0x100000, s0;
	[bflag:$0x2] =	sbarrier.arrive $0xFFFF  }
0x59: {  	[sflag:s0] =	ssyncadd.tile.s32 @!p0 $0x1;
	_ =	shalt  }
.Lfunc_end2:
_tile_overlayer_lowered:
.L_overlay_start_2:
0x5a: {  	(tag) =	ssettag $0x2  }
0x5b: {  	s0 =	rddreg [dreg:$0x0];
	s2 =	stileid.u32  }
0x5c: {  	s1 =	rddreg [dreg:$0x1];
	p0 =	sne.s32 s2, $0x0  }
0x5d: {  	s3 =	rddreg [dreg:$0x2];
	[bflag:$0x3] =	sbarrier.arrive $0xFFFF;
	s2 =	simm.s32 @!p0 $0x1C03  }
0x5e: {  	[timem:s3], [sflag:s2] =	dma.local @!p0 [hbm:s0], s1  }
0x5f: {  	s0 =	simm.s32 @!p0 $0x3  }
0x60: {  	_ =	swait.ge @!p0 [sflag:s0], s1  }
0x61: {  	s1 =	ssub.s32 @!p0 $0x0, s1;
	[sflag:s0] =	ssyncset.done @!p0 $0x0  }
0x62: {  	[sflag:s0] =	ssyncadd.s32 @!p0 s1  }
0x63: {  	[bflag:$0x3] =	sbarrier.arrive $0xFFFF  }
0x64: {  	_ =	shalt  }

// kernel: kernel.22.cloned.1.call-start
scs
__scs_entry_jumppad:
0x0: {  	(pc) =	sbr.rel $0x88, $3  }
0x1: {  	(tag) =	ssettag $0x0;
	lr =	simm.s32 $0x1  }
0x2: {  	[smem:$0x3F91] =	sst lr;
	_ =	strace $0xD0000000  }
0x3: {  	_ = 	snop  }
0x4: {  	_ = 	snop  }
0x5: {  	_ = 	snop  }
0x6: {  	_ = 	snop  }
0x7: {  	_ = 	snop  }
__scs_overlays_trampoline_lowered:
0x8: {  	[smem:$0x3FA0] =	sst s0  }
0x9: {  	[smem:$0x3FA1] =	sst s1  }
0xa: {  	[smem:$0x3FA2] =	sst s2  }
0xb: {  	[smem:$0x3FA3] =	sst s3  }
0xc: {  	[smem:$0x3FA4] =	sst s4  }
0xd: {  	[smem:$0x3FA5] =	sst s5  }
0xe: {  	[smem:$0x3FA6] =	sst s6  }
0xf: {  	[smem:$0x3FA7] =	sst s7  }
0x10: {  	[smem:$0x3FA8] =	sst s8  }
0x11: {  	[smem:$0x3FA9] =	sst s9;
	s0 =	simm.s32 @!p0 $0x0  }
0x12: {  	s1 =	sld [smem:$0x3F8F];
	s0 =	simm.s32 @p0 $0x1  }
0x13: {  	[smem:$0x3FAA] =	sst s0;
	s0 =	simm.s32 @!p1 $0x0  }
0x14: {  	s2 =	sld [smem:$0x3F8E];
	s0 =	simm.s32 @p1 $0x1  }
0x15: {  	[smem:$0x3FAB] =	sst s0;
	s0 =	simm.s32 @!p2 $0x0  }
0x16: {  	s3 =	sld [smem:$0x3FDB];
	s0 =	simm.s32 @p2 $0x1  }
0x17: {  	s4 =	simm.s32 $0x1BF5;
	[smem:$0x3FAD] =	sst s0  }
0x18: {  	s0 =	sld [smem:$0x3F90];
	_ =	swait.ge [sflag:s4], $0x0  }
0x19: {  	s7 =	sld [smem:$0x3F91]  }
0x1a: {  	s8 =	sadd.s32 $0xFFFFE003, lr  }
0x1b: {  	s9 =	sadd.s32 $0xFFFFFEF7, lr;
	s5 =	simm.s32 $0xFFFFFFFF;
	p2 =	slt.u32 s8, $0xFFFFF086  }
0x1c: {  	p1 =	slt.u32 s9, $0xF7A;
	s5 =	simm.s32 @!p2 $0x0  }
0x1d: {  	s5 =	simm.s32 @p1 $0x1;
	p0 =	seq.s32 s7, s2  }
0x1e: {  	s7 =	smul.u32 @!p0 $0xF7A, s2;
	p2 =	seq.s32 @!p0 s5, $0x0  }
0x1f: {  	s9 =	smul.u32 $0xF7A, s1;
	s8 =	simm.s32 @!p0 $0x1BF5;
	p2 =	por !p2, p0  }
0x20: {  	[sflag:s8] =	ssyncset.s32 @!p0 $0xFFFFF086;
	s6 =	sadd.s32 @!p0 s3, s7;
	s7 =	simm.s32 @!p0 $0x108  }
0x21: {  	s3 =	sadd.s32 s3, s9;
	s6 =	sadd.s32 @!p0 $0x88, s6;
	s7 =	simm.s32 @p2 $0x1082  }
0x22: {  	[simem:s7], [sflag:s8] =	dma.local @!p0 [hbm:s6], $0xF7A  }
0x23: {  	s9 =	sor.u32 $0xD0000000, s2;
	s6 =	simm.s32 $0x108;
	_ =	swait.ge @!p0 [sflag:s8], $0x0  }
0x24: {  	s3 =	sadd.s32 $0x88, s3;
	s6 =	simm.s32 @!p1 $0x1082;
	[sflag:s4] =	ssyncset.s32 $0xFFFFF086  }
0x25: {  	[simem:s6], [sflag:s4] =	dma.local [hbm:s3], $0xF7A  }
0x26: {  	[smem:$0x3F91] =	sst s1;
	(tag) =	ssettag s2;
	_ =	strace s9  }
0x27: {  	s1 =	sld [smem:$0x3FA1]  }
0x28: {  	s2 =	sld [smem:$0x3FA2]  }
0x29: {  	s4 =	sld [smem:$0x3FA4]  }
0x2a: {  	p0 =	seq.s32 s5, $0x0;
	s5 =	sld [smem:$0x3FA5]  }
0x2b: {  	s6 =	sld [smem:$0x3FA6]  }
0x2c: {  	s7 =	sld [smem:$0x3FA7]  }
0x2d: {  	s3 =	simm.s32 $0x108;
	s8 =	sld [smem:$0x3FA8]  }
0x2e: {  	s3 =	simm.s32 @!p0 $0x1082;
	s9 =	sld [smem:$0x3FA9]  }
0x2f: {  	lr =	sadd.s32 s0, s3;
	s0 =	sld [smem:$0x3FA0]  }
0x30: {  	s3 =	sld [smem:$0x3FA3]  }
0x31: {  	[smem:$0x3FAC] =	sst s10  }
0x32: {  	s10 =	sld [smem:$0x3FAA];
	_ =	sdelay $0x3  }
0x33: {  	p0 =	seq.s32 s10, $0x1;
	s10 =	sld [smem:$0x3FAC];
	_ =	sdelay $0x3  }
0x34: {  	[smem:$0x3FAC] =	sst s10  }
0x35: {  	s10 =	sld [smem:$0x3FAB];
	_ =	sdelay $0x3  }
0x36: {  	p1 =	seq.s32 s10, $0x1;
	s10 =	sld [smem:$0x3FAC];
	_ =	sdelay $0x3  }
0x37: {  	[smem:$0x3FAC] =	sst s10  }
0x38: {  	s10 =	sld [smem:$0x3FAD]  }
0x39: {  	_ = 	snop;
	(pc) =	sbr.ind lr, $3  }
0x3a: {  	_ = 	snop  }
0x3b: {  	_ = 	snop  }
0x3c: {  	p2 =	seq.s32 s10, $0x1;
	s10 =	sld [smem:$0x3FAC]  }
0x3d: {  	_ =	shalt  }
0x3e: {  	_ =	shalt  }
0x3f: {  	_ =	shalt  }
0x40: {  	_ =	shalt  }
0x41: {  	_ =	shalt  }
0x42: {  	_ =	shalt  }
0x43: {  	_ =	shalt  }
0x44: {  	_ =	shalt  }
0x45: {  	_ =	shalt  }
0x46: {  	_ =	shalt  }
0x47: {  	_ =	shalt  }
0x48: {  	_ =	shalt  }
0x49: {  	_ =	shalt  }
0x4a: {  	_ =	shalt  }
0x4b: {  	_ =	shalt  }
0x4c: {  	_ =	shalt  }
0x4d: {  	_ =	shalt  }
0x4e: {  	_ =	shalt  }
0x4f: {  	_ =	shalt  }
0x50: {  	_ =	shalt  }
0x51: {  	_ =	shalt  }
0x52: {  	_ =	shalt  }
0x53: {  	_ =	shalt  }
0x54: {  	_ =	shalt  }
0x55: {  	_ =	shalt  }
0x56: {  	_ =	shalt  }
0x57: {  	_ =	shalt  }
0x58: {  	_ =	shalt  }
0x59: {  	_ =	shalt  }
0x5a: {  	_ =	shalt  }
0x5b: {  	_ =	shalt  }
0x5c: {  	_ =	shalt  }
0x5d: {  	_ =	shalt  }
0x5e: {  	_ =	shalt  }
0x5f: {  	_ =	shalt  }
0x60: {  	_ =	shalt  }
0x61: {  	_ =	shalt  }
0x62: {  	_ =	shalt  }
0x63: {  	_ =	shalt  }
0x64: {  	_ =	shalt  }
0x65: {  	_ =	shalt  }
0x66: {  	_ =	shalt  }
0x67: {  	_ =	shalt  }
0x68: {  	_ =	shalt  }
0x69: {  	_ =	shalt  }
0x6a: {  	_ =	shalt  }
0x6b: {  	_ =	shalt  }
0x6c: {  	_ =	shalt  }
0x6d: {  	_ =	shalt  }
0x6e: {  	_ =	shalt  }
0x6f: {  	_ =	shalt  }
0x70: {  	_ =	shalt  }
0x71: {  	_ =	shalt  }
0x72: {  	_ =	shalt  }
0x73: {  	_ =	shalt  }
0x74: {  	_ =	shalt  }
0x75: {  	_ =	shalt  }
0x76: {  	_ =	shalt  }
0x77: {  	_ =	shalt  }
0x78: {  	_ =	shalt  }
0x79: {  	_ =	shalt  }
0x7a: {  	_ =	shalt  }
0x7b: {  	_ =	shalt  }
0x7c: {  	_ =	shalt  }
0x7d: {  	_ =	shalt  }
0x7e: {  	_ =	shalt  }
0x7f: {  	_ =	shalt  }
0x80: {  	_ =	shalt  }
0x81: {  	_ =	shalt  }
0x82: {  	_ =	shalt  }
0x83: {  	_ =	shalt  }
0x84: {  	_ =	shalt  }
0x85: {  	_ =	shalt  }
0x86: {  	_ =	shalt  }
0x87: {  	_ =	shalt  }
.Lfunc_end0:
.L_simem_size_0:
called_computation.2_lowered:
.L_overlay_start_0:
0x88: {  	s2 =	sld [smem:$0x3FD9]  }
0x89: {  	s3 =	sld [smem:$0x3FFE];
	_ =	sdelay $0x1  }
0x8a: {  	s1 =	srdreg.scid  }
0x8b: {  	s0 =	sand.u32 $0x1, s1  }
0x8c: {  	s17 =	sshll.u32 s0, $0xA;
	s2 =	sadd.s32 s3, s2  }
0x8d: {  	s2 =	sadd.s32 s2, s17  }
0x8e: {  	[smem:$0x3FB8] =	sst s2  }
0x8f: {  	_ = 	snop  }
0x90: {  	(tm) =	ssettm $0x1  }
0x91: {  	s18 =	sld [smem:$0x3FFB];
	_ =	sdelay $0x3  }
0x92: {  	_ =	strace s18  }
0x93: {  	s2 =	sld [smem:$0x3FFC];
	_ =	sdelay $0x3  }
0x94: {  	_ =	strace s2  }
0x95: {  	s2 =	sld [smem:$0x3FFD];
	_ =	sdelay $0x3  }
0x96: {  	_ =	strace s2  }
0x97: {  	_ =	strace $0x8FFFFFFF  }
0x98: {  	s19 =	sld [smem:$0x3FDB];
	_ =	sdelay $0x1  }
0x99: {  	s20 =	simm.s32 $_scs_section_size  }
0x9a: {  	s4 =	simm.s32 $_size__tile_overlayer_lowered;
	s5 =	simm.s32 $_tile_overlayer_lowered  }
0x9b: {  	s6 =	simm.s32 $0x1BFF;
	s21 =	sshll.u32 s5, $0x1;
	s3 =	sadd.s32 s20, s19  }
0x9c: {  	s22 =	simm.s32 $0x0;
	s4 =	sshll.u32 s4, $0x1;
	s5 =	sadd.s32 s21, s3  }
0x9d: {  	[timem:s22], [sflag:s6] =	dma.local [hbm:s5], s4  }
0x9e: {  	_ =	swait.ge [sflag:s6], s4  }
0x9f: {  	s4 =	ssub.s32 $0x0, s4;
	[sflag:s6] =	ssyncset.done $0x0  }
0xa0: {  	[sflag:s6] =	ssyncadd.s32 s4;
	_ =	sdelay $0x1  }
0xa1: {  	s23 =	simm.s32 $0x1B8B  }
0xa2: {  	_ =	swait.ge [sflag:s23], $0x1  }
0xa3: {  	[sflag:s23] =	ssyncset.done $0x0  }
0xa4: {  	[sflag:s23] =	ssyncadd.s32 $0xFFFFFFFF  }
0xa5: {  	s4 =	sld [smem:$0x0]  }
0xa6: {  	s5 =	sand.u32 $0xFFFFFFFE, s1  }
0xa7: {  	p0 =	sne.s32 s1, s5  }
0xa8: {  	s5 =	sshll.u32 @p0 s5, $0xE  }
0xa9: {  	s5 =	sadd.s32 @p0 $0x11B8D, s5;
	s6 =	sshll.u32 @p0 s4, $0x11  }
0xaa: {  	s5 =	sor.u32 @p0 s6, s5  }
0xab: {  	[sflag:s5] =	ssyncadd.remote.s32 @p0 $0x1;
	_ =	sdelay $0x1  }
0xac: {  	s5 =	simm.s32 @p0 $0x1B8D  }
0xad: {  	_ =	swait.eq @p0 [sflag:s5], $0x1  }
0xae: {  	[sflag:s5] =	ssyncadd.s32 @p0 $0xFFFFFFFF  }
0xaf: {  	s6 =	sshll.u32 @!p0 s1, $0xE  }
0xb0: {  	s6 =	sor.u32 @!p0 $0x4000, s6;
	s5 =	simm.s32 @!p0 $0x1B8D  }
0xb1: {  	s4 =	sshll.u32 @!p0 s4, $0x11;
	s6 =	sadd.s32 @!p0 $0x11B8D, s6;
	_ =	swait.eq @!p0 [sflag:s5], $0x1  }
0xb2: {  	s4 =	sor.u32 @!p0 s4, s6;
	[sflag:s5] =	ssyncadd.s32 @!p0 $0xFFFFFFFF  }
0xb3: {  	s25 =	simm.s32 $0x1B8E;
	s24 =	sld [smem:$0x3FFE];
	[sflag:s4] =	ssyncadd.remote.s32 @!p0 $0x1  }
0xb4: {  	s26 =	simm.s32 $execute0_lowered;
	[smem:$0x3FD2] =	sst s25  }
0xb5: {  	s5 =	sshll.u32 s26, $0x1;
	_ =	strace $0x8000004C;
	[dreg:$0x1] =	wrdreg $0xFFFFFFFF  }
0xb6: {  	s28 =	simm.s32 $_size_execute0_lowered;
	s3 =	sadd.s32 s3, s5;
	[dreg:$0x0] =	wrdreg $0x0  }
0xb7: {  	s5 =	sshll.u32 s28, $0x1;
	[dreg:$0x2] =	wrdreg s3  }
0xb8: {  	[dreg:$0x3] =	wrdreg s5  }
0xb9: {  	[dreg:$0x4] =	wrdreg $0xC0  }
0xba: {  	_ =	task [dreg:s22], $0x5FFFF  }
0xbb: {  	[dreg:$0x1] =	wrdreg $0xFFFFFFFF  }
0xbc: {  	[dreg:$0x0] =	wrdreg $0x60  }
0xbd: {  	[dreg:$0x2] =	wrdreg s24  }
0xbe: {  	[dreg:$0x3] =	wrdreg $0xA8000  }
0xbf: {  	[dreg:$0x4] =	wrdreg $0xA  }
0xc0: {  	_ =	task.clear_ibuf [dreg:s22], $0x5FFFF;
	_ =	strace $0x9000004C  }
0xc1: {  	s29 =	simm.s32 $0xA;
	_ =	strace $0x8000004E  }
0xc2: {  	_ =	swait.ge [sflag:s29], $0x1  }
0xc3: {  	[sflag:s29] =	ssyncadd.s32 $0xFFFFFFFF  }
0xc4: {  	_ =	strace $0x9000004E  }
0xc5: {  	_ =	sfence  }
0xc6: {  	s30 =	sld [smem:$0x0];
	_ =	sdelay $0x2  }
0xc7: {  	s31 =	sshll.u32 s1, $0xD;
	s1 =	sshrl.u32 s1, $0x2  }
0xc8: {  	s4 =	sand.u32 $0x4000, s31;
	s1 =	sadd.s32 s1, s30  }
0xc9: {  	s0 =	sor.u32 s4, s0;
	s1 =	sshll.u32 s1, $0x11  }
0xca: {  	s0 =	sor.u32 s1, s0  }
0xcb: {  	s0 =	sadd.s32 $0x8F2B, s0  }
0xcc: {  	[sflag:s0] =	ssyncadd.remote.s32 $0x1  }
0xcd: {  	_ =	sfence.sel $0xFFFF  }
0xce: {  	[dreg:$0x0] =	wrdreg $0xFFFFFFFF;
	(pc) =	sbr.abs _section_cstart, $3  }
0xcf: {  	[dreg:$0x1] =	wrdreg $0xFFFFFFFF  }
0xd0: {  	_ =	task.clear_ibuf [dreg:s22], $0x2FFFF;
	_ =	strace $0x9FFFFFFF  }
0xd1: {  	(tm) =	ssettm $0x7FFFFFFF  }
tec
execute0_lowered:
.L_overlay_start_1:
0x0: {  	(tag) =	ssettag $0x1  }
0x1: {  	s4 =	rddreg [dreg:$0x0];
	s0 =	srdreg.scid  }
0x2: {  	s2 =	rddreg [dreg:$0x1];
	s24 =	stileid.u32;
	s3 =	simm.s32 $0x0  }
0x3: {  	s18 =	simm.s32 $0x3;
	s19 =	simm.s32 $0x6800;
	s7 =	smul.u32 $0x2800, s24  }
0x4: {  	s20 =	simm.s32 $0x1;
	s21 =	simm.s32 $0x80;
	s25 =	smul.u32 $0x4F000, s24  }
0x5: {  	s22 =	simm.s32 $0x2;
	s23 =	stileid.u32;
	s11 =	smul.u32 $0x140000, s24  }
0x6: {  	s5 =	sand.u32 $0x1, s0;
	[smem:$0x7FF] =	sst s3;
	s15 =	smul.u32 $0x13C00, s24  }
0x7: {  	s16 =	sadd.s32 $0x5E600, s4;
	s12 =	sadd.s32 $0x5B6800, s4;
	s6 =	smul.u32 $0x28000, s5  }
0x8: {  	p0 =	seq.s32 s24, $0xF;
	s24 =	simm.s32 $0x2780;
	s10 =	smul.u32 $0x1400000, s5  }
0x9: {  	_ =	strace $0x8000004D;
	s26 =	ssub.s32 $0x2, s5;
	s13 =	smul.u32 $0x138800, s5  }
0xa: {  	s28 =	sshrl.u32 s25, $0x2;
	s29 =	sshrl.u32 s26, $0x1;
	s25 =	sadd.s32 $0x128400, s2  }
0xb: {  	s6 =	sadd.s32 s7, s6;
	s14 =	ssub.s32 s26, s29;
	s17 =	sadd.s32 s11, s10  }
0xc: {  	s30 =	sadd.s32 s15, s13;
	s13 =	sshrl.u32 s13, $0x3;
	s25 =	sshrl.u32 @p0 s25, $0x3  }
0xd: {  	s26 =	simm.s32 $0x0;
	s6 =	sshrl.u32 s6, $0x3;
	s11 =	sshrl.u32 s17, $0x3  }
0xe: {  	s15 =	sshrl.u32 s30, $0x3;
	s31 =	sor.u32 $0x8000, s17;
	s17 =	sor.u32 $0x4000, s17  }
0xf: {  	s9 =	sadd.s32 s6, s4;
	s4 =	sadd.s32 s28, s2;
	s10 =	sadd.s32 s16, s11  }
0x10: {  	s11 =	sadd.s32 s12, s15;
	s12 =	sadd.s32 s12, s13;
	s13 =	smax.u32 s14, $0x1  }
0x11: {  	s15 =	sshrl.u32 s31, $0x3;
	s17 =	sshrl.u32 s17, $0x3;
	s5 =	sadd.s32 $0x4000, s4  }
0x12: {  	s6 =	sadd.s32 $0x8000, s4;
	s7 =	sadd.s32 $0xC000, s4;
	s8 =	sadd.s32 $0x10000, s4  }
0x13: {  	s9 =	sadd.s32 $0x55E600, s9;
	s12 =	sadd.s32 $0x25080, s12;
	s14 =	sadd.s32 $0x27800, s10  }
0x14: {  	v0 =	vimm.f32 $0.0e+00;
	s15 =	sadd.s32 s15, s16;
	s16 =	sadd.s32 s17, s16;
	s17 =	simm.s32 $0x2800  }
.LBB2_1:
0x15: {  	s28 =	simm.s32 $0x0;
	s29 =	simm.s32 $0x200  }
.LBB2_2:
0x16: {  	p1 =	sne.s32 s29, $0xFE00;
	[tilespmem:s28+$0x2870] =	vst v0  }
0x17: {  	[tilespmem:s28+$0x2800] =	vst v0  }
0x18: {  	[tilespmem:s28+$0x2810] =	vst v0  }
.Ltmp0:
0x19: {  	[tilespmem:s28+$0x2820] =	vst v0;
	(pc) =	sbr.rel @p1 .LBB2_2-.Ltmp0, $4  }
0x1a: {  	[tilespmem:s28+$0x2830] =	vst v0  }
0x1b: {  	[tilespmem:s28+$0x2840] =	vst v0  }
0x1c: {  	[tilespmem:s28+$0x2850] =	vst v0  }
0x1d: {  	[tilespmem:s28+$0x2860] =	vst v0;
	s28 =	sshra.s32 s29, $0x2;
	s29 =	sadd.s32 $0x200, s29  }
0x1e: {  	[tilespmem:s28+$0x2870] =	vst v0  }
0x1f: {  	[tilespmem:s28+$0x2800] =	vst v0  }
0x20: {  	[tilespmem:s28+$0x2810] =	vst v0  }
0x21: {  	[tilespmem:s28+$0x2820] =	vst v0  }
0x22: {  	[tilespmem:s28+$0x2830] =	vst v0  }
0x23: {  	[tilespmem:s28+$0x2840] =	vst v0  }
0x24: {  	[tilespmem:s28+$0x2850] =	vst v0  }
0x25: {  	[tilespmem:s28+$0x2860] =	vst v0  }
0x26: {  	[spmem:s4] =	stream.linear.scatter [tilespmem:s17], [sflag:$0x3], $0x4000, $0x38;
	[tilespmem:$0x1E400] =	vst v63  }
0x27: {  	_ =	swait.ge [sflag:s18], $0x4000  }
0x28: {  	[sflag:s18] =	ssyncset.done $0x0  }
0x29: {  	[sflag:s18] =	ssyncadd.s32 $0xFFFFC000  }
0x2a: {  	[spmem:s5] =	stream.linear.scatter [tilespmem:s17], [sflag:$0x3], $0x4000, $0x38;
	[tilespmem:$0x1E400] =	vst v63  }
0x2b: {  	_ =	swait.ge [sflag:s18], $0x4000  }
0x2c: {  	[sflag:s18] =	ssyncset.done $0x0  }
0x2d: {  	[sflag:s18] =	ssyncadd.s32 $0xFFFFC000  }
0x2e: {  	[spmem:s6] =	stream.linear.scatter [tilespmem:s17], [sflag:$0x3], $0x4000, $0x38;
	[tilespmem:$0x1E400] =	vst v63  }
0x2f: {  	_ =	swait.ge [sflag:s18], $0x4000  }
0x30: {  	[sflag:s18] =	ssyncset.done $0x0  }
0x31: {  	[sflag:s18] =	ssyncadd.s32 $0xFFFFC000  }
0x32: {  	[spmem:s7] =	stream.linear.scatter [tilespmem:s17], [sflag:$0x3], $0x4000, $0x38;
	[tilespmem:$0x1E400] =	vst v63  }
0x33: {  	_ =	swait.ge [sflag:s18], $0x4000  }
0x34: {  	[sflag:s18] =	ssyncset.done $0x0  }
0x35: {  	[sflag:s18] =	ssyncadd.s32 $0xFFFFC000  }
0x36: {  	[spmem:s8] =	stream.linear.scatter [tilespmem:s17], [sflag:$0x3], $0x3C00, $0x38;
	[tilespmem:$0x1E400] =	vst v63  }
0x37: {  	_ =	swait.ge [sflag:s18], $0x3C00  }
0x38: {  	[sflag:s18] =	ssyncset.done $0x0  }
0x39: {  	[sflag:s18] =	ssyncadd.s32 $0xFFFFC400  }
0x3a: {  	s28 =	simm.s32 $0x0;
	[bflag:$0x0] =	sbarrier.arrive $0xFFFF  }
0x3b: {  	[tilespmem:s28], [sflag:$0x3] =	stream.linear.gather [hbm4b:s9+s28], $0x2800, $0x38;
	[tilespmem:$0x1E400] =	vst v63  }
0x3c: {  	_ =	swait.ge [sflag:s18], $0x2800  }
0x3d: {  	[sflag:s18] =	ssyncset.done $0x0  }
0x3e: {  	[sflag:s18] =	ssyncadd.s32 $0xFFFFD800  }
0x3f: {  	[tilespmem:s17], [sflag:$0x1] =	stream.linear.gather [hbm4b:s10+s28], $0x4000, $0x38;
	[tilespmem:$0x1E400] =	vst v63  }
0x40: {  	s29 =	sadd.s32 $0x0, s16  }
0x41: {  	[tilespmem:s19], [sflag:$0x2] =	stream.linear.gather [hbm4b:s29+s3], $0x4000, $0x38;
	[tilespmem:$0x1E400] =	vst v63  }
0x42: {  	_ =	swait.ge [sflag:s20], $0x4000  }
0x43: {  	[sflag:s20] =	ssyncset.done $0x0  }
0x44: {  	[sflag:s20] =	ssyncadd.s32 $0xFFFFC000  }
0x45: {  	[spmem:s2] =	stream.indirect.scatter.add.f32 [tilespmem:s17], [sflag:$0x3], $0x80, s28, s21, $0xb8;
	[tilespmem:$0x1E400] =	vst v63  }
0x46: {  	_ =	swait.ge [sflag:s18], $0x4000  }
0x47: {  	[sflag:s18] =	ssyncset.done $0x0  }
0x48: {  	s28 =	sadd.s32 $0x0, s15;
	[sflag:s18] =	ssyncadd.s32 $0xFFFFC000  }
0x49: {  	[tilespmem:s17], [sflag:$0x1] =	stream.linear.gather [hbm4b:s28+s3], $0x4000, $0x38;
	[tilespmem:$0x1E400] =	vst v63  }
0x4a: {  	_ =	swait.ge [sflag:s22], $0x4000  }
0x4b: {  	[sflag:s22] =	ssyncset.done $0x0  }
0x4c: {  	s28 =	simm.s32 $0x80;
	[sflag:s22] =	ssyncadd.s32 $0xFFFFC000  }
0x4d: {  	[spmem:s2] =	stream.indirect.scatter.add.f32 [tilespmem:s19], [sflag:$0x3], $0x80, s28, s21, $0xb8;
	[tilespmem:$0x1E400] =	vst v63  }
0x4e: {  	s30 =	simm.s32 $0x2000;
	_ =	swait.ge [sflag:s18], $0x4000  }
0x4f: {  	s29 =	simm.s32 $0x1000;
	s28 =	simm.s32 $0x100;
	[sflag:s18] =	ssyncset.done $0x0  }
.LBB2_4:
0x50: {  	s31 =	sadd.s32 s29, s16  }
0x51: {  	[sflag:s18] =	ssyncadd.s32 $0xFFFFC000;
	s0 =	smov.u32 s30;
	s1 =	sadd.s32 $0x1000, s30  }
0x52: {  	[tilespmem:s19], [sflag:$0x2] =	stream.linear.gather [hbm4b:s31+s3], $0x4000, $0x38;
	[tilespmem:$0x1E400] =	vst v63  }
0x53: {  	p1 =	sne.s32 s30, $0x26000;
	_ =	swait.ge [sflag:s20], $0x4000  }
0x54: {  	[sflag:s20] =	ssyncset.done $0x0  }
0x55: {  	[sflag:s20] =	ssyncadd.s32 $0xFFFFC000  }
0x56: {  	[spmem:s2] =	stream.indirect.scatter.add.f32 [tilespmem:s17], [sflag:$0x3], $0x80, s28, s21, $0xb8;
	[tilespmem:$0x1E400] =	vst v63  }
0x57: {  	_ =	swait.ge [sflag:s18], $0x4000  }
0x58: {  	[sflag:s18] =	ssyncset.done $0x0  }
0x59: {  	s30 =	sadd.s32 s29, s15;
	s29 =	smov.u32 s0;
	[sflag:s18] =	ssyncadd.s32 $0xFFFFC000  }
0x5a: {  	[tilespmem:s17], [sflag:$0x1] =	stream.linear.gather [hbm4b:s30+s3], $0x4000, $0x38;
	[tilespmem:$0x1E400] =	vst v63  }
0x5b: {  	_ =	swait.ge [sflag:s22], $0x4000  }
.Ltmp1:
0x5c: {  	[sflag:s22] =	ssyncset.done $0x0;
	(pc) =	sbr.rel @p1 .LBB2_4-.Ltmp1, $4  }
0x5d: {  	s0 =	sadd.s32 $0x80, s28;
	[sflag:s22] =	ssyncadd.s32 $0xFFFFC000  }
0x5e: {  	[spmem:s2] =	stream.indirect.scatter.add.f32 [tilespmem:s19], [sflag:$0x3], $0x80, s0, s21, $0xb8;
	[tilespmem:$0x1E400] =	vst v63  }
0x5f: {  	_ =	swait.ge [sflag:s18], $0x4000  }
0x60: {  	s28 =	sadd.s32 $0x100, s28;
	s30 =	smov.u32 s1;
	[sflag:s18] =	ssyncset.done $0x0  }
0x61: {  	s0 =	sadd.s32 s29, s16;
	[sflag:s18] =	ssyncadd.s32 $0xFFFFC000  }
0x62: {  	[tilespmem:s19], [sflag:$0x2] =	stream.linear.gather [hbm4b:s0+s3], $0x4000, $0x38;
	[tilespmem:$0x1E400] =	vst v63  }
0x63: {  	_ =	swait.ge [sflag:s20], $0x4000  }
0x64: {  	[sflag:s20] =	ssyncset.done $0x0  }
0x65: {  	[sflag:s20] =	ssyncadd.s32 $0xFFFFC000  }
0x66: {  	[spmem:s2] =	stream.indirect.scatter.add.f32 [tilespmem:s17], [sflag:$0x3], $0x80, s28, s21, $0xb8;
	[tilespmem:$0x1E400] =	vst v63  }
0x67: {  	_ =	swait.ge [sflag:s18], $0x4000  }
0x68: {  	[sflag:s18] =	ssyncset.done $0x0  }
0x69: {  	s29 =	sadd.s32 s29, s15;
	[sflag:s18] =	ssyncadd.s32 $0xFFFFC000  }
0x6a: {  	[tilespmem:s17], [sflag:$0x1] =	stream.linear.gather [hbm4b:s29+s3], $0x4000, $0x38;
	[tilespmem:$0x1E400] =	vst v63  }
0x6b: {  	_ =	swait.ge [sflag:s22], $0x4000  }
0x6c: {  	[sflag:s22] =	ssyncset.done $0x0  }
0x6d: {  	s30 =	sadd.s32 $0x80, s28;
	[sflag:s22] =	ssyncadd.s32 $0xFFFFC000  }
0x6e: {  	[spmem:s2] =	stream.indirect.scatter.add.f32 [tilespmem:s19], [sflag:$0x3], $0x80, s30, s21, $0xb8;
	[tilespmem:$0x1E400] =	vst v63  }
0x6f: {  	_ =	swait.ge [sflag:s18], $0x4000  }
0x70: {  	[sflag:s18] =	ssyncset.done $0x0  }
0x71: {  	[sflag:s18] =	ssyncadd.s32 $0xFFFFC000  }
0x72: {  	[tilespmem:s19], [sflag:$0x2] =	stream.linear.gather [hbm4b:s14+s3], $0x4000, $0x38;
	[tilespmem:$0x1E400] =	vst v63  }
0x73: {  	_ =	swait.ge [sflag:s20], $0x4000  }
0x74: {  	[sflag:s20] =	ssyncset.done $0x0  }
0x75: {  	s31 =	simm.s32 $0x2700;
	[sflag:s20] =	ssyncadd.s32 $0xFFFFC000  }
0x76: {  	[spmem:s2] =	stream.indirect.scatter.add.f32 [tilespmem:s17], [sflag:$0x3], $0x80, s31, s21, $0xb8;
	[tilespmem:$0x1E400] =	vst v63  }
0x77: {  	_ =	swait.ge [sflag:s18], $0x4000  }
0x78: {  	[sflag:s18] =	ssyncset.done $0x0  }
0x79: {  	[sflag:s18] =	ssyncadd.s32 $0xFFFFC000  }
0x7a: {  	_ =	swait.ge [sflag:s22], $0x4000  }
0x7b: {  	[sflag:s22] =	ssyncset.done $0x0  }
0x7c: {  	[sflag:s22] =	ssyncadd.s32 $0xFFFFC000  }
0x7d: {  	[spmem:s2] =	stream.indirect.scatter.add.f32 [tilespmem:s19], [sflag:$0x3], $0x80, s24, s21, $0xb8;
	[tilespmem:$0x1E400] =	vst v63  }
0x7e: {  	_ =	swait.ge [sflag:s18], $0x4000  }
0x7f: {  	[sflag:s18] =	ssyncset.done $0x0  }
0x80: {  	[sflag:s18] =	ssyncadd.s32 $0xFFFFC000  }
0x81: {  	s0 =	simm.s32 @p0 $0x1FC3;
	[bflag:$0x0] =	sbarrier.arrive $0xFFFF  }
0x82: {  	[hbm:s12], [sflag:s0] =	dma.local @p0 [spmem:s25], $0x2080  }
0x83: {  	s0 =	simm.s32 @p0 $0x3  }
0x84: {  	s26 =	sadd.s32 $0x1, s26;
	_ =	swait.ge @p0 [sflag:s0], $0x2080  }
0x85: {  	s1 =	sshll.u32 @!p0 s23, $0x6;
	p1 =	sne.s32 s26, s13;
	[sflag:s0] =	ssyncset.done @p0 $0x0  }
0x86: {  	[sflag:s0] =	ssyncadd.s32 @p0 $0xFFFFDF80;
	s0 =	sor.u32 @!p0 $0x1C03, s1;
	s1 =	sshrl.u32 @!p0 s4, $0x3  }
0x87: {  	[hbm:s11], [sflag:s0] =	dma.local @!p0 [spmem:s1], $0x2780  }
.Ltmp2:
0x88: {  	_ = 	snop;
	(pc) =	sbr.rel @p1 .LBB2_1-.Ltmp2, $4  }
0x89: {  	s0 =	simm.s32 @!p0 $0x3  }
0x8a: {  	_ =	swait.ge @!p0 [sflag:s0], $0x2780  }
0x8b: {  	[sflag:s0] =	ssyncset.done @!p0 $0x0  }
0x8c: {  	[sflag:s0] =	ssyncadd.s32 @!p0 $0xFFFFD880  }
0x8d: {  	_ =	sfence.sel $0x180000  }
0x8e: {  	[bflag:$0x0] =	sbarrier.arrive $0xFFFF  }
0x8f: {  	_ =	strace $0x9000004D  }
0x90: {  	[bflag:$0x2] =	sbarrier.arrive $0xFFFF  }
0x91: {  	p0 =	sne.s32 s23, $0x0;
	s0 =	rddreg [dreg:$0x2]  }
0x92: {  	s0 =	sadd.s32 @!p0 $0x100000, s0  }
0x93: {  	[sflag:s0] =	ssyncadd.tile.s32 @!p0 $0x1;
	_ =	shalt  }
.Lfunc_end2:
_tile_overlayer_lowered:
.L_overlay_start_2:
0x94: {  	(tag) =	ssettag $0x2  }
0x95: {  	s0 =	rddreg [dreg:$0x0];
	s2 =	stileid.u32  }
0x96: {  	s1 =	rddreg [dreg:$0x1];
	p0 =	sne.s32 s2, $0x0  }
0x97: {  	s3 =	rddreg [dreg:$0x2];
	[bflag:$0x3] =	sbarrier.arrive $0xFFFF;
	s2 =	simm.s32 @!p0 $0x1C03  }
0x98: {  	[timem:s3], [sflag:s2] =	dma.local @!p0 [hbm:s0], s1  }
0x99: {  	s0 =	simm.s32 @!p0 $0x3  }
0x9a: {  	_ =	swait.ge @!p0 [sflag:s0], s1  }
0x9b: {  	s1 =	ssub.s32 @!p0 $0x0, s1;
	[sflag:s0] =	ssyncset.done @!p0 $0x0  }
0x9c: {  	[sflag:s0] =	ssyncadd.s32 @!p0 s1  }
0x9d: {  	[bflag:$0x3] =	sbarrier.arrive $0xFFFF  }
0x9e: {  	_ =	shalt  }

// kernel: kernel.25.cloned.1.call-start
scs
__scs_entry_jumppad:
0x0: {  	(pc) =	sbr.rel $0x88, $3  }
0x1: {  	(tag) =	ssettag $0x0;
	lr =	simm.s32 $0x1  }
0x2: {  	[smem:$0x3F91] =	sst lr;
	_ =	strace $0xD0000000  }
0x3: {  	_ = 	snop  }
0x4: {  	_ = 	snop  }
0x5: {  	_ = 	snop  }
0x6: {  	_ = 	snop  }
0x7: {  	_ = 	snop  }
__scs_overlays_trampoline_lowered:
0x8: {  	[smem:$0x3FA0] =	sst s0  }
0x9: {  	[smem:$0x3FA1] =	sst s1  }
0xa: {  	[smem:$0x3FA2] =	sst s2  }
0xb: {  	[smem:$0x3FA3] =	sst s3  }
0xc: {  	[smem:$0x3FA4] =	sst s4  }
0xd: {  	[smem:$0x3FA5] =	sst s5  }
0xe: {  	[smem:$0x3FA6] =	sst s6  }
0xf: {  	[smem:$0x3FA7] =	sst s7  }
0x10: {  	[smem:$0x3FA8] =	sst s8  }
0x11: {  	[smem:$0x3FA9] =	sst s9;
	s0 =	simm.s32 @!p0 $0x0  }
0x12: {  	s1 =	sld [smem:$0x3F8F];
	s0 =	simm.s32 @p0 $0x1  }
0x13: {  	[smem:$0x3FAA] =	sst s0;
	s0 =	simm.s32 @!p1 $0x0  }
0x14: {  	s2 =	sld [smem:$0x3F8E];
	s0 =	simm.s32 @p1 $0x1  }
0x15: {  	[smem:$0x3FAB] =	sst s0;
	s0 =	simm.s32 @!p2 $0x0  }
0x16: {  	s3 =	sld [smem:$0x3FDB];
	s0 =	simm.s32 @p2 $0x1  }
0x17: {  	s4 =	simm.s32 $0x1BF5;
	[smem:$0x3FAD] =	sst s0  }
0x18: {  	s0 =	sld [smem:$0x3F90];
	_ =	swait.ge [sflag:s4], $0x0  }
0x19: {  	s7 =	sld [smem:$0x3F91]  }
0x1a: {  	s8 =	sadd.s32 $0xFFFFE003, lr  }
0x1b: {  	s9 =	sadd.s32 $0xFFFFFEF7, lr;
	s5 =	simm.s32 $0xFFFFFFFF;
	p2 =	slt.u32 s8, $0xFFFFF086  }
0x1c: {  	p1 =	slt.u32 s9, $0xF7A;
	s5 =	simm.s32 @!p2 $0x0  }
0x1d: {  	s5 =	simm.s32 @p1 $0x1;
	p0 =	seq.s32 s7, s2  }
0x1e: {  	s7 =	smul.u32 @!p0 $0xF7A, s2;
	p2 =	seq.s32 @!p0 s5, $0x0  }
0x1f: {  	s9 =	smul.u32 $0xF7A, s1;
	s8 =	simm.s32 @!p0 $0x1BF5;
	p2 =	por !p2, p0  }
0x20: {  	[sflag:s8] =	ssyncset.s32 @!p0 $0xFFFFF086;
	s6 =	sadd.s32 @!p0 s3, s7;
	s7 =	simm.s32 @!p0 $0x108  }
0x21: {  	s3 =	sadd.s32 s3, s9;
	s6 =	sadd.s32 @!p0 $0x88, s6;
	s7 =	simm.s32 @p2 $0x1082  }
0x22: {  	[simem:s7], [sflag:s8] =	dma.local @!p0 [hbm:s6], $0xF7A  }
0x23: {  	s9 =	sor.u32 $0xD0000000, s2;
	s6 =	simm.s32 $0x108;
	_ =	swait.ge @!p0 [sflag:s8], $0x0  }
0x24: {  	s3 =	sadd.s32 $0x88, s3;
	s6 =	simm.s32 @!p1 $0x1082;
	[sflag:s4] =	ssyncset.s32 $0xFFFFF086  }
0x25: {  	[simem:s6], [sflag:s4] =	dma.local [hbm:s3], $0xF7A  }
0x26: {  	[smem:$0x3F91] =	sst s1;
	(tag) =	ssettag s2;
	_ =	strace s9  }
0x27: {  	s1 =	sld [smem:$0x3FA1]  }
0x28: {  	s2 =	sld [smem:$0x3FA2]  }
0x29: {  	s4 =	sld [smem:$0x3FA4]  }
0x2a: {  	p0 =	seq.s32 s5, $0x0;
	s5 =	sld [smem:$0x3FA5]  }
0x2b: {  	s6 =	sld [smem:$0x3FA6]  }
0x2c: {  	s7 =	sld [smem:$0x3FA7]  }
0x2d: {  	s3 =	simm.s32 $0x108;
	s8 =	sld [smem:$0x3FA8]  }
0x2e: {  	s3 =	simm.s32 @!p0 $0x1082;
	s9 =	sld [smem:$0x3FA9]  }
0x2f: {  	lr =	sadd.s32 s0, s3;
	s0 =	sld [smem:$0x3FA0]  }
0x30: {  	s3 =	sld [smem:$0x3FA3]  }
0x31: {  	[smem:$0x3FAC] =	sst s10  }
0x32: {  	s10 =	sld [smem:$0x3FAA];
	_ =	sdelay $0x3  }
0x33: {  	p0 =	seq.s32 s10, $0x1;
	s10 =	sld [smem:$0x3FAC];
	_ =	sdelay $0x3  }
0x34: {  	[smem:$0x3FAC] =	sst s10  }
0x35: {  	s10 =	sld [smem:$0x3FAB];
	_ =	sdelay $0x3  }
0x36: {  	p1 =	seq.s32 s10, $0x1;
	s10 =	sld [smem:$0x3FAC];
	_ =	sdelay $0x3  }
0x37: {  	[smem:$0x3FAC] =	sst s10  }
0x38: {  	s10 =	sld [smem:$0x3FAD]  }
0x39: {  	_ = 	snop;
	(pc) =	sbr.ind lr, $3  }
0x3a: {  	_ = 	snop  }
0x3b: {  	_ = 	snop  }
0x3c: {  	p2 =	seq.s32 s10, $0x1;
	s10 =	sld [smem:$0x3FAC]  }
0x3d: {  	_ =	shalt  }
0x3e: {  	_ =	shalt  }
0x3f: {  	_ =	shalt  }
0x40: {  	_ =	shalt  }
0x41: {  	_ =	shalt  }
0x42: {  	_ =	shalt  }
0x43: {  	_ =	shalt  }
0x44: {  	_ =	shalt  }
0x45: {  	_ =	shalt  }
0x46: {  	_ =	shalt  }
0x47: {  	_ =	shalt  }
0x48: {  	_ =	shalt  }
0x49: {  	_ =	shalt  }
0x4a: {  	_ =	shalt  }
0x4b: {  	_ =	shalt  }
0x4c: {  	_ =	shalt  }
0x4d: {  	_ =	shalt  }
0x4e: {  	_ =	shalt  }
0x4f: {  	_ =	shalt  }
0x50: {  	_ =	shalt  }
0x51: {  	_ =	shalt  }
0x52: {  	_ =	shalt  }
0x53: {  	_ =	shalt  }
0x54: {  	_ =	shalt  }
0x55: {  	_ =	shalt  }
0x56: {  	_ =	shalt  }
0x57: {  	_ =	shalt  }
0x58: {  	_ =	shalt  }
0x59: {  	_ =	shalt  }
0x5a: {  	_ =	shalt  }
0x5b: {  	_ =	shalt  }
0x5c: {  	_ =	shalt  }
0x5d: {  	_ =	shalt  }
0x5e: {  	_ =	shalt  }
0x5f: {  	_ =	shalt  }
0x60: {  	_ =	shalt  }
0x61: {  	_ =	shalt  }
0x62: {  	_ =	shalt  }
0x63: {  	_ =	shalt  }
0x64: {  	_ =	shalt  }
0x65: {  	_ =	shalt  }
0x66: {  	_ =	shalt  }
0x67: {  	_ =	shalt  }
0x68: {  	_ =	shalt  }
0x69: {  	_ =	shalt  }
0x6a: {  	_ =	shalt  }
0x6b: {  	_ =	shalt  }
0x6c: {  	_ =	shalt  }
0x6d: {  	_ =	shalt  }
0x6e: {  	_ =	shalt  }
0x6f: {  	_ =	shalt  }
0x70: {  	_ =	shalt  }
0x71: {  	_ =	shalt  }
0x72: {  	_ =	shalt  }
0x73: {  	_ =	shalt  }
0x74: {  	_ =	shalt  }
0x75: {  	_ =	shalt  }
0x76: {  	_ =	shalt  }
0x77: {  	_ =	shalt  }
0x78: {  	_ =	shalt  }
0x79: {  	_ =	shalt  }
0x7a: {  	_ =	shalt  }
0x7b: {  	_ =	shalt  }
0x7c: {  	_ =	shalt  }
0x7d: {  	_ =	shalt  }
0x7e: {  	_ =	shalt  }
0x7f: {  	_ =	shalt  }
0x80: {  	_ =	shalt  }
0x81: {  	_ =	shalt  }
0x82: {  	_ =	shalt  }
0x83: {  	_ =	shalt  }
0x84: {  	_ =	shalt  }
0x85: {  	_ =	shalt  }
0x86: {  	_ =	shalt  }
0x87: {  	_ =	shalt  }
.Lfunc_end0:
.L_simem_size_0:
called_computation.3_lowered:
.L_overlay_start_0:
0x88: {  	s2 =	sld [smem:$0x3FD9]  }
0x89: {  	s3 =	sld [smem:$0x3FFE];
	_ =	sdelay $0x1  }
0x8a: {  	s1 =	srdreg.scid  }
0x8b: {  	s0 =	sand.u32 $0x1, s1  }
0x8c: {  	s17 =	sshll.u32 s0, $0xA;
	s2 =	sadd.s32 s3, s2  }
0x8d: {  	s2 =	sadd.s32 s2, s17  }
0x8e: {  	[smem:$0x3FB8] =	sst s2  }
0x8f: {  	_ = 	snop  }
0x90: {  	s2 =	sld [smem:$0x3FD0];
	(tm) =	ssettm $0x1  }
0x91: {  	s18 =	sld [smem:$0x3FFB];
	_ =	sdelay $0x3  }
0x92: {  	_ =	strace s18  }
0x93: {  	s3 =	sld [smem:$0x3FFC];
	_ =	sdelay $0x3  }
0x94: {  	_ =	strace s3  }
0x95: {  	s3 =	sld [smem:$0x3FFD];
	_ =	sdelay $0x3  }
0x96: {  	_ =	strace s3  }
0x97: {  	_ =	strace $0x8FFFFFFF  }
0x98: {  	s19 =	sld [smem:$0x3FDB];
	_ =	sdelay $0x1  }
0x99: {  	s4 =	simm.s32 $_scs_section_size  }
0x9a: {  	s5 =	simm.s32 $_size__tile_overlayer_lowered;
	s6 =	simm.s32 $_tile_overlayer_lowered  }
0x9b: {  	s22 =	simm.s32 $0x1BFF;
	s21 =	sshll.u32 s6, $0x1;
	s3 =	sadd.s32 s4, s19  }
0x9c: {  	s7 =	simm.s32 $0x0;
	s20 =	sshll.u32 s5, $0x1;
	s5 =	sadd.s32 s21, s3  }
0x9d: {  	[timem:s7], [sflag:s22] =	dma.local [hbm:s5], s20  }
0x9e: {  	_ =	swait.ge [sflag:s22], s20  }
0x9f: {  	s4 =	ssub.s32 $0x0, s20;
	[sflag:s22] =	ssyncset.done $0x0  }
0xa0: {  	[sflag:s22] =	ssyncadd.s32 s4;
	_ =	sdelay $0x1  }
0xa1: {  	s23 =	simm.s32 $0x1B8B  }
0xa2: {  	_ =	swait.ge [sflag:s23], $0x1  }
0xa3: {  	[sflag:s23] =	ssyncset.done $0x0  }
0xa4: {  	s25 =	simm.s32 $0x1B8E;
	s24 =	sld [smem:$0x3FFE];
	[sflag:s23] =	ssyncadd.s32 $0xFFFFFFFF  }
0xa5: {  	s26 =	simm.s32 $execute0_lowered;
	[smem:$0x3FD2] =	sst s25  }
0xa6: {  	s5 =	sshll.u32 s26, $0x1;
	_ =	strace $0x8000004F;
	[dreg:$0x1] =	wrdreg $0xFFFFFFFF  }
0xa7: {  	s28 =	simm.s32 $_size_execute0_lowered;
	s3 =	sadd.s32 s3, s5;
	[dreg:$0x0] =	wrdreg $0x0  }
0xa8: {  	s5 =	sshll.u32 s28, $0x1;
	[dreg:$0x2] =	wrdreg s3  }
0xa9: {  	[dreg:$0x3] =	wrdreg s5  }
0xaa: {  	[dreg:$0x4] =	wrdreg $0xC0  }
0xab: {  	_ =	task [dreg:s7], $0x5FFFF  }
0xac: {  	[dreg:$0x1] =	wrdreg $0xFFFFFFFF  }
0xad: {  	[dreg:$0x0] =	wrdreg $0x60  }
0xae: {  	[dreg:$0x2] =	wrdreg s24  }
0xaf: {  	[dreg:$0x3] =	wrdreg s2  }
0xb0: {  	[dreg:$0x4] =	wrdreg $0xA8000  }
0xb1: {  	[dreg:$0x5] =	wrdreg $0x9  }
0xb2: {  	_ =	task.clear_ibuf [dreg:s7], $0x6FFFF;
	_ =	strace $0x9000004F  }
0xb3: {  	s29 =	simm.s32 $0x9;
	_ =	strace $0x80000051  }
0xb4: {  	_ =	swait.ge [sflag:s29], $0x1  }
0xb5: {  	[sflag:s29] =	ssyncadd.s32 $0xFFFFFFFF  }
0xb6: {  	_ =	strace $0x90000051  }
0xb7: {  	_ =	sfence  }
0xb8: {  	s30 =	sld [smem:$0x0];
	_ =	sdelay $0x2  }
0xb9: {  	s31 =	sshll.u32 s1, $0xD;
	s1 =	sshrl.u32 s1, $0x2  }
0xba: {  	s3 =	sand.u32 $0x4000, s31;
	s1 =	sadd.s32 s1, s30  }
0xbb: {  	s0 =	sor.u32 s3, s0;
	s1 =	sshll.u32 s1, $0x11  }
0xbc: {  	s0 =	sor.u32 s1, s0  }
0xbd: {  	s0 =	sadd.s32 $0x8F2B, s0  }
0xbe: {  	[sflag:s0] =	ssyncadd.remote.s32 $0x1  }
0xbf: {  	_ =	sfence.sel $0xFFFF  }
0xc0: {  	[dreg:$0x0] =	wrdreg $0xFFFFFFFF;
	(pc) =	sbr.abs _section_cstart, $3  }
0xc1: {  	[dreg:$0x1] =	wrdreg $0xFFFFFFFF  }
0xc2: {  	_ =	task.clear_ibuf [dreg:s7], $0x2FFFF;
	_ =	strace $0x9FFFFFFF  }
0xc3: {  	(tm) =	ssettm $0x7FFFFFFF  }
tec
execute0_lowered:
.L_overlay_start_1:
0x0: {  	(tag) =	ssettag $0x1  }
0x1: {  	s5 =	rddreg [dreg:$0x0]  }
0x2: {  	s6 =	rddreg [dreg:$0x1]  }
0x3: {  	s2 =	rddreg [dreg:$0x2]  }
0x4: {  	s0 =	rddreg [dreg:$0x3]  }
0x5: {  	s1 =	stileid.u32;
	s7 =	srdreg.scid  }
0x6: {  	s3 =	simm.s32 $0x0;
	s16 =	simm.s32 $0x2800;
	s17 =	simm.s32 $0x80  }
0x7: {  	s18 =	simm.s32 $0x6800;
	s19 =	simm.s32 $0x1;
	s4 =	smul.u32 $0x2780, s1  }
0x8: {  	s20 =	simm.s32 $0x2;
	s21 =	simm.s32 $0x2780;
	s8 =	smul.u32 $0x4F000, s1  }
0x9: {  	s22 =	simm.s32 $0x0;
	s7 =	sand.u32 $0x1, s7;
	s10 =	smul.u32 $0x2800, s1  }
0xa: {  	[smem:$0x7FF] =	sst s3;
	s11 =	sadd.s32 $0x54800, s5;
	s14 =	smul.u32 $0x140000, s1  }
0xb: {  	p0 =	seq.s32 s1, $0xF;
	s9 =	smul.u32 $0x28000, s7;
	_ =	strace $0x80000050  }
0xc: {  	s12 =	ssub.s32 $0x2, s7;
	s7 =	smul.u32 $0x1400000, s7;
	s4 =	sadd.s32 s4, s5  }
0xd: {  	s13 =	sshrl.u32 s12, $0x1;
	s8 =	sshrl.u32 s8, $0x2;
	s5 =	sadd.s32 $0x2B480, s5  }
0xe: {  	s12 =	ssub.s32 s12, s13;
	s15 =	sadd.s32 s8, s2;
	s4 =	sadd.s32 $0x6400, s4  }
0xf: {  	s13 =	sadd.s32 $0x128400, s2;
	s26 =	sadd.s32 s10, s9;
	s28 =	sadd.s32 s14, s7  }
0x10: {  	s14 =	sshll.u32 @!p0 s1, $0x6;
	s29 =	sshrl.u32 s26, $0x3;
	s30 =	sshrl.u32 s28, $0x3  }
0x11: {  	s7 =	smax.u32 s12, $0x1;
	s31 =	sor.u32 $0x4000, s28;
	s8 =	sadd.s32 s30, s11  }
0x12: {  	s6 =	sadd.s32 s6, s29;
	s12 =	sshrl.u32 s31, $0x3;
	s9 =	sadd.s32 $0x27000, s8  }
0x13: {  	s10 =	sadd.s32 $0x27800, s8;
	s11 =	sadd.s32 s12, s11;
	s12 =	sshrl.u32 @p0 s13, $0x3  }
0x14: {  	s13 =	sor.u32 @!p0 $0x1C03, s14;
	s14 =	sshrl.u32 @!p0 s15, $0x3;
	s15 =	simm.s32 $0x3  }
.LBB2_1:
0x15: {  	s23 =	simm.s32 @p0 $0x1FC3  }
0x16: {  	[spmem:s12], [sflag:s23] =	dma.local @p0 [hbm:s5], $0x2080  }
0x17: {  	s23 =	simm.s32 @p0 $0x3  }
0x18: {  	_ =	swait.ge @p0 [sflag:s23], $0x2080  }
0x19: {  	[sflag:s23] =	ssyncset.done @p0 $0x0  }
0x1a: {  	[sflag:s23] =	ssyncadd.s32 @p0 $0xFFFFDF80;
	s23 =	simm.s32 @!p0 $0x3  }
0x1b: {  	[spmem:s14], [sflag:s13] =	dma.local @!p0 [hbm:s4], $0x2780  }
0x1c: {  	_ =	swait.ge @!p0 [sflag:s23], $0x2780  }
0x1d: {  	[sflag:s23] =	ssyncset.done @!p0 $0x0  }
0x1e: {  	[sflag:s23] =	ssyncadd.s32 @!p0 $0xFFFFD880  }
0x1f: {  	[bflag:$0x0] =	sbarrier.arrive $0xFFFF  }
0x20: {  	[tilespmem:s3], [sflag:$0x3] =	stream.linear.gather [hbm4b:s6+s3], $0x2800, $0x38;
	[tilespmem:$0x1E080] =	vst v63  }
0x21: {  	_ =	swait.ge [sflag:s15], $0x2800  }
0x22: {  	[sflag:s15] =	ssyncset.done $0x0  }
0x23: {  	[sflag:s15] =	ssyncadd.s32 $0xFFFFD800  }
0x24: {  	[tilespmem:s16], [sflag:$0x1] =	stream.indirect.gather [spmem:s2], $0x80, s3, s17, $0xb8;
	[tilespmem:$0x1E080] =	vst v63  }
0x25: {  	_ = 	snop  }
0x26: {  	[tilespmem:s18], [sflag:$0x2] =	stream.indirect.gather [spmem:s2], $0x80, s17, s17, $0xb8;
	[tilespmem:$0x1E080] =	vst v63  }
0x27: {  	_ =	swait.ge [sflag:s19], $0x4000  }
0x28: {  	[sflag:s19] =	ssyncset.done $0x0  }
0x29: {  	s29 =	sadd.s32 $0x0, s8;
	[sflag:s19] =	ssyncadd.s32 $0xFFFFC000  }
0x2a: {  	[hbm4b:s29+s3] =	stream.linear.scatter [tilespmem:s16], [sflag:$0x3], $0x4000, $0x38;
	[tilespmem:$0x1E080] =	vst v63  }
0x2b: {  	_ =	swait.ge [sflag:s15], $0x4000  }
0x2c: {  	[sflag:s15] =	ssyncset.done $0x0  }
0x2d: {  	s30 =	simm.s32 $0x100;
	[sflag:s15] =	ssyncadd.s32 $0xFFFFC000  }
0x2e: {  	[tilespmem:s16], [sflag:$0x1] =	stream.indirect.gather [spmem:s2], $0x80, s30, s17, $0xb8;
	[tilespmem:$0x1E080] =	vst v63  }
0x2f: {  	_ =	swait.ge [sflag:s20], $0x4000  }
0x30: {  	[sflag:s20] =	ssyncset.done $0x0  }
0x31: {  	s31 =	sadd.s32 $0x0, s11;
	[sflag:s20] =	ssyncadd.s32 $0xFFFFC000  }
0x32: {  	[hbm4b:s31+s3] =	stream.linear.scatter [tilespmem:s18], [sflag:$0x3], $0x4000, $0x38;
	[tilespmem:$0x1E080] =	vst v63  }
0x33: {  	_ =	swait.ge [sflag:s15], $0x4000  }
0x34: {  	s24 =	simm.s32 $0x80;
	s23 =	simm.s32 $0x1000;
	[sflag:s15] =	ssyncset.done $0x0  }
.LBB2_2:
0x35: {  	p1 =	sne.s32 s23, $0x26000;
	[sflag:s15] =	ssyncadd.s32 $0xFFFFC000;
	s24 =	sadd.s32 $0x100, s24  }
0x36: {  	[tilespmem:s18], [sflag:$0x2] =	stream.indirect.gather [spmem:s2], $0x80, s24, s17, $0xb8;
	[tilespmem:$0x1E080] =	vst v63  }
0x37: {  	s25 =	smov.u32 s23;
	s23 =	sadd.s32 $0x1000, s23;
	_ =	swait.ge [sflag:s19], $0x4000  }
0x38: {  	[sflag:s19] =	ssyncset.done $0x0  }
0x39: {  	s26 =	sadd.s32 s25, s8;
	[sflag:s19] =	ssyncadd.s32 $0xFFFFC000  }
0x3a: {  	[hbm4b:s26+s3] =	stream.linear.scatter [tilespmem:s16], [sflag:$0x3], $0x4000, $0x38;
	[tilespmem:$0x1E080] =	vst v63  }
0x3b: {  	_ =	swait.ge [sflag:s15], $0x4000  }
0x3c: {  	[sflag:s15] =	ssyncset.done $0x0  }
0x3d: {  	s26 =	sadd.s32 $0x80, s24;
	[sflag:s15] =	ssyncadd.s32 $0xFFFFC000  }
0x3e: {  	[tilespmem:s16], [sflag:$0x1] =	stream.indirect.gather [spmem:s2], $0x80, s26, s17, $0xb8;
	[tilespmem:$0x1E080] =	vst v63  }
0x3f: {  	_ =	swait.ge [sflag:s20], $0x4000  }
.Ltmp0:
0x40: {  	[sflag:s20] =	ssyncset.done $0x0;
	(pc) =	sbr.rel @p1 .LBB2_2-.Ltmp0, $4  }
0x41: {  	s25 =	sadd.s32 s25, s11;
	[sflag:s20] =	ssyncadd.s32 $0xFFFFC000  }
0x42: {  	[hbm4b:s25+s3] =	stream.linear.scatter [tilespmem:s18], [sflag:$0x3], $0x4000, $0x38;
	[tilespmem:$0x1E080] =	vst v63  }
0x43: {  	_ =	swait.ge [sflag:s15], $0x4000  }
0x44: {  	[sflag:s15] =	ssyncset.done $0x0  }
0x45: {  	[sflag:s15] =	ssyncadd.s32 $0xFFFFC000  }
0x46: {  	[tilespmem:s18], [sflag:$0x2] =	stream.indirect.gather [spmem:s2], $0x80, s21, s17, $0xb8;
	[tilespmem:$0x1E080] =	vst v63  }
0x47: {  	_ =	swait.ge [sflag:s19], $0x4000  }
0x48: {  	[sflag:s19] =	ssyncset.done $0x0  }
0x49: {  	[sflag:s19] =	ssyncadd.s32 $0xFFFFC000  }
0x4a: {  	[hbm4b:s9+s3] =	stream.linear.scatter [tilespmem:s16], [sflag:$0x3], $0x4000, $0x38;
	[tilespmem:$0x1E080] =	vst v63  }
0x4b: {  	_ =	swait.ge [sflag:s15], $0x4000  }
0x4c: {  	[sflag:s15] =	ssyncset.done $0x0  }
0x4d: {  	[sflag:s15] =	ssyncadd.s32 $0xFFFFC000  }
0x4e: {  	s22 =	sadd.s32 $0x1, s22;
	_ =	swait.ge [sflag:s20], $0x4000  }
0x4f: {  	p1 =	sne.s32 s22, s7;
	[sflag:s20] =	ssyncset.done $0x0  }
.Ltmp1:
0x50: {  	[sflag:s20] =	ssyncadd.s32 $0xFFFFC000;
	(pc) =	sbr.rel @p1 .LBB2_1-.Ltmp1, $4  }
0x51: {  	[hbm4b:s10+s3] =	stream.linear.scatter [tilespmem:s18], [sflag:$0x3], $0x4000, $0x38;
	[tilespmem:$0x1E080] =	vst v63  }
0x52: {  	_ =	swait.ge [sflag:s15], $0x4000  }
0x53: {  	[sflag:s15] =	ssyncset.done $0x0  }
0x54: {  	[sflag:s15] =	ssyncadd.s32 $0xFFFFC000  }
0x55: {  	_ =	sfence.sel $0x180000  }
0x56: {  	[bflag:$0x0] =	sbarrier.arrive $0xFFFF  }
0x57: {  	p0 =	sne.s32 s1, $0x0;
	_ =	strace $0x90000050  }
0x58: {  	s0 =	sadd.s32 @!p0 $0x100000, s0;
	[bflag:$0x2] =	sbarrier.arrive $0xFFFF  }
0x59: {  	[sflag:s0] =	ssyncadd.tile.s32 @!p0 $0x1;
	_ =	shalt  }
.Lfunc_end2:
_tile_overlayer_lowered:
.L_overlay_start_2:
0x5a: {  	(tag) =	ssettag $0x2  }
0x5b: {  	s0 =	rddreg [dreg:$0x0];
	s2 =	stileid.u32  }
0x5c: {  	s1 =	rddreg [dreg:$0x1];
	p0 =	sne.s32 s2, $0x0  }
0x5d: {  	s3 =	rddreg [dreg:$0x2];
	[bflag:$0x3] =	sbarrier.arrive $0xFFFF;
	s2 =	simm.s32 @!p0 $0x1C03  }
0x5e: {  	[timem:s3], [sflag:s2] =	dma.local @!p0 [hbm:s0], s1  }
0x5f: {  	s0 =	simm.s32 @!p0 $0x3  }
0x60: {  	_ =	swait.ge @!p0 [sflag:s0], s1  }
0x61: {  	s1 =	ssub.s32 @!p0 $0x0, s1;
	[sflag:s0] =	ssyncset.done @!p0 $0x0  }
0x62: {  	[sflag:s0] =	ssyncadd.s32 @!p0 s1  }
0x63: {  	[bflag:$0x3] =	sbarrier.arrive $0xFFFF  }
0x64: {  	_ =	shalt  }

// kernel: kernel.28.cloned.1.call-start
scs
__scs_entry_jumppad:
0x0: {  	(pc) =	sbr.rel $0x88, $3  }
0x1: {  	(tag) =	ssettag $0x0;
	lr =	simm.s32 $0x1  }
0x2: {  	[smem:$0x3F91] =	sst lr;
	_ =	strace $0xD0000000  }
0x3: {  	_ = 	snop  }
0x4: {  	_ = 	snop  }
0x5: {  	_ = 	snop  }
0x6: {  	_ = 	snop  }
0x7: {  	_ = 	snop  }
__scs_overlays_trampoline_lowered:
0x8: {  	[smem:$0x3FA0] =	sst s0  }
0x9: {  	[smem:$0x3FA1] =	sst s1  }
0xa: {  	[smem:$0x3FA2] =	sst s2  }
0xb: {  	[smem:$0x3FA3] =	sst s3  }
0xc: {  	[smem:$0x3FA4] =	sst s4  }
0xd: {  	[smem:$0x3FA5] =	sst s5  }
0xe: {  	[smem:$0x3FA6] =	sst s6  }
0xf: {  	[smem:$0x3FA7] =	sst s7  }
0x10: {  	[smem:$0x3FA8] =	sst s8  }
0x11: {  	[smem:$0x3FA9] =	sst s9;
	s0 =	simm.s32 @!p0 $0x0  }
0x12: {  	s1 =	sld [smem:$0x3F8F];
	s0 =	simm.s32 @p0 $0x1  }
0x13: {  	[smem:$0x3FAA] =	sst s0;
	s0 =	simm.s32 @!p1 $0x0  }
0x14: {  	s2 =	sld [smem:$0x3F8E];
	s0 =	simm.s32 @p1 $0x1  }
0x15: {  	[smem:$0x3FAB] =	sst s0;
	s0 =	simm.s32 @!p2 $0x0  }
0x16: {  	s3 =	sld [smem:$0x3FDB];
	s0 =	simm.s32 @p2 $0x1  }
0x17: {  	s4 =	simm.s32 $0x1BF5;
	[smem:$0x3FAD] =	sst s0  }
0x18: {  	s0 =	sld [smem:$0x3F90];
	_ =	swait.ge [sflag:s4], $0x0  }
0x19: {  	s7 =	sld [smem:$0x3F91]  }
0x1a: {  	s8 =	sadd.s32 $0xFFFFE003, lr  }
0x1b: {  	s9 =	sadd.s32 $0xFFFFFEF7, lr;
	s5 =	simm.s32 $0xFFFFFFFF;
	p2 =	slt.u32 s8, $0xFFFFF086  }
0x1c: {  	p1 =	slt.u32 s9, $0xF7A;
	s5 =	simm.s32 @!p2 $0x0  }
0x1d: {  	s5 =	simm.s32 @p1 $0x1;
	p0 =	seq.s32 s7, s2  }
0x1e: {  	s7 =	smul.u32 @!p0 $0xF7A, s2;
	p2 =	seq.s32 @!p0 s5, $0x0  }
0x1f: {  	s9 =	smul.u32 $0xF7A, s1;
	s8 =	simm.s32 @!p0 $0x1BF5;
	p2 =	por !p2, p0  }
0x20: {  	[sflag:s8] =	ssyncset.s32 @!p0 $0xFFFFF086;
	s6 =	sadd.s32 @!p0 s3, s7;
	s7 =	simm.s32 @!p0 $0x108  }
0x21: {  	s3 =	sadd.s32 s3, s9;
	s6 =	sadd.s32 @!p0 $0x88, s6;
	s7 =	simm.s32 @p2 $0x1082  }
0x22: {  	[simem:s7], [sflag:s8] =	dma.local @!p0 [hbm:s6], $0xF7A  }
0x23: {  	s9 =	sor.u32 $0xD0000000, s2;
	s6 =	simm.s32 $0x108;
	_ =	swait.ge @!p0 [sflag:s8], $0x0  }
0x24: {  	s3 =	sadd.s32 $0x88, s3;
	s6 =	simm.s32 @!p1 $0x1082;
	[sflag:s4] =	ssyncset.s32 $0xFFFFF086  }
0x25: {  	[simem:s6], [sflag:s4] =	dma.local [hbm:s3], $0xF7A  }
0x26: {  	[smem:$0x3F91] =	sst s1;
	(tag) =	ssettag s2;
	_ =	strace s9  }
0x27: {  	s1 =	sld [smem:$0x3FA1]  }
0x28: {  	s2 =	sld [smem:$0x3FA2]  }
0x29: {  	s4 =	sld [smem:$0x3FA4]  }
0x2a: {  	p0 =	seq.s32 s5, $0x0;
	s5 =	sld [smem:$0x3FA5]  }
0x2b: {  	s6 =	sld [smem:$0x3FA6]  }
0x2c: {  	s7 =	sld [smem:$0x3FA7]  }
0x2d: {  	s3 =	simm.s32 $0x108;
	s8 =	sld [smem:$0x3FA8]  }
0x2e: {  	s3 =	simm.s32 @!p0 $0x1082;
	s9 =	sld [smem:$0x3FA9]  }
0x2f: {  	lr =	sadd.s32 s0, s3;
	s0 =	sld [smem:$0x3FA0]  }
0x30: {  	s3 =	sld [smem:$0x3FA3]  }
0x31: {  	[smem:$0x3FAC] =	sst s10  }
0x32: {  	s10 =	sld [smem:$0x3FAA];
	_ =	sdelay $0x3  }
0x33: {  	p0 =	seq.s32 s10, $0x1;
	s10 =	sld [smem:$0x3FAC];
	_ =	sdelay $0x3  }
0x34: {  	[smem:$0x3FAC] =	sst s10  }
0x35: {  	s10 =	sld [smem:$0x3FAB];
	_ =	sdelay $0x3  }
0x36: {  	p1 =	seq.s32 s10, $0x1;
	s10 =	sld [smem:$0x3FAC];
	_ =	sdelay $0x3  }
0x37: {  	[smem:$0x3FAC] =	sst s10  }
0x38: {  	s10 =	sld [smem:$0x3FAD]  }
0x39: {  	_ = 	snop;
	(pc) =	sbr.ind lr, $3  }
0x3a: {  	_ = 	snop  }
0x3b: {  	_ = 	snop  }
0x3c: {  	p2 =	seq.s32 s10, $0x1;
	s10 =	sld [smem:$0x3FAC]  }
0x3d: {  	_ =	shalt  }
0x3e: {  	_ =	shalt  }
0x3f: {  	_ =	shalt  }
0x40: {  	_ =	shalt  }
0x41: {  	_ =	shalt  }
0x42: {  	_ =	shalt  }
0x43: {  	_ =	shalt  }
0x44: {  	_ =	shalt  }
0x45: {  	_ =	shalt  }
0x46: {  	_ =	shalt  }
0x47: {  	_ =	shalt  }
0x48: {  	_ =	shalt  }
0x49: {  	_ =	shalt  }
0x4a: {  	_ =	shalt  }
0x4b: {  	_ =	shalt  }
0x4c: {  	_ =	shalt  }
0x4d: {  	_ =	shalt  }
0x4e: {  	_ =	shalt  }
0x4f: {  	_ =	shalt  }
0x50: {  	_ =	shalt  }
0x51: {  	_ =	shalt  }
0x52: {  	_ =	shalt  }
0x53: {  	_ =	shalt  }
0x54: {  	_ =	shalt  }
0x55: {  	_ =	shalt  }
0x56: {  	_ =	shalt  }
0x57: {  	_ =	shalt  }
0x58: {  	_ =	shalt  }
0x59: {  	_ =	shalt  }
0x5a: {  	_ =	shalt  }
0x5b: {  	_ =	shalt  }
0x5c: {  	_ =	shalt  }
0x5d: {  	_ =	shalt  }
0x5e: {  	_ =	shalt  }
0x5f: {  	_ =	shalt  }
0x60: {  	_ =	shalt  }
0x61: {  	_ =	shalt  }
0x62: {  	_ =	shalt  }
0x63: {  	_ =	shalt  }
0x64: {  	_ =	shalt  }
0x65: {  	_ =	shalt  }
0x66: {  	_ =	shalt  }
0x67: {  	_ =	shalt  }
0x68: {  	_ =	shalt  }
0x69: {  	_ =	shalt  }
0x6a: {  	_ =	shalt  }
0x6b: {  	_ =	shalt  }
0x6c: {  	_ =	shalt  }
0x6d: {  	_ =	shalt  }
0x6e: {  	_ =	shalt  }
0x6f: {  	_ =	shalt  }
0x70: {  	_ =	shalt  }
0x71: {  	_ =	shalt  }
0x72: {  	_ =	shalt  }
0x73: {  	_ =	shalt  }
0x74: {  	_ =	shalt  }
0x75: {  	_ =	shalt  }
0x76: {  	_ =	shalt  }
0x77: {  	_ =	shalt  }
0x78: {  	_ =	shalt  }
0x79: {  	_ =	shalt  }
0x7a: {  	_ =	shalt  }
0x7b: {  	_ =	shalt  }
0x7c: {  	_ =	shalt  }
0x7d: {  	_ =	shalt  }
0x7e: {  	_ =	shalt  }
0x7f: {  	_ =	shalt  }
0x80: {  	_ =	shalt  }
0x81: {  	_ =	shalt  }
0x82: {  	_ =	shalt  }
0x83: {  	_ =	shalt  }
0x84: {  	_ =	shalt  }
0x85: {  	_ =	shalt  }
0x86: {  	_ =	shalt  }
0x87: {  	_ =	shalt  }
.Lfunc_end0:
.L_simem_size_0:
called_computation.4_lowered:
.L_overlay_start_0:
0x88: {  	s2 =	sld [smem:$0x3FD9]  }
0x89: {  	s3 =	sld [smem:$0x3FFE];
	_ =	sdelay $0x1  }
0x8a: {  	s1 =	srdreg.scid  }
0x8b: {  	s0 =	sand.u32 $0x1, s1  }
0x8c: {  	s16 =	sshll.u32 s0, $0xA;
	s2 =	sadd.s32 s3, s2  }
0x8d: {  	s2 =	sadd.s32 s2, s16  }
0x8e: {  	[smem:$0x3FB8] =	sst s2  }
0x8f: {  	_ = 	snop  }
0x90: {  	(tm) =	ssettm $0x1  }
0x91: {  	s17 =	sld [smem:$0x3FFB];
	_ =	sdelay $0x3  }
0x92: {  	_ =	strace s17  }
0x93: {  	s2 =	sld [smem:$0x3FFC];
	_ =	sdelay $0x3  }
0x94: {  	_ =	strace s2  }
0x95: {  	s2 =	sld [smem:$0x3FFD];
	_ =	sdelay $0x3  }
0x96: {  	_ =	strace s2  }
0x97: {  	_ =	strace $0x8FFFFFFF  }
0x98: {  	s18 =	sld [smem:$0x3FDB];
	_ =	sdelay $0x1  }
0x99: {  	s19 =	simm.s32 $_scs_section_size  }
0x9a: {  	s4 =	simm.s32 $_size__tile_overlayer_lowered;
	s5 =	simm.s32 $_tile_overlayer_lowered  }
0x9b: {  	s22 =	simm.s32 $0x1BFF;
	s21 =	sshll.u32 s5, $0x1;
	s2 =	sadd.s32 s19, s18  }
0x9c: {  	s6 =	simm.s32 $0x0;
	s20 =	sshll.u32 s4, $0x1;
	s4 =	sadd.s32 s21, s2  }
0x9d: {  	[timem:s6], [sflag:s22] =	dma.local [hbm:s4], s20  }
0x9e: {  	_ =	swait.ge [sflag:s22], s20  }
0x9f: {  	s3 =	ssub.s32 $0x0, s20;
	[sflag:s22] =	ssyncset.done $0x0  }
0xa0: {  	[sflag:s22] =	ssyncadd.s32 s3;
	_ =	sdelay $0x1  }
0xa1: {  	s23 =	simm.s32 $0x1B8B  }
0xa2: {  	_ =	swait.ge [sflag:s23], $0x1  }
0xa3: {  	[sflag:s23] =	ssyncset.done $0x0  }
0xa4: {  	s25 =	simm.s32 $0x1B8E;
	s24 =	sld [smem:$0x3FFE];
	[sflag:s23] =	ssyncadd.s32 $0xFFFFFFFF  }
0xa5: {  	s26 =	simm.s32 $execute0_lowered;
	[smem:$0x3FD2] =	sst s25  }
0xa6: {  	s4 =	sshll.u32 s26, $0x1;
	_ =	strace $0x80000052;
	[dreg:$0x1] =	wrdreg $0xFFFFFFFF  }
0xa7: {  	s28 =	simm.s32 $_size_execute0_lowered;
	s2 =	sadd.s32 s2, s4;
	[dreg:$0x0] =	wrdreg $0x0  }
0xa8: {  	s4 =	sshll.u32 s28, $0x1;
	[dreg:$0x2] =	wrdreg s2  }
0xa9: {  	[dreg:$0x3] =	wrdreg s4  }
0xaa: {  	[dreg:$0x4] =	wrdreg $0xC0  }
0xab: {  	_ =	task [dreg:s6], $0x5FFFF  }
0xac: {  	[dreg:$0x1] =	wrdreg $0xFFFFFFFF  }
0xad: {  	[dreg:$0x0] =	wrdreg $0x60  }
0xae: {  	[dreg:$0x2] =	wrdreg s24  }
0xaf: {  	[dreg:$0x3] =	wrdreg $0xA8000  }
0xb0: {  	[dreg:$0x4] =	wrdreg $0x9  }
0xb1: {  	_ =	task.clear_ibuf [dreg:s6], $0x5FFFF;
	_ =	strace $0x90000052  }
0xb2: {  	s29 =	simm.s32 $0x9;
	_ =	strace $0x80000054  }
0xb3: {  	_ =	swait.ge [sflag:s29], $0x1  }
0xb4: {  	[sflag:s29] =	ssyncadd.s32 $0xFFFFFFFF  }
0xb5: {  	_ =	strace $0x90000054  }
0xb6: {  	_ =	sfence  }
0xb7: {  	s30 =	sld [smem:$0x0];
	_ =	sdelay $0x2  }
0xb8: {  	s31 =	sshll.u32 s1, $0xD;
	s1 =	sshrl.u32 s1, $0x2  }
0xb9: {  	s3 =	sand.u32 $0x4000, s31;
	s1 =	sadd.s32 s1, s30  }
0xba: {  	s0 =	sor.u32 s3, s0;
	s1 =	sshll.u32 s1, $0x11  }
0xbb: {  	s0 =	sor.u32 s1, s0  }
0xbc: {  	s0 =	sadd.s32 $0x8F2B, s0  }
0xbd: {  	[sflag:s0] =	ssyncadd.remote.s32 $0x1  }
0xbe: {  	_ =	sfence.sel $0xFFFF  }
0xbf: {  	[dreg:$0x0] =	wrdreg $0xFFFFFFFF;
	(pc) =	sbr.abs _section_cstart, $3  }
0xc0: {  	[dreg:$0x1] =	wrdreg $0xFFFFFFFF  }
0xc1: {  	_ =	task.clear_ibuf [dreg:s6], $0x2FFFF;
	_ =	strace $0x9FFFFFFF  }
0xc2: {  	(tm) =	ssettm $0x7FFFFFFF  }
0xc3: {  	_ =	shalt  }
tec
execute0_lowered:
.L_overlay_start_1:
0x0: {  	(tag) =	ssettag $0x1  }
0x1: {  	s4 =	rddreg [dreg:$0x0];
	s0 =	srdreg.scid  }
0x2: {  	s2 =	rddreg [dreg:$0x1];
	s24 =	stileid.u32;
	s3 =	simm.s32 $0x0  }
0x3: {  	s18 =	simm.s32 $0x3;
	s19 =	simm.s32 $0x6800;
	s7 =	smul.u32 $0x2800, s24  }
0x4: {  	s20 =	simm.s32 $0x1;
	s21 =	simm.s32 $0x80;
	s25 =	smul.u32 $0x4F000, s24  }
0x5: {  	s22 =	simm.s32 $0x2;
	s23 =	stileid.u32;
	s11 =	smul.u32 $0x140000, s24  }
0x6: {  	s5 =	sand.u32 $0x1, s0;
	[smem:$0x7FF] =	sst s3;
	s15 =	smul.u32 $0x13C00, s24  }
0x7: {  	s16 =	sadd.s32 $0x54800, s4;
	s12 =	sadd.s32 $0x5B6800, s4;
	s6 =	smul.u32 $0x28000, s5  }
0x8: {  	p0 =	seq.s32 s24, $0xF;
	s24 =	simm.s32 $0x2780;
	s10 =	smul.u32 $0x1400000, s5  }
0x9: {  	_ =	strace $0x80000053;
	s26 =	ssub.s32 $0x2, s5;
	s13 =	smul.u32 $0x138800, s5  }
0xa: {  	s28 =	sshrl.u32 s25, $0x2;
	s29 =	sshrl.u32 s26, $0x1;
	s25 =	sadd.s32 $0x128400, s2  }
0xb: {  	s6 =	sadd.s32 s7, s6;
	s14 =	ssub.s32 s26, s29;
	s17 =	sadd.s32 s11, s10  }
0xc: {  	s30 =	sadd.s32 s15, s13;
	s13 =	sshrl.u32 s13, $0x3;
	s25 =	sshrl.u32 @p0 s25, $0x3  }
0xd: {  	s26 =	simm.s32 $0x0;
	s6 =	sshrl.u32 s6, $0x3;
	s11 =	sshrl.u32 s17, $0x3  }
0xe: {  	s15 =	sshrl.u32 s30, $0x3;
	s31 =	sor.u32 $0x8000, s17;
	s17 =	sor.u32 $0x4000, s17  }
0xf: {  	s9 =	sadd.s32 s6, s4;
	s4 =	sadd.s32 s28, s2;
	s10 =	sadd.s32 s16, s11  }
0x10: {  	s11 =	sadd.s32 s12, s15;
	s12 =	sadd.s32 s12, s13;
	s13 =	smax.u32 s14, $0x1  }
0x11: {  	s15 =	sshrl.u32 s31, $0x3;
	s17 =	sshrl.u32 s17, $0x3;
	s5 =	sadd.s32 $0x4000, s4  }
0x12: {  	s6 =	sadd.s32 $0x8000, s4;
	s7 =	sadd.s32 $0xC000, s4;
	s8 =	sadd.s32 $0x10000, s4  }
0x13: {  	s9 =	sadd.s32 $0x55E600, s9;
	s12 =	sadd.s32 $0x25080, s12;
	s14 =	sadd.s32 $0x27800, s10  }
0x14: {  	v0 =	vimm.f32 $0.0e+00;
	s15 =	sadd.s32 s15, s16;
	s16 =	sadd.s32 s17, s16;
	s17 =	simm.s32 $0x2800  }
.LBB2_1:
0x15: {  	s28 =	simm.s32 $0x0;
	s29 =	simm.s32 $0x200  }
.LBB2_2:
0x16: {  	p1 =	sne.s32 s29, $0xFE00;
	[tilespmem:s28+$0x2870] =	vst v0  }
0x17: {  	[tilespmem:s28+$0x2800] =	vst v0  }
0x18: {  	[tilespmem:s28+$0x2810] =	vst v0  }
.Ltmp0:
0x19: {  	[tilespmem:s28+$0x2820] =	vst v0;
	(pc) =	sbr.rel @p1 .LBB2_2-.Ltmp0, $4  }
0x1a: {  	[tilespmem:s28+$0x2830] =	vst v0  }
0x1b: {  	[tilespmem:s28+$0x2840] =	vst v0  }
0x1c: {  	[tilespmem:s28+$0x2850] =	vst v0  }
0x1d: {  	[tilespmem:s28+$0x2860] =	vst v0;
	s28 =	sshra.s32 s29, $0x2;
	s29 =	sadd.s32 $0x200, s29  }
0x1e: {  	[tilespmem:s28+$0x2870] =	vst v0  }
0x1f: {  	[tilespmem:s28+$0x2800] =	vst v0  }
0x20: {  	[tilespmem:s28+$0x2810] =	vst v0  }
0x21: {  	[tilespmem:s28+$0x2820] =	vst v0  }
0x22: {  	[tilespmem:s28+$0x2830] =	vst v0  }
0x23: {  	[tilespmem:s28+$0x2840] =	vst v0  }
0x24: {  	[tilespmem:s28+$0x2850] =	vst v0  }
0x25: {  	[tilespmem:s28+$0x2860] =	vst v0  }
0x26: {  	[spmem:s4] =	stream.linear.scatter [tilespmem:s17], [sflag:$0x3], $0x4000, $0x38;
	[tilespmem:$0x1E400] =	vst v63  }
0x27: {  	_ =	swait.ge [sflag:s18], $0x4000  }
0x28: {  	[sflag:s18] =	ssyncset.done $0x0  }
0x29: {  	[sflag:s18] =	ssyncadd.s32 $0xFFFFC000  }
0x2a: {  	[spmem:s5] =	stream.linear.scatter [tilespmem:s17], [sflag:$0x3], $0x4000, $0x38;
	[tilespmem:$0x1E400] =	vst v63  }
0x2b: {  	_ =	swait.ge [sflag:s18], $0x4000  }
0x2c: {  	[sflag:s18] =	ssyncset.done $0x0  }
0x2d: {  	[sflag:s18] =	ssyncadd.s32 $0xFFFFC000  }
0x2e: {  	[spmem:s6] =	stream.linear.scatter [tilespmem:s17], [sflag:$0x3], $0x4000, $0x38;
	[tilespmem:$0x1E400] =	vst v63  }
0x2f: {  	_ =	swait.ge [sflag:s18], $0x4000  }
0x30: {  	[sflag:s18] =	ssyncset.done $0x0  }
0x31: {  	[sflag:s18] =	ssyncadd.s32 $0xFFFFC000  }
0x32: {  	[spmem:s7] =	stream.linear.scatter [tilespmem:s17], [sflag:$0x3], $0x4000, $0x38;
	[tilespmem:$0x1E400] =	vst v63  }
0x33: {  	_ =	swait.ge [sflag:s18], $0x4000  }
0x34: {  	[sflag:s18] =	ssyncset.done $0x0  }
0x35: {  	[sflag:s18] =	ssyncadd.s32 $0xFFFFC000  }
0x36: {  	[spmem:s8] =	stream.linear.scatter [tilespmem:s17], [sflag:$0x3], $0x3C00, $0x38;
	[tilespmem:$0x1E400] =	vst v63  }
0x37: {  	_ =	swait.ge [sflag:s18], $0x3C00  }
0x38: {  	[sflag:s18] =	ssyncset.done $0x0  }
0x39: {  	[sflag:s18] =	ssyncadd.s32 $0xFFFFC400  }
0x3a: {  	s28 =	simm.s32 $0x0;
	[bflag:$0x0] =	sbarrier.arrive $0xFFFF  }
0x3b: {  	[tilespmem:s28], [sflag:$0x3] =	stream.linear.gather [hbm4b:s9+s28], $0x2800, $0x38;
	[tilespmem:$0x1E400] =	vst v63  }
0x3c: {  	_ =	swait.ge [sflag:s18], $0x2800  }
0x3d: {  	[sflag:s18] =	ssyncset.done $0x0  }
0x3e: {  	[sflag:s18] =	ssyncadd.s32 $0xFFFFD800  }
0x3f: {  	[tilespmem:s17], [sflag:$0x1] =	stream.linear.gather [hbm4b:s10+s28], $0x4000, $0x38;
	[tilespmem:$0x1E400] =	vst v63  }
0x40: {  	s29 =	sadd.s32 $0x0, s16  }
0x41: {  	[tilespmem:s19], [sflag:$0x2] =	stream.linear.gather [hbm4b:s29+s3], $0x4000, $0x38;
	[tilespmem:$0x1E400] =	vst v63  }
0x42: {  	_ =	swait.ge [sflag:s20], $0x4000  }
0x43: {  	[sflag:s20] =	ssyncset.done $0x0  }
0x44: {  	[sflag:s20] =	ssyncadd.s32 $0xFFFFC000  }
0x45: {  	[spmem:s2] =	stream.indirect.scatter.add.f32 [tilespmem:s17], [sflag:$0x3], $0x80, s28, s21, $0xb8;
	[tilespmem:$0x1E400] =	vst v63  }
0x46: {  	_ =	swait.ge [sflag:s18], $0x4000  }
0x47: {  	[sflag:s18] =	ssyncset.done $0x0  }
0x48: {  	s28 =	sadd.s32 $0x0, s15;
	[sflag:s18] =	ssyncadd.s32 $0xFFFFC000  }
0x49: {  	[tilespmem:s17], [sflag:$0x1] =	stream.linear.gather [hbm4b:s28+s3], $0x4000, $0x38;
	[tilespmem:$0x1E400] =	vst v63  }
0x4a: {  	_ =	swait.ge [sflag:s22], $0x4000  }
0x4b: {  	[sflag:s22] =	ssyncset.done $0x0  }
0x4c: {  	s28 =	simm.s32 $0x80;
	[sflag:s22] =	ssyncadd.s32 $0xFFFFC000  }
0x4d: {  	[spmem:s2] =	stream.indirect.scatter.add.f32 [tilespmem:s19], [sflag:$0x3], $0x80, s28, s21, $0xb8;
	[tilespmem:$0x1E400] =	vst v63  }
0x4e: {  	s30 =	simm.s32 $0x2000;
	_ =	swait.ge [sflag:s18], $0x4000  }
0x4f: {  	s29 =	simm.s32 $0x1000;
	s28 =	simm.s32 $0x100;
	[sflag:s18] =	ssyncset.done $0x0  }
.LBB2_4:
0x50: {  	s31 =	sadd.s32 s29, s16  }
0x51: {  	[sflag:s18] =	ssyncadd.s32 $0xFFFFC000;
	s0 =	smov.u32 s30;
	s1 =	sadd.s32 $0x1000, s30  }
0x52: {  	[tilespmem:s19], [sflag:$0x2] =	stream.linear.gather [hbm4b:s31+s3], $0x4000, $0x38;
	[tilespmem:$0x1E400] =	vst v63  }
0x53: {  	p1 =	sne.s32 s30, $0x26000;
	_ =	swait.ge [sflag:s20], $0x4000  }
0x54: {  	[sflag:s20] =	ssyncset.done $0x0  }
0x55: {  	[sflag:s20] =	ssyncadd.s32 $0xFFFFC000  }
0x56: {  	[spmem:s2] =	stream.indirect.scatter.add.f32 [tilespmem:s17], [sflag:$0x3], $0x80, s28, s21, $0xb8;
	[tilespmem:$0x1E400] =	vst v63  }
0x57: {  	_ =	swait.ge [sflag:s18], $0x4000  }
0x58: {  	[sflag:s18] =	ssyncset.done $0x0  }
0x59: {  	s30 =	sadd.s32 s29, s15;
	s29 =	smov.u32 s0;
	[sflag:s18] =	ssyncadd.s32 $0xFFFFC000  }
0x5a: {  	[tilespmem:s17], [sflag:$0x1] =	stream.linear.gather [hbm4b:s30+s3], $0x4000, $0x38;
	[tilespmem:$0x1E400] =	vst v63  }
0x5b: {  	_ =	swait.ge [sflag:s22], $0x4000  }
.Ltmp1:
0x5c: {  	[sflag:s22] =	ssyncset.done $0x0;
	(pc) =	sbr.rel @p1 .LBB2_4-.Ltmp1, $4  }
0x5d: {  	s0 =	sadd.s32 $0x80, s28;
	[sflag:s22] =	ssyncadd.s32 $0xFFFFC000  }
0x5e: {  	[spmem:s2] =	stream.indirect.scatter.add.f32 [tilespmem:s19], [sflag:$0x3], $0x80, s0, s21, $0xb8;
	[tilespmem:$0x1E400] =	vst v63  }
0x5f: {  	_ =	swait.ge [sflag:s18], $0x4000  }
0x60: {  	s28 =	sadd.s32 $0x100, s28;
	s30 =	smov.u32 s1;
	[sflag:s18] =	ssyncset.done $0x0  }
0x61: {  	s0 =	sadd.s32 s29, s16;
	[sflag:s18] =	ssyncadd.s32 $0xFFFFC000  }
0x62: {  	[tilespmem:s19], [sflag:$0x2] =	stream.linear.gather [hbm4b:s0+s3], $0x4000, $0x38;
	[tilespmem:$0x1E400] =	vst v63  }
0x63: {  	_ =	swait.ge [sflag:s20], $0x4000  }
0x64: {  	[sflag:s20] =	ssyncset.done $0x0  }
0x65: {  	[sflag:s20] =	ssyncadd.s32 $0xFFFFC000  }
0x66: {  	[spmem:s2] =	stream.indirect.scatter.add.f32 [tilespmem:s17], [sflag:$0x3], $0x80, s28, s21, $0xb8;
	[tilespmem:$0x1E400] =	vst v63  }
0x67: {  	_ =	swait.ge [sflag:s18], $0x4000  }
0x68: {  	[sflag:s18] =	ssyncset.done $0x0  }
0x69: {  	s29 =	sadd.s32 s29, s15;
	[sflag:s18] =	ssyncadd.s32 $0xFFFFC000  }
0x6a: {  	[tilespmem:s17], [sflag:$0x1] =	stream.linear.gather [hbm4b:s29+s3], $0x4000, $0x38;
	[tilespmem:$0x1E400] =	vst v63  }
0x6b: {  	_ =	swait.ge [sflag:s22], $0x4000  }
0x6c: {  	[sflag:s22] =	ssyncset.done $0x0  }
0x6d: {  	s30 =	sadd.s32 $0x80, s28;
	[sflag:s22] =	ssyncadd.s32 $0xFFFFC000  }
0x6e: {  	[spmem:s2] =	stream.indirect.scatter.add.f32 [tilespmem:s19], [sflag:$0x3], $0x80, s30, s21, $0xb8;
	[tilespmem:$0x1E400] =	vst v63  }
0x6f: {  	_ =	swait.ge [sflag:s18], $0x4000  }
0x70: {  	[sflag:s18] =	ssyncset.done $0x0  }
0x71: {  	[sflag:s18] =	ssyncadd.s32 $0xFFFFC000  }
0x72: {  	[tilespmem:s19], [sflag:$0x2] =	stream.linear.gather [hbm4b:s14+s3], $0x4000, $0x38;
	[tilespmem:$0x1E400] =	vst v63  }
0x73: {  	_ =	swait.ge [sflag:s20], $0x4000  }
0x74: {  	[sflag:s20] =	ssyncset.done $0x0  }
0x75: {  	s31 =	simm.s32 $0x2700;
	[sflag:s20] =	ssyncadd.s32 $0xFFFFC000  }
0x76: {  	[spmem:s2] =	stream.indirect.scatter.add.f32 [tilespmem:s17], [sflag:$0x3], $0x80, s31, s21, $0xb8;
	[tilespmem:$0x1E400] =	vst v63  }
0x77: {  	_ =	swait.ge [sflag:s18], $0x4000  }
0x78: {  	[sflag:s18] =	ssyncset.done $0x0  }
0x79: {  	[sflag:s18] =	ssyncadd.s32 $0xFFFFC000  }
0x7a: {  	_ =	swait.ge [sflag:s22], $0x4000  }
0x7b: {  	[sflag:s22] =	ssyncset.done $0x0  }
0x7c: {  	[sflag:s22] =	ssyncadd.s32 $0xFFFFC000  }
0x7d: {  	[spmem:s2] =	stream.indirect.scatter.add.f32 [tilespmem:s19], [sflag:$0x3], $0x80, s24, s21, $0xb8;
	[tilespmem:$0x1E400] =	vst v63  }
0x7e: {  	_ =	swait.ge [sflag:s18], $0x4000  }
0x7f: {  	[sflag:s18] =	ssyncset.done $0x0  }
0x80: {  	[sflag:s18] =	ssyncadd.s32 $0xFFFFC000  }
0x81: {  	s0 =	simm.s32 @p0 $0x1FC3;
	[bflag:$0x0] =	sbarrier.arrive $0xFFFF  }
0x82: {  	[hbm:s12], [sflag:s0] =	dma.local @p0 [spmem:s25], $0x2080  }
0x83: {  	s0 =	simm.s32 @p0 $0x3  }
0x84: {  	s26 =	sadd.s32 $0x1, s26;
	_ =	swait.ge @p0 [sflag:s0], $0x2080  }
0x85: {  	s1 =	sshll.u32 @!p0 s23, $0x6;
	p1 =	sne.s32 s26, s13;
	[sflag:s0] =	ssyncset.done @p0 $0x0  }
0x86: {  	[sflag:s0] =	ssyncadd.s32 @p0 $0xFFFFDF80;
	s0 =	sor.u32 @!p0 $0x1C03, s1;
	s1 =	sshrl.u32 @!p0 s4, $0x3  }
0x87: {  	[hbm:s11], [sflag:s0] =	dma.local @!p0 [spmem:s1], $0x2780  }
.Ltmp2:
0x88: {  	_ = 	snop;
	(pc) =	sbr.rel @p1 .LBB2_1-.Ltmp2, $4  }
0x89: {  	s0 =	simm.s32 @!p0 $0x3  }
0x8a: {  	_ =	swait.ge @!p0 [sflag:s0], $0x2780  }
0x8b: {  	[sflag:s0] =	ssyncset.done @!p0 $0x0  }
0x8c: {  	[sflag:s0] =	ssyncadd.s32 @!p0 $0xFFFFD880  }
0x8d: {  	_ =	sfence.sel $0x180000  }
0x8e: {  	[bflag:$0x0] =	sbarrier.arrive $0xFFFF  }
0x8f: {  	_ =	strace $0x90000053  }
0x90: {  	[bflag:$0x2] =	sbarrier.arrive $0xFFFF  }
0x91: {  	p0 =	sne.s32 s23, $0x0;
	s0 =	rddreg [dreg:$0x2]  }
0x92: {  	s0 =	sadd.s32 @!p0 $0x100000, s0  }
0x93: {  	[sflag:s0] =	ssyncadd.tile.s32 @!p0 $0x1;
	_ =	shalt  }
.Lfunc_end2:
_tile_overlayer_lowered:
.L_overlay_start_2:
0x94: {  	(tag) =	ssettag $0x2  }
0x95: {  	s0 =	rddreg [dreg:$0x0];
	s2 =	stileid.u32  }
0x96: {  	s1 =	rddreg [dreg:$0x1];
	p0 =	sne.s32 s2, $0x0  }
0x97: {  	s3 =	rddreg [dreg:$0x2];
	[bflag:$0x3] =	sbarrier.arrive $0xFFFF;
	s2 =	simm.s32 @!p0 $0x1C03  }
0x98: {  	[timem:s3], [sflag:s2] =	dma.local @!p0 [hbm:s0], s1  }
0x99: {  	s0 =	simm.s32 @!p0 $0x3  }
0x9a: {  	_ =	swait.ge @!p0 [sflag:s0], s1  }
0x9b: {  	s1 =	ssub.s32 @!p0 $0x0, s1;
	[sflag:s0] =	ssyncset.done @!p0 $0x0  }
0x9c: {  	[sflag:s0] =	ssyncadd.s32 @!p0 s1  }
0x9d: {  	[bflag:$0x3] =	sbarrier.arrive $0xFFFF  }
0x9e: {  	_ =	shalt  }

// kernel: kernel.31.cloned.1.call-start
scs
__scs_entry_jumppad:
0x0: {  	(pc) =	sbr.rel $0x88, $3  }
0x1: {  	(tag) =	ssettag $0x0;
	lr =	simm.s32 $0x1  }
0x2: {  	[smem:$0x3F91] =	sst lr;
	_ =	strace $0xD0000000  }
0x3: {  	_ = 	snop  }
0x4: {  	_ = 	snop  }
0x5: {  	_ = 	snop  }
0x6: {  	_ = 	snop  }
0x7: {  	_ = 	snop  }
__scs_overlays_trampoline_lowered:
0x8: {  	[smem:$0x3FA0] =	sst s0  }
0x9: {  	[smem:$0x3FA1] =	sst s1  }
0xa: {  	[smem:$0x3FA2] =	sst s2  }
0xb: {  	[smem:$0x3FA3] =	sst s3  }
0xc: {  	[smem:$0x3FA4] =	sst s4  }
0xd: {  	[smem:$0x3FA5] =	sst s5  }
0xe: {  	[smem:$0x3FA6] =	sst s6  }
0xf: {  	[smem:$0x3FA7] =	sst s7  }
0x10: {  	[smem:$0x3FA8] =	sst s8  }
0x11: {  	[smem:$0x3FA9] =	sst s9;
	s0 =	simm.s32 @!p0 $0x0  }
0x12: {  	s1 =	sld [smem:$0x3F8F];
	s0 =	simm.s32 @p0 $0x1  }
0x13: {  	[smem:$0x3FAA] =	sst s0;
	s0 =	simm.s32 @!p1 $0x0  }
0x14: {  	s2 =	sld [smem:$0x3F8E];
	s0 =	simm.s32 @p1 $0x1  }
0x15: {  	[smem:$0x3FAB] =	sst s0;
	s0 =	simm.s32 @!p2 $0x0  }
0x16: {  	s3 =	sld [smem:$0x3FDB];
	s0 =	simm.s32 @p2 $0x1  }
0x17: {  	s4 =	simm.s32 $0x1BF5;
	[smem:$0x3FAD] =	sst s0  }
0x18: {  	s0 =	sld [smem:$0x3F90];
	_ =	swait.ge [sflag:s4], $0x0  }
0x19: {  	s7 =	sld [smem:$0x3F91]  }
0x1a: {  	s8 =	sadd.s32 $0xFFFFE003, lr  }
0x1b: {  	s9 =	sadd.s32 $0xFFFFFEF7, lr;
	s5 =	simm.s32 $0xFFFFFFFF;
	p2 =	slt.u32 s8, $0xFFFFF086  }
0x1c: {  	p1 =	slt.u32 s9, $0xF7A;
	s5 =	simm.s32 @!p2 $0x0  }
0x1d: {  	s5 =	simm.s32 @p1 $0x1;
	p0 =	seq.s32 s7, s2  }
0x1e: {  	s7 =	smul.u32 @!p0 $0xF7A, s2;
	p2 =	seq.s32 @!p0 s5, $0x0  }
0x1f: {  	s9 =	smul.u32 $0xF7A, s1;
	s8 =	simm.s32 @!p0 $0x1BF5;
	p2 =	por !p2, p0  }
0x20: {  	[sflag:s8] =	ssyncset.s32 @!p0 $0xFFFFF086;
	s6 =	sadd.s32 @!p0 s3, s7;
	s7 =	simm.s32 @!p0 $0x108  }
0x21: {  	s3 =	sadd.s32 s3, s9;
	s6 =	sadd.s32 @!p0 $0x88, s6;
	s7 =	simm.s32 @p2 $0x1082  }
0x22: {  	[simem:s7], [sflag:s8] =	dma.local @!p0 [hbm:s6], $0xF7A  }
0x23: {  	s9 =	sor.u32 $0xD0000000, s2;
	s6 =	simm.s32 $0x108;
	_ =	swait.ge @!p0 [sflag:s8], $0x0  }
0x24: {  	s3 =	sadd.s32 $0x88, s3;
	s6 =	simm.s32 @!p1 $0x1082;
	[sflag:s4] =	ssyncset.s32 $0xFFFFF086  }
0x25: {  	[simem:s6], [sflag:s4] =	dma.local [hbm:s3], $0xF7A  }
0x26: {  	[smem:$0x3F91] =	sst s1;
	(tag) =	ssettag s2;
	_ =	strace s9  }
0x27: {  	s1 =	sld [smem:$0x3FA1]  }
0x28: {  	s2 =	sld [smem:$0x3FA2]  }
0x29: {  	s4 =	sld [smem:$0x3FA4]  }
0x2a: {  	p0 =	seq.s32 s5, $0x0;
	s5 =	sld [smem:$0x3FA5]  }
0x2b: {  	s6 =	sld [smem:$0x3FA6]  }
0x2c: {  	s7 =	sld [smem:$0x3FA7]  }
0x2d: {  	s3 =	simm.s32 $0x108;
	s8 =	sld [smem:$0x3FA8]  }
0x2e: {  	s3 =	simm.s32 @!p0 $0x1082;
	s9 =	sld [smem:$0x3FA9]  }
0x2f: {  	lr =	sadd.s32 s0, s3;
	s0 =	sld [smem:$0x3FA0]  }
0x30: {  	s3 =	sld [smem:$0x3FA3]  }
0x31: {  	[smem:$0x3FAC] =	sst s10  }
0x32: {  	s10 =	sld [smem:$0x3FAA];
	_ =	sdelay $0x3  }
0x33: {  	p0 =	seq.s32 s10, $0x1;
	s10 =	sld [smem:$0x3FAC];
	_ =	sdelay $0x3  }
0x34: {  	[smem:$0x3FAC] =	sst s10  }
0x35: {  	s10 =	sld [smem:$0x3FAB];
	_ =	sdelay $0x3  }
0x36: {  	p1 =	seq.s32 s10, $0x1;
	s10 =	sld [smem:$0x3FAC];
	_ =	sdelay $0x3  }
0x37: {  	[smem:$0x3FAC] =	sst s10  }
0x38: {  	s10 =	sld [smem:$0x3FAD]  }
0x39: {  	_ = 	snop;
	(pc) =	sbr.ind lr, $3  }
0x3a: {  	_ = 	snop  }
0x3b: {  	_ = 	snop  }
0x3c: {  	p2 =	seq.s32 s10, $0x1;
	s10 =	sld [smem:$0x3FAC]  }
0x3d: {  	_ =	shalt  }
0x3e: {  	_ =	shalt  }
0x3f: {  	_ =	shalt  }
0x40: {  	_ =	shalt  }
0x41: {  	_ =	shalt  }
0x42: {  	_ =	shalt  }
0x43: {  	_ =	shalt  }
0x44: {  	_ =	shalt  }
0x45: {  	_ =	shalt  }
0x46: {  	_ =	shalt  }
0x47: {  	_ =	shalt  }
0x48: {  	_ =	shalt  }
0x49: {  	_ =	shalt  }
0x4a: {  	_ =	shalt  }
0x4b: {  	_ =	shalt  }
0x4c: {  	_ =	shalt  }
0x4d: {  	_ =	shalt  }
0x4e: {  	_ =	shalt  }
0x4f: {  	_ =	shalt  }
0x50: {  	_ =	shalt  }
0x51: {  	_ =	shalt  }
0x52: {  	_ =	shalt  }
0x53: {  	_ =	shalt  }
0x54: {  	_ =	shalt  }
0x55: {  	_ =	shalt  }
0x56: {  	_ =	shalt  }
0x57: {  	_ =	shalt  }
0x58: {  	_ =	shalt  }
0x59: {  	_ =	shalt  }
0x5a: {  	_ =	shalt  }
0x5b: {  	_ =	shalt  }
0x5c: {  	_ =	shalt  }
0x5d: {  	_ =	shalt  }
0x5e: {  	_ =	shalt  }
0x5f: {  	_ =	shalt  }
0x60: {  	_ =	shalt  }
0x61: {  	_ =	shalt  }
0x62: {  	_ =	shalt  }
0x63: {  	_ =	shalt  }
0x64: {  	_ =	shalt  }
0x65: {  	_ =	shalt  }
0x66: {  	_ =	shalt  }
0x67: {  	_ =	shalt  }
0x68: {  	_ =	shalt  }
0x69: {  	_ =	shalt  }
0x6a: {  	_ =	shalt  }
0x6b: {  	_ =	shalt  }
0x6c: {  	_ =	shalt  }
0x6d: {  	_ =	shalt  }
0x6e: {  	_ =	shalt  }
0x6f: {  	_ =	shalt  }
0x70: {  	_ =	shalt  }
0x71: {  	_ =	shalt  }
0x72: {  	_ =	shalt  }
0x73: {  	_ =	shalt  }
0x74: {  	_ =	shalt  }
0x75: {  	_ =	shalt  }
0x76: {  	_ =	shalt  }
0x77: {  	_ =	shalt  }
0x78: {  	_ =	shalt  }
0x79: {  	_ =	shalt  }
0x7a: {  	_ =	shalt  }
0x7b: {  	_ =	shalt  }
0x7c: {  	_ =	shalt  }
0x7d: {  	_ =	shalt  }
0x7e: {  	_ =	shalt  }
0x7f: {  	_ =	shalt  }
0x80: {  	_ =	shalt  }
0x81: {  	_ =	shalt  }
0x82: {  	_ =	shalt  }
0x83: {  	_ =	shalt  }
0x84: {  	_ =	shalt  }
0x85: {  	_ =	shalt  }
0x86: {  	_ =	shalt  }
0x87: {  	_ =	shalt  }
.Lfunc_end0:
.L_simem_size_0:
called_computation.5_lowered:
.L_overlay_start_0:
0x88: {  	s2 =	sld [smem:$0x3FD9]  }
0x89: {  	s3 =	sld [smem:$0x3FFE];
	_ =	sdelay $0x1  }
0x8a: {  	s1 =	srdreg.scid  }
0x8b: {  	s0 =	sand.u32 $0x1, s1  }
0x8c: {  	s17 =	sshll.u32 s0, $0xA;
	s2 =	sadd.s32 s3, s2  }
0x8d: {  	s2 =	sadd.s32 s2, s17  }
0x8e: {  	[smem:$0x3FB8] =	sst s2  }
0x8f: {  	_ = 	snop  }
0x90: {  	s2 =	sld [smem:$0x3FD0];
	(tm) =	ssettm $0x1  }
0x91: {  	s18 =	sld [smem:$0x3FFB];
	_ =	sdelay $0x3  }
0x92: {  	_ =	strace s18  }
0x93: {  	s3 =	sld [smem:$0x3FFC];
	_ =	sdelay $0x3  }
0x94: {  	_ =	strace s3  }
0x95: {  	s3 =	sld [smem:$0x3FFD];
	_ =	sdelay $0x3  }
0x96: {  	_ =	strace s3  }
0x97: {  	_ =	strace $0x8FFFFFFF  }
0x98: {  	s19 =	sld [smem:$0x3FDB];
	_ =	sdelay $0x1  }
0x99: {  	s4 =	simm.s32 $_scs_section_size  }
0x9a: {  	s5 =	simm.s32 $_size__tile_overlayer_lowered;
	s6 =	simm.s32 $_tile_overlayer_lowered  }
0x9b: {  	s22 =	simm.s32 $0x1BFF;
	s21 =	sshll.u32 s6, $0x1;
	s3 =	sadd.s32 s4, s19  }
0x9c: {  	s7 =	simm.s32 $0x0;
	s20 =	sshll.u32 s5, $0x1;
	s5 =	sadd.s32 s21, s3  }
0x9d: {  	[timem:s7], [sflag:s22] =	dma.local [hbm:s5], s20  }
0x9e: {  	_ =	swait.ge [sflag:s22], s20  }
0x9f: {  	s4 =	ssub.s32 $0x0, s20;
	[sflag:s22] =	ssyncset.done $0x0  }
0xa0: {  	[sflag:s22] =	ssyncadd.s32 s4;
	_ =	sdelay $0x1  }
0xa1: {  	s23 =	simm.s32 $0x1B8B  }
0xa2: {  	_ =	swait.ge [sflag:s23], $0x1  }
0xa3: {  	[sflag:s23] =	ssyncset.done $0x0  }
0xa4: {  	s25 =	simm.s32 $0x1B8E;
	s24 =	sld [smem:$0x3FFE];
	[sflag:s23] =	ssyncadd.s32 $0xFFFFFFFF  }
0xa5: {  	s26 =	simm.s32 $execute0_lowered;
	[smem:$0x3FD2] =	sst s25  }
0xa6: {  	s5 =	sshll.u32 s26, $0x1;
	_ =	strace $0x80000055;
	[dreg:$0x1] =	wrdreg $0xFFFFFFFF  }
0xa7: {  	s28 =	simm.s32 $_size_execute0_lowered;
	s3 =	sadd.s32 s3, s5;
	[dreg:$0x0] =	wrdreg $0x0  }
0xa8: {  	s5 =	sshll.u32 s28, $0x1;
	[dreg:$0x2] =	wrdreg s3  }
0xa9: {  	[dreg:$0x3] =	wrdreg s5  }
0xaa: {  	[dreg:$0x4] =	wrdreg $0xC0  }
0xab: {  	_ =	task [dreg:s7], $0x5FFFF  }
0xac: {  	[dreg:$0x1] =	wrdreg $0xFFFFFFFF  }
0xad: {  	[dreg:$0x0] =	wrdreg $0x60  }
0xae: {  	[dreg:$0x2] =	wrdreg s24  }
0xaf: {  	[dreg:$0x3] =	wrdreg s2  }
0xb0: {  	[dreg:$0x4] =	wrdreg $0xA8000  }
0xb1: {  	[dreg:$0x5] =	wrdreg $0x9  }
0xb2: {  	_ =	task.clear_ibuf [dreg:s7], $0x6FFFF;
	_ =	strace $0x90000055  }
0xb3: {  	s29 =	simm.s32 $0x9;
	_ =	strace $0x80000057  }
0xb4: {  	_ =	swait.ge [sflag:s29], $0x1  }
0xb5: {  	[sflag:s29] =	ssyncadd.s32 $0xFFFFFFFF  }
0xb6: {  	_ =	strace $0x90000057  }
0xb7: {  	_ =	sfence  }
0xb8: {  	s30 =	sld [smem:$0x0];
	_ =	sdelay $0x2  }
0xb9: {  	s31 =	sshll.u32 s1, $0xD;
	s1 =	sshrl.u32 s1, $0x2  }
0xba: {  	s3 =	sand.u32 $0x4000, s31;
	s1 =	sadd.s32 s1, s30  }
0xbb: {  	s0 =	sor.u32 s3, s0;
	s1 =	sshll.u32 s1, $0x11  }
0xbc: {  	s0 =	sor.u32 s1, s0  }
0xbd: {  	s0 =	sadd.s32 $0x8F2B, s0  }
0xbe: {  	[sflag:s0] =	ssyncadd.remote.s32 $0x1  }
0xbf: {  	_ =	sfence.sel $0xFFFF  }
0xc0: {  	[dreg:$0x0] =	wrdreg $0xFFFFFFFF;
	(pc) =	sbr.abs _section_cstart, $3  }
0xc1: {  	[dreg:$0x1] =	wrdreg $0xFFFFFFFF  }
0xc2: {  	_ =	task.clear_ibuf [dreg:s7], $0x2FFFF;
	_ =	strace $0x9FFFFFFF  }
0xc3: {  	(tm) =	ssettm $0x7FFFFFFF  }
tec
execute0_lowered:
.L_overlay_start_1:
0x0: {  	(tag) =	ssettag $0x1  }
0x1: {  	s5 =	rddreg [dreg:$0x0]  }
0x2: {  	s6 =	rddreg [dreg:$0x1]  }
0x3: {  	s2 =	rddreg [dreg:$0x2]  }
0x4: {  	s0 =	rddreg [dreg:$0x3]  }
0x5: {  	s1 =	stileid.u32;
	s7 =	srdreg.scid  }
0x6: {  	s3 =	simm.s32 $0x0;
	s16 =	simm.s32 $0x2800;
	s17 =	simm.s32 $0x80  }
0x7: {  	s18 =	simm.s32 $0x6800;
	s19 =	simm.s32 $0x1;
	s4 =	smul.u32 $0x2780, s1  }
0x8: {  	s20 =	simm.s32 $0x2;
	s21 =	simm.s32 $0x2780;
	s8 =	smul.u32 $0x4F000, s1  }
0x9: {  	s22 =	simm.s32 $0x0;
	s7 =	sand.u32 $0x1, s7;
	s10 =	smul.u32 $0x2800, s1  }
0xa: {  	[smem:$0x7FF] =	sst s3;
	s11 =	sadd.s32 $0x54800, s5;
	s14 =	smul.u32 $0x140000, s1  }
0xb: {  	p0 =	seq.s32 s1, $0xF;
	s9 =	smul.u32 $0x28000, s7;
	_ =	strace $0x80000056  }
0xc: {  	s12 =	ssub.s32 $0x2, s7;
	s7 =	smul.u32 $0x1400000, s7;
	s4 =	sadd.s32 s4, s5  }
0xd: {  	s13 =	sshrl.u32 s12, $0x1;
	s8 =	sshrl.u32 s8, $0x2;
	s5 =	sadd.s32 $0x2B480, s5  }
0xe: {  	s12 =	ssub.s32 s12, s13;
	s15 =	sadd.s32 s8, s2;
	s4 =	sadd.s32 $0x6400, s4  }
0xf: {  	s13 =	sadd.s32 $0x128400, s2;
	s26 =	sadd.s32 s10, s9;
	s28 =	sadd.s32 s14, s7  }
0x10: {  	s14 =	sshll.u32 @!p0 s1, $0x6;
	s29 =	sshrl.u32 s26, $0x3;
	s30 =	sshrl.u32 s28, $0x3  }
0x11: {  	s7 =	smax.u32 s12, $0x1;
	s31 =	sor.u32 $0x4000, s28;
	s8 =	sadd.s32 s30, s11  }
0x12: {  	s6 =	sadd.s32 s6, s29;
	s12 =	sshrl.u32 s31, $0x3;
	s9 =	sadd.s32 $0x27000, s8  }
0x13: {  	s10 =	sadd.s32 $0x27800, s8;
	s11 =	sadd.s32 s12, s11;
	s12 =	sshrl.u32 @p0 s13, $0x3  }
0x14: {  	s13 =	sor.u32 @!p0 $0x1C03, s14;
	s14 =	sshrl.u32 @!p0 s15, $0x3;
	s15 =	simm.s32 $0x3  }
.LBB2_1:
0x15: {  	s23 =	simm.s32 @p0 $0x1FC3  }
0x16: {  	[spmem:s12], [sflag:s23] =	dma.local @p0 [hbm:s5], $0x2080  }
0x17: {  	s23 =	simm.s32 @p0 $0x3  }
0x18: {  	_ =	swait.ge @p0 [sflag:s23], $0x2080  }
0x19: {  	[sflag:s23] =	ssyncset.done @p0 $0x0  }
0x1a: {  	[sflag:s23] =	ssyncadd.s32 @p0 $0xFFFFDF80;
	s23 =	simm.s32 @!p0 $0x3  }
0x1b: {  	[spmem:s14], [sflag:s13] =	dma.local @!p0 [hbm:s4], $0x2780  }
0x1c: {  	_ =	swait.ge @!p0 [sflag:s23], $0x2780  }
0x1d: {  	[sflag:s23] =	ssyncset.done @!p0 $0x0  }
0x1e: {  	[sflag:s23] =	ssyncadd.s32 @!p0 $0xFFFFD880  }
0x1f: {  	[bflag:$0x0] =	sbarrier.arrive $0xFFFF  }
0x20: {  	[tilespmem:s3], [sflag:$0x3] =	stream.linear.gather [hbm4b:s6+s3], $0x2800, $0x38;
	[tilespmem:$0x1E080] =	vst v63  }
0x21: {  	_ =	swait.ge [sflag:s15], $0x2800  }
0x22: {  	[sflag:s15] =	ssyncset.done $0x0  }
0x23: {  	[sflag:s15] =	ssyncadd.s32 $0xFFFFD800  }
0x24: {  	[tilespmem:s16], [sflag:$0x1] =	stream.indirect.gather [spmem:s2], $0x80, s3, s17, $0xb8;
	[tilespmem:$0x1E080] =	vst v63  }
0x25: {  	_ = 	snop  }
0x26: {  	[tilespmem:s18], [sflag:$0x2] =	stream.indirect.gather [spmem:s2], $0x80, s17, s17, $0xb8;
	[tilespmem:$0x1E080] =	vst v63  }
0x27: {  	_ =	swait.ge [sflag:s19], $0x4000  }
0x28: {  	[sflag:s19] =	ssyncset.done $0x0  }
0x29: {  	s29 =	sadd.s32 $0x0, s8;
	[sflag:s19] =	ssyncadd.s32 $0xFFFFC000  }
0x2a: {  	[hbm4b:s29+s3] =	stream.linear.scatter [tilespmem:s16], [sflag:$0x3], $0x4000, $0x38;
	[tilespmem:$0x1E080] =	vst v63  }
0x2b: {  	_ =	swait.ge [sflag:s15], $0x4000  }
0x2c: {  	[sflag:s15] =	ssyncset.done $0x0  }
0x2d: {  	s30 =	simm.s32 $0x100;
	[sflag:s15] =	ssyncadd.s32 $0xFFFFC000  }
0x2e: {  	[tilespmem:s16], [sflag:$0x1] =	stream.indirect.gather [spmem:s2], $0x80, s30, s17, $0xb8;
	[tilespmem:$0x1E080] =	vst v63  }
0x2f: {  	_ =	swait.ge [sflag:s20], $0x4000  }
0x30: {  	[sflag:s20] =	ssyncset.done $0x0  }
0x31: {  	s31 =	sadd.s32 $0x0, s11;
	[sflag:s20] =	ssyncadd.s32 $0xFFFFC000  }
0x32: {  	[hbm4b:s31+s3] =	stream.linear.scatter [tilespmem:s18], [sflag:$0x3], $0x4000, $0x38;
	[tilespmem:$0x1E080] =	vst v63  }
0x33: {  	_ =	swait.ge [sflag:s15], $0x4000  }
0x34: {  	s24 =	simm.s32 $0x80;
	s23 =	simm.s32 $0x1000;
	[sflag:s15] =	ssyncset.done $0x0  }
.LBB2_2:
0x35: {  	p1 =	sne.s32 s23, $0x26000;
	[sflag:s15] =	ssyncadd.s32 $0xFFFFC000;
	s24 =	sadd.s32 $0x100, s24  }
0x36: {  	[tilespmem:s18], [sflag:$0x2] =	stream.indirect.gather [spmem:s2], $0x80, s24, s17, $0xb8;
	[tilespmem:$0x1E080] =	vst v63  }
0x37: {  	s25 =	smov.u32 s23;
	s23 =	sadd.s32 $0x1000, s23;
	_ =	swait.ge [sflag:s19], $0x4000  }
0x38: {  	[sflag:s19] =	ssyncset.done $0x0  }
0x39: {  	s26 =	sadd.s32 s25, s8;
	[sflag:s19] =	ssyncadd.s32 $0xFFFFC000  }
0x3a: {  	[hbm4b:s26+s3] =	stream.linear.scatter [tilespmem:s16], [sflag:$0x3], $0x4000, $0x38;
	[tilespmem:$0x1E080] =	vst v63  }
0x3b: {  	_ =	swait.ge [sflag:s15], $0x4000  }
0x3c: {  	[sflag:s15] =	ssyncset.done $0x0  }
0x3d: {  	s26 =	sadd.s32 $0x80, s24;
	[sflag:s15] =	ssyncadd.s32 $0xFFFFC000  }
0x3e: {  	[tilespmem:s16], [sflag:$0x1] =	stream.indirect.gather [spmem:s2], $0x80, s26, s17, $0xb8;
	[tilespmem:$0x1E080] =	vst v63  }
0x3f: {  	_ =	swait.ge [sflag:s20], $0x4000  }
.Ltmp0:
0x40: {  	[sflag:s20] =	ssyncset.done $0x0;
	(pc) =	sbr.rel @p1 .LBB2_2-.Ltmp0, $4  }
0x41: {  	s25 =	sadd.s32 s25, s11;
	[sflag:s20] =	ssyncadd.s32 $0xFFFFC000  }
0x42: {  	[hbm4b:s25+s3] =	stream.linear.scatter [tilespmem:s18], [sflag:$0x3], $0x4000, $0x38;
	[tilespmem:$0x1E080] =	vst v63  }
0x43: {  	_ =	swait.ge [sflag:s15], $0x4000  }
0x44: {  	[sflag:s15] =	ssyncset.done $0x0  }
0x45: {  	[sflag:s15] =	ssyncadd.s32 $0xFFFFC000  }
0x46: {  	[tilespmem:s18], [sflag:$0x2] =	stream.indirect.gather [spmem:s2], $0x80, s21, s17, $0xb8;
	[tilespmem:$0x1E080] =	vst v63  }
0x47: {  	_ =	swait.ge [sflag:s19], $0x4000  }
0x48: {  	[sflag:s19] =	ssyncset.done $0x0  }
0x49: {  	[sflag:s19] =	ssyncadd.s32 $0xFFFFC000  }
0x4a: {  	[hbm4b:s9+s3] =	stream.linear.scatter [tilespmem:s16], [sflag:$0x3], $0x4000, $0x38;
	[tilespmem:$0x1E080] =	vst v63  }
0x4b: {  	_ =	swait.ge [sflag:s15], $0x4000  }
0x4c: {  	[sflag:s15] =	ssyncset.done $0x0  }
0x4d: {  	[sflag:s15] =	ssyncadd.s32 $0xFFFFC000  }
0x4e: {  	s22 =	sadd.s32 $0x1, s22;
	_ =	swait.ge [sflag:s20], $0x4000  }
0x4f: {  	p1 =	sne.s32 s22, s7;
	[sflag:s20] =	ssyncset.done $0x0  }
.Ltmp1:
0x50: {  	[sflag:s20] =	ssyncadd.s32 $0xFFFFC000;
	(pc) =	sbr.rel @p1 .LBB2_1-.Ltmp1, $4  }
0x51: {  	[hbm4b:s10+s3] =	stream.linear.scatter [tilespmem:s18], [sflag:$0x3], $0x4000, $0x38;
	[tilespmem:$0x1E080] =	vst v63  }
0x52: {  	_ =	swait.ge [sflag:s15], $0x4000  }
0x53: {  	[sflag:s15] =	ssyncset.done $0x0  }
0x54: {  	[sflag:s15] =	ssyncadd.s32 $0xFFFFC000  }
0x55: {  	_ =	sfence.sel $0x180000  }
0x56: {  	[bflag:$0x0] =	sbarrier.arrive $0xFFFF  }
0x57: {  	p0 =	sne.s32 s1, $0x0;
	_ =	strace $0x90000056  }
0x58: {  	s0 =	sadd.s32 @!p0 $0x100000, s0;
	[bflag:$0x2] =	sbarrier.arrive $0xFFFF  }
0x59: {  	[sflag:s0] =	ssyncadd.tile.s32 @!p0 $0x1;
	_ =	shalt  }
.Lfunc_end2:
_tile_overlayer_lowered:
.L_overlay_start_2:
0x5a: {  	(tag) =	ssettag $0x2  }
0x5b: {  	s0 =	rddreg [dreg:$0x0];
	s2 =	stileid.u32  }
0x5c: {  	s1 =	rddreg [dreg:$0x1];
	p0 =	sne.s32 s2, $0x0  }
0x5d: {  	s3 =	rddreg [dreg:$0x2];
	[bflag:$0x3] =	sbarrier.arrive $0xFFFF;
	s2 =	simm.s32 @!p0 $0x1C03  }
0x5e: {  	[timem:s3], [sflag:s2] =	dma.local @!p0 [hbm:s0], s1  }
0x5f: {  	s0 =	simm.s32 @!p0 $0x3  }
0x60: {  	_ =	swait.ge @!p0 [sflag:s0], s1  }
0x61: {  	s1 =	ssub.s32 @!p0 $0x0, s1;
	[sflag:s0] =	ssyncset.done @!p0 $0x0  }
0x62: {  	[sflag:s0] =	ssyncadd.s32 @!p0 s1  }
0x63: {  	[bflag:$0x3] =	sbarrier.arrive $0xFFFF  }
0x64: {  	_ =	shalt  }

// kernel: kernel.34.cloned.1.call-start
scs
__scs_entry_jumppad:
0x0: {  	(pc) =	sbr.rel $0x88, $3  }
0x1: {  	(tag) =	ssettag $0x0;
	lr =	simm.s32 $0x1  }
0x2: {  	[smem:$0x3F91] =	sst lr;
	_ =	strace $0xD0000000  }
0x3: {  	_ = 	snop  }
0x4: {  	_ = 	snop  }
0x5: {  	_ = 	snop  }
0x6: {  	_ = 	snop  }
0x7: {  	_ = 	snop  }
__scs_overlays_trampoline_lowered:
0x8: {  	[smem:$0x3FA0] =	sst s0  }
0x9: {  	[smem:$0x3FA1] =	sst s1  }
0xa: {  	[smem:$0x3FA2] =	sst s2  }
0xb: {  	[smem:$0x3FA3] =	sst s3  }
0xc: {  	[smem:$0x3FA4] =	sst s4  }
0xd: {  	[smem:$0x3FA5] =	sst s5  }
0xe: {  	[smem:$0x3FA6] =	sst s6  }
0xf: {  	[smem:$0x3FA7] =	sst s7  }
0x10: {  	[smem:$0x3FA8] =	sst s8  }
0x11: {  	[smem:$0x3FA9] =	sst s9;
	s0 =	simm.s32 @!p0 $0x0  }
0x12: {  	s1 =	sld [smem:$0x3F8F];
	s0 =	simm.s32 @p0 $0x1  }
0x13: {  	[smem:$0x3FAA] =	sst s0;
	s0 =	simm.s32 @!p1 $0x0  }
0x14: {  	s2 =	sld [smem:$0x3F8E];
	s0 =	simm.s32 @p1 $0x1  }
0x15: {  	[smem:$0x3FAB] =	sst s0;
	s0 =	simm.s32 @!p2 $0x0  }
0x16: {  	s3 =	sld [smem:$0x3FDB];
	s0 =	simm.s32 @p2 $0x1  }
0x17: {  	s4 =	simm.s32 $0x1BF5;
	[smem:$0x3FAD] =	sst s0  }
0x18: {  	s0 =	sld [smem:$0x3F90];
	_ =	swait.ge [sflag:s4], $0x0  }
0x19: {  	s7 =	sld [smem:$0x3F91]  }
0x1a: {  	s8 =	sadd.s32 $0xFFFFE003, lr  }
0x1b: {  	s9 =	sadd.s32 $0xFFFFFEF7, lr;
	s5 =	simm.s32 $0xFFFFFFFF;
	p2 =	slt.u32 s8, $0xFFFFF086  }
0x1c: {  	p1 =	slt.u32 s9, $0xF7A;
	s5 =	simm.s32 @!p2 $0x0  }
0x1d: {  	s5 =	simm.s32 @p1 $0x1;
	p0 =	seq.s32 s7, s2  }
0x1e: {  	s7 =	smul.u32 @!p0 $0xF7A, s2;
	p2 =	seq.s32 @!p0 s5, $0x0  }
0x1f: {  	s9 =	smul.u32 $0xF7A, s1;
	s8 =	simm.s32 @!p0 $0x1BF5;
	p2 =	por !p2, p0  }
0x20: {  	[sflag:s8] =	ssyncset.s32 @!p0 $0xFFFFF086;
	s6 =	sadd.s32 @!p0 s3, s7;
	s7 =	simm.s32 @!p0 $0x108  }
0x21: {  	s3 =	sadd.s32 s3, s9;
	s6 =	sadd.s32 @!p0 $0x88, s6;
	s7 =	simm.s32 @p2 $0x1082  }
0x22: {  	[simem:s7], [sflag:s8] =	dma.local @!p0 [hbm:s6], $0xF7A  }
0x23: {  	s9 =	sor.u32 $0xD0000000, s2;
	s6 =	simm.s32 $0x108;
	_ =	swait.ge @!p0 [sflag:s8], $0x0  }
0x24: {  	s3 =	sadd.s32 $0x88, s3;
	s6 =	simm.s32 @!p1 $0x1082;
	[sflag:s4] =	ssyncset.s32 $0xFFFFF086  }
0x25: {  	[simem:s6], [sflag:s4] =	dma.local [hbm:s3], $0xF7A  }
0x26: {  	[smem:$0x3F91] =	sst s1;
	(tag) =	ssettag s2;
	_ =	strace s9  }
0x27: {  	s1 =	sld [smem:$0x3FA1]  }
0x28: {  	s2 =	sld [smem:$0x3FA2]  }
0x29: {  	s4 =	sld [smem:$0x3FA4]  }
0x2a: {  	p0 =	seq.s32 s5, $0x0;
	s5 =	sld [smem:$0x3FA5]  }
0x2b: {  	s6 =	sld [smem:$0x3FA6]  }
0x2c: {  	s7 =	sld [smem:$0x3FA7]  }
0x2d: {  	s3 =	simm.s32 $0x108;
	s8 =	sld [smem:$0x3FA8]  }
0x2e: {  	s3 =	simm.s32 @!p0 $0x1082;
	s9 =	sld [smem:$0x3FA9]  }
0x2f: {  	lr =	sadd.s32 s0, s3;
	s0 =	sld [smem:$0x3FA0]  }
0x30: {  	s3 =	sld [smem:$0x3FA3]  }
0x31: {  	[smem:$0x3FAC] =	sst s10  }
0x32: {  	s10 =	sld [smem:$0x3FAA];
	_ =	sdelay $0x3  }
0x33: {  	p0 =	seq.s32 s10, $0x1;
	s10 =	sld [smem:$0x3FAC];
	_ =	sdelay $0x3  }
0x34: {  	[smem:$0x3FAC] =	sst s10  }
0x35: {  	s10 =	sld [smem:$0x3FAB];
	_ =	sdelay $0x3  }
0x36: {  	p1 =	seq.s32 s10, $0x1;
	s10 =	sld [smem:$0x3FAC];
	_ =	sdelay $0x3  }
0x37: {  	[smem:$0x3FAC] =	sst s10  }
0x38: {  	s10 =	sld [smem:$0x3FAD]  }
0x39: {  	_ = 	snop;
	(pc) =	sbr.ind lr, $3  }
0x3a: {  	_ = 	snop  }
0x3b: {  	_ = 	snop  }
0x3c: {  	p2 =	seq.s32 s10, $0x1;
	s10 =	sld [smem:$0x3FAC]  }
0x3d: {  	_ =	shalt  }
0x3e: {  	_ =	shalt  }
0x3f: {  	_ =	shalt  }
0x40: {  	_ =	shalt  }
0x41: {  	_ =	shalt  }
0x42: {  	_ =	shalt  }
0x43: {  	_ =	shalt  }
0x44: {  	_ =	shalt  }
0x45: {  	_ =	shalt  }
0x46: {  	_ =	shalt  }
0x47: {  	_ =	shalt  }
0x48: {  	_ =	shalt  }
0x49: {  	_ =	shalt  }
0x4a: {  	_ =	shalt  }
0x4b: {  	_ =	shalt  }
0x4c: {  	_ =	shalt  }
0x4d: {  	_ =	shalt  }
0x4e: {  	_ =	shalt  }
0x4f: {  	_ =	shalt  }
0x50: {  	_ =	shalt  }
0x51: {  	_ =	shalt  }
0x52: {  	_ =	shalt  }
0x53: {  	_ =	shalt  }
0x54: {  	_ =	shalt  }
0x55: {  	_ =	shalt  }
0x56: {  	_ =	shalt  }
0x57: {  	_ =	shalt  }
0x58: {  	_ =	shalt  }
0x59: {  	_ =	shalt  }
0x5a: {  	_ =	shalt  }
0x5b: {  	_ =	shalt  }
0x5c: {  	_ =	shalt  }
0x5d: {  	_ =	shalt  }
0x5e: {  	_ =	shalt  }
0x5f: {  	_ =	shalt  }
0x60: {  	_ =	shalt  }
0x61: {  	_ =	shalt  }
0x62: {  	_ =	shalt  }
0x63: {  	_ =	shalt  }
0x64: {  	_ =	shalt  }
0x65: {  	_ =	shalt  }
0x66: {  	_ =	shalt  }
0x67: {  	_ =	shalt  }
0x68: {  	_ =	shalt  }
0x69: {  	_ =	shalt  }
0x6a: {  	_ =	shalt  }
0x6b: {  	_ =	shalt  }
0x6c: {  	_ =	shalt  }
0x6d: {  	_ =	shalt  }
0x6e: {  	_ =	shalt  }
0x6f: {  	_ =	shalt  }
0x70: {  	_ =	shalt  }
0x71: {  	_ =	shalt  }
0x72: {  	_ =	shalt  }
0x73: {  	_ =	shalt  }
0x74: {  	_ =	shalt  }
0x75: {  	_ =	shalt  }
0x76: {  	_ =	shalt  }
0x77: {  	_ =	shalt  }
0x78: {  	_ =	shalt  }
0x79: {  	_ =	shalt  }
0x7a: {  	_ =	shalt  }
0x7b: {  	_ =	shalt  }
0x7c: {  	_ =	shalt  }
0x7d: {  	_ =	shalt  }
0x7e: {  	_ =	shalt  }
0x7f: {  	_ =	shalt  }
0x80: {  	_ =	shalt  }
0x81: {  	_ =	shalt  }
0x82: {  	_ =	shalt  }
0x83: {  	_ =	shalt  }
0x84: {  	_ =	shalt  }
0x85: {  	_ =	shalt  }
0x86: {  	_ =	shalt  }
0x87: {  	_ =	shalt  }
.Lfunc_end0:
.L_simem_size_0:
called_computation.6_lowered:
.L_overlay_start_0:
0x88: {  	s2 =	sld [smem:$0x3FD9]  }
0x89: {  	s3 =	sld [smem:$0x3FFE];
	_ =	sdelay $0x1  }
0x8a: {  	s1 =	srdreg.scid  }
0x8b: {  	s0 =	sand.u32 $0x1, s1  }
0x8c: {  	s16 =	sshll.u32 s0, $0xA;
	s2 =	sadd.s32 s3, s2  }
0x8d: {  	s2 =	sadd.s32 s2, s16  }
0x8e: {  	[smem:$0x3FB8] =	sst s2  }
0x8f: {  	_ = 	snop  }
0x90: {  	(tm) =	ssettm $0x1  }
0x91: {  	s17 =	sld [smem:$0x3FFB];
	_ =	sdelay $0x3  }
0x92: {  	_ =	strace s17  }
0x93: {  	s2 =	sld [smem:$0x3FFC];
	_ =	sdelay $0x3  }
0x94: {  	_ =	strace s2  }
0x95: {  	s2 =	sld [smem:$0x3FFD];
	_ =	sdelay $0x3  }
0x96: {  	_ =	strace s2  }
0x97: {  	_ =	strace $0x8FFFFFFF  }
0x98: {  	s18 =	sld [smem:$0x3FDB];
	_ =	sdelay $0x1  }
0x99: {  	s19 =	simm.s32 $_scs_section_size  }
0x9a: {  	s4 =	simm.s32 $_size__tile_overlayer_lowered;
	s5 =	simm.s32 $_tile_overlayer_lowered  }
0x9b: {  	s22 =	simm.s32 $0x1BFF;
	s21 =	sshll.u32 s5, $0x1;
	s2 =	sadd.s32 s19, s18  }
0x9c: {  	s6 =	simm.s32 $0x0;
	s20 =	sshll.u32 s4, $0x1;
	s4 =	sadd.s32 s21, s2  }
0x9d: {  	[timem:s6], [sflag:s22] =	dma.local [hbm:s4], s20  }
0x9e: {  	_ =	swait.ge [sflag:s22], s20  }
0x9f: {  	s3 =	ssub.s32 $0x0, s20;
	[sflag:s22] =	ssyncset.done $0x0  }
0xa0: {  	[sflag:s22] =	ssyncadd.s32 s3;
	_ =	sdelay $0x1  }
0xa1: {  	s23 =	simm.s32 $0x1B8B  }
0xa2: {  	_ =	swait.ge [sflag:s23], $0x1  }
0xa3: {  	[sflag:s23] =	ssyncset.done $0x0  }
0xa4: {  	s25 =	simm.s32 $0x1B8E;
	s24 =	sld [smem:$0x3FFE];
	[sflag:s23] =	ssyncadd.s32 $0xFFFFFFFF  }
0xa5: {  	s26 =	simm.s32 $execute0_lowered;
	[smem:$0x3FD2] =	sst s25  }
0xa6: {  	s4 =	sshll.u32 s26, $0x1;
	_ =	strace $0x80000058;
	[dreg:$0x1] =	wrdreg $0xFFFFFFFF  }
0xa7: {  	s28 =	simm.s32 $_size_execute0_lowered;
	s2 =	sadd.s32 s2, s4;
	[dreg:$0x0] =	wrdreg $0x0  }
0xa8: {  	s4 =	sshll.u32 s28, $0x1;
	[dreg:$0x2] =	wrdreg s2  }
0xa9: {  	[dreg:$0x3] =	wrdreg s4  }
0xaa: {  	[dreg:$0x4] =	wrdreg $0xC0  }
0xab: {  	_ =	task [dreg:s6], $0x5FFFF  }
0xac: {  	[dreg:$0x1] =	wrdreg $0xFFFFFFFF  }
0xad: {  	[dreg:$0x0] =	wrdreg $0x60  }
0xae: {  	[dreg:$0x2] =	wrdreg s24  }
0xaf: {  	[dreg:$0x3] =	wrdreg $0xA8000  }
0xb0: {  	[dreg:$0x4] =	wrdreg $0x9  }
0xb1: {  	_ =	task.clear_ibuf [dreg:s6], $0x5FFFF;
	_ =	strace $0x90000058  }
0xb2: {  	s29 =	simm.s32 $0x9;
	_ =	strace $0x8000005A  }
0xb3: {  	_ =	swait.ge [sflag:s29], $0x1  }
0xb4: {  	[sflag:s29] =	ssyncadd.s32 $0xFFFFFFFF  }
0xb5: {  	_ =	strace $0x9000005A  }
0xb6: {  	_ =	sfence  }
0xb7: {  	s30 =	sld [smem:$0x0];
	_ =	sdelay $0x2  }
0xb8: {  	s31 =	sshll.u32 s1, $0xD;
	s1 =	sshrl.u32 s1, $0x2  }
0xb9: {  	s3 =	sand.u32 $0x4000, s31;
	s1 =	sadd.s32 s1, s30  }
0xba: {  	s0 =	sor.u32 s3, s0;
	s1 =	sshll.u32 s1, $0x11  }
0xbb: {  	s0 =	sor.u32 s1, s0  }
0xbc: {  	s0 =	sadd.s32 $0x8F2B, s0  }
0xbd: {  	[sflag:s0] =	ssyncadd.remote.s32 $0x1  }
0xbe: {  	_ =	sfence.sel $0xFFFF  }
0xbf: {  	[dreg:$0x0] =	wrdreg $0xFFFFFFFF;
	(pc) =	sbr.abs _section_cstart, $3  }
0xc0: {  	[dreg:$0x1] =	wrdreg $0xFFFFFFFF  }
0xc1: {  	_ =	task.clear_ibuf [dreg:s6], $0x2FFFF;
	_ =	strace $0x9FFFFFFF  }
0xc2: {  	(tm) =	ssettm $0x7FFFFFFF  }
0xc3: {  	_ =	shalt  }
tec
execute0_lowered:
.L_overlay_start_1:
0x0: {  	(tag) =	ssettag $0x1  }
0x1: {  	s4 =	rddreg [dreg:$0x0];
	s0 =	srdreg.scid  }
0x2: {  	s2 =	rddreg [dreg:$0x1];
	s24 =	stileid.u32;
	s3 =	simm.s32 $0x0  }
0x3: {  	s18 =	simm.s32 $0x3;
	s19 =	simm.s32 $0x6800;
	s7 =	smul.u32 $0x2800, s24  }
0x4: {  	s20 =	simm.s32 $0x1;
	s21 =	simm.s32 $0x80;
	s25 =	smul.u32 $0x4F000, s24  }
0x5: {  	s22 =	simm.s32 $0x2;
	s23 =	stileid.u32;
	s11 =	smul.u32 $0x140000, s24  }
0x6: {  	s5 =	sand.u32 $0x1, s0;
	[smem:$0x7FF] =	sst s3;
	s15 =	smul.u32 $0x13C00, s24  }
0x7: {  	s16 =	sadd.s32 $0x54800, s4;
	s12 =	sadd.s32 $0x5B6800, s4;
	s6 =	smul.u32 $0x28000, s5  }
0x8: {  	p0 =	seq.s32 s24, $0xF;
	s24 =	simm.s32 $0x2780;
	s10 =	smul.u32 $0x1400000, s5  }
0x9: {  	_ =	strace $0x80000059;
	s26 =	ssub.s32 $0x2, s5;
	s13 =	smul.u32 $0x138800, s5  }
0xa: {  	s28 =	sshrl.u32 s25, $0x2;
	s29 =	sshrl.u32 s26, $0x1;
	s25 =	sadd.s32 $0x128400, s2  }
0xb: {  	s6 =	sadd.s32 s7, s6;
	s14 =	ssub.s32 s26, s29;
	s17 =	sadd.s32 s11, s10  }
0xc: {  	s30 =	sadd.s32 s15, s13;
	s13 =	sshrl.u32 s13, $0x3;
	s25 =	sshrl.u32 @p0 s25, $0x3  }
0xd: {  	s26 =	simm.s32 $0x0;
	s6 =	sshrl.u32 s6, $0x3;
	s11 =	sshrl.u32 s17, $0x3  }
0xe: {  	s15 =	sshrl.u32 s30, $0x3;
	s31 =	sor.u32 $0x8000, s17;
	s17 =	sor.u32 $0x4000, s17  }
0xf: {  	s9 =	sadd.s32 s6, s4;
	s4 =	sadd.s32 s28, s2;
	s10 =	sadd.s32 s16, s11  }
0x10: {  	s11 =	sadd.s32 s12, s15;
	s12 =	sadd.s32 s12, s13;
	s13 =	smax.u32 s14, $0x1  }
0x11: {  	s15 =	sshrl.u32 s31, $0x3;
	s17 =	sshrl.u32 s17, $0x3;
	s5 =	sadd.s32 $0x4000, s4  }
0x12: {  	s6 =	sadd.s32 $0x8000, s4;
	s7 =	sadd.s32 $0xC000, s4;
	s8 =	sadd.s32 $0x10000, s4  }
0x13: {  	s9 =	sadd.s32 $0x55E600, s9;
	s12 =	sadd.s32 $0x25080, s12;
	s14 =	sadd.s32 $0x27800, s10  }
0x14: {  	v0 =	vimm.f32 $0.0e+00;
	s15 =	sadd.s32 s15, s16;
	s16 =	sadd.s32 s17, s16;
	s17 =	simm.s32 $0x2800  }
.LBB2_1:
0x15: {  	s28 =	simm.s32 $0x0;
	s29 =	simm.s32 $0x200  }
.LBB2_2:
0x16: {  	p1 =	sne.s32 s29, $0xFE00;
	[tilespmem:s28+$0x2870] =	vst v0  }
0x17: {  	[tilespmem:s28+$0x2800] =	vst v0  }
0x18: {  	[tilespmem:s28+$0x2810] =	vst v0  }
.Ltmp0:
0x19: {  	[tilespmem:s28+$0x2820] =	vst v0;
	(pc) =	sbr.rel @p1 .LBB2_2-.Ltmp0, $4  }
0x1a: {  	[tilespmem:s28+$0x2830] =	vst v0  }
0x1b: {  	[tilespmem:s28+$0x2840] =	vst v0  }
0x1c: {  	[tilespmem:s28+$0x2850] =	vst v0  }
0x1d: {  	[tilespmem:s28+$0x2860] =	vst v0;
	s28 =	sshra.s32 s29, $0x2;
	s29 =	sadd.s32 $0x200, s29  }
0x1e: {  	[tilespmem:s28+$0x2870] =	vst v0  }
0x1f: {  	[tilespmem:s28+$0x2800] =	vst v0  }
0x20: {  	[tilespmem:s28+$0x2810] =	vst v0  }
0x21: {  	[tilespmem:s28+$0x2820] =	vst v0  }
0x22: {  	[tilespmem:s28+$0x2830] =	vst v0  }
0x23: {  	[tilespmem:s28+$0x2840] =	vst v0  }
0x24: {  	[tilespmem:s28+$0x2850] =	vst v0  }
0x25: {  	[tilespmem:s28+$0x2860] =	vst v0  }
0x26: {  	[spmem:s4] =	stream.linear.scatter [tilespmem:s17], [sflag:$0x3], $0x4000, $0x38;
	[tilespmem:$0x1E400] =	vst v63  }
0x27: {  	_ =	swait.ge [sflag:s18], $0x4000  }
0x28: {  	[sflag:s18] =	ssyncset.done $0x0  }
0x29: {  	[sflag:s18] =	ssyncadd.s32 $0xFFFFC000  }
0x2a: {  	[spmem:s5] =	stream.linear.scatter [tilespmem:s17], [sflag:$0x3], $0x4000, $0x38;
	[tilespmem:$0x1E400] =	vst v63  }
0x2b: {  	_ =	swait.ge [sflag:s18], $0x4000  }
0x2c: {  	[sflag:s18] =	ssyncset.done $0x0  }
0x2d: {  	[sflag:s18] =	ssyncadd.s32 $0xFFFFC000  }
0x2e: {  	[spmem:s6] =	stream.linear.scatter [tilespmem:s17], [sflag:$0x3], $0x4000, $0x38;
	[tilespmem:$0x1E400] =	vst v63  }
0x2f: {  	_ =	swait.ge [sflag:s18], $0x4000  }
0x30: {  	[sflag:s18] =	ssyncset.done $0x0  }
0x31: {  	[sflag:s18] =	ssyncadd.s32 $0xFFFFC000  }
0x32: {  	[spmem:s7] =	stream.linear.scatter [tilespmem:s17], [sflag:$0x3], $0x4000, $0x38;
	[tilespmem:$0x1E400] =	vst v63  }
0x33: {  	_ =	swait.ge [sflag:s18], $0x4000  }
0x34: {  	[sflag:s18] =	ssyncset.done $0x0  }
0x35: {  	[sflag:s18] =	ssyncadd.s32 $0xFFFFC000  }
0x36: {  	[spmem:s8] =	stream.linear.scatter [tilespmem:s17], [sflag:$0x3], $0x3C00, $0x38;
	[tilespmem:$0x1E400] =	vst v63  }
0x37: {  	_ =	swait.ge [sflag:s18], $0x3C00  }
0x38: {  	[sflag:s18] =	ssyncset.done $0x0  }
0x39: {  	[sflag:s18] =	ssyncadd.s32 $0xFFFFC400  }
0x3a: {  	s28 =	simm.s32 $0x0;
	[bflag:$0x0] =	sbarrier.arrive $0xFFFF  }
0x3b: {  	[tilespmem:s28], [sflag:$0x3] =	stream.linear.gather [hbm4b:s9+s28], $0x2800, $0x38;
	[tilespmem:$0x1E400] =	vst v63  }
0x3c: {  	_ =	swait.ge [sflag:s18], $0x2800  }
0x3d: {  	[sflag:s18] =	ssyncset.done $0x0  }
0x3e: {  	[sflag:s18] =	ssyncadd.s32 $0xFFFFD800  }
0x3f: {  	[tilespmem:s17], [sflag:$0x1] =	stream.linear.gather [hbm4b:s10+s28], $0x4000, $0x38;
	[tilespmem:$0x1E400] =	vst v63  }
0x40: {  	s29 =	sadd.s32 $0x0, s16  }
0x41: {  	[tilespmem:s19], [sflag:$0x2] =	stream.linear.gather [hbm4b:s29+s3], $0x4000, $0x38;
	[tilespmem:$0x1E400] =	vst v63  }
0x42: {  	_ =	swait.ge [sflag:s20], $0x4000  }
0x43: {  	[sflag:s20] =	ssyncset.done $0x0  }
0x44: {  	[sflag:s20] =	ssyncadd.s32 $0xFFFFC000  }
0x45: {  	[spmem:s2] =	stream.indirect.scatter.add.f32 [tilespmem:s17], [sflag:$0x3], $0x80, s28, s21, $0xb8;
	[tilespmem:$0x1E400] =	vst v63  }
0x46: {  	_ =	swait.ge [sflag:s18], $0x4000  }
0x47: {  	[sflag:s18] =	ssyncset.done $0x0  }
0x48: {  	s28 =	sadd.s32 $0x0, s15;
	[sflag:s18] =	ssyncadd.s32 $0xFFFFC000  }
0x49: {  	[tilespmem:s17], [sflag:$0x1] =	stream.linear.gather [hbm4b:s28+s3], $0x4000, $0x38;
	[tilespmem:$0x1E400] =	vst v63  }
0x4a: {  	_ =	swait.ge [sflag:s22], $0x4000  }
0x4b: {  	[sflag:s22] =	ssyncset.done $0x0  }
0x4c: {  	s28 =	simm.s32 $0x80;
	[sflag:s22] =	ssyncadd.s32 $0xFFFFC000  }
0x4d: {  	[spmem:s2] =	stream.indirect.scatter.add.f32 [tilespmem:s19], [sflag:$0x3], $0x80, s28, s21, $0xb8;
	[tilespmem:$0x1E400] =	vst v63  }
0x4e: {  	s30 =	simm.s32 $0x2000;
	_ =	swait.ge [sflag:s18], $0x4000  }
0x4f: {  	s29 =	simm.s32 $0x1000;
	s28 =	simm.s32 $0x100;
	[sflag:s18] =	ssyncset.done $0x0  }
.LBB2_4:
0x50: {  	s31 =	sadd.s32 s29, s16  }
0x51: {  	[sflag:s18] =	ssyncadd.s32 $0xFFFFC000;
	s0 =	smov.u32 s30;
	s1 =	sadd.s32 $0x1000, s30  }
0x52: {  	[tilespmem:s19], [sflag:$0x2] =	stream.linear.gather [hbm4b:s31+s3], $0x4000, $0x38;
	[tilespmem:$0x1E400] =	vst v63  }
0x53: {  	p1 =	sne.s32 s30, $0x26000;
	_ =	swait.ge [sflag:s20], $0x4000  }
0x54: {  	[sflag:s20] =	ssyncset.done $0x0  }
0x55: {  	[sflag:s20] =	ssyncadd.s32 $0xFFFFC000  }
0x56: {  	[spmem:s2] =	stream.indirect.scatter.add.f32 [tilespmem:s17], [sflag:$0x3], $0x80, s28, s21, $0xb8;
	[tilespmem:$0x1E400] =	vst v63  }
0x57: {  	_ =	swait.ge [sflag:s18], $0x4000  }
0x58: {  	[sflag:s18] =	ssyncset.done $0x0  }
0x59: {  	s30 =	sadd.s32 s29, s15;
	s29 =	smov.u32 s0;
	[sflag:s18] =	ssyncadd.s32 $0xFFFFC000  }
0x5a: {  	[tilespmem:s17], [sflag:$0x1] =	stream.linear.gather [hbm4b:s30+s3], $0x4000, $0x38;
	[tilespmem:$0x1E400] =	vst v63  }
0x5b: {  	_ =	swait.ge [sflag:s22], $0x4000  }
.Ltmp1:
0x5c: {  	[sflag:s22] =	ssyncset.done $0x0;
	(pc) =	sbr.rel @p1 .LBB2_4-.Ltmp1, $4  }
0x5d: {  	s0 =	sadd.s32 $0x80, s28;
	[sflag:s22] =	ssyncadd.s32 $0xFFFFC000  }
0x5e: {  	[spmem:s2] =	stream.indirect.scatter.add.f32 [tilespmem:s19], [sflag:$0x3], $0x80, s0, s21, $0xb8;
	[tilespmem:$0x1E400] =	vst v63  }
0x5f: {  	_ =	swait.ge [sflag:s18], $0x4000  }
0x60: {  	s28 =	sadd.s32 $0x100, s28;
	s30 =	smov.u32 s1;
	[sflag:s18] =	ssyncset.done $0x0  }
0x61: {  	s0 =	sadd.s32 s29, s16;
	[sflag:s18] =	ssyncadd.s32 $0xFFFFC000  }
0x62: {  	[tilespmem:s19], [sflag:$0x2] =	stream.linear.gather [hbm4b:s0+s3], $0x4000, $0x38;
	[tilespmem:$0x1E400] =	vst v63  }
0x63: {  	_ =	swait.ge [sflag:s20], $0x4000  }
0x64: {  	[sflag:s20] =	ssyncset.done $0x0  }
0x65: {  	[sflag:s20] =	ssyncadd.s32 $0xFFFFC000  }
0x66: {  	[spmem:s2] =	stream.indirect.scatter.add.f32 [tilespmem:s17], [sflag:$0x3], $0x80, s28, s21, $0xb8;
	[tilespmem:$0x1E400] =	vst v63  }
0x67: {  	_ =	swait.ge [sflag:s18], $0x4000  }
0x68: {  	[sflag:s18] =	ssyncset.done $0x0  }
0x69: {  	s29 =	sadd.s32 s29, s15;
	[sflag:s18] =	ssyncadd.s32 $0xFFFFC000  }
0x6a: {  	[tilespmem:s17], [sflag:$0x1] =	stream.linear.gather [hbm4b:s29+s3], $0x4000, $0x38;
	[tilespmem:$0x1E400] =	vst v63  }
0x6b: {  	_ =	swait.ge [sflag:s22], $0x4000  }
0x6c: {  	[sflag:s22] =	ssyncset.done $0x0  }
0x6d: {  	s30 =	sadd.s32 $0x80, s28;
	[sflag:s22] =	ssyncadd.s32 $0xFFFFC000  }
0x6e: {  	[spmem:s2] =	stream.indirect.scatter.add.f32 [tilespmem:s19], [sflag:$0x3], $0x80, s30, s21, $0xb8;
	[tilespmem:$0x1E400] =	vst v63  }
0x6f: {  	_ =	swait.ge [sflag:s18], $0x4000  }
0x70: {  	[sflag:s18] =	ssyncset.done $0x0  }
0x71: {  	[sflag:s18] =	ssyncadd.s32 $0xFFFFC000  }
0x72: {  	[tilespmem:s19], [sflag:$0x2] =	stream.linear.gather [hbm4b:s14+s3], $0x4000, $0x38;
	[tilespmem:$0x1E400] =	vst v63  }
0x73: {  	_ =	swait.ge [sflag:s20], $0x4000  }
0x74: {  	[sflag:s20] =	ssyncset.done $0x0  }
0x75: {  	s31 =	simm.s32 $0x2700;
	[sflag:s20] =	ssyncadd.s32 $0xFFFFC000  }
0x76: {  	[spmem:s2] =	stream.indirect.scatter.add.f32 [tilespmem:s17], [sflag:$0x3], $0x80, s31, s21, $0xb8;
	[tilespmem:$0x1E400] =	vst v63  }
0x77: {  	_ =	swait.ge [sflag:s18], $0x4000  }
0x78: {  	[sflag:s18] =	ssyncset.done $0x0  }
0x79: {  	[sflag:s18] =	ssyncadd.s32 $0xFFFFC000  }
0x7a: {  	_ =	swait.ge [sflag:s22], $0x4000  }
0x7b: {  	[sflag:s22] =	ssyncset.done $0x0  }
0x7c: {  	[sflag:s22] =	ssyncadd.s32 $0xFFFFC000  }
0x7d: {  	[spmem:s2] =	stream.indirect.scatter.add.f32 [tilespmem:s19], [sflag:$0x3], $0x80, s24, s21, $0xb8;
	[tilespmem:$0x1E400] =	vst v63  }
0x7e: {  	_ =	swait.ge [sflag:s18], $0x4000  }
0x7f: {  	[sflag:s18] =	ssyncset.done $0x0  }
0x80: {  	[sflag:s18] =	ssyncadd.s32 $0xFFFFC000  }
0x81: {  	s0 =	simm.s32 @p0 $0x1FC3;
	[bflag:$0x0] =	sbarrier.arrive $0xFFFF  }
0x82: {  	[hbm:s12], [sflag:s0] =	dma.local @p0 [spmem:s25], $0x2080  }
0x83: {  	s0 =	simm.s32 @p0 $0x3  }
0x84: {  	s26 =	sadd.s32 $0x1, s26;
	_ =	swait.ge @p0 [sflag:s0], $0x2080  }
0x85: {  	s1 =	sshll.u32 @!p0 s23, $0x6;
	p1 =	sne.s32 s26, s13;
	[sflag:s0] =	ssyncset.done @p0 $0x0  }
0x86: {  	[sflag:s0] =	ssyncadd.s32 @p0 $0xFFFFDF80;
	s0 =	sor.u32 @!p0 $0x1C03, s1;
	s1 =	sshrl.u32 @!p0 s4, $0x3  }
0x87: {  	[hbm:s11], [sflag:s0] =	dma.local @!p0 [spmem:s1], $0x2780  }
.Ltmp2:
0x88: {  	_ = 	snop;
	(pc) =	sbr.rel @p1 .LBB2_1-.Ltmp2, $4  }
0x89: {  	s0 =	simm.s32 @!p0 $0x3  }
0x8a: {  	_ =	swait.ge @!p0 [sflag:s0], $0x2780  }
0x8b: {  	[sflag:s0] =	ssyncset.done @!p0 $0x0  }
0x8c: {  	[sflag:s0] =	ssyncadd.s32 @!p0 $0xFFFFD880  }
0x8d: {  	_ =	sfence.sel $0x180000  }
0x8e: {  	[bflag:$0x0] =	sbarrier.arrive $0xFFFF  }
0x8f: {  	_ =	strace $0x90000059  }
0x90: {  	[bflag:$0x2] =	sbarrier.arrive $0xFFFF  }
0x91: {  	p0 =	sne.s32 s23, $0x0;
	s0 =	rddreg [dreg:$0x2]  }
0x92: {  	s0 =	sadd.s32 @!p0 $0x100000, s0  }
0x93: {  	[sflag:s0] =	ssyncadd.tile.s32 @!p0 $0x1;
	_ =	shalt  }
.Lfunc_end2:
_tile_overlayer_lowered:
.L_overlay_start_2:
0x94: {  	(tag) =	ssettag $0x2  }
0x95: {  	s0 =	rddreg [dreg:$0x0];
	s2 =	stileid.u32  }
0x96: {  	s1 =	rddreg [dreg:$0x1];
	p0 =	sne.s32 s2, $0x0  }
0x97: {  	s3 =	rddreg [dreg:$0x2];
	[bflag:$0x3] =	sbarrier.arrive $0xFFFF;
	s2 =	simm.s32 @!p0 $0x1C03  }
0x98: {  	[timem:s3], [sflag:s2] =	dma.local @!p0 [hbm:s0], s1  }
0x99: {  	s0 =	simm.s32 @!p0 $0x3  }
0x9a: {  	_ =	swait.ge @!p0 [sflag:s0], s1  }
0x9b: {  	s1 =	ssub.s32 @!p0 $0x0, s1;
	[sflag:s0] =	ssyncset.done @!p0 $0x0  }
0x9c: {  	[sflag:s0] =	ssyncadd.s32 @!p0 s1  }
0x9d: {  	[bflag:$0x3] =	sbarrier.arrive $0xFFFF  }
0x9e: {  	_ =	shalt  }

// kernel: kernel.37.cloned.1.call-start
scs
__scs_entry_jumppad:
0x0: {  	(pc) =	sbr.rel $0x88, $3  }
0x1: {  	(tag) =	ssettag $0x0;
	lr =	simm.s32 $0x1  }
0x2: {  	[smem:$0x3F91] =	sst lr;
	_ =	strace $0xD0000000  }
0x3: {  	_ = 	snop  }
0x4: {  	_ = 	snop  }
0x5: {  	_ = 	snop  }
0x6: {  	_ = 	snop  }
0x7: {  	_ = 	snop  }
__scs_overlays_trampoline_lowered:
0x8: {  	[smem:$0x3FA0] =	sst s0  }
0x9: {  	[smem:$0x3FA1] =	sst s1  }
0xa: {  	[smem:$0x3FA2] =	sst s2  }
0xb: {  	[smem:$0x3FA3] =	sst s3  }
0xc: {  	[smem:$0x3FA4] =	sst s4  }
0xd: {  	[smem:$0x3FA5] =	sst s5  }
0xe: {  	[smem:$0x3FA6] =	sst s6  }
0xf: {  	[smem:$0x3FA7] =	sst s7  }
0x10: {  	[smem:$0x3FA8] =	sst s8  }
0x11: {  	[smem:$0x3FA9] =	sst s9;
	s0 =	simm.s32 @!p0 $0x0  }
0x12: {  	s1 =	sld [smem:$0x3F8F];
	s0 =	simm.s32 @p0 $0x1  }
0x13: {  	[smem:$0x3FAA] =	sst s0;
	s0 =	simm.s32 @!p1 $0x0  }
0x14: {  	s2 =	sld [smem:$0x3F8E];
	s0 =	simm.s32 @p1 $0x1  }
0x15: {  	[smem:$0x3FAB] =	sst s0;
	s0 =	simm.s32 @!p2 $0x0  }
0x16: {  	s3 =	sld [smem:$0x3FDB];
	s0 =	simm.s32 @p2 $0x1  }
0x17: {  	s4 =	simm.s32 $0x1BF5;
	[smem:$0x3FAD] =	sst s0  }
0x18: {  	s0 =	sld [smem:$0x3F90];
	_ =	swait.ge [sflag:s4], $0x0  }
0x19: {  	s7 =	sld [smem:$0x3F91]  }
0x1a: {  	s8 =	sadd.s32 $0xFFFFE003, lr  }
0x1b: {  	s9 =	sadd.s32 $0xFFFFFEF7, lr;
	s5 =	simm.s32 $0xFFFFFFFF;
	p2 =	slt.u32 s8, $0xFFFFF086  }
0x1c: {  	p1 =	slt.u32 s9, $0xF7A;
	s5 =	simm.s32 @!p2 $0x0  }
0x1d: {  	s5 =	simm.s32 @p1 $0x1;
	p0 =	seq.s32 s7, s2  }
0x1e: {  	s7 =	smul.u32 @!p0 $0xF7A, s2;
	p2 =	seq.s32 @!p0 s5, $0x0  }
0x1f: {  	s9 =	smul.u32 $0xF7A, s1;
	s8 =	simm.s32 @!p0 $0x1BF5;
	p2 =	por !p2, p0  }
0x20: {  	[sflag:s8] =	ssyncset.s32 @!p0 $0xFFFFF086;
	s6 =	sadd.s32 @!p0 s3, s7;
	s7 =	simm.s32 @!p0 $0x108  }
0x21: {  	s3 =	sadd.s32 s3, s9;
	s6 =	sadd.s32 @!p0 $0x88, s6;
	s7 =	simm.s32 @p2 $0x1082  }
0x22: {  	[simem:s7], [sflag:s8] =	dma.local @!p0 [hbm:s6], $0xF7A  }
0x23: {  	s9 =	sor.u32 $0xD0000000, s2;
	s6 =	simm.s32 $0x108;
	_ =	swait.ge @!p0 [sflag:s8], $0x0  }
0x24: {  	s3 =	sadd.s32 $0x88, s3;
	s6 =	simm.s32 @!p1 $0x1082;
	[sflag:s4] =	ssyncset.s32 $0xFFFFF086  }
0x25: {  	[simem:s6], [sflag:s4] =	dma.local [hbm:s3], $0xF7A  }
0x26: {  	[smem:$0x3F91] =	sst s1;
	(tag) =	ssettag s2;
	_ =	strace s9  }
0x27: {  	s1 =	sld [smem:$0x3FA1]  }
0x28: {  	s2 =	sld [smem:$0x3FA2]  }
0x29: {  	s4 =	sld [smem:$0x3FA4]  }
0x2a: {  	p0 =	seq.s32 s5, $0x0;
	s5 =	sld [smem:$0x3FA5]  }
0x2b: {  	s6 =	sld [smem:$0x3FA6]  }
0x2c: {  	s7 =	sld [smem:$0x3FA7]  }
0x2d: {  	s3 =	simm.s32 $0x108;
	s8 =	sld [smem:$0x3FA8]  }
0x2e: {  	s3 =	simm.s32 @!p0 $0x1082;
	s9 =	sld [smem:$0x3FA9]  }
0x2f: {  	lr =	sadd.s32 s0, s3;
	s0 =	sld [smem:$0x3FA0]  }
0x30: {  	s3 =	sld [smem:$0x3FA3]  }
0x31: {  	[smem:$0x3FAC] =	sst s10  }
0x32: {  	s10 =	sld [smem:$0x3FAA];
	_ =	sdelay $0x3  }
0x33: {  	p0 =	seq.s32 s10, $0x1;
	s10 =	sld [smem:$0x3FAC];
	_ =	sdelay $0x3  }
0x34: {  	[smem:$0x3FAC] =	sst s10  }
0x35: {  	s10 =	sld [smem:$0x3FAB];
	_ =	sdelay $0x3  }
0x36: {  	p1 =	seq.s32 s10, $0x1;
	s10 =	sld [smem:$0x3FAC];
	_ =	sdelay $0x3  }
0x37: {  	[smem:$0x3FAC] =	sst s10  }
0x38: {  	s10 =	sld [smem:$0x3FAD]  }
0x39: {  	_ = 	snop;
	(pc) =	sbr.ind lr, $3  }
0x3a: {  	_ = 	snop  }
0x3b: {  	_ = 	snop  }
0x3c: {  	p2 =	seq.s32 s10, $0x1;
	s10 =	sld [smem:$0x3FAC]  }
0x3d: {  	_ =	shalt  }
0x3e: {  	_ =	shalt  }
0x3f: {  	_ =	shalt  }
0x40: {  	_ =	shalt  }
0x41: {  	_ =	shalt  }
0x42: {  	_ =	shalt  }
0x43: {  	_ =	shalt  }
0x44: {  	_ =	shalt  }
0x45: {  	_ =	shalt  }
0x46: {  	_ =	shalt  }
0x47: {  	_ =	shalt  }
0x48: {  	_ =	shalt  }
0x49: {  	_ =	shalt  }
0x4a: {  	_ =	shalt  }
0x4b: {  	_ =	shalt  }
0x4c: {  	_ =	shalt  }
0x4d: {  	_ =	shalt  }
0x4e: {  	_ =	shalt  }
0x4f: {  	_ =	shalt  }
0x50: {  	_ =	shalt  }
0x51: {  	_ =	shalt  }
0x52: {  	_ =	shalt  }
0x53: {  	_ =	shalt  }
0x54: {  	_ =	shalt  }
0x55: {  	_ =	shalt  }
0x56: {  	_ =	shalt  }
0x57: {  	_ =	shalt  }
0x58: {  	_ =	shalt  }
0x59: {  	_ =	shalt  }
0x5a: {  	_ =	shalt  }
0x5b: {  	_ =	shalt  }
0x5c: {  	_ =	shalt  }
0x5d: {  	_ =	shalt  }
0x5e: {  	_ =	shalt  }
0x5f: {  	_ =	shalt  }
0x60: {  	_ =	shalt  }
0x61: {  	_ =	shalt  }
0x62: {  	_ =	shalt  }
0x63: {  	_ =	shalt  }
0x64: {  	_ =	shalt  }
0x65: {  	_ =	shalt  }
0x66: {  	_ =	shalt  }
0x67: {  	_ =	shalt  }
0x68: {  	_ =	shalt  }
0x69: {  	_ =	shalt  }
0x6a: {  	_ =	shalt  }
0x6b: {  	_ =	shalt  }
0x6c: {  	_ =	shalt  }
0x6d: {  	_ =	shalt  }
0x6e: {  	_ =	shalt  }
0x6f: {  	_ =	shalt  }
0x70: {  	_ =	shalt  }
0x71: {  	_ =	shalt  }
0x72: {  	_ =	shalt  }
0x73: {  	_ =	shalt  }
0x74: {  	_ =	shalt  }
0x75: {  	_ =	shalt  }
0x76: {  	_ =	shalt  }
0x77: {  	_ =	shalt  }
0x78: {  	_ =	shalt  }
0x79: {  	_ =	shalt  }
0x7a: {  	_ =	shalt  }
0x7b: {  	_ =	shalt  }
0x7c: {  	_ =	shalt  }
0x7d: {  	_ =	shalt  }
0x7e: {  	_ =	shalt  }
0x7f: {  	_ =	shalt  }
0x80: {  	_ =	shalt  }
0x81: {  	_ =	shalt  }
0x82: {  	_ =	shalt  }
0x83: {  	_ =	shalt  }
0x84: {  	_ =	shalt  }
0x85: {  	_ =	shalt  }
0x86: {  	_ =	shalt  }
0x87: {  	_ =	shalt  }
.Lfunc_end0:
.L_simem_size_0:
called_computation.7_lowered:
.L_overlay_start_0:
0x88: {  	s2 =	sld [smem:$0x3FD9]  }
0x89: {  	s3 =	sld [smem:$0x3FFE];
	_ =	sdelay $0x1  }
0x8a: {  	s1 =	srdreg.scid  }
0x8b: {  	s0 =	sand.u32 $0x1, s1  }
0x8c: {  	s17 =	sshll.u32 s0, $0xA;
	s2 =	sadd.s32 s3, s2  }
0x8d: {  	s2 =	sadd.s32 s2, s17  }
0x8e: {  	[smem:$0x3FB8] =	sst s2  }
0x8f: {  	_ = 	snop  }
0x90: {  	s2 =	sld [smem:$0x3FD0];
	(tm) =	ssettm $0x1  }
0x91: {  	s18 =	sld [smem:$0x3FFB];
	_ =	sdelay $0x3  }
0x92: {  	_ =	strace s18  }
0x93: {  	s3 =	sld [smem:$0x3FFC];
	_ =	sdelay $0x3  }
0x94: {  	_ =	strace s3  }
0x95: {  	s3 =	sld [smem:$0x3FFD];
	_ =	sdelay $0x3  }
0x96: {  	_ =	strace s3  }
0x97: {  	_ =	strace $0x8FFFFFFF  }
0x98: {  	s19 =	sld [smem:$0x3FDB];
	_ =	sdelay $0x1  }
0x99: {  	s4 =	simm.s32 $_scs_section_size  }
0x9a: {  	s5 =	simm.s32 $_size__tile_overlayer_lowered;
	s6 =	simm.s32 $_tile_overlayer_lowered  }
0x9b: {  	s22 =	simm.s32 $0x1BFF;
	s21 =	sshll.u32 s6, $0x1;
	s3 =	sadd.s32 s4, s19  }
0x9c: {  	s7 =	simm.s32 $0x0;
	s20 =	sshll.u32 s5, $0x1;
	s5 =	sadd.s32 s21, s3  }
0x9d: {  	[timem:s7], [sflag:s22] =	dma.local [hbm:s5], s20  }
0x9e: {  	_ =	swait.ge [sflag:s22], s20  }
0x9f: {  	s4 =	ssub.s32 $0x0, s20;
	[sflag:s22] =	ssyncset.done $0x0  }
0xa0: {  	[sflag:s22] =	ssyncadd.s32 s4;
	_ =	sdelay $0x1  }
0xa1: {  	s23 =	simm.s32 $0x1B8B  }
0xa2: {  	_ =	swait.ge [sflag:s23], $0x1  }
0xa3: {  	[sflag:s23] =	ssyncset.done $0x0  }
0xa4: {  	s25 =	simm.s32 $0x1B8E;
	s24 =	sld [smem:$0x3FFE];
	[sflag:s23] =	ssyncadd.s32 $0xFFFFFFFF  }
0xa5: {  	s26 =	simm.s32 $execute0_lowered;
	[smem:$0x3FD2] =	sst s25  }
0xa6: {  	s5 =	sshll.u32 s26, $0x1;
	_ =	strace $0x8000005B;
	[dreg:$0x1] =	wrdreg $0xFFFFFFFF  }
0xa7: {  	s28 =	simm.s32 $_size_execute0_lowered;
	s3 =	sadd.s32 s3, s5;
	[dreg:$0x0] =	wrdreg $0x0  }
0xa8: {  	s5 =	sshll.u32 s28, $0x1;
	[dreg:$0x2] =	wrdreg s3  }
0xa9: {  	[dreg:$0x3] =	wrdreg s5  }
0xaa: {  	[dreg:$0x4] =	wrdreg $0xC0  }
0xab: {  	_ =	task [dreg:s7], $0x5FFFF  }
0xac: {  	[dreg:$0x1] =	wrdreg $0xFFFFFFFF  }
0xad: {  	[dreg:$0x0] =	wrdreg $0x60  }
0xae: {  	[dreg:$0x2] =	wrdreg s24  }
0xaf: {  	[dreg:$0x3] =	wrdreg s2  }
0xb0: {  	[dreg:$0x4] =	wrdreg $0xA8000  }
0xb1: {  	[dreg:$0x5] =	wrdreg $0x9  }
0xb2: {  	_ =	task.clear_ibuf [dreg:s7], $0x6FFFF;
	_ =	strace $0x9000005B  }
0xb3: {  	s29 =	simm.s32 $0x9;
	_ =	strace $0x8000005D  }
0xb4: {  	_ =	swait.ge [sflag:s29], $0x1  }
0xb5: {  	[sflag:s29] =	ssyncadd.s32 $0xFFFFFFFF  }
0xb6: {  	_ =	strace $0x9000005D  }
0xb7: {  	_ =	sfence  }
0xb8: {  	s30 =	sld [smem:$0x0];
	_ =	sdelay $0x2  }
0xb9: {  	s31 =	sshll.u32 s1, $0xD;
	s1 =	sshrl.u32 s1, $0x2  }
0xba: {  	s3 =	sand.u32 $0x4000, s31;
	s1 =	sadd.s32 s1, s30  }
0xbb: {  	s0 =	sor.u32 s3, s0;
	s1 =	sshll.u32 s1, $0x11  }
0xbc: {  	s0 =	sor.u32 s1, s0  }
0xbd: {  	s0 =	sadd.s32 $0x8F2B, s0  }
0xbe: {  	[sflag:s0] =	ssyncadd.remote.s32 $0x1  }
0xbf: {  	_ =	sfence.sel $0xFFFF  }
0xc0: {  	[dreg:$0x0] =	wrdreg $0xFFFFFFFF;
	(pc) =	sbr.abs _section_cstart, $3  }
0xc1: {  	[dreg:$0x1] =	wrdreg $0xFFFFFFFF  }
0xc2: {  	_ =	task.clear_ibuf [dreg:s7], $0x2FFFF;
	_ =	strace $0x9FFFFFFF  }
0xc3: {  	(tm) =	ssettm $0x7FFFFFFF  }
tec
execute0_lowered:
.L_overlay_start_1:
0x0: {  	(tag) =	ssettag $0x1  }
0x1: {  	s5 =	rddreg [dreg:$0x0]  }
0x2: {  	s6 =	rddreg [dreg:$0x1]  }
0x3: {  	s2 =	rddreg [dreg:$0x2]  }
0x4: {  	s0 =	rddreg [dreg:$0x3]  }
0x5: {  	s1 =	stileid.u32;
	s7 =	srdreg.scid  }
0x6: {  	s3 =	simm.s32 $0x0;
	s16 =	simm.s32 $0x2800;
	s17 =	simm.s32 $0x80  }
0x7: {  	s18 =	simm.s32 $0x6800;
	s19 =	simm.s32 $0x1;
	s4 =	smul.u32 $0x2780, s1  }
0x8: {  	s20 =	simm.s32 $0x2;
	s21 =	simm.s32 $0x2780;
	s8 =	smul.u32 $0x4F000, s1  }
0x9: {  	s22 =	simm.s32 $0x0;
	s7 =	sand.u32 $0x1, s7;
	s10 =	smul.u32 $0x2800, s1  }
0xa: {  	[smem:$0x7FF] =	sst s3;
	s11 =	sadd.s32 $0x54800, s5;
	s14 =	smul.u32 $0x140000, s1  }
0xb: {  	p0 =	seq.s32 s1, $0xF;
	s9 =	smul.u32 $0x28000, s7;
	_ =	strace $0x8000005C  }
0xc: {  	s12 =	ssub.s32 $0x2, s7;
	s7 =	smul.u32 $0x1400000, s7;
	s4 =	sadd.s32 s4, s5  }
0xd: {  	s13 =	sshrl.u32 s12, $0x1;
	s8 =	sshrl.u32 s8, $0x2;
	s5 =	sadd.s32 $0x2B480, s5  }
0xe: {  	s12 =	ssub.s32 s12, s13;
	s15 =	sadd.s32 s8, s2;
	s4 =	sadd.s32 $0x6400, s4  }
0xf: {  	s13 =	sadd.s32 $0x128400, s2;
	s26 =	sadd.s32 s10, s9;
	s28 =	sadd.s32 s14, s7  }
0x10: {  	s14 =	sshll.u32 @!p0 s1, $0x6;
	s29 =	sshrl.u32 s26, $0x3;
	s30 =	sshrl.u32 s28, $0x3  }
0x11: {  	s7 =	smax.u32 s12, $0x1;
	s31 =	sor.u32 $0x4000, s28;
	s8 =	sadd.s32 s30, s11  }
0x12: {  	s6 =	sadd.s32 s6, s29;
	s12 =	sshrl.u32 s31, $0x3;
	s9 =	sadd.s32 $0x27000, s8  }
0x13: {  	s10 =	sadd.s32 $0x27800, s8;
	s11 =	sadd.s32 s12, s11;
	s12 =	sshrl.u32 @p0 s13, $0x3  }
0x14: {  	s13 =	sor.u32 @!p0 $0x1C03, s14;
	s14 =	sshrl.u32 @!p0 s15, $0x3;
	s15 =	simm.s32 $0x3  }
.LBB2_1:
0x15: {  	s23 =	simm.s32 @p0 $0x1FC3  }
0x16: {  	[spmem:s12], [sflag:s23] =	dma.local @p0 [hbm:s5], $0x2080  }
0x17: {  	s23 =	simm.s32 @p0 $0x3  }
0x18: {  	_ =	swait.ge @p0 [sflag:s23], $0x2080  }
0x19: {  	[sflag:s23] =	ssyncset.done @p0 $0x0  }
0x1a: {  	[sflag:s23] =	ssyncadd.s32 @p0 $0xFFFFDF80;
	s23 =	simm.s32 @!p0 $0x3  }
0x1b: {  	[spmem:s14], [sflag:s13] =	dma.local @!p0 [hbm:s4], $0x2780  }
0x1c: {  	_ =	swait.ge @!p0 [sflag:s23], $0x2780  }
0x1d: {  	[sflag:s23] =	ssyncset.done @!p0 $0x0  }
0x1e: {  	[sflag:s23] =	ssyncadd.s32 @!p0 $0xFFFFD880  }
0x1f: {  	[bflag:$0x0] =	sbarrier.arrive $0xFFFF  }
0x20: {  	[tilespmem:s3], [sflag:$0x3] =	stream.linear.gather [hbm4b:s6+s3], $0x2800, $0x38;
	[tilespmem:$0x1E080] =	vst v63  }
0x21: {  	_ =	swait.ge [sflag:s15], $0x2800  }
0x22: {  	[sflag:s15] =	ssyncset.done $0x0  }
0x23: {  	[sflag:s15] =	ssyncadd.s32 $0xFFFFD800  }
0x24: {  	[tilespmem:s16], [sflag:$0x1] =	stream.indirect.gather [spmem:s2], $0x80, s3, s17, $0xb8;
	[tilespmem:$0x1E080] =	vst v63  }
0x25: {  	_ = 	snop  }
0x26: {  	[tilespmem:s18], [sflag:$0x2] =	stream.indirect.gather [spmem:s2], $0x80, s17, s17, $0xb8;
	[tilespmem:$0x1E080] =	vst v63  }
0x27: {  	_ =	swait.ge [sflag:s19], $0x4000  }
0x28: {  	[sflag:s19] =	ssyncset.done $0x0  }
0x29: {  	s29 =	sadd.s32 $0x0, s8;
	[sflag:s19] =	ssyncadd.s32 $0xFFFFC000  }
0x2a: {  	[hbm4b:s29+s3] =	stream.linear.scatter [tilespmem:s16], [sflag:$0x3], $0x4000, $0x38;
	[tilespmem:$0x1E080] =	vst v63  }
0x2b: {  	_ =	swait.ge [sflag:s15], $0x4000  }
0x2c: {  	[sflag:s15] =	ssyncset.done $0x0  }
0x2d: {  	s30 =	simm.s32 $0x100;
	[sflag:s15] =	ssyncadd.s32 $0xFFFFC000  }
0x2e: {  	[tilespmem:s16], [sflag:$0x1] =	stream.indirect.gather [spmem:s2], $0x80, s30, s17, $0xb8;
	[tilespmem:$0x1E080] =	vst v63  }
0x2f: {  	_ =	swait.ge [sflag:s20], $0x4000  }
0x30: {  	[sflag:s20] =	ssyncset.done $0x0  }
0x31: {  	s31 =	sadd.s32 $0x0, s11;
	[sflag:s20] =	ssyncadd.s32 $0xFFFFC000  }
0x32: {  	[hbm4b:s31+s3] =	stream.linear.scatter [tilespmem:s18], [sflag:$0x3], $0x4000, $0x38;
	[tilespmem:$0x1E080] =	vst v63  }
0x33: {  	_ =	swait.ge [sflag:s15], $0x4000  }
0x34: {  	s24 =	simm.s32 $0x80;
	s23 =	simm.s32 $0x1000;
	[sflag:s15] =	ssyncset.done $0x0  }
.LBB2_2:
0x35: {  	p1 =	sne.s32 s23, $0x26000;
	[sflag:s15] =	ssyncadd.s32 $0xFFFFC000;
	s24 =	sadd.s32 $0x100, s24  }
0x36: {  	[tilespmem:s18], [sflag:$0x2] =	stream.indirect.gather [spmem:s2], $0x80, s24, s17, $0xb8;
	[tilespmem:$0x1E080] =	vst v63  }
0x37: {  	s25 =	smov.u32 s23;
	s23 =	sadd.s32 $0x1000, s23;
	_ =	swait.ge [sflag:s19], $0x4000  }
0x38: {  	[sflag:s19] =	ssyncset.done $0x0  }
0x39: {  	s26 =	sadd.s32 s25, s8;
	[sflag:s19] =	ssyncadd.s32 $0xFFFFC000  }
0x3a: {  	[hbm4b:s26+s3] =	stream.linear.scatter [tilespmem:s16], [sflag:$0x3], $0x4000, $0x38;
	[tilespmem:$0x1E080] =	vst v63  }
0x3b: {  	_ =	swait.ge [sflag:s15], $0x4000  }
0x3c: {  	[sflag:s15] =	ssyncset.done $0x0  }
0x3d: {  	s26 =	sadd.s32 $0x80, s24;
	[sflag:s15] =	ssyncadd.s32 $0xFFFFC000  }
0x3e: {  	[tilespmem:s16], [sflag:$0x1] =	stream.indirect.gather [spmem:s2], $0x80, s26, s17, $0xb8;
	[tilespmem:$0x1E080] =	vst v63  }
0x3f: {  	_ =	swait.ge [sflag:s20], $0x4000  }
.Ltmp0:
0x40: {  	[sflag:s20] =	ssyncset.done $0x0;
	(pc) =	sbr.rel @p1 .LBB2_2-.Ltmp0, $4  }
0x41: {  	s25 =	sadd.s32 s25, s11;
	[sflag:s20] =	ssyncadd.s32 $0xFFFFC000  }
0x42: {  	[hbm4b:s25+s3] =	stream.linear.scatter [tilespmem:s18], [sflag:$0x3], $0x4000, $0x38;
	[tilespmem:$0x1E080] =	vst v63  }
0x43: {  	_ =	swait.ge [sflag:s15], $0x4000  }
0x44: {  	[sflag:s15] =	ssyncset.done $0x0  }
0x45: {  	[sflag:s15] =	ssyncadd.s32 $0xFFFFC000  }
0x46: {  	[tilespmem:s18], [sflag:$0x2] =	stream.indirect.gather [spmem:s2], $0x80, s21, s17, $0xb8;
	[tilespmem:$0x1E080] =	vst v63  }
0x47: {  	_ =	swait.ge [sflag:s19], $0x4000  }
0x48: {  	[sflag:s19] =	ssyncset.done $0x0  }
0x49: {  	[sflag:s19] =	ssyncadd.s32 $0xFFFFC000  }
0x4a: {  	[hbm4b:s9+s3] =	stream.linear.scatter [tilespmem:s16], [sflag:$0x3], $0x4000, $0x38;
	[tilespmem:$0x1E080] =	vst v63  }
0x4b: {  	_ =	swait.ge [sflag:s15], $0x4000  }
0x4c: {  	[sflag:s15] =	ssyncset.done $0x0  }
0x4d: {  	[sflag:s15] =	ssyncadd.s32 $0xFFFFC000  }
0x4e: {  	s22 =	sadd.s32 $0x1, s22;
	_ =	swait.ge [sflag:s20], $0x4000  }
0x4f: {  	p1 =	sne.s32 s22, s7;
	[sflag:s20] =	ssyncset.done $0x0  }
.Ltmp1:
0x50: {  	[sflag:s20] =	ssyncadd.s32 $0xFFFFC000;
	(pc) =	sbr.rel @p1 .LBB2_1-.Ltmp1, $4  }
0x51: {  	[hbm4b:s10+s3] =	stream.linear.scatter [tilespmem:s18], [sflag:$0x3], $0x4000, $0x38;
	[tilespmem:$0x1E080] =	vst v63  }
0x52: {  	_ =	swait.ge [sflag:s15], $0x4000  }
0x53: {  	[sflag:s15] =	ssyncset.done $0x0  }
0x54: {  	[sflag:s15] =	ssyncadd.s32 $0xFFFFC000  }
0x55: {  	_ =	sfence.sel $0x180000  }
0x56: {  	[bflag:$0x0] =	sbarrier.arrive $0xFFFF  }
0x57: {  	p0 =	sne.s32 s1, $0x0;
	_ =	strace $0x9000005C  }
0x58: {  	s0 =	sadd.s32 @!p0 $0x100000, s0;
	[bflag:$0x2] =	sbarrier.arrive $0xFFFF  }
0x59: {  	[sflag:s0] =	ssyncadd.tile.s32 @!p0 $0x1;
	_ =	shalt  }
.Lfunc_end2:
_tile_overlayer_lowered:
.L_overlay_start_2:
0x5a: {  	(tag) =	ssettag $0x2  }
0x5b: {  	s0 =	rddreg [dreg:$0x0];
	s2 =	stileid.u32  }
0x5c: {  	s1 =	rddreg [dreg:$0x1];
	p0 =	sne.s32 s2, $0x0  }
0x5d: {  	s3 =	rddreg [dreg:$0x2];
	[bflag:$0x3] =	sbarrier.arrive $0xFFFF;
	s2 =	simm.s32 @!p0 $0x1C03  }
0x5e: {  	[timem:s3], [sflag:s2] =	dma.local @!p0 [hbm:s0], s1  }
0x5f: {  	s0 =	simm.s32 @!p0 $0x3  }
0x60: {  	_ =	swait.ge @!p0 [sflag:s0], s1  }
0x61: {  	s1 =	ssub.s32 @!p0 $0x0, s1;
	[sflag:s0] =	ssyncset.done @!p0 $0x0  }
0x62: {  	[sflag:s0] =	ssyncadd.s32 @!p0 s1  }
0x63: {  	[bflag:$0x3] =	sbarrier.arrive $0xFFFF  }
0x64: {  	_ =	shalt  }

// kernel: kernel.40.cloned.1.call-start
scs
__scs_entry_jumppad:
0x0: {  	(pc) =	sbr.rel $0x88, $3  }
0x1: {  	(tag) =	ssettag $0x0;
	lr =	simm.s32 $0x1  }
0x2: {  	[smem:$0x3F91] =	sst lr;
	_ =	strace $0xD0000000  }
0x3: {  	_ = 	snop  }
0x4: {  	_ = 	snop  }
0x5: {  	_ = 	snop  }
0x6: {  	_ = 	snop  }
0x7: {  	_ = 	snop  }
__scs_overlays_trampoline_lowered:
0x8: {  	[smem:$0x3FA0] =	sst s0  }
0x9: {  	[smem:$0x3FA1] =	sst s1  }
0xa: {  	[smem:$0x3FA2] =	sst s2  }
0xb: {  	[smem:$0x3FA3] =	sst s3  }
0xc: {  	[smem:$0x3FA4] =	sst s4  }
0xd: {  	[smem:$0x3FA5] =	sst s5  }
0xe: {  	[smem:$0x3FA6] =	sst s6  }
0xf: {  	[smem:$0x3FA7] =	sst s7  }
0x10: {  	[smem:$0x3FA8] =	sst s8  }
0x11: {  	[smem:$0x3FA9] =	sst s9;
	s0 =	simm.s32 @!p0 $0x0  }
0x12: {  	s1 =	sld [smem:$0x3F8F];
	s0 =	simm.s32 @p0 $0x1  }
0x13: {  	[smem:$0x3FAA] =	sst s0;
	s0 =	simm.s32 @!p1 $0x0  }
0x14: {  	s2 =	sld [smem:$0x3F8E];
	s0 =	simm.s32 @p1 $0x1  }
0x15: {  	[smem:$0x3FAB] =	sst s0;
	s0 =	simm.s32 @!p2 $0x0  }
0x16: {  	s3 =	sld [smem:$0x3FDB];
	s0 =	simm.s32 @p2 $0x1  }
0x17: {  	s4 =	simm.s32 $0x1BF5;
	[smem:$0x3FAD] =	sst s0  }
0x18: {  	s0 =	sld [smem:$0x3F90];
	_ =	swait.ge [sflag:s4], $0x0  }
0x19: {  	s7 =	sld [smem:$0x3F91]  }
0x1a: {  	s8 =	sadd.s32 $0xFFFFE003, lr  }
0x1b: {  	s9 =	sadd.s32 $0xFFFFFEF7, lr;
	s5 =	simm.s32 $0xFFFFFFFF;
	p2 =	slt.u32 s8, $0xFFFFF086  }
0x1c: {  	p1 =	slt.u32 s9, $0xF7A;
	s5 =	simm.s32 @!p2 $0x0  }
0x1d: {  	s5 =	simm.s32 @p1 $0x1;
	p0 =	seq.s32 s7, s2  }
0x1e: {  	s7 =	smul.u32 @!p0 $0xF7A, s2;
	p2 =	seq.s32 @!p0 s5, $0x0  }
0x1f: {  	s9 =	smul.u32 $0xF7A, s1;
	s8 =	simm.s32 @!p0 $0x1BF5;
	p2 =	por !p2, p0  }
0x20: {  	[sflag:s8] =	ssyncset.s32 @!p0 $0xFFFFF086;
	s6 =	sadd.s32 @!p0 s3, s7;
	s7 =	simm.s32 @!p0 $0x108  }
0x21: {  	s3 =	sadd.s32 s3, s9;
	s6 =	sadd.s32 @!p0 $0x88, s6;
	s7 =	simm.s32 @p2 $0x1082  }
0x22: {  	[simem:s7], [sflag:s8] =	dma.local @!p0 [hbm:s6], $0xF7A  }
0x23: {  	s9 =	sor.u32 $0xD0000000, s2;
	s6 =	simm.s32 $0x108;
	_ =	swait.ge @!p0 [sflag:s8], $0x0  }
0x24: {  	s3 =	sadd.s32 $0x88, s3;
	s6 =	simm.s32 @!p1 $0x1082;
	[sflag:s4] =	ssyncset.s32 $0xFFFFF086  }
0x25: {  	[simem:s6], [sflag:s4] =	dma.local [hbm:s3], $0xF7A  }
0x26: {  	[smem:$0x3F91] =	sst s1;
	(tag) =	ssettag s2;
	_ =	strace s9  }
0x27: {  	s1 =	sld [smem:$0x3FA1]  }
0x28: {  	s2 =	sld [smem:$0x3FA2]  }
0x29: {  	s4 =	sld [smem:$0x3FA4]  }
0x2a: {  	p0 =	seq.s32 s5, $0x0;
	s5 =	sld [smem:$0x3FA5]  }
0x2b: {  	s6 =	sld [smem:$0x3FA6]  }
0x2c: {  	s7 =	sld [smem:$0x3FA7]  }
0x2d: {  	s3 =	simm.s32 $0x108;
	s8 =	sld [smem:$0x3FA8]  }
0x2e: {  	s3 =	simm.s32 @!p0 $0x1082;
	s9 =	sld [smem:$0x3FA9]  }
0x2f: {  	lr =	sadd.s32 s0, s3;
	s0 =	sld [smem:$0x3FA0]  }
0x30: {  	s3 =	sld [smem:$0x3FA3]  }
0x31: {  	[smem:$0x3FAC] =	sst s10  }
0x32: {  	s10 =	sld [smem:$0x3FAA];
	_ =	sdelay $0x3  }
0x33: {  	p0 =	seq.s32 s10, $0x1;
	s10 =	sld [smem:$0x3FAC];
	_ =	sdelay $0x3  }
0x34: {  	[smem:$0x3FAC] =	sst s10  }
0x35: {  	s10 =	sld [smem:$0x3FAB];
	_ =	sdelay $0x3  }
0x36: {  	p1 =	seq.s32 s10, $0x1;
	s10 =	sld [smem:$0x3FAC];
	_ =	sdelay $0x3  }
0x37: {  	[smem:$0x3FAC] =	sst s10  }
0x38: {  	s10 =	sld [smem:$0x3FAD]  }
0x39: {  	_ = 	snop;
	(pc) =	sbr.ind lr, $3  }
0x3a: {  	_ = 	snop  }
0x3b: {  	_ = 	snop  }
0x3c: {  	p2 =	seq.s32 s10, $0x1;
	s10 =	sld [smem:$0x3FAC]  }
0x3d: {  	_ =	shalt  }
0x3e: {  	_ =	shalt  }
0x3f: {  	_ =	shalt  }
0x40: {  	_ =	shalt  }
0x41: {  	_ =	shalt  }
0x42: {  	_ =	shalt  }
0x43: {  	_ =	shalt  }
0x44: {  	_ =	shalt  }
0x45: {  	_ =	shalt  }
0x46: {  	_ =	shalt  }
0x47: {  	_ =	shalt  }
0x48: {  	_ =	shalt  }
0x49: {  	_ =	shalt  }
0x4a: {  	_ =	shalt  }
0x4b: {  	_ =	shalt  }
0x4c: {  	_ =	shalt  }
0x4d: {  	_ =	shalt  }
0x4e: {  	_ =	shalt  }
0x4f: {  	_ =	shalt  }
0x50: {  	_ =	shalt  }
0x51: {  	_ =	shalt  }
0x52: {  	_ =	shalt  }
0x53: {  	_ =	shalt  }
0x54: {  	_ =	shalt  }
0x55: {  	_ =	shalt  }
0x56: {  	_ =	shalt  }
0x57: {  	_ =	shalt  }
0x58: {  	_ =	shalt  }
0x59: {  	_ =	shalt  }
0x5a: {  	_ =	shalt  }
0x5b: {  	_ =	shalt  }
0x5c: {  	_ =	shalt  }
0x5d: {  	_ =	shalt  }
0x5e: {  	_ =	shalt  }
0x5f: {  	_ =	shalt  }
0x60: {  	_ =	shalt  }
0x61: {  	_ =	shalt  }
0x62: {  	_ =	shalt  }
0x63: {  	_ =	shalt  }
0x64: {  	_ =	shalt  }
0x65: {  	_ =	shalt  }
0x66: {  	_ =	shalt  }
0x67: {  	_ =	shalt  }
0x68: {  	_ =	shalt  }
0x69: {  	_ =	shalt  }
0x6a: {  	_ =	shalt  }
0x6b: {  	_ =	shalt  }
0x6c: {  	_ =	shalt  }
0x6d: {  	_ =	shalt  }
0x6e: {  	_ =	shalt  }
0x6f: {  	_ =	shalt  }
0x70: {  	_ =	shalt  }
0x71: {  	_ =	shalt  }
0x72: {  	_ =	shalt  }
0x73: {  	_ =	shalt  }
0x74: {  	_ =	shalt  }
0x75: {  	_ =	shalt  }
0x76: {  	_ =	shalt  }
0x77: {  	_ =	shalt  }
0x78: {  	_ =	shalt  }
0x79: {  	_ =	shalt  }
0x7a: {  	_ =	shalt  }
0x7b: {  	_ =	shalt  }
0x7c: {  	_ =	shalt  }
0x7d: {  	_ =	shalt  }
0x7e: {  	_ =	shalt  }
0x7f: {  	_ =	shalt  }
0x80: {  	_ =	shalt  }
0x81: {  	_ =	shalt  }
0x82: {  	_ =	shalt  }
0x83: {  	_ =	shalt  }
0x84: {  	_ =	shalt  }
0x85: {  	_ =	shalt  }
0x86: {  	_ =	shalt  }
0x87: {  	_ =	shalt  }
.Lfunc_end0:
.L_simem_size_0:
called_computation.8_lowered:
.L_overlay_start_0:
0x88: {  	s2 =	sld [smem:$0x3FD9]  }
0x89: {  	s3 =	sld [smem:$0x3FFE];
	_ =	sdelay $0x1  }
0x8a: {  	s1 =	srdreg.scid  }
0x8b: {  	s0 =	sand.u32 $0x1, s1  }
0x8c: {  	s16 =	sshll.u32 s0, $0xA;
	s2 =	sadd.s32 s3, s2  }
0x8d: {  	s2 =	sadd.s32 s2, s16  }
0x8e: {  	[smem:$0x3FB8] =	sst s2  }
0x8f: {  	_ = 	snop  }
0x90: {  	(tm) =	ssettm $0x1  }
0x91: {  	s17 =	sld [smem:$0x3FFB];
	_ =	sdelay $0x3  }
0x92: {  	_ =	strace s17  }
0x93: {  	s2 =	sld [smem:$0x3FFC];
	_ =	sdelay $0x3  }
0x94: {  	_ =	strace s2  }
0x95: {  	s2 =	sld [smem:$0x3FFD];
	_ =	sdelay $0x3  }
0x96: {  	_ =	strace s2  }
0x97: {  	_ =	strace $0x8FFFFFFF  }
0x98: {  	s18 =	sld [smem:$0x3FDB];
	_ =	sdelay $0x1  }
0x99: {  	s19 =	simm.s32 $_scs_section_size  }
0x9a: {  	s4 =	simm.s32 $_size__tile_overlayer_lowered;
	s5 =	simm.s32 $_tile_overlayer_lowered  }
0x9b: {  	s22 =	simm.s32 $0x1BFF;
	s21 =	sshll.u32 s5, $0x1;
	s2 =	sadd.s32 s19, s18  }
0x9c: {  	s6 =	simm.s32 $0x0;
	s20 =	sshll.u32 s4, $0x1;
	s4 =	sadd.s32 s21, s2  }
0x9d: {  	[timem:s6], [sflag:s22] =	dma.local [hbm:s4], s20  }
0x9e: {  	_ =	swait.ge [sflag:s22], s20  }
0x9f: {  	s3 =	ssub.s32 $0x0, s20;
	[sflag:s22] =	ssyncset.done $0x0  }
0xa0: {  	[sflag:s22] =	ssyncadd.s32 s3;
	_ =	sdelay $0x1  }
0xa1: {  	s23 =	simm.s32 $0x1B8B  }
0xa2: {  	_ =	swait.ge [sflag:s23], $0x1  }
0xa3: {  	[sflag:s23] =	ssyncset.done $0x0  }
0xa4: {  	s25 =	simm.s32 $0x1B8E;
	s24 =	sld [smem:$0x3FFE];
	[sflag:s23] =	ssyncadd.s32 $0xFFFFFFFF  }
0xa5: {  	s26 =	simm.s32 $execute0_lowered;
	[smem:$0x3FD2] =	sst s25  }
0xa6: {  	s4 =	sshll.u32 s26, $0x1;
	_ =	strace $0x8000005E;
	[dreg:$0x1] =	wrdreg $0xFFFFFFFF  }
0xa7: {  	s28 =	simm.s32 $_size_execute0_lowered;
	s2 =	sadd.s32 s2, s4;
	[dreg:$0x0] =	wrdreg $0x0  }
0xa8: {  	s4 =	sshll.u32 s28, $0x1;
	[dreg:$0x2] =	wrdreg s2  }
0xa9: {  	[dreg:$0x3] =	wrdreg s4  }
0xaa: {  	[dreg:$0x4] =	wrdreg $0xC0  }
0xab: {  	_ =	task [dreg:s6], $0x5FFFF  }
0xac: {  	[dreg:$0x1] =	wrdreg $0xFFFFFFFF  }
0xad: {  	[dreg:$0x0] =	wrdreg $0x60  }
0xae: {  	[dreg:$0x2] =	wrdreg s24  }
0xaf: {  	[dreg:$0x3] =	wrdreg $0xA8000  }
0xb0: {  	[dreg:$0x4] =	wrdreg $0x9  }
0xb1: {  	_ =	task.clear_ibuf [dreg:s6], $0x5FFFF;
	_ =	strace $0x9000005E  }
0xb2: {  	s29 =	simm.s32 $0x9;
	_ =	strace $0x80000060  }
0xb3: {  	_ =	swait.ge [sflag:s29], $0x1  }
0xb4: {  	[sflag:s29] =	ssyncadd.s32 $0xFFFFFFFF  }
0xb5: {  	_ =	strace $0x90000060  }
0xb6: {  	_ =	sfence  }
0xb7: {  	s30 =	sld [smem:$0x0];
	_ =	sdelay $0x2  }
0xb8: {  	s31 =	sshll.u32 s1, $0xD;
	s1 =	sshrl.u32 s1, $0x2  }
0xb9: {  	s3 =	sand.u32 $0x4000, s31;
	s1 =	sadd.s32 s1, s30  }
0xba: {  	s0 =	sor.u32 s3, s0;
	s1 =	sshll.u32 s1, $0x11  }
0xbb: {  	s0 =	sor.u32 s1, s0  }
0xbc: {  	s0 =	sadd.s32 $0x8F2B, s0  }
0xbd: {  	[sflag:s0] =	ssyncadd.remote.s32 $0x1  }
0xbe: {  	_ =	sfence.sel $0xFFFF  }
0xbf: {  	[dreg:$0x0] =	wrdreg $0xFFFFFFFF;
	(pc) =	sbr.abs _section_cstart, $3  }
0xc0: {  	[dreg:$0x1] =	wrdreg $0xFFFFFFFF  }
0xc1: {  	_ =	task.clear_ibuf [dreg:s6], $0x2FFFF;
	_ =	strace $0x9FFFFFFF  }
0xc2: {  	(tm) =	ssettm $0x7FFFFFFF  }
0xc3: {  	_ =	shalt  }
tec
execute0_lowered:
.L_overlay_start_1:
0x0: {  	(tag) =	ssettag $0x1  }
0x1: {  	s4 =	rddreg [dreg:$0x0];
	s0 =	srdreg.scid  }
0x2: {  	s2 =	rddreg [dreg:$0x1];
	s24 =	stileid.u32;
	s3 =	simm.s32 $0x0  }
0x3: {  	s18 =	simm.s32 $0x3;
	s19 =	simm.s32 $0x6800;
	s7 =	smul.u32 $0x2800, s24  }
0x4: {  	s20 =	simm.s32 $0x1;
	s21 =	simm.s32 $0x80;
	s25 =	smul.u32 $0x4F000, s24  }
0x5: {  	s22 =	simm.s32 $0x2;
	s23 =	stileid.u32;
	s11 =	smul.u32 $0x140000, s24  }
0x6: {  	s5 =	sand.u32 $0x1, s0;
	[smem:$0x7FF] =	sst s3;
	s15 =	smul.u32 $0x13C00, s24  }
0x7: {  	s16 =	sadd.s32 $0x54800, s4;
	s12 =	sadd.s32 $0x5B6800, s4;
	s6 =	smul.u32 $0x28000, s5  }
0x8: {  	p0 =	seq.s32 s24, $0xF;
	s24 =	simm.s32 $0x2780;
	s10 =	smul.u32 $0x1400000, s5  }
0x9: {  	_ =	strace $0x8000005F;
	s26 =	ssub.s32 $0x2, s5;
	s13 =	smul.u32 $0x138800, s5  }
0xa: {  	s28 =	sshrl.u32 s25, $0x2;
	s29 =	sshrl.u32 s26, $0x1;
	s25 =	sadd.s32 $0x128400, s2  }
0xb: {  	s6 =	sadd.s32 s7, s6;
	s14 =	ssub.s32 s26, s29;
	s17 =	sadd.s32 s11, s10  }
0xc: {  	s30 =	sadd.s32 s15, s13;
	s13 =	sshrl.u32 s13, $0x3;
	s25 =	sshrl.u32 @p0 s25, $0x3  }
0xd: {  	s26 =	simm.s32 $0x0;
	s6 =	sshrl.u32 s6, $0x3;
	s11 =	sshrl.u32 s17, $0x3  }
0xe: {  	s15 =	sshrl.u32 s30, $0x3;
	s31 =	sor.u32 $0x8000, s17;
	s17 =	sor.u32 $0x4000, s17  }
0xf: {  	s9 =	sadd.s32 s6, s4;
	s4 =	sadd.s32 s28, s2;
	s10 =	sadd.s32 s16, s11  }
0x10: {  	s11 =	sadd.s32 s12, s15;
	s12 =	sadd.s32 s12, s13;
	s13 =	smax.u32 s14, $0x1  }
0x11: {  	s15 =	sshrl.u32 s31, $0x3;
	s17 =	sshrl.u32 s17, $0x3;
	s5 =	sadd.s32 $0x4000, s4  }
0x12: {  	s6 =	sadd.s32 $0x8000, s4;
	s7 =	sadd.s32 $0xC000, s4;
	s8 =	sadd.s32 $0x10000, s4  }
0x13: {  	s9 =	sadd.s32 $0x55E600, s9;
	s12 =	sadd.s32 $0x25080, s12;
	s14 =	sadd.s32 $0x27800, s10  }
0x14: {  	v0 =	vimm.f32 $0.0e+00;
	s15 =	sadd.s32 s15, s16;
	s16 =	sadd.s32 s17, s16;
	s17 =	simm.s32 $0x2800  }
.LBB2_1:
0x15: {  	s28 =	simm.s32 $0x0;
	s29 =	simm.s32 $0x200  }
.LBB2_2:
0x16: {  	p1 =	sne.s32 s29, $0xFE00;
	[tilespmem:s28+$0x2870] =	vst v0  }
0x17: {  	[tilespmem:s28+$0x2800] =	vst v0  }
0x18: {  	[tilespmem:s28+$0x2810] =	vst v0  }
.Ltmp0:
0x19: {  	[tilespmem:s28+$0x2820] =	vst v0;
	(pc) =	sbr.rel @p1 .LBB2_2-.Ltmp0, $4  }
0x1a: {  	[tilespmem:s28+$0x2830] =	vst v0  }
0x1b: {  	[tilespmem:s28+$0x2840] =	vst v0  }
0x1c: {  	[tilespmem:s28+$0x2850] =	vst v0  }
0x1d: {  	[tilespmem:s28+$0x2860] =	vst v0;
	s28 =	sshra.s32 s29, $0x2;
	s29 =	sadd.s32 $0x200, s29  }
0x1e: {  	[tilespmem:s28+$0x2870] =	vst v0  }
0x1f: {  	[tilespmem:s28+$0x2800] =	vst v0  }
0x20: {  	[tilespmem:s28+$0x2810] =	vst v0  }
0x21: {  	[tilespmem:s28+$0x2820] =	vst v0  }
0x22: {  	[tilespmem:s28+$0x2830] =	vst v0  }
0x23: {  	[tilespmem:s28+$0x2840] =	vst v0  }
0x24: {  	[tilespmem:s28+$0x2850] =	vst v0  }
0x25: {  	[tilespmem:s28+$0x2860] =	vst v0  }
0x26: {  	[spmem:s4] =	stream.linear.scatter [tilespmem:s17], [sflag:$0x3], $0x4000, $0x38;
	[tilespmem:$0x1E400] =	vst v63  }
0x27: {  	_ =	swait.ge [sflag:s18], $0x4000  }
0x28: {  	[sflag:s18] =	ssyncset.done $0x0  }
0x29: {  	[sflag:s18] =	ssyncadd.s32 $0xFFFFC000  }
0x2a: {  	[spmem:s5] =	stream.linear.scatter [tilespmem:s17], [sflag:$0x3], $0x4000, $0x38;
	[tilespmem:$0x1E400] =	vst v63  }
0x2b: {  	_ =	swait.ge [sflag:s18], $0x4000  }
0x2c: {  	[sflag:s18] =	ssyncset.done $0x0  }
0x2d: {  	[sflag:s18] =	ssyncadd.s32 $0xFFFFC000  }
0x2e: {  	[spmem:s6] =	stream.linear.scatter [tilespmem:s17], [sflag:$0x3], $0x4000, $0x38;
	[tilespmem:$0x1E400] =	vst v63  }
0x2f: {  	_ =	swait.ge [sflag:s18], $0x4000  }
0x30: {  	[sflag:s18] =	ssyncset.done $0x0  }
0x31: {  	[sflag:s18] =	ssyncadd.s32 $0xFFFFC000  }
0x32: {  	[spmem:s7] =	stream.linear.scatter [tilespmem:s17], [sflag:$0x3], $0x4000, $0x38;
	[tilespmem:$0x1E400] =	vst v63  }
0x33: {  	_ =	swait.ge [sflag:s18], $0x4000  }
0x34: {  	[sflag:s18] =	ssyncset.done $0x0  }
0x35: {  	[sflag:s18] =	ssyncadd.s32 $0xFFFFC000  }
0x36: {  	[spmem:s8] =	stream.linear.scatter [tilespmem:s17], [sflag:$0x3], $0x3C00, $0x38;
	[tilespmem:$0x1E400] =	vst v63  }
0x37: {  	_ =	swait.ge [sflag:s18], $0x3C00  }
0x38: {  	[sflag:s18] =	ssyncset.done $0x0  }
0x39: {  	[sflag:s18] =	ssyncadd.s32 $0xFFFFC400  }
0x3a: {  	s28 =	simm.s32 $0x0;
	[bflag:$0x0] =	sbarrier.arrive $0xFFFF  }
0x3b: {  	[tilespmem:s28], [sflag:$0x3] =	stream.linear.gather [hbm4b:s9+s28], $0x2800, $0x38;
	[tilespmem:$0x1E400] =	vst v63  }
0x3c: {  	_ =	swait.ge [sflag:s18], $0x2800  }
0x3d: {  	[sflag:s18] =	ssyncset.done $0x0  }
0x3e: {  	[sflag:s18] =	ssyncadd.s32 $0xFFFFD800  }
0x3f: {  	[tilespmem:s17], [sflag:$0x1] =	stream.linear.gather [hbm4b:s10+s28], $0x4000, $0x38;
	[tilespmem:$0x1E400] =	vst v63  }
0x40: {  	s29 =	sadd.s32 $0x0, s16  }
0x41: {  	[tilespmem:s19], [sflag:$0x2] =	stream.linear.gather [hbm4b:s29+s3], $0x4000, $0x38;
	[tilespmem:$0x1E400] =	vst v63  }
0x42: {  	_ =	swait.ge [sflag:s20], $0x4000  }
0x43: {  	[sflag:s20] =	ssyncset.done $0x0  }
0x44: {  	[sflag:s20] =	ssyncadd.s32 $0xFFFFC000  }
0x45: {  	[spmem:s2] =	stream.indirect.scatter.add.f32 [tilespmem:s17], [sflag:$0x3], $0x80, s28, s21, $0xb8;
	[tilespmem:$0x1E400] =	vst v63  }
0x46: {  	_ =	swait.ge [sflag:s18], $0x4000  }
0x47: {  	[sflag:s18] =	ssyncset.done $0x0  }
0x48: {  	s28 =	sadd.s32 $0x0, s15;
	[sflag:s18] =	ssyncadd.s32 $0xFFFFC000  }
0x49: {  	[tilespmem:s17], [sflag:$0x1] =	stream.linear.gather [hbm4b:s28+s3], $0x4000, $0x38;
	[tilespmem:$0x1E400] =	vst v63  }
0x4a: {  	_ =	swait.ge [sflag:s22], $0x4000  }
0x4b: {  	[sflag:s22] =	ssyncset.done $0x0  }
0x4c: {  	s28 =	simm.s32 $0x80;
	[sflag:s22] =	ssyncadd.s32 $0xFFFFC000  }
0x4d: {  	[spmem:s2] =	stream.indirect.scatter.add.f32 [tilespmem:s19], [sflag:$0x3], $0x80, s28, s21, $0xb8;
	[tilespmem:$0x1E400] =	vst v63  }
0x4e: {  	s30 =	simm.s32 $0x2000;
	_ =	swait.ge [sflag:s18], $0x4000  }
0x4f: {  	s29 =	simm.s32 $0x1000;
	s28 =	simm.s32 $0x100;
	[sflag:s18] =	ssyncset.done $0x0  }
.LBB2_4:
0x50: {  	s31 =	sadd.s32 s29, s16  }
0x51: {  	[sflag:s18] =	ssyncadd.s32 $0xFFFFC000;
	s0 =	smov.u32 s30;
	s1 =	sadd.s32 $0x1000, s30  }
0x52: {  	[tilespmem:s19], [sflag:$0x2] =	stream.linear.gather [hbm4b:s31+s3], $0x4000, $0x38;
	[tilespmem:$0x1E400] =	vst v63  }
0x53: {  	p1 =	sne.s32 s30, $0x26000;
	_ =	swait.ge [sflag:s20], $0x4000  }
0x54: {  	[sflag:s20] =	ssyncset.done $0x0  }
0x55: {  	[sflag:s20] =	ssyncadd.s32 $0xFFFFC000  }
0x56: {  	[spmem:s2] =	stream.indirect.scatter.add.f32 [tilespmem:s17], [sflag:$0x3], $0x80, s28, s21, $0xb8;
	[tilespmem:$0x1E400] =	vst v63  }
0x57: {  	_ =	swait.ge [sflag:s18], $0x4000  }
0x58: {  	[sflag:s18] =	ssyncset.done $0x0  }
0x59: {  	s30 =	sadd.s32 s29, s15;
	s29 =	smov.u32 s0;
	[sflag:s18] =	ssyncadd.s32 $0xFFFFC000  }
0x5a: {  	[tilespmem:s17], [sflag:$0x1] =	stream.linear.gather [hbm4b:s30+s3], $0x4000, $0x38;
	[tilespmem:$0x1E400] =	vst v63  }
0x5b: {  	_ =	swait.ge [sflag:s22], $0x4000  }
.Ltmp1:
0x5c: {  	[sflag:s22] =	ssyncset.done $0x0;
	(pc) =	sbr.rel @p1 .LBB2_4-.Ltmp1, $4  }
0x5d: {  	s0 =	sadd.s32 $0x80, s28;
	[sflag:s22] =	ssyncadd.s32 $0xFFFFC000  }
0x5e: {  	[spmem:s2] =	stream.indirect.scatter.add.f32 [tilespmem:s19], [sflag:$0x3], $0x80, s0, s21, $0xb8;
	[tilespmem:$0x1E400] =	vst v63  }
0x5f: {  	_ =	swait.ge [sflag:s18], $0x4000  }
0x60: {  	s28 =	sadd.s32 $0x100, s28;
	s30 =	smov.u32 s1;
	[sflag:s18] =	ssyncset.done $0x0  }
0x61: {  	s0 =	sadd.s32 s29, s16;
	[sflag:s18] =	ssyncadd.s32 $0xFFFFC000  }
0x62: {  	[tilespmem:s19], [sflag:$0x2] =	stream.linear.gather [hbm4b:s0+s3], $0x4000, $0x38;
	[tilespmem:$0x1E400] =	vst v63  }
0x63: {  	_ =	swait.ge [sflag:s20], $0x4000  }
0x64: {  	[sflag:s20] =	ssyncset.done $0x0  }
0x65: {  	[sflag:s20] =	ssyncadd.s32 $0xFFFFC000  }
0x66: {  	[spmem:s2] =	stream.indirect.scatter.add.f32 [tilespmem:s17], [sflag:$0x3], $0x80, s28, s21, $0xb8;
	[tilespmem:$0x1E400] =	vst v63  }
0x67: {  	_ =	swait.ge [sflag:s18], $0x4000  }
0x68: {  	[sflag:s18] =	ssyncset.done $0x0  }
0x69: {  	s29 =	sadd.s32 s29, s15;
	[sflag:s18] =	ssyncadd.s32 $0xFFFFC000  }
0x6a: {  	[tilespmem:s17], [sflag:$0x1] =	stream.linear.gather [hbm4b:s29+s3], $0x4000, $0x38;
	[tilespmem:$0x1E400] =	vst v63  }
0x6b: {  	_ =	swait.ge [sflag:s22], $0x4000  }
0x6c: {  	[sflag:s22] =	ssyncset.done $0x0  }
0x6d: {  	s30 =	sadd.s32 $0x80, s28;
	[sflag:s22] =	ssyncadd.s32 $0xFFFFC000  }
0x6e: {  	[spmem:s2] =	stream.indirect.scatter.add.f32 [tilespmem:s19], [sflag:$0x3], $0x80, s30, s21, $0xb8;
	[tilespmem:$0x1E400] =	vst v63  }
0x6f: {  	_ =	swait.ge [sflag:s18], $0x4000  }
0x70: {  	[sflag:s18] =	ssyncset.done $0x0  }
0x71: {  	[sflag:s18] =	ssyncadd.s32 $0xFFFFC000  }
0x72: {  	[tilespmem:s19], [sflag:$0x2] =	stream.linear.gather [hbm4b:s14+s3], $0x4000, $0x38;
	[tilespmem:$0x1E400] =	vst v63  }
0x73: {  	_ =	swait.ge [sflag:s20], $0x4000  }
0x74: {  	[sflag:s20] =	ssyncset.done $0x0  }
0x75: {  	s31 =	simm.s32 $0x2700;
	[sflag:s20] =	ssyncadd.s32 $0xFFFFC000  }
0x76: {  	[spmem:s2] =	stream.indirect.scatter.add.f32 [tilespmem:s17], [sflag:$0x3], $0x80, s31, s21, $0xb8;
	[tilespmem:$0x1E400] =	vst v63  }
0x77: {  	_ =	swait.ge [sflag:s18], $0x4000  }
0x78: {  	[sflag:s18] =	ssyncset.done $0x0  }
0x79: {  	[sflag:s18] =	ssyncadd.s32 $0xFFFFC000  }
0x7a: {  	_ =	swait.ge [sflag:s22], $0x4000  }
0x7b: {  	[sflag:s22] =	ssyncset.done $0x0  }
0x7c: {  	[sflag:s22] =	ssyncadd.s32 $0xFFFFC000  }
0x7d: {  	[spmem:s2] =	stream.indirect.scatter.add.f32 [tilespmem:s19], [sflag:$0x3], $0x80, s24, s21, $0xb8;
	[tilespmem:$0x1E400] =	vst v63  }
0x7e: {  	_ =	swait.ge [sflag:s18], $0x4000  }
0x7f: {  	[sflag:s18] =	ssyncset.done $0x0  }
0x80: {  	[sflag:s18] =	ssyncadd.s32 $0xFFFFC000  }
0x81: {  	s0 =	simm.s32 @p0 $0x1FC3;
	[bflag:$0x0] =	sbarrier.arrive $0xFFFF  }
0x82: {  	[hbm:s12], [sflag:s0] =	dma.local @p0 [spmem:s25], $0x2080  }
0x83: {  	s0 =	simm.s32 @p0 $0x3  }
0x84: {  	s26 =	sadd.s32 $0x1, s26;
	_ =	swait.ge @p0 [sflag:s0], $0x2080  }
0x85: {  	s1 =	sshll.u32 @!p0 s23, $0x6;
	p1 =	sne.s32 s26, s13;
	[sflag:s0] =	ssyncset.done @p0 $0x0  }
0x86: {  	[sflag:s0] =	ssyncadd.s32 @p0 $0xFFFFDF80;
	s0 =	sor.u32 @!p0 $0x1C03, s1;
	s1 =	sshrl.u32 @!p0 s4, $0x3  }
0x87: {  	[hbm:s11], [sflag:s0] =	dma.local @!p0 [spmem:s1], $0x2780  }
.Ltmp2:
0x88: {  	_ = 	snop;
	(pc) =	sbr.rel @p1 .LBB2_1-.Ltmp2, $4  }
0x89: {  	s0 =	simm.s32 @!p0 $0x3  }
0x8a: {  	_ =	swait.ge @!p0 [sflag:s0], $0x2780  }
0x8b: {  	[sflag:s0] =	ssyncset.done @!p0 $0x0  }
0x8c: {  	[sflag:s0] =	ssyncadd.s32 @!p0 $0xFFFFD880  }
0x8d: {  	_ =	sfence.sel $0x180000  }
0x8e: {  	[bflag:$0x0] =	sbarrier.arrive $0xFFFF  }
0x8f: {  	_ =	strace $0x9000005F  }
0x90: {  	[bflag:$0x2] =	sbarrier.arrive $0xFFFF  }
0x91: {  	p0 =	sne.s32 s23, $0x0;
	s0 =	rddreg [dreg:$0x2]  }
0x92: {  	s0 =	sadd.s32 @!p0 $0x100000, s0  }
0x93: {  	[sflag:s0] =	ssyncadd.tile.s32 @!p0 $0x1;
	_ =	shalt  }
.Lfunc_end2:
_tile_overlayer_lowered:
.L_overlay_start_2:
0x94: {  	(tag) =	ssettag $0x2  }
0x95: {  	s0 =	rddreg [dreg:$0x0];
	s2 =	stileid.u32  }
0x96: {  	s1 =	rddreg [dreg:$0x1];
	p0 =	sne.s32 s2, $0x0  }
0x97: {  	s3 =	rddreg [dreg:$0x2];
	[bflag:$0x3] =	sbarrier.arrive $0xFFFF;
	s2 =	simm.s32 @!p0 $0x1C03  }
0x98: {  	[timem:s3], [sflag:s2] =	dma.local @!p0 [hbm:s0], s1  }
0x99: {  	s0 =	simm.s32 @!p0 $0x3  }
0x9a: {  	_ =	swait.ge @!p0 [sflag:s0], s1  }
0x9b: {  	s1 =	ssub.s32 @!p0 $0x0, s1;
	[sflag:s0] =	ssyncset.done @!p0 $0x0  }
0x9c: {  	[sflag:s0] =	ssyncadd.s32 @!p0 s1  }
0x9d: {  	[bflag:$0x3] =	sbarrier.arrive $0xFFFF  }
0x9e: {  	_ =	shalt  }

</sc_bundles>
